<compile_context>
chip_gen: v7x
topology: tpu7x:2x2x1
jax: 0.10.2.dev20260603
libtpu: 0.0.44.dev20260713+nightly
codegen_flags: <defaults>
</compile_context>

<pallas_src>
import functools

import jax
import jax.numpy as jnp
from jax import lax
from jax.experimental import pallas as pl
from jax.experimental.pallas import tpu as pltpu
from jax.experimental.pallas import tpu_sc as plsc

D_MODEL = 1024
D_FF = 2048
NUM_E = 8
D_FOOT = 128
DRUG_DIM = 256
N_DRUGS = 4096
N_TOK = 2048
B_TGT = 128

TOK_TILE = 256
N_TILES = N_TOK // TOK_TILE

P_TILE = 128
N_PTILES = N_TOK * 2 // P_TILE + NUM_E
P_ROWS = N_PTILES * P_TILE

N_WORKERS = 32
TOK_W = N_TOK // N_WORKERS
SUB_W = 32

_F32 = jnp.float32
_BF16 = jnp.bfloat16
_I32 = jnp.int32


def _bdot(a, b):
    return jax.lax.dot_general(a, b, (((1,), (0,)), ((), ())),
                               preferred_element_type=_F32)



def _smoother_body(x_ref, win_ref, bin_ref, wout_ref, bout_ref, gamma_ref,
                   beta_ref, wform_ref, wgate_ref, wfg_ref, wstats_ref,
                   jbias_ref, jac_ref, zrb_out, form_out, gp_out, i1_out,
                   i2_out, p1_out, p2_out, sel1_out, sel2_out, cnt1_out,
                   cnt2_out, carry_ref):
    t = pl.program_id(0)
    x = x_ref[...]
    h = jax.nn.gelu(_bdot(x.astype(_BF16), win_ref[...]) + bin_ref[...])
    z = x + _bdot(h.astype(_BF16), wout_ref[...]) + bout_ref[...]
    mu = jnp.mean(z, axis=-1, keepdims=True)
    var = jnp.mean((z - mu) ** 2, axis=-1, keepdims=True)
    zr = gamma_ref[...] * (z - mu) * jax.lax.rsqrt(var + 1e-5) + beta_ref[...]
    zrb = zr.astype(_BF16)
    form = jnp.tanh(_bdot(zrb, wform_ref[...]))
    fb = form.astype(_BF16)
    sd = jnp.sqrt(var + 1e-5)
    mu_b = mu.astype(_BF16).astype(_F32)
    sd_b = sd.astype(_BF16).astype(_F32)
    ws = wstats_ref[...].astype(_BF16).astype(_F32)
    logits = (_bdot(zrb, wgate_ref[...])
              + _bdot(fb, wfg_ref[...])
              + mu_b * ws[0:1, :] + sd_b * ws[1:2, :]
              + jac_ref[0, 0] * jbias_ref[...])
    lane = jax.lax.broadcasted_iota(_I32, logits.shape, 1)
    m1 = jnp.max(logits, axis=-1, keepdims=True)
    i1 = jnp.min(jnp.where(logits == m1, lane, NUM_E), axis=-1, keepdims=True)
    l2 = jnp.where(lane == i1, -jnp.inf, logits)
    m2 = jnp.max(l2, axis=-1, keepdims=True)
    i2 = jnp.min(jnp.where(l2 == m2, lane, NUM_E), axis=-1, keepdims=True)
    e2 = jnp.exp(m2 - m1)
    denom = 1.0 + e2
    p1 = 1.0 / denom
    p2 = e2 / denom
    gp = jnp.where(lane == i1, p1, 0.0) + jnp.where(lane == i2, p2, 0.0)

    @pl.when(t == 0)
    def _():
        carry_ref[...] = jnp.zeros_like(carry_ref)

    oh1 = (lane == i1).astype(_BF16)
    oh2 = (lane == i2).astype(_BF16)
    rio = jax.lax.broadcasted_iota(_I32, (TOK_TILE, TOK_TILE), 0)
    cio = jax.lax.broadcasted_iota(_I32, (TOK_TILE, TOK_TILE), 1)
    tri = (cio < rio).astype(_BF16)
    ecs1 = _bdot(tri, oh1)
    ecs2 = _bdot(tri, oh2)
    carry = carry_ref[...]
    oh1f = oh1.astype(_F32)
    oh2f = oh2.astype(_F32)
    sel1 = jnp.sum(oh1f * (ecs1 + carry[0:1, :]), axis=1, keepdims=True)
    sel2 = jnp.sum(oh2f * (ecs2 + carry[1:2, :]), axis=1, keepdims=True)
    new1 = carry[0:1, :] + jnp.sum(oh1f, axis=0, keepdims=True)
    new2 = carry[1:2, :] + jnp.sum(oh2f, axis=0, keepdims=True)
    carry_ref[...] = jnp.concatenate([new1, new2], axis=0)

    zrb_out[...] = zrb
    form_out[...] = fb
    gp_out[...] = gp
    i1_out[...] = i1
    i2_out[...] = i2
    p1_out[...] = p1.astype(_BF16).astype(_F32)
    p2_out[...] = p2.astype(_BF16).astype(_F32)
    sel1_out[...] = sel1.astype(_I32)
    sel2_out[...] = sel2.astype(_I32)
    cnt1_out[...] = new1
    cnt2_out[...] = new2



def _route_body(i1_ref, i2_ref, sel1_ref, sel2_ref, cnt1_ref, cnt2_ref,
                r1_out, r2_out, te_out):
    cnt1 = cnt1_ref[...]
    cnt = cnt1 + cnt2_ref[...]
    padded = jnp.ceil(cnt / P_TILE) * P_TILE
    cols = []
    acc = jnp.zeros((1, 1), _F32)
    for e in range(NUM_E):
        cols.append(acc)
        acc = acc + padded[0:1, e:e + 1]
    pad_off = jnp.concatenate(cols, axis=1)
    lane = jax.lax.broadcasted_iota(_I32, (N_TOK, NUM_E), 1)
    i1 = i1_ref[...]
    i2 = i2_ref[...]
    off1 = jnp.sum(jnp.where(lane == i1, pad_off, 0.0), axis=1, keepdims=True)
    off2 = jnp.sum(jnp.where(lane == i2, pad_off + cnt1, 0.0), axis=1,
                   keepdims=True)
    r1_out[...] = (off1 + sel1_ref[...].astype(_F32)).astype(_I32)
    r2_out[...] = (off2 + sel2_ref[...].astype(_F32)).astype(_I32)
    tpos = (jax.lax.broadcasted_iota(_I32, (1, N_PTILES), 1)
            .astype(_F32) * P_TILE)
    te = jnp.zeros((1, N_PTILES), _F32)
    for e in range(NUM_E):
        te = te + jnp.where(pad_off[0:1, e:e + 1] <= tpos, 1.0, 0.0)
    te_out[...] = jnp.clip(te - 1.0, 0, NUM_E - 1).astype(_I32)



def _expert_body(te_ref, z_ref, r1_ref, r2_ref, p1_ref, p2_ref, w1_ref,
                 w2_ref, out_ref):
    del te_ref
    h = jax.nn.gelu(_bdot(z_ref[...].astype(_BF16), w1_ref[0]))
    y = _bdot(h.astype(_BF16), w2_ref[0])
    slot = (jax.lax.broadcasted_iota(_I32, (P_TILE, N_TOK), 0)
            + pl.program_id(0) * P_TILE)
    oh1 = (r1_ref[...] == slot).astype(_BF16)
    oh2 = (r2_ref[...] == slot).astype(_BF16)
    p_tile = (_bdot(oh1, p1_ref[...].astype(_BF16))
              + _bdot(oh2, p2_ref[...].astype(_BF16)))
    out_ref[...] = p_tile * y.astype(_BF16).astype(_F32)



def _scores_body(tdf_ref, wdrug_ref, wrole_ref, et_ref, form_ref, out_ref):
    tdf = tdf_ref[...].astype(_BF16)
    dp = _bdot(tdf, wdrug_ref[...])
    dpb = dp.astype(_BF16)
    rt = jnp.tanh(_bdot(tdf, wrole_ref[...]))
    rtb = rt.astype(_BF16)
    etb = et_ref[...].astype(_BF16)
    dn = (((1,), (1,)), ((), ()))
    out_ref[...] = (
        jax.lax.dot_general(etb, dpb, dn, preferred_element_type=_F32)
        + jax.lax.dot_general(form_ref[...], rtb, dn,
                              preferred_element_type=_F32))



B_W = B_TGT // 16


def _dispatch_body(z_hbm, r1_hbm, r2_hbm, df_hbm, tidx_hbm, zs_hbm, tdf_hbm,
                   idx1_v, idx2_v, rows_v, tidx_v, trow_v, sem1, sem2, sem3):
    wid = lax.axis_index("s") * 2 + lax.axis_index("c")
    base = wid * TOK_W
    pltpu.sync_copy(r1_hbm.at[pl.ds(base, TOK_W)], idx1_v)
    pltpu.sync_copy(r2_hbm.at[pl.ds(base, TOK_W)], idx2_v)
    pltpu.sync_copy(z_hbm.at[pl.ds(base, TOK_W)], rows_v)
    c1 = pltpu.async_copy(rows_v, zs_hbm.at[idx1_v], sem1)
    c2 = pltpu.async_copy(rows_v, zs_hbm.at[idx2_v], sem2)

    @pl.when(wid < 16)
    def _():
        tbase = wid * B_W
        pltpu.sync_copy(tidx_hbm.at[pl.ds(tbase, B_W)], tidx_v)
        cg = pltpu.async_copy(df_hbm.at[tidx_v], trow_v, sem3)
        cg.wait()
        pltpu.sync_copy(trow_v, tdf_hbm.at[pl.ds(tbase, B_W)])

    c1.wait()
    c2.wait()


@functools.lru_cache(maxsize=None)
def _dispatch_sc():
    mesh = plsc.VectorSubcoreMesh(core_axis_name="c", subcore_axis_name="s")
    return pl.kernel(
        _dispatch_body,
        out_type=[
            jax.ShapeDtypeStruct((P_ROWS, D_MODEL), jnp.float32),
            jax.ShapeDtypeStruct((B_TGT, DRUG_DIM), jnp.float32),
        ],
        mesh=mesh,
        scratch_types=[
            pltpu.VMEM((TOK_W,), _I32),
            pltpu.VMEM((TOK_W,), _I32),
            pltpu.VMEM((TOK_W, D_MODEL), _F32),
            pltpu.VMEM((B_W,), _I32),
            pltpu.VMEM((B_W, DRUG_DIM), _F32),
            pltpu.SemaphoreType.DMA,
            pltpu.SemaphoreType.DMA,
            pltpu.SemaphoreType.DMA,
        ],
    )


def _combine_body(y_hbm, r1_hbm, r2_hbm, et_hbm, i1_v, i2_v, a_v, b_v, o_v,
                  sema, semb):
    wid = lax.axis_index("s") * 2 + lax.axis_index("c")
    for sub in range(TOK_W // SUB_W):
        base = wid * TOK_W + sub * SUB_W
        pltpu.sync_copy(r1_hbm.at[pl.ds(base, SUB_W)], i1_v)
        pltpu.sync_copy(r2_hbm.at[pl.ds(base, SUB_W)], i2_v)
        ca = pltpu.async_copy(y_hbm.at[i1_v], a_v, sema)
        cb = pltpu.async_copy(y_hbm.at[i2_v], b_v, semb)
        ca.wait()
        cb.wait()
        for j in range(SUB_W):
            arow = a_v.at[j]
            brow = b_v.at[j]
            orow = o_v.at[j]

            def chunk(k, _, arow=arow, brow=brow, orow=orow):
                sl = pl.ds(k * 16, 16)
                orow[sl] = arow[sl] + brow[sl]
                return 0

            lax.fori_loop(0, D_MODEL // 16, chunk, 0)
        pltpu.sync_copy(o_v, et_hbm.at[pl.ds(base, SUB_W)])


@functools.lru_cache(maxsize=None)
def _combine_sc():
    mesh = plsc.VectorSubcoreMesh(core_axis_name="c", subcore_axis_name="s")
    return pl.kernel(
        _combine_body,
        out_type=jax.ShapeDtypeStruct((N_TOK, D_MODEL), jnp.float32),
        mesh=mesh,
        scratch_types=[
            pltpu.VMEM((SUB_W,), _I32),
            pltpu.VMEM((SUB_W,), _I32),
            pltpu.VMEM((SUB_W, D_MODEL), _F32),
            pltpu.VMEM((SUB_W, D_MODEL), _F32),
            pltpu.VMEM((SUB_W, D_MODEL), _F32),
            pltpu.SemaphoreType.DMA,
            pltpu.SemaphoreType.DMA,
        ],
    )



def kernel(pillar_x, cross_floor_jaccard, drug_features, target_drug_indices,
           W_in, b_in, W_out, b_out, gamma, beta, W_form, W_role, W_stats,
           W_gate, W_fg, j_bias, W1, W2, W_drug):
    f32 = _F32
    b_in2 = b_in.reshape(1, D_MODEL)
    b_out2 = b_out.reshape(1, D_MODEL)
    gamma2 = gamma.reshape(1, D_MODEL)
    beta2 = beta.reshape(1, D_MODEL)
    jbias2 = j_bias.reshape(1, NUM_E)
    jac2 = cross_floor_jaccard.reshape(1, 1).astype(f32)

    full = lambda shape: pl.BlockSpec(shape, lambda i: (0,) * len(shape))
    tile = lambda w: pl.BlockSpec((TOK_TILE, w), lambda i: (i, 0))
    (zrb, form, gate_probs, i1, i2, p1b, p2b, sel1, sel2, cnt1, cnt2) = (
        pl.pallas_call(
            _smoother_body,
            grid=(N_TILES,),
            in_specs=[
                tile(D_MODEL),
                full((D_MODEL, D_MODEL)),
                full((1, D_MODEL)),
                full((D_MODEL, D_MODEL)),
                full((1, D_MODEL)),
                full((1, D_MODEL)),
                full((1, D_MODEL)),
                full((D_MODEL, D_FOOT)),
                full((D_MODEL, NUM_E)),
                full((D_FOOT, NUM_E)),
                full((2, NUM_E)),
                full((1, NUM_E)),
                full((1, 1)),
            ],
            out_specs=[
                tile(D_MODEL),
                tile(D_FOOT),
                tile(NUM_E),
                tile(1),
                tile(1),
                tile(1),
                tile(1),
                tile(1),
                tile(1),
                pl.BlockSpec((1, NUM_E), lambda i: (0, 0)),
                pl.BlockSpec((1, NUM_E), lambda i: (0, 0)),
            ],
            out_shape=[
                jax.ShapeDtypeStruct((N_TOK, D_MODEL), _BF16),
                jax.ShapeDtypeStruct((N_TOK, D_FOOT), _BF16),
                jax.ShapeDtypeStruct((N_TOK, NUM_E), f32),
                jax.ShapeDtypeStruct((N_TOK, 1), _I32),
                jax.ShapeDtypeStruct((N_TOK, 1), _I32),
                jax.ShapeDtypeStruct((N_TOK, 1), f32),
                jax.ShapeDtypeStruct((N_TOK, 1), f32),
                jax.ShapeDtypeStruct((N_TOK, 1), _I32),
                jax.ShapeDtypeStruct((N_TOK, 1), _I32),
                jax.ShapeDtypeStruct((1, NUM_E), f32),
                jax.ShapeDtypeStruct((1, NUM_E), f32),
            ],
            scratch_shapes=[pltpu.VMEM((2, NUM_E), f32)],
        )(pillar_x, W_in.astype(_BF16), b_in2, W_out.astype(_BF16), b_out2,
          gamma2, beta2, W_form.astype(_BF16), W_gate.astype(_BF16),
          W_fg.astype(_BF16), W_stats, jbias2, jac2))
    zr32 = zrb.astype(f32)

    r1, r2, te = pl.pallas_call(
        _route_body,
        grid=(1,),
        in_specs=[
            pl.BlockSpec((N_TOK, 1), lambda i: (0, 0)),
            pl.BlockSpec((N_TOK, 1), lambda i: (0, 0)),
            pl.BlockSpec((N_TOK, 1), lambda i: (0, 0)),
            pl.BlockSpec((N_TOK, 1), lambda i: (0, 0)),
            pl.BlockSpec((1, NUM_E), lambda i: (0, 0)),
            pl.BlockSpec((1, NUM_E), lambda i: (0, 0)),
        ],
        out_specs=[
            pl.BlockSpec((N_TOK, 1), lambda i: (0, 0)),
            pl.BlockSpec((N_TOK, 1), lambda i: (0, 0)),
            pl.BlockSpec((1, N_PTILES), lambda i: (0, 0)),
        ],
        out_shape=[
            jax.ShapeDtypeStruct((N_TOK, 1), _I32),
            jax.ShapeDtypeStruct((N_TOK, 1), _I32),
            jax.ShapeDtypeStruct((1, N_PTILES), _I32),
        ],
    )(i1, i2, sel1, sel2, cnt1, cnt2)

    r1f = r1.reshape(N_TOK)
    r2f = r2.reshape(N_TOK)
    dfb32 = drug_features.astype(_BF16).astype(f32)
    z_sorted, tdf = _dispatch_sc()(zr32, r1f, r2f, dfb32,
                                   target_drug_indices)

    w1b = W1.astype(_BF16)
    w2b = W2.astype(_BF16)
    y_sorted = pl.pallas_call(
        _expert_body,
        grid_spec=pltpu.PrefetchScalarGridSpec(
            num_scalar_prefetch=1,
            grid=(N_PTILES,),
            in_specs=[
                pl.BlockSpec((P_TILE, D_MODEL), lambda i, te: (i, 0)),
                pl.BlockSpec((1, N_TOK), lambda i, te: (0, 0)),
                pl.BlockSpec((1, N_TOK), lambda i, te: (0, 0)),
                pl.BlockSpec((N_TOK, 1), lambda i, te: (0, 0)),
                pl.BlockSpec((N_TOK, 1), lambda i, te: (0, 0)),
                pl.BlockSpec((1, D_MODEL, D_FF), lambda i, te: (te[i], 0, 0)),
                pl.BlockSpec((1, D_FF, D_MODEL), lambda i, te: (te[i], 0, 0)),
            ],
            out_specs=pl.BlockSpec((P_TILE, D_MODEL), lambda i, te: (i, 0)),
        ),
        out_shape=jax.ShapeDtypeStruct((P_ROWS, D_MODEL), f32),
    )(te.reshape(N_PTILES), z_sorted, r1.reshape(1, N_TOK),
      r2.reshape(1, N_TOK), p1b, p2b, w1b, w2b)

    expert_tensor = _combine_sc()(y_sorted, r1f, r2f)

    scores = pl.pallas_call(
        _scores_body,
        grid=(N_TILES,),
        in_specs=[
            full((B_TGT, DRUG_DIM)),
            full((DRUG_DIM, D_MODEL)),
            full((DRUG_DIM, D_FOOT)),
            tile(D_MODEL),
            tile(D_FOOT),
        ],
        out_specs=pl.BlockSpec((TOK_TILE, B_TGT), lambda i: (i, 0)),
        out_shape=jax.ShapeDtypeStruct((N_TOK, B_TGT), f32),
    )(tdf, W_drug.astype(_BF16), W_role.astype(_BF16), expert_tensor, form)

    return (scores, gate_probs, expert_tensor)

# --- scband reference (transcript-rebuilt; emitter-appended) ---
"""Pipeline reference for scband-multiplex-mo-e-78580721648085 (READ-ONLY COPY).

The authoritative reference and input builder live on the scoring server;
editing this copy changes nothing except your own understanding.
"""

import jax, jax.numpy as jnp
import numpy as np

D_MODEL = 1024
D_FF = 2048
E = 8
TOP_K = 2
D_FOOT = 128
DRUG_DIM = 256
N_DRUGS = 4096
N_TOK = 2048
B_TGT = 128


def setup_inputs(seed: int = 0) -> dict:
    key = jax.random.key(seed)
    ks = jax.random.split(key, 24)
    s = 0.02
    inp = {
        "pillar_x": jax.random.normal(ks[0], (N_TOK, D_MODEL), dtype=jnp.float32),
        "cross_floor_jaccard": jax.random.uniform(ks[1], (), dtype=jnp.float32),
        "drug_features": jax.random.normal(ks[2], (N_DRUGS, DRUG_DIM), dtype=jnp.float32),
        "target_drug_indices": jax.random.randint(ks[3], (B_TGT,), 0, N_DRUGS, dtype=jnp.int32),
        "W_in": jax.random.normal(ks[4], (D_MODEL, D_MODEL), dtype=jnp.float32) * s,
        "b_in": jnp.zeros((D_MODEL,), dtype=jnp.float32),
        "W_out": jax.random.normal(ks[5], (D_MODEL, D_MODEL), dtype=jnp.float32) * s,
        "b_out": jnp.zeros((D_MODEL,), dtype=jnp.float32),
        "gamma": jnp.ones((D_MODEL,), dtype=jnp.float32),
        "beta": jnp.zeros((D_MODEL,), dtype=jnp.float32),
        "W_form": jax.random.normal(ks[6], (D_MODEL, D_FOOT), dtype=jnp.float32) * s,
        "W_role": jax.random.normal(ks[7], (DRUG_DIM, D_FOOT), dtype=jnp.float32) * s,
        "W_stats": jax.random.normal(ks[8], (2, E), dtype=jnp.float32) * s,
        "W_gate": jax.random.normal(ks[9], (D_MODEL, E), dtype=jnp.float32) * s,
        "W_fg": jax.random.normal(ks[10], (D_FOOT, E), dtype=jnp.float32) * s,
        "j_bias": jax.random.normal(ks[11], (E,), dtype=jnp.float32) * s,
        "W1": jax.random.normal(ks[12], (E, D_MODEL, D_FF), dtype=jnp.float32) * s,
        "W2": jax.random.normal(ks[13], (E, D_FF, D_MODEL), dtype=jnp.float32) * s,
        "W_drug": jax.random.normal(ks[14], (DRUG_DIM, D_MODEL), dtype=jnp.float32) * s,
    }
    return inp


def reference(pillar_x, cross_floor_jaccard, drug_features, target_drug_indices,
              W_in, b_in, W_out, b_out, gamma, beta, W_form, W_role, W_stats,
              W_gate, W_fg, j_bias, W1, W2, W_drug):
    # ---- smoother ----
    h = jax.nn.gelu(pillar_x @ W_in + b_in)
    z = pillar_x + h @ W_out + b_out
    mu = jnp.mean(z, axis=-1, keepdims=True)
    var = jnp.var(z, axis=-1, keepdims=True)
    z_refined = gamma * (z - mu) * jax.lax.rsqrt(var + 1e-5) + beta
    form_footprints = jnp.tanh(z_refined @ W_form)
    role_footprints = jnp.tanh(drug_features @ W_role)
    floor_stats = jnp.concatenate([mu, jnp.sqrt(var + 1e-5)], axis=-1)  # [N, 2]
    # ---- router ----
    target_drug_feats = drug_features[target_drug_indices]  # gather [B, drug_dim]
    gate_logits = (z_refined @ W_gate + form_footprints @ W_fg
                   + floor_stats @ W_stats + cross_floor_jaccard * j_bias)  # [N, E]
    top_vals, top_idx = jax.lax.top_k(gate_logits, TOP_K)
    top_probs = jax.nn.softmax(top_vals, axis=-1)
    gate_probs = jnp.zeros_like(gate_logits).at[
        jnp.arange(gate_logits.shape[0])[:, None], top_idx].add(top_probs)  # scatter-add [N, E]
    hidden = jax.nn.gelu(jnp.einsum('nd,edf->nef', z_refined, W1))
    expert_out = jnp.einsum('nef,efd->ned', hidden, W2)
    expert_tensor = jnp.einsum('ned,ne->nd', expert_out, gate_probs)  # [N, d_model]
    drug_proj = target_drug_feats @ W_drug  # [B, d_model]
    scores = expert_tensor @ drug_proj.T + form_footprints @ role_footprints[target_drug_indices].T  # [N, B]
    return (scores, gate_probs, expert_tensor)

if __name__ == "__main__":
    import jax
    _d = setup_inputs()
    print(jax.jit(kernel)(*tuple(_d.values())))

</pallas_src>

<mosaic_0001>
#map = affine_map<(d0, d1) -> (0, 0)>
#map1 = affine_map<(d0, d1) -> (0)>
module attributes {stable_mosaic.version = 14 : i64} {
  func.func @_combine_body(%arg0: i32, %arg1: i32, %arg2: memref<5120x1024xf32, #tpu.memory_space<hbm>>, %arg3: memref<2048xi32, #tpu.memory_space<hbm>>, %arg4: memref<2048xi32, #tpu.memory_space<hbm>>, %arg5: memref<2048x1024xf32, #tpu.memory_space<hbm>>, %arg6: memref<32xi32, #tpu.memory_space<vmem>>, %arg7: memref<32xi32, #tpu.memory_space<vmem>>, %arg8: memref<32x1024xf32, #tpu.memory_space<vmem>>, %arg9: memref<32x1024xf32, #tpu.memory_space<vmem>>, %arg10: memref<32x1024xf32, #tpu.memory_space<vmem>>, %arg11: memref<!tpu.dma_semaphore, #tpu.memory_space<semaphore_mem>>, %arg12: memref<!tpu.dma_semaphore, #tpu.memory_space<semaphore_mem>>) attributes {dimension_semantics = [#tpu.dimension_semantics<core_parallel>, #tpu.dimension_semantics<subcore_parallel>], iteration_bounds = array<i64: 2, 16>, scalar_prefetch = 0 : i64, scratch_operands = 7 : i64, tpu.core_type = #tpu.core_type<sc_vector_subcore>, window_params = [{transform_indices = #map}, {transform_indices = #map1}, {transform_indices = #map1}, {transform_indices = #map}]} {
    %mul3A = arith.constant 2 : i32
    %mul3A_0 = arith.muli %arg1, %mul3A : i32
    %add3A = arith.addi %mul3A_0, %arg0 : i32
    %mul3A_1 = arith.constant 64 : i32
    %mul3A_2 = arith.muli %add3A, %mul3A_1 : i32
    %add3A_3 = arith.constant 0 : i32
    %add3A_4 = arith.addi %mul3A_2, %add3A_3 : i32
    "tpu.region"() ({
      %run_scoped3A = tpu.sem_alloc : memref<!tpu.dma_semaphore, #tpu.memory_space<semaphore_mem>>
      %dma_start3A_670 = tpu.memref_slice %arg3[%add3A_4] : memref<2048xi32, #tpu.memory_space<hbm>> -> memref<32xi32, #tpu.memory_space<hbm>>
      %dma_start3A_671 = tpu.memref_slice %arg3[%add3A_4] : memref<2048xi32, #tpu.memory_space<hbm>> -> memref<32xi32, #tpu.memory_space<hbm>>
      tpu.enqueue_dma source(%dma_start3A_671 : memref<32xi32, #tpu.memory_space<hbm>>) target(%arg6 : memref<32xi32, #tpu.memory_space<vmem>>) target_semaphore(%run_scoped3A : memref<!tpu.dma_semaphore, #tpu.memory_space<semaphore_mem>>)
      %dma_wait3A_672 = tpu.memref_slice %arg3[%add3A_4] : memref<2048xi32, #tpu.memory_space<hbm>> -> memref<32xi32, #tpu.memory_space<hbm>>
      %dma_wait3A_673 = tpu.memref_slice %arg3[%add3A_4] : memref<2048xi32, #tpu.memory_space<hbm>> -> memref<32xi32, #tpu.memory_space<hbm>>
      tpu.wait_dma2 semaphore(%run_scoped3A : memref<!tpu.dma_semaphore, #tpu.memory_space<semaphore_mem>>) src(%dma_wait3A_673 : memref<32xi32, #tpu.memory_space<hbm>>) dst(%arg6 : memref<32xi32, #tpu.memory_space<vmem>>)
      tpu.yield
    }) : () -> ()
    "tpu.region"() ({
      %run_scoped3A = tpu.sem_alloc : memref<!tpu.dma_semaphore, #tpu.memory_space<semaphore_mem>>
      %dma_start3A_670 = tpu.memref_slice %arg4[%add3A_4] : memref<2048xi32, #tpu.memory_space<hbm>> -> memref<32xi32, #tpu.memory_space<hbm>>
      %dma_start3A_671 = tpu.memref_slice %arg4[%add3A_4] : memref<2048xi32, #tpu.memory_space<hbm>> -> memref<32xi32, #tpu.memory_space<hbm>>
      tpu.enqueue_dma source(%dma_start3A_671 : memref<32xi32, #tpu.memory_space<hbm>>) target(%arg7 : memref<32xi32, #tpu.memory_space<vmem>>) target_semaphore(%run_scoped3A : memref<!tpu.dma_semaphore, #tpu.memory_space<semaphore_mem>>)
      %dma_wait3A_672 = tpu.memref_slice %arg4[%add3A_4] : memref<2048xi32, #tpu.memory_space<hbm>> -> memref<32xi32, #tpu.memory_space<hbm>>
      %dma_wait3A_673 = tpu.memref_slice %arg4[%add3A_4] : memref<2048xi32, #tpu.memory_space<hbm>> -> memref<32xi32, #tpu.memory_space<hbm>>
      tpu.wait_dma2 semaphore(%run_scoped3A : memref<!tpu.dma_semaphore, #tpu.memory_space<semaphore_mem>>) src(%dma_wait3A_673 : memref<32xi32, #tpu.memory_space<hbm>>) dst(%arg7 : memref<32xi32, #tpu.memory_space<vmem>>)
      tpu.yield
    }) : () -> ()
    %dma_start3A = arith.constant 0 : i32
    %dma_start3A_5 = arith.constant 0 : i32
    %dma_start3A_6 = tpu.memref_slice %arg2[%dma_start3A, %dma_start3A_5] : memref<5120x1024xf32, #tpu.memory_space<hbm>> -> memref<5120x1024xf32, #tpu.memory_space<hbm>>
    tpu.enqueue_indirect_dma source(%dma_start3A_6 : memref<5120x1024xf32, #tpu.memory_space<hbm>>) target(%arg8 : memref<32x1024xf32, #tpu.memory_space<vmem>>) offsets(%arg6 : memref<32xi32, #tpu.memory_space<vmem>>) semaphore(%arg11 : memref<!tpu.dma_semaphore, #tpu.memory_space<semaphore_mem>>)
    %dma_start3A_7 = arith.constant 0 : i32
    %dma_start3A_8 = arith.constant 0 : i32
    %dma_start3A_9 = tpu.memref_slice %arg2[%dma_start3A_7, %dma_start3A_8] : memref<5120x1024xf32, #tpu.memory_space<hbm>> -> memref<5120x1024xf32, #tpu.memory_space<hbm>>
    tpu.enqueue_indirect_dma source(%dma_start3A_9 : memref<5120x1024xf32, #tpu.memory_space<hbm>>) target(%arg9 : memref<32x1024xf32, #tpu.memory_space<vmem>>) offsets(%arg7 : memref<32xi32, #tpu.memory_space<vmem>>) semaphore(%arg12 : memref<!tpu.dma_semaphore, #tpu.memory_space<semaphore_mem>>)
    %dma_wait3A = arith.constant 0 : i32
    %dma_wait3A_10 = arith.constant 0 : i32
    %dma_wait3A_11 = tpu.memref_slice %arg2[%dma_wait3A, %dma_wait3A_10] : memref<5120x1024xf32, #tpu.memory_space<hbm>> -> memref<5120x1024xf32, #tpu.memory_space<hbm>>
    tpu.wait_indirect_dma semaphore(%arg11 : memref<!tpu.dma_semaphore, #tpu.memory_space<semaphore_mem>>) src(%dma_wait3A_11 : memref<5120x1024xf32, #tpu.memory_space<hbm>>) dst(%arg8 : memref<32x1024xf32, #tpu.memory_space<vmem>>)
    %dma_wait3A_12 = arith.constant 0 : i32
    %dma_wait3A_13 = arith.constant 0 : i32
    %dma_wait3A_14 = tpu.memref_slice %arg2[%dma_wait3A_12, %dma_wait3A_13] : memref<5120x1024xf32, #tpu.memory_space<hbm>> -> memref<5120x1024xf32, #tpu.memory_space<hbm>>
    tpu.wait_indirect_dma semaphore(%arg12 : memref<!tpu.dma_semaphore, #tpu.memory_space<semaphore_mem>>) src(%dma_wait3A_14 : memref<5120x1024xf32, #tpu.memory_space<hbm>>) dst(%arg9 : memref<32x1024xf32, #tpu.memory_space<vmem>>)
    %scan3A = arith.constant 0 : i32
    %scan3A_15 = arith.constant 0 : i32
    %scan3A_16 = arith.constant 0 : i32
    %scan3A_17 = arith.constant 0 : i32
    %scan3A_18 = arith.constant 0 : i32
    %scan3A_19 = arith.constant 64 : i32
    %scan3A_20 = arith.addi %scan3A_18, %scan3A_19 : i32
    %scan3A_21 = arith.constant 1 : i32
    %scan3A_22 = scf.for %scan3A_670 = %scan3A_18 to %scan3A_20 step %scan3A_21 iter_args(%scan3A_671 = %scan3A_17) -> (i32)  : i32 {
      %mul3A_672 = arith.constant 16 : i32
      %mul3A_673 = arith.muli %scan3A_670, %mul3A_672 : i32
      %get3A = arith.constant 0 : i32
      %get3A_674 = tpu.memref_slice %arg8[%scan3A, %get3A] : memref<32x1024xf32, #tpu.memory_space<vmem>> -> memref<1x1024xf32, #tpu.memory_space<vmem>>
      %get3A_675 = tpu.memref_squeeze %get3A_674 : memref<1x1024xf32, #tpu.memory_space<vmem>> -> memref<1024xf32, #tpu.memory_space<vmem>>
      %get3A_676 = arith.index_cast %mul3A_673 : i32 to index
      %get3A_677 = tpu.vector_load %get3A_675[%get3A_676] {strides = array<i32>} : memref<1024xf32, #tpu.memory_space<vmem>>, vector<16xf32>,
      %get3A_678 = vector.shape_cast %get3A_677 : vector<16xf32> to vector<16xf32>
      %get3A_679 = arith.constant 0 : i32
      %get3A_680 = tpu.memref_slice %arg9[%scan3A_15, %get3A_679] : memref<32x1024xf32, #tpu.memory_space<vmem>> -> memref<1x1024xf32, #tpu.memory_space<vmem>>
      %get3A_681 = tpu.memref_squeeze %get3A_680 : memref<1x1024xf32, #tpu.memory_space<vmem>> -> memref<1024xf32, #tpu.memory_space<vmem>>
      %get3A_682 = arith.index_cast %mul3A_673 : i32 to index
      %get3A_683 = tpu.vector_load %get3A_681[%get3A_682] {strides = array<i32>} : memref<1024xf32, #tpu.memory_space<vmem>>, vector<16xf32>,
      %get3A_684 = vector.shape_cast %get3A_683 : vector<16xf32> to vector<16xf32>
      %add3A_685 = arith.addf %get3A_678, %get3A_684 : vector<16xf32>
      %swap3A = arith.constant 0 : i32
      %swap3A_686 = tpu.memref_slice %arg10[%scan3A_16, %swap3A] : memref<32x1024xf32, #tpu.memory_space<vmem>> -> memref<1x1024xf32, #tpu.memory_space<vmem>>
      %swap3A_687 = tpu.memref_squeeze %swap3A_686 : memref<1x1024xf32, #tpu.memory_space<vmem>> -> memref<1024xf32, #tpu.memory_space<vmem>>
      %swap3A_688 = arith.index_cast %mul3A_673 : i32 to index
      %swap3A_689 = tpu.vector_load %swap3A_687[%swap3A_688] {strides = array<i32>} : memref<1024xf32, #tpu.memory_space<vmem>>, vector<16xf32>,
      %swap3A_690 = vector.shape_cast %swap3A_689 : vector<16xf32> to vector<16xf32>
      %swap3A_691 = vector.shape_cast %add3A_685 : vector<16xf32> to vector<16xf32>
      tpu.vector_store %swap3A_687[%swap3A_688], %swap3A_691 {strides = array<i32>} : memref<1024xf32, #tpu.memory_space<vmem>>, vector<16xf32>,
      %scan3A_692 = arith.constant 0 : i32
      scf.yield %scan3A_692 : i32
    }
    %scan3A_23 = arith.constant 64 : i32
    %scan3A_24 = arith.constant 1 : i32
    %scan3A_25 = arith.constant 1 : i32
    %scan3A_26 = arith.constant 1 : i32
    %scan3A_27 = arith.constant 0 : i32
    %scan3A_28 = arith.constant 0 : i32
    %scan3A_29 = arith.constant 64 : i32
    %scan3A_30 = arith.addi %scan3A_28, %scan3A_29 : i32
    %scan3A_31 = arith.constant 1 : i32
    %scan3A_32 = scf.for %scan3A_670 = %scan3A_28 to %scan3A_30 step %scan3A_31 iter_args(%scan3A_671 = %scan3A_27) -> (i32)  : i32 {
      %mul3A_672 = arith.constant 16 : i32
      %mul3A_673 = arith.muli %scan3A_670, %mul3A_672 : i32
      %get3A = arith.constant 0 : i32
      %get3A_674 = tpu.memref_slice %arg8[%scan3A_24, %get3A] : memref<32x1024xf32, #tpu.memory_space<vmem>> -> memref<1x1024xf32, #tpu.memory_space<vmem>>
      %get3A_675 = tpu.memref_squeeze %get3A_674 : memref<1x1024xf32, #tpu.memory_space<vmem>> -> memref<1024xf32, #tpu.memory_space<vmem>>
      %get3A_676 = arith.index_cast %mul3A_673 : i32 to index
      %get3A_677 = tpu.vector_load %get3A_675[%get3A_676] {strides = array<i32>} : memref<1024xf32, #tpu.memory_space<vmem>>, vector<16xf32>,
      %get3A_678 = vector.shape_cast %get3A_677 : vector<16xf32> to vector<16xf32>
      %get3A_679 = arith.constant 0 : i32
      %get3A_680 = tpu.memref_slice %arg9[%scan3A_25, %get3A_679] : memref<32x1024xf32, #tpu.memory_space<vmem>> -> memref<1x1024xf32, #tpu.memory_space<vmem>>
      %get3A_681 = tpu.memref_squeeze %get3A_680 : memref<1x1024xf32, #tpu.memory_space<vmem>> -> memref<1024xf32, #tpu.memory_space<vmem>>
      %get3A_682 = arith.index_cast %mul3A_673 : i32 to index
      %get3A_683 = tpu.vector_load %get3A_681[%get3A_682] {strides = array<i32>} : memref<1024xf32, #tpu.memory_space<vmem>>, vector<16xf32>,
      %get3A_684 = vector.shape_cast %get3A_683 : vector<16xf32> to vector<16xf32>
      %add3A_685 = arith.addf %get3A_678, %get3A_684 : vector<16xf32>
      %swap3A = arith.constant 0 : i32
      %swap3A_686 = tpu.memref_slice %arg10[%scan3A_26, %swap3A] : memref<32x1024xf32, #tpu.memory_space<vmem>> -> memref<1x1024xf32, #tpu.memory_space<vmem>>
      %swap3A_687 = tpu.memref_squeeze %swap3A_686 : memref<1x1024xf32, #tpu.memory_space<vmem>> -> memref<1024xf32, #tpu.memory_space<vmem>>
      %swap3A_688 = arith.index_cast %mul3A_673 : i32 to index
      %swap3A_689 = tpu.vector_load %swap3A_687[%swap3A_688] {strides = array<i32>} : memref<1024xf32, #tpu.memory_space<vmem>>, vector<16xf32>,
      %swap3A_690 = vector.shape_cast %swap3A_689 : vector<16xf32> to vector<16xf32>
      %swap3A_691 = vector.shape_cast %add3A_685 : vector<16xf32> to vector<16xf32>
      tpu.vector_store %swap3A_687[%swap3A_688], %swap3A_691 {strides = array<i32>} : memref<1024xf32, #tpu.memory_space<vmem>>, vector<16xf32>,
      %scan3A_692 = arith.constant 0 : i32
      scf.yield %scan3A_692 : i32
    }
    %scan3A_33 = arith.constant 64 : i32
    %scan3A_34 = arith.constant 2 : i32
    %scan3A_35 = arith.constant 2 : i32
    %scan3A_36 = arith.constant 2 : i32
    %scan3A_37 = arith.constant 0 : i32
    %scan3A_38 = arith.constant 0 : i32
    %scan3A_39 = arith.constant 64 : i32
    %scan3A_40 = arith.addi %scan3A_38, %scan3A_39 : i32
    %scan3A_41 = arith.constant 1 : i32
    %scan3A_42 = scf.for %scan3A_670 = %scan3A_38 to %scan3A_40 step %scan3A_41 iter_args(%scan3A_671 = %scan3A_37) -> (i32)  : i32 {
      %mul3A_672 = arith.constant 16 : i32
      %mul3A_673 = arith.muli %scan3A_670, %mul3A_672 : i32
      %get3A = arith.constant 0 : i32
      %get3A_674 = tpu.memref_slice %arg8[%scan3A_34, %get3A] : memref<32x1024xf32, #tpu.memory_space<vmem>> -> memref<1x1024xf32, #tpu.memory_space<vmem>>
      %get3A_675 = tpu.memref_squeeze %get3A_674 : memref<1x1024xf32, #tpu.memory_space<vmem>> -> memref<1024xf32, #tpu.memory_space<vmem>>
      %get3A_676 = arith.index_cast %mul3A_673 : i32 to index
      %get3A_677 = tpu.vector_load %get3A_675[%get3A_676] {strides = array<i32>} : memref<1024xf32, #tpu.memory_space<vmem>>, vector<16xf32>,
      %get3A_678 = vector.shape_cast %get3A_677 : vector<16xf32> to vector<16xf32>
      %get3A_679 = arith.constant 0 : i32
      %get3A_680 = tpu.memref_slice %arg9[%scan3A_35, %get3A_679] : memref<32x1024xf32, #tpu.memory_space<vmem>> -> memref<1x1024xf32, #tpu.memory_space<vmem>>
      %get3A_681 = tpu.memref_squeeze %get3A_680 : memref<1x1024xf32, #tpu.memory_space<vmem>> -> memref<1024xf32, #tpu.memory_space<vmem>>
      %get3A_682 = arith.index_cast %mul3A_673 : i32 to index
      %get3A_683 = tpu.vector_load %get3A_681[%get3A_682] {strides = array<i32>} : memref<1024xf32, #tpu.memory_space<vmem>>, vector<16xf32>,
      %get3A_684 = vector.shape_cast %get3A_683 : vector<16xf32> to vector<16xf32>
      %add3A_685 = arith.addf %get3A_678, %get3A_684 : vector<16xf32>
      %swap3A = arith.constant 0 : i32
      %swap3A_686 = tpu.memref_slice %arg10[%scan3A_36, %swap3A] : memref<32x1024xf32, #tpu.memory_space<vmem>> -> memref<1x1024xf32, #tpu.memory_space<vmem>>
      %swap3A_687 = tpu.memref_squeeze %swap3A_686 : memref<1x1024xf32, #tpu.memory_space<vmem>> -> memref<1024xf32, #tpu.memory_space<vmem>>
      %swap3A_688 = arith.index_cast %mul3A_673 : i32 to index
      %swap3A_689 = tpu.vector_load %swap3A_687[%swap3A_688] {strides = array<i32>} : memref<1024xf32, #tpu.memory_space<vmem>>, vector<16xf32>,
      %swap3A_690 = vector.shape_cast %swap3A_689 : vector<16xf32> to vector<16xf32>
      %swap3A_691 = vector.shape_cast %add3A_685 : vector<16xf32> to vector<16xf32>
      tpu.vector_store %swap3A_687[%swap3A_688], %swap3A_691 {strides = array<i32>} : memref<1024xf32, #tpu.memory_space<vmem>>, vector<16xf32>,
      %scan3A_692 = arith.constant 0 : i32
      scf.yield %scan3A_692 : i32
    }
    %scan3A_43 = arith.constant 64 : i32
    %scan3A_44 = arith.constant 3 : i32
    %scan3A_45 = arith.constant 3 : i32
    %scan3A_46 = arith.constant 3 : i32
    %scan3A_47 = arith.constant 0 : i32
    %scan3A_48 = arith.constant 0 : i32
    %scan3A_49 = arith.constant 64 : i32
    %scan3A_50 = arith.addi %scan3A_48, %scan3A_49 : i32
    %scan3A_51 = arith.constant 1 : i32
    %scan3A_52 = scf.for %scan3A_670 = %scan3A_48 to %scan3A_50 step %scan3A_51 iter_args(%scan3A_671 = %scan3A_47) -> (i32)  : i32 {
      %mul3A_672 = arith.constant 16 : i32
      %mul3A_673 = arith.muli %scan3A_670, %mul3A_672 : i32
      %get3A = arith.constant 0 : i32
      %get3A_674 = tpu.memref_slice %arg8[%scan3A_44, %get3A] : memref<32x1024xf32, #tpu.memory_space<vmem>> -> memref<1x1024xf32, #tpu.memory_space<vmem>>
      %get3A_675 = tpu.memref_squeeze %get3A_674 : memref<1x1024xf32, #tpu.memory_space<vmem>> -> memref<1024xf32, #tpu.memory_space<vmem>>
      %get3A_676 = arith.index_cast %mul3A_673 : i32 to index
      %get3A_677 = tpu.vector_load %get3A_675[%get3A_676] {strides = array<i32>} : memref<1024xf32, #tpu.memory_space<vmem>>, vector<16xf32>,
      %get3A_678 = vector.shape_cast %get3A_677 : vector<16xf32> to vector<16xf32>
      %get3A_679 = arith.constant 0 : i32
      %get3A_680 = tpu.memref_slice %arg9[%scan3A_45, %get3A_679] : memref<32x1024xf32, #tpu.memory_space<vmem>> -> memref<1x1024xf32, #tpu.memory_space<vmem>>
      %get3A_681 = tpu.memref_squeeze %get3A_680 : memref<1x1024xf32, #tpu.memory_space<vmem>> -> memref<1024xf32, #tpu.memory_space<vmem>>
      %get3A_682 = arith.index_cast %mul3A_673 : i32 to index
      %get3A_683 = tpu.vector_load %get3A_681[%get3A_682] {strides = array<i32>} : memref<1024xf32, #tpu.memory_space<vmem>>, vector<16xf32>,
      %get3A_684 = vector.shape_cast %get3A_683 : vector<16xf32> to vector<16xf32>
      %add3A_685 = arith.addf %get3A_678, %get3A_684 : vector<16xf32>
      %swap3A = arith.constant 0 : i32
      %swap3A_686 = tpu.memref_slice %arg10[%scan3A_46, %swap3A] : memref<32x1024xf32, #tpu.memory_space<vmem>> -> memref<1x1024xf32, #tpu.memory_space<vmem>>
      %swap3A_687 = tpu.memref_squeeze %swap3A_686 : memref<1x1024xf32, #tpu.memory_space<vmem>> -> memref<1024xf32, #tpu.memory_space<vmem>>
      %swap3A_688 = arith.index_cast %mul3A_673 : i32 to index
      %swap3A_689 = tpu.vector_load %swap3A_687[%swap3A_688] {strides = array<i32>} : memref<1024xf32, #tpu.memory_space<vmem>>, vector<16xf32>,
      %swap3A_690 = vector.shape_cast %swap3A_689 : vector<16xf32> to vector<16xf32>
      %swap3A_691 = vector.shape_cast %add3A_685 : vector<16xf32> to vector<16xf32>
      tpu.vector_store %swap3A_687[%swap3A_688], %swap3A_691 {strides = array<i32>} : memref<1024xf32, #tpu.memory_space<vmem>>, vector<16xf32>,
      %scan3A_692 = arith.constant 0 : i32
      scf.yield %scan3A_692 : i32
    }
    %scan3A_53 = arith.constant 64 : i32
    %scan3A_54 = arith.constant 4 : i32
    %scan3A_55 = arith.constant 4 : i32
    %scan3A_56 = arith.constant 4 : i32
    %scan3A_57 = arith.constant 0 : i32
    %scan3A_58 = arith.constant 0 : i32
    %scan3A_59 = arith.constant 64 : i32
    %scan3A_60 = arith.addi %scan3A_58, %scan3A_59 : i32
    %scan3A_61 = arith.constant 1 : i32
    %scan3A_62 = scf.for %scan3A_670 = %scan3A_58 to %scan3A_60 step %scan3A_61 iter_args(%scan3A_671 = %scan3A_57) -> (i32)  : i32 {
      %mul3A_672 = arith.constant 16 : i32
      %mul3A_673 = arith.muli %scan3A_670, %mul3A_672 : i32
      %get3A = arith.constant 0 : i32
      %get3A_674 = tpu.memref_slice %arg8[%scan3A_54, %get3A] : memref<32x1024xf32, #tpu.memory_space<vmem>> -> memref<1x1024xf32, #tpu.memory_space<vmem>>
      %get3A_675 = tpu.memref_squeeze %get3A_674 : memref<1x1024xf32, #tpu.memory_space<vmem>> -> memref<1024xf32, #tpu.memory_space<vmem>>
      %get3A_676 = arith.index_cast %mul3A_673 : i32 to index
      %get3A_677 = tpu.vector_load %get3A_675[%get3A_676] {strides = array<i32>} : memref<1024xf32, #tpu.memory_space<vmem>>, vector<16xf32>,
      %get3A_678 = vector.shape_cast %get3A_677 : vector<16xf32> to vector<16xf32>
      %get3A_679 = arith.constant 0 : i32
      %get3A_680 = tpu.memref_slice %arg9[%scan3A_55, %get3A_679] : memref<32x1024xf32, #tpu.memory_space<vmem>> -> memref<1x1024xf32, #tpu.memory_space<vmem>>
      %get3A_681 = tpu.memref_squeeze %get3A_680 : memref<1x1024xf32, #tpu.memory_space<vmem>> -> memref<1024xf32, #tpu.memory_space<vmem>>
      %get3A_682 = arith.index_cast %mul3A_673 : i32 to index
      %get3A_683 = tpu.vector_load %get3A_681[%get3A_682] {strides = array<i32>} : memref<1024xf32, #tpu.memory_space<vmem>>, vector<16xf32>,
      %get3A_684 = vector.shape_cast %get3A_683 : vector<16xf32> to vector<16xf32>
      %add3A_685 = arith.addf %get3A_678, %get3A_684 : vector<16xf32>
      %swap3A = arith.constant 0 : i32
      %swap3A_686 = tpu.memref_slice %arg10[%scan3A_56, %swap3A] : memref<32x1024xf32, #tpu.memory_space<vmem>> -> memref<1x1024xf32, #tpu.memory_space<vmem>>
      %swap3A_687 = tpu.memref_squeeze %swap3A_686 : memref<1x1024xf32, #tpu.memory_space<vmem>> -> memref<1024xf32, #tpu.memory_space<vmem>>
      %swap3A_688 = arith.index_cast %mul3A_673 : i32 to index
      %swap3A_689 = tpu.vector_load %swap3A_687[%swap3A_688] {strides = array<i32>} : memref<1024xf32, #tpu.memory_space<vmem>>, vector<16xf32>,
      %swap3A_690 = vector.shape_cast %swap3A_689 : vector<16xf32> to vector<16xf32>
      %swap3A_691 = vector.shape_cast %add3A_685 : vector<16xf32> to vector<16xf32>
      tpu.vector_store %swap3A_687[%swap3A_688], %swap3A_691 {strides = array<i32>} : memref<1024xf32, #tpu.memory_space<vmem>>, vector<16xf32>,
      %scan3A_692 = arith.constant 0 : i32
      scf.yield %scan3A_692 : i32
    }
    %scan3A_63 = arith.constant 64 : i32
    %scan3A_64 = arith.constant 5 : i32
    %scan3A_65 = arith.constant 5 : i32
    %scan3A_66 = arith.constant 5 : i32
    %scan3A_67 = arith.constant 0 : i32
    %scan3A_68 = arith.constant 0 : i32
    %scan3A_69 = arith.constant 64 : i32
    %scan3A_70 = arith.addi %scan3A_68, %scan3A_69 : i32
    %scan3A_71 = arith.constant 1 : i32
    %scan3A_72 = scf.for %scan3A_670 = %scan3A_68 to %scan3A_70 step %scan3A_71 iter_args(%scan3A_671 = %scan3A_67) -> (i32)  : i32 {
      %mul3A_672 = arith.constant 16 : i32
      %mul3A_673 = arith.muli %scan3A_670, %mul3A_672 : i32
      %get3A = arith.constant 0 : i32
      %get3A_674 = tpu.memref_slice %arg8[%scan3A_64, %get3A] : memref<32x1024xf32, #tpu.memory_space<vmem>> -> memref<1x1024xf32, #tpu.memory_space<vmem>>
      %get3A_675 = tpu.memref_squeeze %get3A_674 : memref<1x1024xf32, #tpu.memory_space<vmem>> -> memref<1024xf32, #tpu.memory_space<vmem>>
      %get3A_676 = arith.index_cast %mul3A_673 : i32 to index
      %get3A_677 = tpu.vector_load %get3A_675[%get3A_676] {strides = array<i32>} : memref<1024xf32, #tpu.memory_space<vmem>>, vector<16xf32>,
      %get3A_678 = vector.shape_cast %get3A_677 : vector<16xf32> to vector<16xf32>
      %get3A_679 = arith.constant 0 : i32
      %get3A_680 = tpu.memref_slice %arg9[%scan3A_65, %get3A_679] : memref<32x1024xf32, #tpu.memory_space<vmem>> -> memref<1x1024xf32, #tpu.memory_space<vmem>>
      %get3A_681 = tpu.memref_squeeze %get3A_680 : memref<1x1024xf32, #tpu.memory_space<vmem>> -> memref<1024xf32, #tpu.memory_space<vmem>>
      %get3A_682 = arith.index_cast %mul3A_673 : i32 to index
      %get3A_683 = tpu.vector_load %get3A_681[%get3A_682] {strides = array<i32>} : memref<1024xf32, #tpu.memory_space<vmem>>, vector<16xf32>,
      %get3A_684 = vector.shape_cast %get3A_683 : vector<16xf32> to vector<16xf32>
      %add3A_685 = arith.addf %get3A_678, %get3A_684 : vector<16xf32>
      %swap3A = arith.constant 0 : i32
      %swap3A_686 = tpu.memref_slice %arg10[%scan3A_66, %swap3A] : memref<32x1024xf32, #tpu.memory_space<vmem>> -> memref<1x1024xf32, #tpu.memory_space<vmem>>
      %swap3A_687 = tpu.memref_squeeze %swap3A_686 : memref<1x1024xf32, #tpu.memory_space<vmem>> -> memref<1024xf32, #tpu.memory_space<vmem>>
      %swap3A_688 = arith.index_cast %mul3A_673 : i32 to index
      %swap3A_689 = tpu.vector_load %swap3A_687[%swap3A_688] {strides = array<i32>} : memref<1024xf32, #tpu.memory_space<vmem>>, vector<16xf32>,
      %swap3A_690 = vector.shape_cast %swap3A_689 : vector<16xf32> to vector<16xf32>
      %swap3A_691 = vector.shape_cast %add3A_685 : vector<16xf32> to vector<16xf32>
      tpu.vector_store %swap3A_687[%swap3A_688], %swap3A_691 {strides = array<i32>} : memref<1024xf32, #tpu.memory_space<vmem>>, vector<16xf32>,
      %scan3A_692 = arith.constant 0 : i32
      scf.yield %scan3A_692 : i32
    }
    %scan3A_73 = arith.constant 64 : i32
    %scan3A_74 = arith.constant 6 : i32
    %scan3A_75 = arith.constant 6 : i32
    %scan3A_76 = arith.constant 6 : i32
    %scan3A_77 = arith.constant 0 : i32
    %scan3A_78 = arith.constant 0 : i32
    %scan3A_79 = arith.constant 64 : i32
    %scan3A_80 = arith.addi %scan3A_78, %scan3A_79 : i32
    %scan3A_81 = arith.constant 1 : i32
    %scan3A_82 = scf.for %scan3A_670 = %scan3A_78 to %scan3A_80 step %scan3A_81 iter_args(%scan3A_671 = %scan3A_77) -> (i32)  : i32 {
      %mul3A_672 = arith.constant 16 : i32
      %mul3A_673 = arith.muli %scan3A_670, %mul3A_672 : i32
      %get3A = arith.constant 0 : i32
      %get3A_674 = tpu.memref_slice %arg8[%scan3A_74, %get3A] : memref<32x1024xf32, #tpu.memory_space<vmem>> -> memref<1x1024xf32, #tpu.memory_space<vmem>>
      %get3A_675 = tpu.memref_squeeze %get3A_674 : memref<1x1024xf32, #tpu.memory_space<vmem>> -> memref<1024xf32, #tpu.memory_space<vmem>>
      %get3A_676 = arith.index_cast %mul3A_673 : i32 to index
      %get3A_677 = tpu.vector_load %get3A_675[%get3A_676] {strides = array<i32>} : memref<1024xf32, #tpu.memory_space<vmem>>, vector<16xf32>,
      %get3A_678 = vector.shape_cast %get3A_677 : vector<16xf32> to vector<16xf32>
      %get3A_679 = arith.constant 0 : i32
      %get3A_680 = tpu.memref_slice %arg9[%scan3A_75, %get3A_679] : memref<32x1024xf32, #tpu.memory_space<vmem>> -> memref<1x1024xf32, #tpu.memory_space<vmem>>
      %get3A_681 = tpu.memref_squeeze %get3A_680 : memref<1x1024xf32, #tpu.memory_space<vmem>> -> memref<1024xf32, #tpu.memory_space<vmem>>
      %get3A_682 = arith.index_cast %mul3A_673 : i32 to index
      %get3A_683 = tpu.vector_load %get3A_681[%get3A_682] {strides = array<i32>} : memref<1024xf32, #tpu.memory_space<vmem>>, vector<16xf32>,
      %get3A_684 = vector.shape_cast %get3A_683 : vector<16xf32> to vector<16xf32>
      %add3A_685 = arith.addf %get3A_678, %get3A_684 : vector<16xf32>
      %swap3A = arith.constant 0 : i32
      %swap3A_686 = tpu.memref_slice %arg10[%scan3A_76, %swap3A] : memref<32x1024xf32, #tpu.memory_space<vmem>> -> memref<1x1024xf32, #tpu.memory_space<vmem>>
      %swap3A_687 = tpu.memref_squeeze %swap3A_686 : memref<1x1024xf32, #tpu.memory_space<vmem>> -> memref<1024xf32, #tpu.memory_space<vmem>>
      %swap3A_688 = arith.index_cast %mul3A_673 : i32 to index
      %swap3A_689 = tpu.vector_load %swap3A_687[%swap3A_688] {strides = array<i32>} : memref<1024xf32, #tpu.memory_space<vmem>>, vector<16xf32>,
      %swap3A_690 = vector.shape_cast %swap3A_689 : vector<16xf32> to vector<16xf32>
      %swap3A_691 = vector.shape_cast %add3A_685 : vector<16xf32> to vector<16xf32>
      tpu.vector_store %swap3A_687[%swap3A_688], %swap3A_691 {strides = array<i32>} : memref<1024xf32, #tpu.memory_space<vmem>>, vector<16xf32>,
      %scan3A_692 = arith.constant 0 : i32
      scf.yield %scan3A_692 : i32
    }
    %scan3A_83 = arith.constant 64 : i32
    %scan3A_84 = arith.constant 7 : i32
    %scan3A_85 = arith.constant 7 : i32
    %scan3A_86 = arith.constant 7 : i32
    %scan3A_87 = arith.constant 0 : i32
    %scan3A_88 = arith.constant 0 : i32
    %scan3A_89 = arith.constant 64 : i32
    %scan3A_90 = arith.addi %scan3A_88, %scan3A_89 : i32
    %scan3A_91 = arith.constant 1 : i32
    %scan3A_92 = scf.for %scan3A_670 = %scan3A_88 to %scan3A_90 step %scan3A_91 iter_args(%scan3A_671 = %scan3A_87) -> (i32)  : i32 {
      %mul3A_672 = arith.constant 16 : i32
      %mul3A_673 = arith.muli %scan3A_670, %mul3A_672 : i32
      %get3A = arith.constant 0 : i32
      %get3A_674 = tpu.memref_slice %arg8[%scan3A_84, %get3A] : memref<32x1024xf32, #tpu.memory_space<vmem>> -> memref<1x1024xf32, #tpu.memory_space<vmem>>
      %get3A_675 = tpu.memref_squeeze %get3A_674 : memref<1x1024xf32, #tpu.memory_space<vmem>> -> memref<1024xf32, #tpu.memory_space<vmem>>
      %get3A_676 = arith.index_cast %mul3A_673 : i32 to index
      %get3A_677 = tpu.vector_load %get3A_675[%get3A_676] {strides = array<i32>} : memref<1024xf32, #tpu.memory_space<vmem>>, vector<16xf32>,
      %get3A_678 = vector.shape_cast %get3A_677 : vector<16xf32> to vector<16xf32>
      %get3A_679 = arith.constant 0 : i32
      %get3A_680 = tpu.memref_slice %arg9[%scan3A_85, %get3A_679] : memref<32x1024xf32, #tpu.memory_space<vmem>> -> memref<1x1024xf32, #tpu.memory_space<vmem>>
      %get3A_681 = tpu.memref_squeeze %get3A_680 : memref<1x1024xf32, #tpu.memory_space<vmem>> -> memref<1024xf32, #tpu.memory_space<vmem>>
      %get3A_682 = arith.index_cast %mul3A_673 : i32 to index
      %get3A_683 = tpu.vector_load %get3A_681[%get3A_682] {strides = array<i32>} : memref<1024xf32, #tpu.memory_space<vmem>>, vector<16xf32>,
      %get3A_684 = vector.shape_cast %get3A_683 : vector<16xf32> to vector<16xf32>
      %add3A_685 = arith.addf %get3A_678, %get3A_684 : vector<16xf32>
      %swap3A = arith.constant 0 : i32
      %swap3A_686 = tpu.memref_slice %arg10[%scan3A_86, %swap3A] : memref<32x1024xf32, #tpu.memory_space<vmem>> -> memref<1x1024xf32, #tpu.memory_space<vmem>>
      %swap3A_687 = tpu.memref_squeeze %swap3A_686 : memref<1x1024xf32, #tpu.memory_space<vmem>> -> memref<1024xf32, #tpu.memory_space<vmem>>
      %swap3A_688 = arith.index_cast %mul3A_673 : i32 to index
      %swap3A_689 = tpu.vector_load %swap3A_687[%swap3A_688] {strides = array<i32>} : memref<1024xf32, #tpu.memory_space<vmem>>, vector<16xf32>,
      %swap3A_690 = vector.shape_cast %swap3A_689 : vector<16xf32> to vector<16xf32>
      %swap3A_691 = vector.shape_cast %add3A_685 : vector<16xf32> to vector<16xf32>
      tpu.vector_store %swap3A_687[%swap3A_688], %swap3A_691 {strides = array<i32>} : memref<1024xf32, #tpu.memory_space<vmem>>, vector<16xf32>,
      %scan3A_692 = arith.constant 0 : i32
      scf.yield %scan3A_692 : i32
    }
    %scan3A_93 = arith.constant 64 : i32
    %scan3A_94 = arith.constant 8 : i32
    %scan3A_95 = arith.constant 8 : i32
    %scan3A_96 = arith.constant 8 : i32
    %scan3A_97 = arith.constant 0 : i32
    %scan3A_98 = arith.constant 0 : i32
    %scan3A_99 = arith.constant 64 : i32
    %scan3A_100 = arith.addi %scan3A_98, %scan3A_99 : i32
    %scan3A_101 = arith.constant 1 : i32
    %scan3A_102 = scf.for %scan3A_670 = %scan3A_98 to %scan3A_100 step %scan3A_101 iter_args(%scan3A_671 = %scan3A_97) -> (i32)  : i32 {
      %mul3A_672 = arith.constant 16 : i32
      %mul3A_673 = arith.muli %scan3A_670, %mul3A_672 : i32
      %get3A = arith.constant 0 : i32
      %get3A_674 = tpu.memref_slice %arg8[%scan3A_94, %get3A] : memref<32x1024xf32, #tpu.memory_space<vmem>> -> memref<1x1024xf32, #tpu.memory_space<vmem>>
      %get3A_675 = tpu.memref_squeeze %get3A_674 : memref<1x1024xf32, #tpu.memory_space<vmem>> -> memref<1024xf32, #tpu.memory_space<vmem>>
      %get3A_676 = arith.index_cast %mul3A_673 : i32 to index
      %get3A_677 = tpu.vector_load %get3A_675[%get3A_676] {strides = array<i32>} : memref<1024xf32, #tpu.memory_space<vmem>>, vector<16xf32>,
      %get3A_678 = vector.shape_cast %get3A_677 : vector<16xf32> to vector<16xf32>
      %get3A_679 = arith.constant 0 : i32
      %get3A_680 = tpu.memref_slice %arg9[%scan3A_95, %get3A_679] : memref<32x1024xf32, #tpu.memory_space<vmem>> -> memref<1x1024xf32, #tpu.memory_space<vmem>>
      %get3A_681 = tpu.memref_squeeze %get3A_680 : memref<1x1024xf32, #tpu.memory_space<vmem>> -> memref<1024xf32, #tpu.memory_space<vmem>>
      %get3A_682 = arith.index_cast %mul3A_673 : i32 to index
      %get3A_683 = tpu.vector_load %get3A_681[%get3A_682] {strides = array<i32>} : memref<1024xf32, #tpu.memory_space<vmem>>, vector<16xf32>,
      %get3A_684 = vector.shape_cast %get3A_683 : vector<16xf32> to vector<16xf32>
      %add3A_685 = arith.addf %get3A_678, %get3A_684 : vector<16xf32>
      %swap3A = arith.constant 0 : i32
      %swap3A_686 = tpu.memref_slice %arg10[%scan3A_96, %swap3A] : memref<32x1024xf32, #tpu.memory_space<vmem>> -> memref<1x1024xf32, #tpu.memory_space<vmem>>
      %swap3A_687 = tpu.memref_squeeze %swap3A_686 : memref<1x1024xf32, #tpu.memory_space<vmem>> -> memref<1024xf32, #tpu.memory_space<vmem>>
      %swap3A_688 = arith.index_cast %mul3A_673 : i32 to index
      %swap3A_689 = tpu.vector_load %swap3A_687[%swap3A_688] {strides = array<i32>} : memref<1024xf32, #tpu.memory_space<vmem>>, vector<16xf32>,
      %swap3A_690 = vector.shape_cast %swap3A_689 : vector<16xf32> to vector<16xf32>
      %swap3A_691 = vector.shape_cast %add3A_685 : vector<16xf32> to vector<16xf32>
      tpu.vector_store %swap3A_687[%swap3A_688], %swap3A_691 {strides = array<i32>} : memref<1024xf32, #tpu.memory_space<vmem>>, vector<16xf32>,
      %scan3A_692 = arith.constant 0 : i32
      scf.yield %scan3A_692 : i32
    }
    %scan3A_103 = arith.constant 64 : i32
    %scan3A_104 = arith.constant 9 : i32
    %scan3A_105 = arith.constant 9 : i32
    %scan3A_106 = arith.constant 9 : i32
    %scan3A_107 = arith.constant 0 : i32
    %scan3A_108 = arith.constant 0 : i32
    %scan3A_109 = arith.constant 64 : i32
    %scan3A_110 = arith.addi %scan3A_108, %scan3A_109 : i32
    %scan3A_111 = arith.constant 1 : i32
    %scan3A_112 = scf.for %scan3A_670 = %scan3A_108 to %scan3A_110 step %scan3A_111 iter_args(%scan3A_671 = %scan3A_107) -> (i32)  : i32 {
      %mul3A_672 = arith.constant 16 : i32
      %mul3A_673 = arith.muli %scan3A_670, %mul3A_672 : i32
      %get3A = arith.constant 0 : i32
      %get3A_674 = tpu.memref_slice %arg8[%scan3A_104, %get3A] : memref<32x1024xf32, #tpu.memory_space<vmem>> -> memref<1x1024xf32, #tpu.memory_space<vmem>>
      %get3A_675 = tpu.memref_squeeze %get3A_674 : memref<1x1024xf32, #tpu.memory_space<vmem>> -> memref<1024xf32, #tpu.memory_space<vmem>>
      %get3A_676 = arith.index_cast %mul3A_673 : i32 to index
      %get3A_677 = tpu.vector_load %get3A_675[%get3A_676] {strides = array<i32>} : memref<1024xf32, #tpu.memory_space<vmem>>, vector<16xf32>,
      %get3A_678 = vector.shape_cast %get3A_677 : vector<16xf32> to vector<16xf32>
      %get3A_679 = arith.constant 0 : i32
      %get3A_680 = tpu.memref_slice %arg9[%scan3A_105, %get3A_679] : memref<32x1024xf32, #tpu.memory_space<vmem>> -> memref<1x1024xf32, #tpu.memory_space<vmem>>
      %get3A_681 = tpu.memref_squeeze %get3A_680 : memref<1x1024xf32, #tpu.memory_space<vmem>> -> memref<1024xf32, #tpu.memory_space<vmem>>
      %get3A_682 = arith.index_cast %mul3A_673 : i32 to index
      %get3A_683 = tpu.vector_load %get3A_681[%get3A_682] {strides = array<i32>} : memref<1024xf32, #tpu.memory_space<vmem>>, vector<16xf32>,
      %get3A_684 = vector.shape_cast %get3A_683 : vector<16xf32> to vector<16xf32>
      %add3A_685 = arith.addf %get3A_678, %get3A_684 : vector<16xf32>
      %swap3A = arith.constant 0 : i32
      %swap3A_686 = tpu.memref_slice %arg10[%scan3A_106, %swap3A] : memref<32x1024xf32, #tpu.memory_space<vmem>> -> memref<1x1024xf32, #tpu.memory_space<vmem>>
      %swap3A_687 = tpu.memref_squeeze %swap3A_686 : memref<1x1024xf32, #tpu.memory_space<vmem>> -> memref<1024xf32, #tpu.memory_space<vmem>>
      %swap3A_688 = arith.index_cast %mul3A_673 : i32 to index
      %swap3A_689 = tpu.vector_load %swap3A_687[%swap3A_688] {strides = array<i32>} : memref<1024xf32, #tpu.memory_space<vmem>>, vector<16xf32>,
      %swap3A_690 = vector.shape_cast %swap3A_689 : vector<16xf32> to vector<16xf32>
      %swap3A_691 = vector.shape_cast %add3A_685 : vector<16xf32> to vector<16xf32>
      tpu.vector_store %swap3A_687[%swap3A_688], %swap3A_691 {strides = array<i32>} : memref<1024xf32, #tpu.memory_space<vmem>>, vector<16xf32>,
      %scan3A_692 = arith.constant 0 : i32
      scf.yield %scan3A_692 : i32
    }
    %scan3A_113 = arith.constant 64 : i32
    %scan3A_114 = arith.constant 10 : i32
    %scan3A_115 = arith.constant 10 : i32
    %scan3A_116 = arith.constant 10 : i32
    %scan3A_117 = arith.constant 0 : i32
    %scan3A_118 = arith.constant 0 : i32
    %scan3A_119 = arith.constant 64 : i32
    %scan3A_120 = arith.addi %scan3A_118, %scan3A_119 : i32
    %scan3A_121 = arith.constant 1 : i32
    %scan3A_122 = scf.for %scan3A_670 = %scan3A_118 to %scan3A_120 step %scan3A_121 iter_args(%scan3A_671 = %scan3A_117) -> (i32)  : i32 {
      %mul3A_672 = arith.constant 16 : i32
      %mul3A_673 = arith.muli %scan3A_670, %mul3A_672 : i32
      %get3A = arith.constant 0 : i32
      %get3A_674 = tpu.memref_slice %arg8[%scan3A_114, %get3A] : memref<32x1024xf32, #tpu.memory_space<vmem>> -> memref<1x1024xf32, #tpu.memory_space<vmem>>
      %get3A_675 = tpu.memref_squeeze %get3A_674 : memref<1x1024xf32, #tpu.memory_space<vmem>> -> memref<1024xf32, #tpu.memory_space<vmem>>
      %get3A_676 = arith.index_cast %mul3A_673 : i32 to index
      %get3A_677 = tpu.vector_load %get3A_675[%get3A_676] {strides = array<i32>} : memref<1024xf32, #tpu.memory_space<vmem>>, vector<16xf32>,
      %get3A_678 = vector.shape_cast %get3A_677 : vector<16xf32> to vector<16xf32>
      %get3A_679 = arith.constant 0 : i32
      %get3A_680 = tpu.memref_slice %arg9[%scan3A_115, %get3A_679] : memref<32x1024xf32, #tpu.memory_space<vmem>> -> memref<1x1024xf32, #tpu.memory_space<vmem>>
      %get3A_681 = tpu.memref_squeeze %get3A_680 : memref<1x1024xf32, #tpu.memory_space<vmem>> -> memref<1024xf32, #tpu.memory_space<vmem>>
      %get3A_682 = arith.index_cast %mul3A_673 : i32 to index
      %get3A_683 = tpu.vector_load %get3A_681[%get3A_682] {strides = array<i32>} : memref<1024xf32, #tpu.memory_space<vmem>>, vector<16xf32>,
      %get3A_684 = vector.shape_cast %get3A_683 : vector<16xf32> to vector<16xf32>
      %add3A_685 = arith.addf %get3A_678, %get3A_684 : vector<16xf32>
      %swap3A = arith.constant 0 : i32
      %swap3A_686 = tpu.memref_slice %arg10[%scan3A_116, %swap3A] : memref<32x1024xf32, #tpu.memory_space<vmem>> -> memref<1x1024xf32, #tpu.memory_space<vmem>>
      %swap3A_687 = tpu.memref_squeeze %swap3A_686 : memref<1x1024xf32, #tpu.memory_space<vmem>> -> memref<1024xf32, #tpu.memory_space<vmem>>
      %swap3A_688 = arith.index_cast %mul3A_673 : i32 to index
      %swap3A_689 = tpu.vector_load %swap3A_687[%swap3A_688] {strides = array<i32>} : memref<1024xf32, #tpu.memory_space<vmem>>, vector<16xf32>,
      %swap3A_690 = vector.shape_cast %swap3A_689 : vector<16xf32> to vector<16xf32>
      %swap3A_691 = vector.shape_cast %add3A_685 : vector<16xf32> to vector<16xf32>
      tpu.vector_store %swap3A_687[%swap3A_688], %swap3A_691 {strides = array<i32>} : memref<1024xf32, #tpu.memory_space<vmem>>, vector<16xf32>,
      %scan3A_692 = arith.constant 0 : i32
      scf.yield %scan3A_692 : i32
    }
    %scan3A_123 = arith.constant 64 : i32
    %scan3A_124 = arith.constant 11 : i32
    %scan3A_125 = arith.constant 11 : i32
    %scan3A_126 = arith.constant 11 : i32
    %scan3A_127 = arith.constant 0 : i32
    %scan3A_128 = arith.constant 0 : i32
    %scan3A_129 = arith.constant 64 : i32
    %scan3A_130 = arith.addi %scan3A_128, %scan3A_129 : i32
    %scan3A_131 = arith.constant 1 : i32
    %scan3A_132 = scf.for %scan3A_670 = %scan3A_128 to %scan3A_130 step %scan3A_131 iter_args(%scan3A_671 = %scan3A_127) -> (i32)  : i32 {
      %mul3A_672 = arith.constant 16 : i32
      %mul3A_673 = arith.muli %scan3A_670, %mul3A_672 : i32
      %get3A = arith.constant 0 : i32
      %get3A_674 = tpu.memref_slice %arg8[%scan3A_124, %get3A] : memref<32x1024xf32, #tpu.memory_space<vmem>> -> memref<1x1024xf32, #tpu.memory_space<vmem>>
      %get3A_675 = tpu.memref_squeeze %get3A_674 : memref<1x1024xf32, #tpu.memory_space<vmem>> -> memref<1024xf32, #tpu.memory_space<vmem>>
      %get3A_676 = arith.index_cast %mul3A_673 : i32 to index
      %get3A_677 = tpu.vector_load %get3A_675[%get3A_676] {strides = array<i32>} : memref<1024xf32, #tpu.memory_space<vmem>>, vector<16xf32>,
      %get3A_678 = vector.shape_cast %get3A_677 : vector<16xf32> to vector<16xf32>
      %get3A_679 = arith.constant 0 : i32
      %get3A_680 = tpu.memref_slice %arg9[%scan3A_125, %get3A_679] : memref<32x1024xf32, #tpu.memory_space<vmem>> -> memref<1x1024xf32, #tpu.memory_space<vmem>>
      %get3A_681 = tpu.memref_squeeze %get3A_680 : memref<1x1024xf32, #tpu.memory_space<vmem>> -> memref<1024xf32, #tpu.memory_space<vmem>>
      %get3A_682 = arith.index_cast %mul3A_673 : i32 to index
      %get3A_683 = tpu.vector_load %get3A_681[%get3A_682] {strides = array<i32>} : memref<1024xf32, #tpu.memory_space<vmem>>, vector<16xf32>,
      %get3A_684 = vector.shape_cast %get3A_683 : vector<16xf32> to vector<16xf32>
      %add3A_685 = arith.addf %get3A_678, %get3A_684 : vector<16xf32>
      %swap3A = arith.constant 0 : i32
      %swap3A_686 = tpu.memref_slice %arg10[%scan3A_126, %swap3A] : memref<32x1024xf32, #tpu.memory_space<vmem>> -> memref<1x1024xf32, #tpu.memory_space<vmem>>
      %swap3A_687 = tpu.memref_squeeze %swap3A_686 : memref<1x1024xf32, #tpu.memory_space<vmem>> -> memref<1024xf32, #tpu.memory_space<vmem>>
      %swap3A_688 = arith.index_cast %mul3A_673 : i32 to index
      %swap3A_689 = tpu.vector_load %swap3A_687[%swap3A_688] {strides = array<i32>} : memref<1024xf32, #tpu.memory_space<vmem>>, vector<16xf32>,
      %swap3A_690 = vector.shape_cast %swap3A_689 : vector<16xf32> to vector<16xf32>
      %swap3A_691 = vector.shape_cast %add3A_685 : vector<16xf32> to vector<16xf32>
      tpu.vector_store %swap3A_687[%swap3A_688], %swap3A_691 {strides = array<i32>} : memref<1024xf32, #tpu.memory_space<vmem>>, vector<16xf32>,
      %scan3A_692 = arith.constant 0 : i32
      scf.yield %scan3A_692 : i32
    }
    %scan3A_133 = arith.constant 64 : i32
    %scan3A_134 = arith.constant 12 : i32
    %scan3A_135 = arith.constant 12 : i32
    %scan3A_136 = arith.constant 12 : i32
    %scan3A_137 = arith.constant 0 : i32
    %scan3A_138 = arith.constant 0 : i32
    %scan3A_139 = arith.constant 64 : i32
    %scan3A_140 = arith.addi %scan3A_138, %scan3A_139 : i32
    %scan3A_141 = arith.constant 1 : i32
    %scan3A_142 = scf.for %scan3A_670 = %scan3A_138 to %scan3A_140 step %scan3A_141 iter_args(%scan3A_671 = %scan3A_137) -> (i32)  : i32 {
      %mul3A_672 = arith.constant 16 : i32
      %mul3A_673 = arith.muli %scan3A_670, %mul3A_672 : i32
      %get3A = arith.constant 0 : i32
      %get3A_674 = tpu.memref_slice %arg8[%scan3A_134, %get3A] : memref<32x1024xf32, #tpu.memory_space<vmem>> -> memref<1x1024xf32, #tpu.memory_space<vmem>>
      %get3A_675 = tpu.memref_squeeze %get3A_674 : memref<1x1024xf32, #tpu.memory_space<vmem>> -> memref<1024xf32, #tpu.memory_space<vmem>>
      %get3A_676 = arith.index_cast %mul3A_673 : i32 to index
      %get3A_677 = tpu.vector_load %get3A_675[%get3A_676] {strides = array<i32>} : memref<1024xf32, #tpu.memory_space<vmem>>, vector<16xf32>,
      %get3A_678 = vector.shape_cast %get3A_677 : vector<16xf32> to vector<16xf32>
      %get3A_679 = arith.constant 0 : i32
      %get3A_680 = tpu.memref_slice %arg9[%scan3A_135, %get3A_679] : memref<32x1024xf32, #tpu.memory_space<vmem>> -> memref<1x1024xf32, #tpu.memory_space<vmem>>
      %get3A_681 = tpu.memref_squeeze %get3A_680 : memref<1x1024xf32, #tpu.memory_space<vmem>> -> memref<1024xf32, #tpu.memory_space<vmem>>
      %get3A_682 = arith.index_cast %mul3A_673 : i32 to index
      %get3A_683 = tpu.vector_load %get3A_681[%get3A_682] {strides = array<i32>} : memref<1024xf32, #tpu.memory_space<vmem>>, vector<16xf32>,
      %get3A_684 = vector.shape_cast %get3A_683 : vector<16xf32> to vector<16xf32>
      %add3A_685 = arith.addf %get3A_678, %get3A_684 : vector<16xf32>
      %swap3A = arith.constant 0 : i32
      %swap3A_686 = tpu.memref_slice %arg10[%scan3A_136, %swap3A] : memref<32x1024xf32, #tpu.memory_space<vmem>> -> memref<1x1024xf32, #tpu.memory_space<vmem>>
      %swap3A_687 = tpu.memref_squeeze %swap3A_686 : memref<1x1024xf32, #tpu.memory_space<vmem>> -> memref<1024xf32, #tpu.memory_space<vmem>>
      %swap3A_688 = arith.index_cast %mul3A_673 : i32 to index
      %swap3A_689 = tpu.vector_load %swap3A_687[%swap3A_688] {strides = array<i32>} : memref<1024xf32, #tpu.memory_space<vmem>>, vector<16xf32>,
      %swap3A_690 = vector.shape_cast %swap3A_689 : vector<16xf32> to vector<16xf32>
      %swap3A_691 = vector.shape_cast %add3A_685 : vector<16xf32> to vector<16xf32>
      tpu.vector_store %swap3A_687[%swap3A_688], %swap3A_691 {strides = array<i32>} : memref<1024xf32, #tpu.memory_space<vmem>>, vector<16xf32>,
      %scan3A_692 = arith.constant 0 : i32
      scf.yield %scan3A_692 : i32
    }
    %scan3A_143 = arith.constant 64 : i32
    %scan3A_144 = arith.constant 13 : i32
    %scan3A_145 = arith.constant 13 : i32
    %scan3A_146 = arith.constant 13 : i32
    %scan3A_147 = arith.constant 0 : i32
    %scan3A_148 = arith.constant 0 : i32
    %scan3A_149 = arith.constant 64 : i32
    %scan3A_150 = arith.addi %scan3A_148, %scan3A_149 : i32
    %scan3A_151 = arith.constant 1 : i32
    %scan3A_152 = scf.for %scan3A_670 = %scan3A_148 to %scan3A_150 step %scan3A_151 iter_args(%scan3A_671 = %scan3A_147) -> (i32)  : i32 {
      %mul3A_672 = arith.constant 16 : i32
      %mul3A_673 = arith.muli %scan3A_670, %mul3A_672 : i32
      %get3A = arith.constant 0 : i32
      %get3A_674 = tpu.memref_slice %arg8[%scan3A_144, %get3A] : memref<32x1024xf32, #tpu.memory_space<vmem>> -> memref<1x1024xf32, #tpu.memory_space<vmem>>
      %get3A_675 = tpu.memref_squeeze %get3A_674 : memref<1x1024xf32, #tpu.memory_space<vmem>> -> memref<1024xf32, #tpu.memory_space<vmem>>
      %get3A_676 = arith.index_cast %mul3A_673 : i32 to index
      %get3A_677 = tpu.vector_load %get3A_675[%get3A_676] {strides = array<i32>} : memref<1024xf32, #tpu.memory_space<vmem>>, vector<16xf32>,
      %get3A_678 = vector.shape_cast %get3A_677 : vector<16xf32> to vector<16xf32>
      %get3A_679 = arith.constant 0 : i32
      %get3A_680 = tpu.memref_slice %arg9[%scan3A_145, %get3A_679] : memref<32x1024xf32, #tpu.memory_space<vmem>> -> memref<1x1024xf32, #tpu.memory_space<vmem>>
      %get3A_681 = tpu.memref_squeeze %get3A_680 : memref<1x1024xf32, #tpu.memory_space<vmem>> -> memref<1024xf32, #tpu.memory_space<vmem>>
      %get3A_682 = arith.index_cast %mul3A_673 : i32 to index
      %get3A_683 = tpu.vector_load %get3A_681[%get3A_682] {strides = array<i32>} : memref<1024xf32, #tpu.memory_space<vmem>>, vector<16xf32>,
      %get3A_684 = vector.shape_cast %get3A_683 : vector<16xf32> to vector<16xf32>
      %add3A_685 = arith.addf %get3A_678, %get3A_684 : vector<16xf32>
      %swap3A = arith.constant 0 : i32
      %swap3A_686 = tpu.memref_slice %arg10[%scan3A_146, %swap3A] : memref<32x1024xf32, #tpu.memory_space<vmem>> -> memref<1x1024xf32, #tpu.memory_space<vmem>>
      %swap3A_687 = tpu.memref_squeeze %swap3A_686 : memref<1x1024xf32, #tpu.memory_space<vmem>> -> memref<1024xf32, #tpu.memory_space<vmem>>
      %swap3A_688 = arith.index_cast %mul3A_673 : i32 to index
      %swap3A_689 = tpu.vector_load %swap3A_687[%swap3A_688] {strides = array<i32>} : memref<1024xf32, #tpu.memory_space<vmem>>, vector<16xf32>,
      %swap3A_690 = vector.shape_cast %swap3A_689 : vector<16xf32> to vector<16xf32>
      %swap3A_691 = vector.shape_cast %add3A_685 : vector<16xf32> to vector<16xf32>
      tpu.vector_store %swap3A_687[%swap3A_688], %swap3A_691 {strides = array<i32>} : memref<1024xf32, #tpu.memory_space<vmem>>, vector<16xf32>,
      %scan3A_692 = arith.constant 0 : i32
      scf.yield %scan3A_692 : i32
    }
    %scan3A_153 = arith.constant 64 : i32
    %scan3A_154 = arith.constant 14 : i32
    %scan3A_155 = arith.constant 14 : i32
    %scan3A_156 = arith.constant 14 : i32
    %scan3A_157 = arith.constant 0 : i32
    %scan3A_158 = arith.constant 0 : i32
    %scan3A_159 = arith.constant 64 : i32
    %scan3A_160 = arith.addi %scan3A_158, %scan3A_159 : i32
    %scan3A_161 = arith.constant 1 : i32
    %scan3A_162 = scf.for %scan3A_670 = %scan3A_158 to %scan3A_160 step %scan3A_161 iter_args(%scan3A_671 = %scan3A_157) -> (i32)  : i32 {
      %mul3A_672 = arith.constant 16 : i32
      %mul3A_673 = arith.muli %scan3A_670, %mul3A_672 : i32
      %get3A = arith.constant 0 : i32
      %get3A_674 = tpu.memref_slice %arg8[%scan3A_154, %get3A] : memref<32x1024xf32, #tpu.memory_space<vmem>> -> memref<1x1024xf32, #tpu.memory_space<vmem>>
      %get3A_675 = tpu.memref_squeeze %get3A_674 : memref<1x1024xf32, #tpu.memory_space<vmem>> -> memref<1024xf32, #tpu.memory_space<vmem>>
      %get3A_676 = arith.index_cast %mul3A_673 : i32 to index
      %get3A_677 = tpu.vector_load %get3A_675[%get3A_676] {strides = array<i32>} : memref<1024xf32, #tpu.memory_space<vmem>>, vector<16xf32>,
      %get3A_678 = vector.shape_cast %get3A_677 : vector<16xf32> to vector<16xf32>
      %get3A_679 = arith.constant 0 : i32
      %get3A_680 = tpu.memref_slice %arg9[%scan3A_155, %get3A_679] : memref<32x1024xf32, #tpu.memory_space<vmem>> -> memref<1x1024xf32, #tpu.memory_space<vmem>>
      %get3A_681 = tpu.memref_squeeze %get3A_680 : memref<1x1024xf32, #tpu.memory_space<vmem>> -> memref<1024xf32, #tpu.memory_space<vmem>>
      %get3A_682 = arith.index_cast %mul3A_673 : i32 to index
      %get3A_683 = tpu.vector_load %get3A_681[%get3A_682] {strides = array<i32>} : memref<1024xf32, #tpu.memory_space<vmem>>, vector<16xf32>,
      %get3A_684 = vector.shape_cast %get3A_683 : vector<16xf32> to vector<16xf32>
      %add3A_685 = arith.addf %get3A_678, %get3A_684 : vector<16xf32>
      %swap3A = arith.constant 0 : i32
      %swap3A_686 = tpu.memref_slice %arg10[%scan3A_156, %swap3A] : memref<32x1024xf32, #tpu.memory_space<vmem>> -> memref<1x1024xf32, #tpu.memory_space<vmem>>
      %swap3A_687 = tpu.memref_squeeze %swap3A_686 : memref<1x1024xf32, #tpu.memory_space<vmem>> -> memref<1024xf32, #tpu.memory_space<vmem>>
      %swap3A_688 = arith.index_cast %mul3A_673 : i32 to index
      %swap3A_689 = tpu.vector_load %swap3A_687[%swap3A_688] {strides = array<i32>} : memref<1024xf32, #tpu.memory_space<vmem>>, vector<16xf32>,
      %swap3A_690 = vector.shape_cast %swap3A_689 : vector<16xf32> to vector<16xf32>
      %swap3A_691 = vector.shape_cast %add3A_685 : vector<16xf32> to vector<16xf32>
      tpu.vector_store %swap3A_687[%swap3A_688], %swap3A_691 {strides = array<i32>} : memref<1024xf32, #tpu.memory_space<vmem>>, vector<16xf32>,
      %scan3A_692 = arith.constant 0 : i32
      scf.yield %scan3A_692 : i32
    }
    %scan3A_163 = arith.constant 64 : i32
    %scan3A_164 = arith.constant 15 : i32
    %scan3A_165 = arith.constant 15 : i32
    %scan3A_166 = arith.constant 15 : i32
    %scan3A_167 = arith.constant 0 : i32
    %scan3A_168 = arith.constant 0 : i32
    %scan3A_169 = arith.constant 64 : i32
    %scan3A_170 = arith.addi %scan3A_168, %scan3A_169 : i32
    %scan3A_171 = arith.constant 1 : i32
    %scan3A_172 = scf.for %scan3A_670 = %scan3A_168 to %scan3A_170 step %scan3A_171 iter_args(%scan3A_671 = %scan3A_167) -> (i32)  : i32 {
      %mul3A_672 = arith.constant 16 : i32
      %mul3A_673 = arith.muli %scan3A_670, %mul3A_672 : i32
      %get3A = arith.constant 0 : i32
      %get3A_674 = tpu.memref_slice %arg8[%scan3A_164, %get3A] : memref<32x1024xf32, #tpu.memory_space<vmem>> -> memref<1x1024xf32, #tpu.memory_space<vmem>>
      %get3A_675 = tpu.memref_squeeze %get3A_674 : memref<1x1024xf32, #tpu.memory_space<vmem>> -> memref<1024xf32, #tpu.memory_space<vmem>>
      %get3A_676 = arith.index_cast %mul3A_673 : i32 to index
      %get3A_677 = tpu.vector_load %get3A_675[%get3A_676] {strides = array<i32>} : memref<1024xf32, #tpu.memory_space<vmem>>, vector<16xf32>,
      %get3A_678 = vector.shape_cast %get3A_677 : vector<16xf32> to vector<16xf32>
      %get3A_679 = arith.constant 0 : i32
      %get3A_680 = tpu.memref_slice %arg9[%scan3A_165, %get3A_679] : memref<32x1024xf32, #tpu.memory_space<vmem>> -> memref<1x1024xf32, #tpu.memory_space<vmem>>
      %get3A_681 = tpu.memref_squeeze %get3A_680 : memref<1x1024xf32, #tpu.memory_space<vmem>> -> memref<1024xf32, #tpu.memory_space<vmem>>
      %get3A_682 = arith.index_cast %mul3A_673 : i32 to index
      %get3A_683 = tpu.vector_load %get3A_681[%get3A_682] {strides = array<i32>} : memref<1024xf32, #tpu.memory_space<vmem>>, vector<16xf32>,
      %get3A_684 = vector.shape_cast %get3A_683 : vector<16xf32> to vector<16xf32>
      %add3A_685 = arith.addf %get3A_678, %get3A_684 : vector<16xf32>
      %swap3A = arith.constant 0 : i32
      %swap3A_686 = tpu.memref_slice %arg10[%scan3A_166, %swap3A] : memref<32x1024xf32, #tpu.memory_space<vmem>> -> memref<1x1024xf32, #tpu.memory_space<vmem>>
      %swap3A_687 = tpu.memref_squeeze %swap3A_686 : memref<1x1024xf32, #tpu.memory_space<vmem>> -> memref<1024xf32, #tpu.memory_space<vmem>>
      %swap3A_688 = arith.index_cast %mul3A_673 : i32 to index
      %swap3A_689 = tpu.vector_load %swap3A_687[%swap3A_688] {strides = array<i32>} : memref<1024xf32, #tpu.memory_space<vmem>>, vector<16xf32>,
      %swap3A_690 = vector.shape_cast %swap3A_689 : vector<16xf32> to vector<16xf32>
      %swap3A_691 = vector.shape_cast %add3A_685 : vector<16xf32> to vector<16xf32>
      tpu.vector_store %swap3A_687[%swap3A_688], %swap3A_691 {strides = array<i32>} : memref<1024xf32, #tpu.memory_space<vmem>>, vector<16xf32>,
      %scan3A_692 = arith.constant 0 : i32
      scf.yield %scan3A_692 : i32
    }
    %scan3A_173 = arith.constant 64 : i32
    %scan3A_174 = arith.constant 16 : i32
    %scan3A_175 = arith.constant 16 : i32
    %scan3A_176 = arith.constant 16 : i32
    %scan3A_177 = arith.constant 0 : i32
    %scan3A_178 = arith.constant 0 : i32
    %scan3A_179 = arith.constant 64 : i32
    %scan3A_180 = arith.addi %scan3A_178, %scan3A_179 : i32
    %scan3A_181 = arith.constant 1 : i32
    %scan3A_182 = scf.for %scan3A_670 = %scan3A_178 to %scan3A_180 step %scan3A_181 iter_args(%scan3A_671 = %scan3A_177) -> (i32)  : i32 {
      %mul3A_672 = arith.constant 16 : i32
      %mul3A_673 = arith.muli %scan3A_670, %mul3A_672 : i32
      %get3A = arith.constant 0 : i32
      %get3A_674 = tpu.memref_slice %arg8[%scan3A_174, %get3A] : memref<32x1024xf32, #tpu.memory_space<vmem>> -> memref<1x1024xf32, #tpu.memory_space<vmem>>
      %get3A_675 = tpu.memref_squeeze %get3A_674 : memref<1x1024xf32, #tpu.memory_space<vmem>> -> memref<1024xf32, #tpu.memory_space<vmem>>
      %get3A_676 = arith.index_cast %mul3A_673 : i32 to index
      %get3A_677 = tpu.vector_load %get3A_675[%get3A_676] {strides = array<i32>} : memref<1024xf32, #tpu.memory_space<vmem>>, vector<16xf32>,
      %get3A_678 = vector.shape_cast %get3A_677 : vector<16xf32> to vector<16xf32>
      %get3A_679 = arith.constant 0 : i32
      %get3A_680 = tpu.memref_slice %arg9[%scan3A_175, %get3A_679] : memref<32x1024xf32, #tpu.memory_space<vmem>> -> memref<1x1024xf32, #tpu.memory_space<vmem>>
      %get3A_681 = tpu.memref_squeeze %get3A_680 : memref<1x1024xf32, #tpu.memory_space<vmem>> -> memref<1024xf32, #tpu.memory_space<vmem>>
      %get3A_682 = arith.index_cast %mul3A_673 : i32 to index
      %get3A_683 = tpu.vector_load %get3A_681[%get3A_682] {strides = array<i32>} : memref<1024xf32, #tpu.memory_space<vmem>>, vector<16xf32>,
      %get3A_684 = vector.shape_cast %get3A_683 : vector<16xf32> to vector<16xf32>
      %add3A_685 = arith.addf %get3A_678, %get3A_684 : vector<16xf32>
      %swap3A = arith.constant 0 : i32
      %swap3A_686 = tpu.memref_slice %arg10[%scan3A_176, %swap3A] : memref<32x1024xf32, #tpu.memory_space<vmem>> -> memref<1x1024xf32, #tpu.memory_space<vmem>>
      %swap3A_687 = tpu.memref_squeeze %swap3A_686 : memref<1x1024xf32, #tpu.memory_space<vmem>> -> memref<1024xf32, #tpu.memory_space<vmem>>
      %swap3A_688 = arith.index_cast %mul3A_673 : i32 to index
      %swap3A_689 = tpu.vector_load %swap3A_687[%swap3A_688] {strides = array<i32>} : memref<1024xf32, #tpu.memory_space<vmem>>, vector<16xf32>,
      %swap3A_690 = vector.shape_cast %swap3A_689 : vector<16xf32> to vector<16xf32>
      %swap3A_691 = vector.shape_cast %add3A_685 : vector<16xf32> to vector<16xf32>
      tpu.vector_store %swap3A_687[%swap3A_688], %swap3A_691 {strides = array<i32>} : memref<1024xf32, #tpu.memory_space<vmem>>, vector<16xf32>,
      %scan3A_692 = arith.constant 0 : i32
      scf.yield %scan3A_692 : i32
    }
    %scan3A_183 = arith.constant 64 : i32
    %scan3A_184 = arith.constant 17 : i32
    %scan3A_185 = arith.constant 17 : i32
    %scan3A_186 = arith.constant 17 : i32
    %scan3A_187 = arith.constant 0 : i32
    %scan3A_188 = arith.constant 0 : i32
    %scan3A_189 = arith.constant 64 : i32
    %scan3A_190 = arith.addi %scan3A_188, %scan3A_189 : i32
    %scan3A_191 = arith.constant 1 : i32
    %scan3A_192 = scf.for %scan3A_670 = %scan3A_188 to %scan3A_190 step %scan3A_191 iter_args(%scan3A_671 = %scan3A_187) -> (i32)  : i32 {
      %mul3A_672 = arith.constant 16 : i32
      %mul3A_673 = arith.muli %scan3A_670, %mul3A_672 : i32
      %get3A = arith.constant 0 : i32
      %get3A_674 = tpu.memref_slice %arg8[%scan3A_184, %get3A] : memref<32x1024xf32, #tpu.memory_space<vmem>> -> memref<1x1024xf32, #tpu.memory_space<vmem>>
      %get3A_675 = tpu.memref_squeeze %get3A_674 : memref<1x1024xf32, #tpu.memory_space<vmem>> -> memref<1024xf32, #tpu.memory_space<vmem>>
      %get3A_676 = arith.index_cast %mul3A_673 : i32 to index
      %get3A_677 = tpu.vector_load %get3A_675[%get3A_676] {strides = array<i32>} : memref<1024xf32, #tpu.memory_space<vmem>>, vector<16xf32>,
      %get3A_678 = vector.shape_cast %get3A_677 : vector<16xf32> to vector<16xf32>
      %get3A_679 = arith.constant 0 : i32
      %get3A_680 = tpu.memref_slice %arg9[%scan3A_185, %get3A_679] : memref<32x1024xf32, #tpu.memory_space<vmem>> -> memref<1x1024xf32, #tpu.memory_space<vmem>>
      %get3A_681 = tpu.memref_squeeze %get3A_680 : memref<1x1024xf32, #tpu.memory_space<vmem>> -> memref<1024xf32, #tpu.memory_space<vmem>>
      %get3A_682 = arith.index_cast %mul3A_673 : i32 to index
      %get3A_683 = tpu.vector_load %get3A_681[%get3A_682] {strides = array<i32>} : memref<1024xf32, #tpu.memory_space<vmem>>, vector<16xf32>,
      %get3A_684 = vector.shape_cast %get3A_683 : vector<16xf32> to vector<16xf32>
      %add3A_685 = arith.addf %get3A_678, %get3A_684 : vector<16xf32>
      %swap3A = arith.constant 0 : i32
      %swap3A_686 = tpu.memref_slice %arg10[%scan3A_186, %swap3A] : memref<32x1024xf32, #tpu.memory_space<vmem>> -> memref<1x1024xf32, #tpu.memory_space<vmem>>
      %swap3A_687 = tpu.memref_squeeze %swap3A_686 : memref<1x1024xf32, #tpu.memory_space<vmem>> -> memref<1024xf32, #tpu.memory_space<vmem>>
      %swap3A_688 = arith.index_cast %mul3A_673 : i32 to index
      %swap3A_689 = tpu.vector_load %swap3A_687[%swap3A_688] {strides = array<i32>} : memref<1024xf32, #tpu.memory_space<vmem>>, vector<16xf32>,
      %swap3A_690 = vector.shape_cast %swap3A_689 : vector<16xf32> to vector<16xf32>
      %swap3A_691 = vector.shape_cast %add3A_685 : vector<16xf32> to vector<16xf32>
      tpu.vector_store %swap3A_687[%swap3A_688], %swap3A_691 {strides = array<i32>} : memref<1024xf32, #tpu.memory_space<vmem>>, vector<16xf32>,
      %scan3A_692 = arith.constant 0 : i32
      scf.yield %scan3A_692 : i32
    }
    %scan3A_193 = arith.constant 64 : i32
    %scan3A_194 = arith.constant 18 : i32
    %scan3A_195 = arith.constant 18 : i32
    %scan3A_196 = arith.constant 18 : i32
    %scan3A_197 = arith.constant 0 : i32
    %scan3A_198 = arith.constant 0 : i32
    %scan3A_199 = arith.constant 64 : i32
    %scan3A_200 = arith.addi %scan3A_198, %scan3A_199 : i32
    %scan3A_201 = arith.constant 1 : i32
    %scan3A_202 = scf.for %scan3A_670 = %scan3A_198 to %scan3A_200 step %scan3A_201 iter_args(%scan3A_671 = %scan3A_197) -> (i32)  : i32 {
      %mul3A_672 = arith.constant 16 : i32
      %mul3A_673 = arith.muli %scan3A_670, %mul3A_672 : i32
      %get3A = arith.constant 0 : i32
      %get3A_674 = tpu.memref_slice %arg8[%scan3A_194, %get3A] : memref<32x1024xf32, #tpu.memory_space<vmem>> -> memref<1x1024xf32, #tpu.memory_space<vmem>>
      %get3A_675 = tpu.memref_squeeze %get3A_674 : memref<1x1024xf32, #tpu.memory_space<vmem>> -> memref<1024xf32, #tpu.memory_space<vmem>>
      %get3A_676 = arith.index_cast %mul3A_673 : i32 to index
      %get3A_677 = tpu.vector_load %get3A_675[%get3A_676] {strides = array<i32>} : memref<1024xf32, #tpu.memory_space<vmem>>, vector<16xf32>,
      %get3A_678 = vector.shape_cast %get3A_677 : vector<16xf32> to vector<16xf32>
      %get3A_679 = arith.constant 0 : i32
      %get3A_680 = tpu.memref_slice %arg9[%scan3A_195, %get3A_679] : memref<32x1024xf32, #tpu.memory_space<vmem>> -> memref<1x1024xf32, #tpu.memory_space<vmem>>
      %get3A_681 = tpu.memref_squeeze %get3A_680 : memref<1x1024xf32, #tpu.memory_space<vmem>> -> memref<1024xf32, #tpu.memory_space<vmem>>
      %get3A_682 = arith.index_cast %mul3A_673 : i32 to index
      %get3A_683 = tpu.vector_load %get3A_681[%get3A_682] {strides = array<i32>} : memref<1024xf32, #tpu.memory_space<vmem>>, vector<16xf32>,
      %get3A_684 = vector.shape_cast %get3A_683 : vector<16xf32> to vector<16xf32>
      %add3A_685 = arith.addf %get3A_678, %get3A_684 : vector<16xf32>
      %swap3A = arith.constant 0 : i32
      %swap3A_686 = tpu.memref_slice %arg10[%scan3A_196, %swap3A] : memref<32x1024xf32, #tpu.memory_space<vmem>> -> memref<1x1024xf32, #tpu.memory_space<vmem>>
      %swap3A_687 = tpu.memref_squeeze %swap3A_686 : memref<1x1024xf32, #tpu.memory_space<vmem>> -> memref<1024xf32, #tpu.memory_space<vmem>>
      %swap3A_688 = arith.index_cast %mul3A_673 : i32 to index
      %swap3A_689 = tpu.vector_load %swap3A_687[%swap3A_688] {strides = array<i32>} : memref<1024xf32, #tpu.memory_space<vmem>>, vector<16xf32>,
      %swap3A_690 = vector.shape_cast %swap3A_689 : vector<16xf32> to vector<16xf32>
      %swap3A_691 = vector.shape_cast %add3A_685 : vector<16xf32> to vector<16xf32>
      tpu.vector_store %swap3A_687[%swap3A_688], %swap3A_691 {strides = array<i32>} : memref<1024xf32, #tpu.memory_space<vmem>>, vector<16xf32>,
      %scan3A_692 = arith.constant 0 : i32
      scf.yield %scan3A_692 : i32
    }
    %scan3A_203 = arith.constant 64 : i32
    %scan3A_204 = arith.constant 19 : i32
    %scan3A_205 = arith.constant 19 : i32
    %scan3A_206 = arith.constant 19 : i32
    %scan3A_207 = arith.constant 0 : i32
    %scan3A_208 = arith.constant 0 : i32
    %scan3A_209 = arith.constant 64 : i32
    %scan3A_210 = arith.addi %scan3A_208, %scan3A_209 : i32
    %scan3A_211 = arith.constant 1 : i32
    %scan3A_212 = scf.for %scan3A_670 = %scan3A_208 to %scan3A_210 step %scan3A_211 iter_args(%scan3A_671 = %scan3A_207) -> (i32)  : i32 {
      %mul3A_672 = arith.constant 16 : i32
      %mul3A_673 = arith.muli %scan3A_670, %mul3A_672 : i32
      %get3A = arith.constant 0 : i32
      %get3A_674 = tpu.memref_slice %arg8[%scan3A_204, %get3A] : memref<32x1024xf32, #tpu.memory_space<vmem>> -> memref<1x1024xf32, #tpu.memory_space<vmem>>
      %get3A_675 = tpu.memref_squeeze %get3A_674 : memref<1x1024xf32, #tpu.memory_space<vmem>> -> memref<1024xf32, #tpu.memory_space<vmem>>
      %get3A_676 = arith.index_cast %mul3A_673 : i32 to index
      %get3A_677 = tpu.vector_load %get3A_675[%get3A_676] {strides = array<i32>} : memref<1024xf32, #tpu.memory_space<vmem>>, vector<16xf32>,
      %get3A_678 = vector.shape_cast %get3A_677 : vector<16xf32> to vector<16xf32>
      %get3A_679 = arith.constant 0 : i32
      %get3A_680 = tpu.memref_slice %arg9[%scan3A_205, %get3A_679] : memref<32x1024xf32, #tpu.memory_space<vmem>> -> memref<1x1024xf32, #tpu.memory_space<vmem>>
      %get3A_681 = tpu.memref_squeeze %get3A_680 : memref<1x1024xf32, #tpu.memory_space<vmem>> -> memref<1024xf32, #tpu.memory_space<vmem>>
      %get3A_682 = arith.index_cast %mul3A_673 : i32 to index
      %get3A_683 = tpu.vector_load %get3A_681[%get3A_682] {strides = array<i32>} : memref<1024xf32, #tpu.memory_space<vmem>>, vector<16xf32>,
      %get3A_684 = vector.shape_cast %get3A_683 : vector<16xf32> to vector<16xf32>
      %add3A_685 = arith.addf %get3A_678, %get3A_684 : vector<16xf32>
      %swap3A = arith.constant 0 : i32
      %swap3A_686 = tpu.memref_slice %arg10[%scan3A_206, %swap3A] : memref<32x1024xf32, #tpu.memory_space<vmem>> -> memref<1x1024xf32, #tpu.memory_space<vmem>>
      %swap3A_687 = tpu.memref_squeeze %swap3A_686 : memref<1x1024xf32, #tpu.memory_space<vmem>> -> memref<1024xf32, #tpu.memory_space<vmem>>
      %swap3A_688 = arith.index_cast %mul3A_673 : i32 to index
      %swap3A_689 = tpu.vector_load %swap3A_687[%swap3A_688] {strides = array<i32>} : memref<1024xf32, #tpu.memory_space<vmem>>, vector<16xf32>,
      %swap3A_690 = vector.shape_cast %swap3A_689 : vector<16xf32> to vector<16xf32>
      %swap3A_691 = vector.shape_cast %add3A_685 : vector<16xf32> to vector<16xf32>
      tpu.vector_store %swap3A_687[%swap3A_688], %swap3A_691 {strides = array<i32>} : memref<1024xf32, #tpu.memory_space<vmem>>, vector<16xf32>,
      %scan3A_692 = arith.constant 0 : i32
      scf.yield %scan3A_692 : i32
    }
    %scan3A_213 = arith.constant 64 : i32
    %scan3A_214 = arith.constant 20 : i32
    %scan3A_215 = arith.constant 20 : i32
    %scan3A_216 = arith.constant 20 : i32
    %scan3A_217 = arith.constant 0 : i32
    %scan3A_218 = arith.constant 0 : i32
    %scan3A_219 = arith.constant 64 : i32
    %scan3A_220 = arith.addi %scan3A_218, %scan3A_219 : i32
    %scan3A_221 = arith.constant 1 : i32
    %scan3A_222 = scf.for %scan3A_670 = %scan3A_218 to %scan3A_220 step %scan3A_221 iter_args(%scan3A_671 = %scan3A_217) -> (i32)  : i32 {
      %mul3A_672 = arith.constant 16 : i32
      %mul3A_673 = arith.muli %scan3A_670, %mul3A_672 : i32
      %get3A = arith.constant 0 : i32
      %get3A_674 = tpu.memref_slice %arg8[%scan3A_214, %get3A] : memref<32x1024xf32, #tpu.memory_space<vmem>> -> memref<1x1024xf32, #tpu.memory_space<vmem>>
      %get3A_675 = tpu.memref_squeeze %get3A_674 : memref<1x1024xf32, #tpu.memory_space<vmem>> -> memref<1024xf32, #tpu.memory_space<vmem>>
      %get3A_676 = arith.index_cast %mul3A_673 : i32 to index
      %get3A_677 = tpu.vector_load %get3A_675[%get3A_676] {strides = array<i32>} : memref<1024xf32, #tpu.memory_space<vmem>>, vector<16xf32>,
      %get3A_678 = vector.shape_cast %get3A_677 : vector<16xf32> to vector<16xf32>
      %get3A_679 = arith.constant 0 : i32
      %get3A_680 = tpu.memref_slice %arg9[%scan3A_215, %get3A_679] : memref<32x1024xf32, #tpu.memory_space<vmem>> -> memref<1x1024xf32, #tpu.memory_space<vmem>>
      %get3A_681 = tpu.memref_squeeze %get3A_680 : memref<1x1024xf32, #tpu.memory_space<vmem>> -> memref<1024xf32, #tpu.memory_space<vmem>>
      %get3A_682 = arith.index_cast %mul3A_673 : i32 to index
      %get3A_683 = tpu.vector_load %get3A_681[%get3A_682] {strides = array<i32>} : memref<1024xf32, #tpu.memory_space<vmem>>, vector<16xf32>,
      %get3A_684 = vector.shape_cast %get3A_683 : vector<16xf32> to vector<16xf32>
      %add3A_685 = arith.addf %get3A_678, %get3A_684 : vector<16xf32>
      %swap3A = arith.constant 0 : i32
      %swap3A_686 = tpu.memref_slice %arg10[%scan3A_216, %swap3A] : memref<32x1024xf32, #tpu.memory_space<vmem>> -> memref<1x1024xf32, #tpu.memory_space<vmem>>
      %swap3A_687 = tpu.memref_squeeze %swap3A_686 : memref<1x1024xf32, #tpu.memory_space<vmem>> -> memref<1024xf32, #tpu.memory_space<vmem>>
      %swap3A_688 = arith.index_cast %mul3A_673 : i32 to index
      %swap3A_689 = tpu.vector_load %swap3A_687[%swap3A_688] {strides = array<i32>} : memref<1024xf32, #tpu.memory_space<vmem>>, vector<16xf32>,
      %swap3A_690 = vector.shape_cast %swap3A_689 : vector<16xf32> to vector<16xf32>
      %swap3A_691 = vector.shape_cast %add3A_685 : vector<16xf32> to vector<16xf32>
      tpu.vector_store %swap3A_687[%swap3A_688], %swap3A_691 {strides = array<i32>} : memref<1024xf32, #tpu.memory_space<vmem>>, vector<16xf32>,
      %scan3A_692 = arith.constant 0 : i32
      scf.yield %scan3A_692 : i32
    }
    %scan3A_223 = arith.constant 64 : i32
    %scan3A_224 = arith.constant 21 : i32
    %scan3A_225 = arith.constant 21 : i32
    %scan3A_226 = arith.constant 21 : i32
    %scan3A_227 = arith.constant 0 : i32
    %scan3A_228 = arith.constant 0 : i32
    %scan3A_229 = arith.constant 64 : i32
    %scan3A_230 = arith.addi %scan3A_228, %scan3A_229 : i32
    %scan3A_231 = arith.constant 1 : i32
    %scan3A_232 = scf.for %scan3A_670 = %scan3A_228 to %scan3A_230 step %scan3A_231 iter_args(%scan3A_671 = %scan3A_227) -> (i32)  : i32 {
      %mul3A_672 = arith.constant 16 : i32
      %mul3A_673 = arith.muli %scan3A_670, %mul3A_672 : i32
      %get3A = arith.constant 0 : i32
      %get3A_674 = tpu.memref_slice %arg8[%scan3A_224, %get3A] : memref<32x1024xf32, #tpu.memory_space<vmem>> -> memref<1x1024xf32, #tpu.memory_space<vmem>>
      %get3A_675 = tpu.memref_squeeze %get3A_674 : memref<1x1024xf32, #tpu.memory_space<vmem>> -> memref<1024xf32, #tpu.memory_space<vmem>>
      %get3A_676 = arith.index_cast %mul3A_673 : i32 to index
      %get3A_677 = tpu.vector_load %get3A_675[%get3A_676] {strides = array<i32>} : memref<1024xf32, #tpu.memory_space<vmem>>, vector<16xf32>,
      %get3A_678 = vector.shape_cast %get3A_677 : vector<16xf32> to vector<16xf32>
      %get3A_679 = arith.constant 0 : i32
      %get3A_680 = tpu.memref_slice %arg9[%scan3A_225, %get3A_679] : memref<32x1024xf32, #tpu.memory_space<vmem>> -> memref<1x1024xf32, #tpu.memory_space<vmem>>
      %get3A_681 = tpu.memref_squeeze %get3A_680 : memref<1x1024xf32, #tpu.memory_space<vmem>> -> memref<1024xf32, #tpu.memory_space<vmem>>
      %get3A_682 = arith.index_cast %mul3A_673 : i32 to index
      %get3A_683 = tpu.vector_load %get3A_681[%get3A_682] {strides = array<i32>} : memref<1024xf32, #tpu.memory_space<vmem>>, vector<16xf32>,
      %get3A_684 = vector.shape_cast %get3A_683 : vector<16xf32> to vector<16xf32>
      %add3A_685 = arith.addf %get3A_678, %get3A_684 : vector<16xf32>
      %swap3A = arith.constant 0 : i32
      %swap3A_686 = tpu.memref_slice %arg10[%scan3A_226, %swap3A] : memref<32x1024xf32, #tpu.memory_space<vmem>> -> memref<1x1024xf32, #tpu.memory_space<vmem>>
      %swap3A_687 = tpu.memref_squeeze %swap3A_686 : memref<1x1024xf32, #tpu.memory_space<vmem>> -> memref<1024xf32, #tpu.memory_space<vmem>>
      %swap3A_688 = arith.index_cast %mul3A_673 : i32 to index
      %swap3A_689 = tpu.vector_load %swap3A_687[%swap3A_688] {strides = array<i32>} : memref<1024xf32, #tpu.memory_space<vmem>>, vector<16xf32>,
      %swap3A_690 = vector.shape_cast %swap3A_689 : vector<16xf32> to vector<16xf32>
      %swap3A_691 = vector.shape_cast %add3A_685 : vector<16xf32> to vector<16xf32>
      tpu.vector_store %swap3A_687[%swap3A_688], %swap3A_691 {strides = array<i32>} : memref<1024xf32, #tpu.memory_space<vmem>>, vector<16xf32>,
      %scan3A_692 = arith.constant 0 : i32
      scf.yield %scan3A_692 : i32
    }
    %scan3A_233 = arith.constant 64 : i32
    %scan3A_234 = arith.constant 22 : i32
    %scan3A_235 = arith.constant 22 : i32
    %scan3A_236 = arith.constant 22 : i32
    %scan3A_237 = arith.constant 0 : i32
    %scan3A_238 = arith.constant 0 : i32
    %scan3A_239 = arith.constant 64 : i32
    %scan3A_240 = arith.addi %scan3A_238, %scan3A_239 : i32
    %scan3A_241 = arith.constant 1 : i32
    %scan3A_242 = scf.for %scan3A_670 = %scan3A_238 to %scan3A_240 step %scan3A_241 iter_args(%scan3A_671 = %scan3A_237) -> (i32)  : i32 {
      %mul3A_672 = arith.constant 16 : i32
      %mul3A_673 = arith.muli %scan3A_670, %mul3A_672 : i32
      %get3A = arith.constant 0 : i32
      %get3A_674 = tpu.memref_slice %arg8[%scan3A_234, %get3A] : memref<32x1024xf32, #tpu.memory_space<vmem>> -> memref<1x1024xf32, #tpu.memory_space<vmem>>
      %get3A_675 = tpu.memref_squeeze %get3A_674 : memref<1x1024xf32, #tpu.memory_space<vmem>> -> memref<1024xf32, #tpu.memory_space<vmem>>
      %get3A_676 = arith.index_cast %mul3A_673 : i32 to index
      %get3A_677 = tpu.vector_load %get3A_675[%get3A_676] {strides = array<i32>} : memref<1024xf32, #tpu.memory_space<vmem>>, vector<16xf32>,
      %get3A_678 = vector.shape_cast %get3A_677 : vector<16xf32> to vector<16xf32>
      %get3A_679 = arith.constant 0 : i32
      %get3A_680 = tpu.memref_slice %arg9[%scan3A_235, %get3A_679] : memref<32x1024xf32, #tpu.memory_space<vmem>> -> memref<1x1024xf32, #tpu.memory_space<vmem>>
      %get3A_681 = tpu.memref_squeeze %get3A_680 : memref<1x1024xf32, #tpu.memory_space<vmem>> -> memref<1024xf32, #tpu.memory_space<vmem>>
      %get3A_682 = arith.index_cast %mul3A_673 : i32 to index
      %get3A_683 = tpu.vector_load %get3A_681[%get3A_682] {strides = array<i32>} : memref<1024xf32, #tpu.memory_space<vmem>>, vector<16xf32>,
      %get3A_684 = vector.shape_cast %get3A_683 : vector<16xf32> to vector<16xf32>
      %add3A_685 = arith.addf %get3A_678, %get3A_684 : vector<16xf32>
      %swap3A = arith.constant 0 : i32
      %swap3A_686 = tpu.memref_slice %arg10[%scan3A_236, %swap3A] : memref<32x1024xf32, #tpu.memory_space<vmem>> -> memref<1x1024xf32, #tpu.memory_space<vmem>>
      %swap3A_687 = tpu.memref_squeeze %swap3A_686 : memref<1x1024xf32, #tpu.memory_space<vmem>> -> memref<1024xf32, #tpu.memory_space<vmem>>
      %swap3A_688 = arith.index_cast %mul3A_673 : i32 to index
      %swap3A_689 = tpu.vector_load %swap3A_687[%swap3A_688] {strides = array<i32>} : memref<1024xf32, #tpu.memory_space<vmem>>, vector<16xf32>,
      %swap3A_690 = vector.shape_cast %swap3A_689 : vector<16xf32> to vector<16xf32>
      %swap3A_691 = vector.shape_cast %add3A_685 : vector<16xf32> to vector<16xf32>
      tpu.vector_store %swap3A_687[%swap3A_688], %swap3A_691 {strides = array<i32>} : memref<1024xf32, #tpu.memory_space<vmem>>, vector<16xf32>,
      %scan3A_692 = arith.constant 0 : i32
      scf.yield %scan3A_692 : i32
    }
    %scan3A_243 = arith.constant 64 : i32
    %scan3A_244 = arith.constant 23 : i32
    %scan3A_245 = arith.constant 23 : i32
    %scan3A_246 = arith.constant 23 : i32
    %scan3A_247 = arith.constant 0 : i32
    %scan3A_248 = arith.constant 0 : i32
    %scan3A_249 = arith.constant 64 : i32
    %scan3A_250 = arith.addi %scan3A_248, %scan3A_249 : i32
    %scan3A_251 = arith.constant 1 : i32
    %scan3A_252 = scf.for %scan3A_670 = %scan3A_248 to %scan3A_250 step %scan3A_251 iter_args(%scan3A_671 = %scan3A_247) -> (i32)  : i32 {
      %mul3A_672 = arith.constant 16 : i32
      %mul3A_673 = arith.muli %scan3A_670, %mul3A_672 : i32
      %get3A = arith.constant 0 : i32
      %get3A_674 = tpu.memref_slice %arg8[%scan3A_244, %get3A] : memref<32x1024xf32, #tpu.memory_space<vmem>> -> memref<1x1024xf32, #tpu.memory_space<vmem>>
      %get3A_675 = tpu.memref_squeeze %get3A_674 : memref<1x1024xf32, #tpu.memory_space<vmem>> -> memref<1024xf32, #tpu.memory_space<vmem>>
      %get3A_676 = arith.index_cast %mul3A_673 : i32 to index
      %get3A_677 = tpu.vector_load %get3A_675[%get3A_676] {strides = array<i32>} : memref<1024xf32, #tpu.memory_space<vmem>>, vector<16xf32>,
      %get3A_678 = vector.shape_cast %get3A_677 : vector<16xf32> to vector<16xf32>
      %get3A_679 = arith.constant 0 : i32
      %get3A_680 = tpu.memref_slice %arg9[%scan3A_245, %get3A_679] : memref<32x1024xf32, #tpu.memory_space<vmem>> -> memref<1x1024xf32, #tpu.memory_space<vmem>>
      %get3A_681 = tpu.memref_squeeze %get3A_680 : memref<1x1024xf32, #tpu.memory_space<vmem>> -> memref<1024xf32, #tpu.memory_space<vmem>>
      %get3A_682 = arith.index_cast %mul3A_673 : i32 to index
      %get3A_683 = tpu.vector_load %get3A_681[%get3A_682] {strides = array<i32>} : memref<1024xf32, #tpu.memory_space<vmem>>, vector<16xf32>,
      %get3A_684 = vector.shape_cast %get3A_683 : vector<16xf32> to vector<16xf32>
      %add3A_685 = arith.addf %get3A_678, %get3A_684 : vector<16xf32>
      %swap3A = arith.constant 0 : i32
      %swap3A_686 = tpu.memref_slice %arg10[%scan3A_246, %swap3A] : memref<32x1024xf32, #tpu.memory_space<vmem>> -> memref<1x1024xf32, #tpu.memory_space<vmem>>
      %swap3A_687 = tpu.memref_squeeze %swap3A_686 : memref<1x1024xf32, #tpu.memory_space<vmem>> -> memref<1024xf32, #tpu.memory_space<vmem>>
      %swap3A_688 = arith.index_cast %mul3A_673 : i32 to index
      %swap3A_689 = tpu.vector_load %swap3A_687[%swap3A_688] {strides = array<i32>} : memref<1024xf32, #tpu.memory_space<vmem>>, vector<16xf32>,
      %swap3A_690 = vector.shape_cast %swap3A_689 : vector<16xf32> to vector<16xf32>
      %swap3A_691 = vector.shape_cast %add3A_685 : vector<16xf32> to vector<16xf32>
      tpu.vector_store %swap3A_687[%swap3A_688], %swap3A_691 {strides = array<i32>} : memref<1024xf32, #tpu.memory_space<vmem>>, vector<16xf32>,
      %scan3A_692 = arith.constant 0 : i32
      scf.yield %scan3A_692 : i32
    }
    %scan3A_253 = arith.constant 64 : i32
    %scan3A_254 = arith.constant 24 : i32
    %scan3A_255 = arith.constant 24 : i32
    %scan3A_256 = arith.constant 24 : i32
    %scan3A_257 = arith.constant 0 : i32
    %scan3A_258 = arith.constant 0 : i32
    %scan3A_259 = arith.constant 64 : i32
    %scan3A_260 = arith.addi %scan3A_258, %scan3A_259 : i32
    %scan3A_261 = arith.constant 1 : i32
    %scan3A_262 = scf.for %scan3A_670 = %scan3A_258 to %scan3A_260 step %scan3A_261 iter_args(%scan3A_671 = %scan3A_257) -> (i32)  : i32 {
      %mul3A_672 = arith.constant 16 : i32
      %mul3A_673 = arith.muli %scan3A_670, %mul3A_672 : i32
      %get3A = arith.constant 0 : i32
      %get3A_674 = tpu.memref_slice %arg8[%scan3A_254, %get3A] : memref<32x1024xf32, #tpu.memory_space<vmem>> -> memref<1x1024xf32, #tpu.memory_space<vmem>>
      %get3A_675 = tpu.memref_squeeze %get3A_674 : memref<1x1024xf32, #tpu.memory_space<vmem>> -> memref<1024xf32, #tpu.memory_space<vmem>>
      %get3A_676 = arith.index_cast %mul3A_673 : i32 to index
      %get3A_677 = tpu.vector_load %get3A_675[%get3A_676] {strides = array<i32>} : memref<1024xf32, #tpu.memory_space<vmem>>, vector<16xf32>,
      %get3A_678 = vector.shape_cast %get3A_677 : vector<16xf32> to vector<16xf32>
      %get3A_679 = arith.constant 0 : i32
      %get3A_680 = tpu.memref_slice %arg9[%scan3A_255, %get3A_679] : memref<32x1024xf32, #tpu.memory_space<vmem>> -> memref<1x1024xf32, #tpu.memory_space<vmem>>
      %get3A_681 = tpu.memref_squeeze %get3A_680 : memref<1x1024xf32, #tpu.memory_space<vmem>> -> memref<1024xf32, #tpu.memory_space<vmem>>
      %get3A_682 = arith.index_cast %mul3A_673 : i32 to index
      %get3A_683 = tpu.vector_load %get3A_681[%get3A_682] {strides = array<i32>} : memref<1024xf32, #tpu.memory_space<vmem>>, vector<16xf32>,
      %get3A_684 = vector.shape_cast %get3A_683 : vector<16xf32> to vector<16xf32>
      %add3A_685 = arith.addf %get3A_678, %get3A_684 : vector<16xf32>
      %swap3A = arith.constant 0 : i32
      %swap3A_686 = tpu.memref_slice %arg10[%scan3A_256, %swap3A] : memref<32x1024xf32, #tpu.memory_space<vmem>> -> memref<1x1024xf32, #tpu.memory_space<vmem>>
      %swap3A_687 = tpu.memref_squeeze %swap3A_686 : memref<1x1024xf32, #tpu.memory_space<vmem>> -> memref<1024xf32, #tpu.memory_space<vmem>>
      %swap3A_688 = arith.index_cast %mul3A_673 : i32 to index
      %swap3A_689 = tpu.vector_load %swap3A_687[%swap3A_688] {strides = array<i32>} : memref<1024xf32, #tpu.memory_space<vmem>>, vector<16xf32>,
      %swap3A_690 = vector.shape_cast %swap3A_689 : vector<16xf32> to vector<16xf32>
      %swap3A_691 = vector.shape_cast %add3A_685 : vector<16xf32> to vector<16xf32>
      tpu.vector_store %swap3A_687[%swap3A_688], %swap3A_691 {strides = array<i32>} : memref<1024xf32, #tpu.memory_space<vmem>>, vector<16xf32>,
      %scan3A_692 = arith.constant 0 : i32
      scf.yield %scan3A_692 : i32
    }
    %scan3A_263 = arith.constant 64 : i32
    %scan3A_264 = arith.constant 25 : i32
    %scan3A_265 = arith.constant 25 : i32
    %scan3A_266 = arith.constant 25 : i32
    %scan3A_267 = arith.constant 0 : i32
    %scan3A_268 = arith.constant 0 : i32
    %scan3A_269 = arith.constant 64 : i32
    %scan3A_270 = arith.addi %scan3A_268, %scan3A_269 : i32
    %scan3A_271 = arith.constant 1 : i32
    %scan3A_272 = scf.for %scan3A_670 = %scan3A_268 to %scan3A_270 step %scan3A_271 iter_args(%scan3A_671 = %scan3A_267) -> (i32)  : i32 {
      %mul3A_672 = arith.constant 16 : i32
      %mul3A_673 = arith.muli %scan3A_670, %mul3A_672 : i32
      %get3A = arith.constant 0 : i32
      %get3A_674 = tpu.memref_slice %arg8[%scan3A_264, %get3A] : memref<32x1024xf32, #tpu.memory_space<vmem>> -> memref<1x1024xf32, #tpu.memory_space<vmem>>
      %get3A_675 = tpu.memref_squeeze %get3A_674 : memref<1x1024xf32, #tpu.memory_space<vmem>> -> memref<1024xf32, #tpu.memory_space<vmem>>
      %get3A_676 = arith.index_cast %mul3A_673 : i32 to index
      %get3A_677 = tpu.vector_load %get3A_675[%get3A_676] {strides = array<i32>} : memref<1024xf32, #tpu.memory_space<vmem>>, vector<16xf32>,
      %get3A_678 = vector.shape_cast %get3A_677 : vector<16xf32> to vector<16xf32>
      %get3A_679 = arith.constant 0 : i32
      %get3A_680 = tpu.memref_slice %arg9[%scan3A_265, %get3A_679] : memref<32x1024xf32, #tpu.memory_space<vmem>> -> memref<1x1024xf32, #tpu.memory_space<vmem>>
      %get3A_681 = tpu.memref_squeeze %get3A_680 : memref<1x1024xf32, #tpu.memory_space<vmem>> -> memref<1024xf32, #tpu.memory_space<vmem>>
      %get3A_682 = arith.index_cast %mul3A_673 : i32 to index
      %get3A_683 = tpu.vector_load %get3A_681[%get3A_682] {strides = array<i32>} : memref<1024xf32, #tpu.memory_space<vmem>>, vector<16xf32>,
      %get3A_684 = vector.shape_cast %get3A_683 : vector<16xf32> to vector<16xf32>
      %add3A_685 = arith.addf %get3A_678, %get3A_684 : vector<16xf32>
      %swap3A = arith.constant 0 : i32
      %swap3A_686 = tpu.memref_slice %arg10[%scan3A_266, %swap3A] : memref<32x1024xf32, #tpu.memory_space<vmem>> -> memref<1x1024xf32, #tpu.memory_space<vmem>>
      %swap3A_687 = tpu.memref_squeeze %swap3A_686 : memref<1x1024xf32, #tpu.memory_space<vmem>> -> memref<1024xf32, #tpu.memory_space<vmem>>
      %swap3A_688 = arith.index_cast %mul3A_673 : i32 to index
      %swap3A_689 = tpu.vector_load %swap3A_687[%swap3A_688] {strides = array<i32>} : memref<1024xf32, #tpu.memory_space<vmem>>, vector<16xf32>,
      %swap3A_690 = vector.shape_cast %swap3A_689 : vector<16xf32> to vector<16xf32>
      %swap3A_691 = vector.shape_cast %add3A_685 : vector<16xf32> to vector<16xf32>
      tpu.vector_store %swap3A_687[%swap3A_688], %swap3A_691 {strides = array<i32>} : memref<1024xf32, #tpu.memory_space<vmem>>, vector<16xf32>,
      %scan3A_692 = arith.constant 0 : i32
      scf.yield %scan3A_692 : i32
    }
    %scan3A_273 = arith.constant 64 : i32
    %scan3A_274 = arith.constant 26 : i32
    %scan3A_275 = arith.constant 26 : i32
    %scan3A_276 = arith.constant 26 : i32
    %scan3A_277 = arith.constant 0 : i32
    %scan3A_278 = arith.constant 0 : i32
    %scan3A_279 = arith.constant 64 : i32
    %scan3A_280 = arith.addi %scan3A_278, %scan3A_279 : i32
    %scan3A_281 = arith.constant 1 : i32
    %scan3A_282 = scf.for %scan3A_670 = %scan3A_278 to %scan3A_280 step %scan3A_281 iter_args(%scan3A_671 = %scan3A_277) -> (i32)  : i32 {
      %mul3A_672 = arith.constant 16 : i32
      %mul3A_673 = arith.muli %scan3A_670, %mul3A_672 : i32
      %get3A = arith.constant 0 : i32
      %get3A_674 = tpu.memref_slice %arg8[%scan3A_274, %get3A] : memref<32x1024xf32, #tpu.memory_space<vmem>> -> memref<1x1024xf32, #tpu.memory_space<vmem>>
      %get3A_675 = tpu.memref_squeeze %get3A_674 : memref<1x1024xf32, #tpu.memory_space<vmem>> -> memref<1024xf32, #tpu.memory_space<vmem>>
      %get3A_676 = arith.index_cast %mul3A_673 : i32 to index
      %get3A_677 = tpu.vector_load %get3A_675[%get3A_676] {strides = array<i32>} : memref<1024xf32, #tpu.memory_space<vmem>>, vector<16xf32>,
      %get3A_678 = vector.shape_cast %get3A_677 : vector<16xf32> to vector<16xf32>
      %get3A_679 = arith.constant 0 : i32
      %get3A_680 = tpu.memref_slice %arg9[%scan3A_275, %get3A_679] : memref<32x1024xf32, #tpu.memory_space<vmem>> -> memref<1x1024xf32, #tpu.memory_space<vmem>>
      %get3A_681 = tpu.memref_squeeze %get3A_680 : memref<1x1024xf32, #tpu.memory_space<vmem>> -> memref<1024xf32, #tpu.memory_space<vmem>>
      %get3A_682 = arith.index_cast %mul3A_673 : i32 to index
      %get3A_683 = tpu.vector_load %get3A_681[%get3A_682] {strides = array<i32>} : memref<1024xf32, #tpu.memory_space<vmem>>, vector<16xf32>,
      %get3A_684 = vector.shape_cast %get3A_683 : vector<16xf32> to vector<16xf32>
      %add3A_685 = arith.addf %get3A_678, %get3A_684 : vector<16xf32>
      %swap3A = arith.constant 0 : i32
      %swap3A_686 = tpu.memref_slice %arg10[%scan3A_276, %swap3A] : memref<32x1024xf32, #tpu.memory_space<vmem>> -> memref<1x1024xf32, #tpu.memory_space<vmem>>
      %swap3A_687 = tpu.memref_squeeze %swap3A_686 : memref<1x1024xf32, #tpu.memory_space<vmem>> -> memref<1024xf32, #tpu.memory_space<vmem>>
      %swap3A_688 = arith.index_cast %mul3A_673 : i32 to index
      %swap3A_689 = tpu.vector_load %swap3A_687[%swap3A_688] {strides = array<i32>} : memref<1024xf32, #tpu.memory_space<vmem>>, vector<16xf32>,
      %swap3A_690 = vector.shape_cast %swap3A_689 : vector<16xf32> to vector<16xf32>
      %swap3A_691 = vector.shape_cast %add3A_685 : vector<16xf32> to vector<16xf32>
      tpu.vector_store %swap3A_687[%swap3A_688], %swap3A_691 {strides = array<i32>} : memref<1024xf32, #tpu.memory_space<vmem>>, vector<16xf32>,
      %scan3A_692 = arith.constant 0 : i32
      scf.yield %scan3A_692 : i32
    }
    %scan3A_283 = arith.constant 64 : i32
    %scan3A_284 = arith.constant 27 : i32
    %scan3A_285 = arith.constant 27 : i32
    %scan3A_286 = arith.constant 27 : i32
    %scan3A_287 = arith.constant 0 : i32
    %scan3A_288 = arith.constant 0 : i32
    %scan3A_289 = arith.constant 64 : i32
    %scan3A_290 = arith.addi %scan3A_288, %scan3A_289 : i32
    %scan3A_291 = arith.constant 1 : i32
    %scan3A_292 = scf.for %scan3A_670 = %scan3A_288 to %scan3A_290 step %scan3A_291 iter_args(%scan3A_671 = %scan3A_287) -> (i32)  : i32 {
      %mul3A_672 = arith.constant 16 : i32
      %mul3A_673 = arith.muli %scan3A_670, %mul3A_672 : i32
      %get3A = arith.constant 0 : i32
      %get3A_674 = tpu.memref_slice %arg8[%scan3A_284, %get3A] : memref<32x1024xf32, #tpu.memory_space<vmem>> -> memref<1x1024xf32, #tpu.memory_space<vmem>>
      %get3A_675 = tpu.memref_squeeze %get3A_674 : memref<1x1024xf32, #tpu.memory_space<vmem>> -> memref<1024xf32, #tpu.memory_space<vmem>>
      %get3A_676 = arith.index_cast %mul3A_673 : i32 to index
      %get3A_677 = tpu.vector_load %get3A_675[%get3A_676] {strides = array<i32>} : memref<1024xf32, #tpu.memory_space<vmem>>, vector<16xf32>,
      %get3A_678 = vector.shape_cast %get3A_677 : vector<16xf32> to vector<16xf32>
      %get3A_679 = arith.constant 0 : i32
      %get3A_680 = tpu.memref_slice %arg9[%scan3A_285, %get3A_679] : memref<32x1024xf32, #tpu.memory_space<vmem>> -> memref<1x1024xf32, #tpu.memory_space<vmem>>
      %get3A_681 = tpu.memref_squeeze %get3A_680 : memref<1x1024xf32, #tpu.memory_space<vmem>> -> memref<1024xf32, #tpu.memory_space<vmem>>
      %get3A_682 = arith.index_cast %mul3A_673 : i32 to index
      %get3A_683 = tpu.vector_load %get3A_681[%get3A_682] {strides = array<i32>} : memref<1024xf32, #tpu.memory_space<vmem>>, vector<16xf32>,
      %get3A_684 = vector.shape_cast %get3A_683 : vector<16xf32> to vector<16xf32>
      %add3A_685 = arith.addf %get3A_678, %get3A_684 : vector<16xf32>
      %swap3A = arith.constant 0 : i32
      %swap3A_686 = tpu.memref_slice %arg10[%scan3A_286, %swap3A] : memref<32x1024xf32, #tpu.memory_space<vmem>> -> memref<1x1024xf32, #tpu.memory_space<vmem>>
      %swap3A_687 = tpu.memref_squeeze %swap3A_686 : memref<1x1024xf32, #tpu.memory_space<vmem>> -> memref<1024xf32, #tpu.memory_space<vmem>>
      %swap3A_688 = arith.index_cast %mul3A_673 : i32 to index
      %swap3A_689 = tpu.vector_load %swap3A_687[%swap3A_688] {strides = array<i32>} : memref<1024xf32, #tpu.memory_space<vmem>>, vector<16xf32>,
      %swap3A_690 = vector.shape_cast %swap3A_689 : vector<16xf32> to vector<16xf32>
      %swap3A_691 = vector.shape_cast %add3A_685 : vector<16xf32> to vector<16xf32>
      tpu.vector_store %swap3A_687[%swap3A_688], %swap3A_691 {strides = array<i32>} : memref<1024xf32, #tpu.memory_space<vmem>>, vector<16xf32>,
      %scan3A_692 = arith.constant 0 : i32
      scf.yield %scan3A_692 : i32
    }
    %scan3A_293 = arith.constant 64 : i32
    %scan3A_294 = arith.constant 28 : i32
    %scan3A_295 = arith.constant 28 : i32
    %scan3A_296 = arith.constant 28 : i32
    %scan3A_297 = arith.constant 0 : i32
    %scan3A_298 = arith.constant 0 : i32
    %scan3A_299 = arith.constant 64 : i32
    %scan3A_300 = arith.addi %scan3A_298, %scan3A_299 : i32
    %scan3A_301 = arith.constant 1 : i32
    %scan3A_302 = scf.for %scan3A_670 = %scan3A_298 to %scan3A_300 step %scan3A_301 iter_args(%scan3A_671 = %scan3A_297) -> (i32)  : i32 {
      %mul3A_672 = arith.constant 16 : i32
      %mul3A_673 = arith.muli %scan3A_670, %mul3A_672 : i32
      %get3A = arith.constant 0 : i32
      %get3A_674 = tpu.memref_slice %arg8[%scan3A_294, %get3A] : memref<32x1024xf32, #tpu.memory_space<vmem>> -> memref<1x1024xf32, #tpu.memory_space<vmem>>
      %get3A_675 = tpu.memref_squeeze %get3A_674 : memref<1x1024xf32, #tpu.memory_space<vmem>> -> memref<1024xf32, #tpu.memory_space<vmem>>
      %get3A_676 = arith.index_cast %mul3A_673 : i32 to index
      %get3A_677 = tpu.vector_load %get3A_675[%get3A_676] {strides = array<i32>} : memref<1024xf32, #tpu.memory_space<vmem>>, vector<16xf32>,
      %get3A_678 = vector.shape_cast %get3A_677 : vector<16xf32> to vector<16xf32>
      %get3A_679 = arith.constant 0 : i32
      %get3A_680 = tpu.memref_slice %arg9[%scan3A_295, %get3A_679] : memref<32x1024xf32, #tpu.memory_space<vmem>> -> memref<1x1024xf32, #tpu.memory_space<vmem>>
      %get3A_681 = tpu.memref_squeeze %get3A_680 : memref<1x1024xf32, #tpu.memory_space<vmem>> -> memref<1024xf32, #tpu.memory_space<vmem>>
      %get3A_682 = arith.index_cast %mul3A_673 : i32 to index
      %get3A_683 = tpu.vector_load %get3A_681[%get3A_682] {strides = array<i32>} : memref<1024xf32, #tpu.memory_space<vmem>>, vector<16xf32>,
      %get3A_684 = vector.shape_cast %get3A_683 : vector<16xf32> to vector<16xf32>
      %add3A_685 = arith.addf %get3A_678, %get3A_684 : vector<16xf32>
      %swap3A = arith.constant 0 : i32
      %swap3A_686 = tpu.memref_slice %arg10[%scan3A_296, %swap3A] : memref<32x1024xf32, #tpu.memory_space<vmem>> -> memref<1x1024xf32, #tpu.memory_space<vmem>>
      %swap3A_687 = tpu.memref_squeeze %swap3A_686 : memref<1x1024xf32, #tpu.memory_space<vmem>> -> memref<1024xf32, #tpu.memory_space<vmem>>
      %swap3A_688 = arith.index_cast %mul3A_673 : i32 to index
      %swap3A_689 = tpu.vector_load %swap3A_687[%swap3A_688] {strides = array<i32>} : memref<1024xf32, #tpu.memory_space<vmem>>, vector<16xf32>,
      %swap3A_690 = vector.shape_cast %swap3A_689 : vector<16xf32> to vector<16xf32>
      %swap3A_691 = vector.shape_cast %add3A_685 : vector<16xf32> to vector<16xf32>
      tpu.vector_store %swap3A_687[%swap3A_688], %swap3A_691 {strides = array<i32>} : memref<1024xf32, #tpu.memory_space<vmem>>, vector<16xf32>,
      %scan3A_692 = arith.constant 0 : i32
      scf.yield %scan3A_692 : i32
    }
    %scan3A_303 = arith.constant 64 : i32
    %scan3A_304 = arith.constant 29 : i32
    %scan3A_305 = arith.constant 29 : i32
    %scan3A_306 = arith.constant 29 : i32
    %scan3A_307 = arith.constant 0 : i32
    %scan3A_308 = arith.constant 0 : i32
    %scan3A_309 = arith.constant 64 : i32
    %scan3A_310 = arith.addi %scan3A_308, %scan3A_309 : i32
    %scan3A_311 = arith.constant 1 : i32
    %scan3A_312 = scf.for %scan3A_670 = %scan3A_308 to %scan3A_310 step %scan3A_311 iter_args(%scan3A_671 = %scan3A_307) -> (i32)  : i32 {
      %mul3A_672 = arith.constant 16 : i32
      %mul3A_673 = arith.muli %scan3A_670, %mul3A_672 : i32
      %get3A = arith.constant 0 : i32
      %get3A_674 = tpu.memref_slice %arg8[%scan3A_304, %get3A] : memref<32x1024xf32, #tpu.memory_space<vmem>> -> memref<1x1024xf32, #tpu.memory_space<vmem>>
      %get3A_675 = tpu.memref_squeeze %get3A_674 : memref<1x1024xf32, #tpu.memory_space<vmem>> -> memref<1024xf32, #tpu.memory_space<vmem>>
      %get3A_676 = arith.index_cast %mul3A_673 : i32 to index
      %get3A_677 = tpu.vector_load %get3A_675[%get3A_676] {strides = array<i32>} : memref<1024xf32, #tpu.memory_space<vmem>>, vector<16xf32>,
      %get3A_678 = vector.shape_cast %get3A_677 : vector<16xf32> to vector<16xf32>
      %get3A_679 = arith.constant 0 : i32
      %get3A_680 = tpu.memref_slice %arg9[%scan3A_305, %get3A_679] : memref<32x1024xf32, #tpu.memory_space<vmem>> -> memref<1x1024xf32, #tpu.memory_space<vmem>>
      %get3A_681 = tpu.memref_squeeze %get3A_680 : memref<1x1024xf32, #tpu.memory_space<vmem>> -> memref<1024xf32, #tpu.memory_space<vmem>>
      %get3A_682 = arith.index_cast %mul3A_673 : i32 to index
      %get3A_683 = tpu.vector_load %get3A_681[%get3A_682] {strides = array<i32>} : memref<1024xf32, #tpu.memory_space<vmem>>, vector<16xf32>,
      %get3A_684 = vector.shape_cast %get3A_683 : vector<16xf32> to vector<16xf32>
      %add3A_685 = arith.addf %get3A_678, %get3A_684 : vector<16xf32>
      %swap3A = arith.constant 0 : i32
      %swap3A_686 = tpu.memref_slice %arg10[%scan3A_306, %swap3A] : memref<32x1024xf32, #tpu.memory_space<vmem>> -> memref<1x1024xf32, #tpu.memory_space<vmem>>
      %swap3A_687 = tpu.memref_squeeze %swap3A_686 : memref<1x1024xf32, #tpu.memory_space<vmem>> -> memref<1024xf32, #tpu.memory_space<vmem>>
      %swap3A_688 = arith.index_cast %mul3A_673 : i32 to index
      %swap3A_689 = tpu.vector_load %swap3A_687[%swap3A_688] {strides = array<i32>} : memref<1024xf32, #tpu.memory_space<vmem>>, vector<16xf32>,
      %swap3A_690 = vector.shape_cast %swap3A_689 : vector<16xf32> to vector<16xf32>
      %swap3A_691 = vector.shape_cast %add3A_685 : vector<16xf32> to vector<16xf32>
      tpu.vector_store %swap3A_687[%swap3A_688], %swap3A_691 {strides = array<i32>} : memref<1024xf32, #tpu.memory_space<vmem>>, vector<16xf32>,
      %scan3A_692 = arith.constant 0 : i32
      scf.yield %scan3A_692 : i32
    }
    %scan3A_313 = arith.constant 64 : i32
    %scan3A_314 = arith.constant 30 : i32
    %scan3A_315 = arith.constant 30 : i32
    %scan3A_316 = arith.constant 30 : i32
    %scan3A_317 = arith.constant 0 : i32
    %scan3A_318 = arith.constant 0 : i32
    %scan3A_319 = arith.constant 64 : i32
    %scan3A_320 = arith.addi %scan3A_318, %scan3A_319 : i32
    %scan3A_321 = arith.constant 1 : i32
    %scan3A_322 = scf.for %scan3A_670 = %scan3A_318 to %scan3A_320 step %scan3A_321 iter_args(%scan3A_671 = %scan3A_317) -> (i32)  : i32 {
      %mul3A_672 = arith.constant 16 : i32
      %mul3A_673 = arith.muli %scan3A_670, %mul3A_672 : i32
      %get3A = arith.constant 0 : i32
      %get3A_674 = tpu.memref_slice %arg8[%scan3A_314, %get3A] : memref<32x1024xf32, #tpu.memory_space<vmem>> -> memref<1x1024xf32, #tpu.memory_space<vmem>>
      %get3A_675 = tpu.memref_squeeze %get3A_674 : memref<1x1024xf32, #tpu.memory_space<vmem>> -> memref<1024xf32, #tpu.memory_space<vmem>>
      %get3A_676 = arith.index_cast %mul3A_673 : i32 to index
      %get3A_677 = tpu.vector_load %get3A_675[%get3A_676] {strides = array<i32>} : memref<1024xf32, #tpu.memory_space<vmem>>, vector<16xf32>,
      %get3A_678 = vector.shape_cast %get3A_677 : vector<16xf32> to vector<16xf32>
      %get3A_679 = arith.constant 0 : i32
      %get3A_680 = tpu.memref_slice %arg9[%scan3A_315, %get3A_679] : memref<32x1024xf32, #tpu.memory_space<vmem>> -> memref<1x1024xf32, #tpu.memory_space<vmem>>
      %get3A_681 = tpu.memref_squeeze %get3A_680 : memref<1x1024xf32, #tpu.memory_space<vmem>> -> memref<1024xf32, #tpu.memory_space<vmem>>
      %get3A_682 = arith.index_cast %mul3A_673 : i32 to index
      %get3A_683 = tpu.vector_load %get3A_681[%get3A_682] {strides = array<i32>} : memref<1024xf32, #tpu.memory_space<vmem>>, vector<16xf32>,
      %get3A_684 = vector.shape_cast %get3A_683 : vector<16xf32> to vector<16xf32>
      %add3A_685 = arith.addf %get3A_678, %get3A_684 : vector<16xf32>
      %swap3A = arith.constant 0 : i32
      %swap3A_686 = tpu.memref_slice %arg10[%scan3A_316, %swap3A] : memref<32x1024xf32, #tpu.memory_space<vmem>> -> memref<1x1024xf32, #tpu.memory_space<vmem>>
      %swap3A_687 = tpu.memref_squeeze %swap3A_686 : memref<1x1024xf32, #tpu.memory_space<vmem>> -> memref<1024xf32, #tpu.memory_space<vmem>>
      %swap3A_688 = arith.index_cast %mul3A_673 : i32 to index
      %swap3A_689 = tpu.vector_load %swap3A_687[%swap3A_688] {strides = array<i32>} : memref<1024xf32, #tpu.memory_space<vmem>>, vector<16xf32>,
      %swap3A_690 = vector.shape_cast %swap3A_689 : vector<16xf32> to vector<16xf32>
      %swap3A_691 = vector.shape_cast %add3A_685 : vector<16xf32> to vector<16xf32>
      tpu.vector_store %swap3A_687[%swap3A_688], %swap3A_691 {strides = array<i32>} : memref<1024xf32, #tpu.memory_space<vmem>>, vector<16xf32>,
      %scan3A_692 = arith.constant 0 : i32
      scf.yield %scan3A_692 : i32
    }
    %scan3A_323 = arith.constant 64 : i32
    %scan3A_324 = arith.constant 31 : i32
    %scan3A_325 = arith.constant 31 : i32
    %scan3A_326 = arith.constant 31 : i32
    %scan3A_327 = arith.constant 0 : i32
    %scan3A_328 = arith.constant 0 : i32
    %scan3A_329 = arith.constant 64 : i32
    %scan3A_330 = arith.addi %scan3A_328, %scan3A_329 : i32
    %scan3A_331 = arith.constant 1 : i32
    %scan3A_332 = scf.for %scan3A_670 = %scan3A_328 to %scan3A_330 step %scan3A_331 iter_args(%scan3A_671 = %scan3A_327) -> (i32)  : i32 {
      %mul3A_672 = arith.constant 16 : i32
      %mul3A_673 = arith.muli %scan3A_670, %mul3A_672 : i32
      %get3A = arith.constant 0 : i32
      %get3A_674 = tpu.memref_slice %arg8[%scan3A_324, %get3A] : memref<32x1024xf32, #tpu.memory_space<vmem>> -> memref<1x1024xf32, #tpu.memory_space<vmem>>
      %get3A_675 = tpu.memref_squeeze %get3A_674 : memref<1x1024xf32, #tpu.memory_space<vmem>> -> memref<1024xf32, #tpu.memory_space<vmem>>
      %get3A_676 = arith.index_cast %mul3A_673 : i32 to index
      %get3A_677 = tpu.vector_load %get3A_675[%get3A_676] {strides = array<i32>} : memref<1024xf32, #tpu.memory_space<vmem>>, vector<16xf32>,
      %get3A_678 = vector.shape_cast %get3A_677 : vector<16xf32> to vector<16xf32>
      %get3A_679 = arith.constant 0 : i32
      %get3A_680 = tpu.memref_slice %arg9[%scan3A_325, %get3A_679] : memref<32x1024xf32, #tpu.memory_space<vmem>> -> memref<1x1024xf32, #tpu.memory_space<vmem>>
      %get3A_681 = tpu.memref_squeeze %get3A_680 : memref<1x1024xf32, #tpu.memory_space<vmem>> -> memref<1024xf32, #tpu.memory_space<vmem>>
      %get3A_682 = arith.index_cast %mul3A_673 : i32 to index
      %get3A_683 = tpu.vector_load %get3A_681[%get3A_682] {strides = array<i32>} : memref<1024xf32, #tpu.memory_space<vmem>>, vector<16xf32>,
      %get3A_684 = vector.shape_cast %get3A_683 : vector<16xf32> to vector<16xf32>
      %add3A_685 = arith.addf %get3A_678, %get3A_684 : vector<16xf32>
      %swap3A = arith.constant 0 : i32
      %swap3A_686 = tpu.memref_slice %arg10[%scan3A_326, %swap3A] : memref<32x1024xf32, #tpu.memory_space<vmem>> -> memref<1x1024xf32, #tpu.memory_space<vmem>>
      %swap3A_687 = tpu.memref_squeeze %swap3A_686 : memref<1x1024xf32, #tpu.memory_space<vmem>> -> memref<1024xf32, #tpu.memory_space<vmem>>
      %swap3A_688 = arith.index_cast %mul3A_673 : i32 to index
      %swap3A_689 = tpu.vector_load %swap3A_687[%swap3A_688] {strides = array<i32>} : memref<1024xf32, #tpu.memory_space<vmem>>, vector<16xf32>,
      %swap3A_690 = vector.shape_cast %swap3A_689 : vector<16xf32> to vector<16xf32>
      %swap3A_691 = vector.shape_cast %add3A_685 : vector<16xf32> to vector<16xf32>
      tpu.vector_store %swap3A_687[%swap3A_688], %swap3A_691 {strides = array<i32>} : memref<1024xf32, #tpu.memory_space<vmem>>, vector<16xf32>,
      %scan3A_692 = arith.constant 0 : i32
      scf.yield %scan3A_692 : i32
    }
    %scan3A_333 = arith.constant 64 : i32
    "tpu.region"() ({
      %run_scoped3A = tpu.sem_alloc : memref<!tpu.dma_semaphore, #tpu.memory_space<semaphore_mem>>
      %dma_start3A_670 = arith.constant 0 : i32
      %dma_start3A_671 = tpu.memref_slice %arg5[%add3A_4, %dma_start3A_670] : memref<2048x1024xf32, #tpu.memory_space<hbm>> -> memref<32x1024xf32, #tpu.memory_space<hbm>>
      %dma_start3A_672 = arith.constant 0 : i32
      %dma_start3A_673 = tpu.memref_slice %arg5[%add3A_4, %dma_start3A_672] : memref<2048x1024xf32, #tpu.memory_space<hbm>> -> memref<32x1024xf32, #tpu.memory_space<hbm>>
      tpu.enqueue_dma source(%arg10 : memref<32x1024xf32, #tpu.memory_space<vmem>>) target(%dma_start3A_673 : memref<32x1024xf32, #tpu.memory_space<hbm>>) target_semaphore(%run_scoped3A : memref<!tpu.dma_semaphore, #tpu.memory_space<semaphore_mem>>)
      %dma_wait3A_674 = arith.constant 0 : i32
      %dma_wait3A_675 = tpu.memref_slice %arg5[%add3A_4, %dma_wait3A_674] : memref<2048x1024xf32, #tpu.memory_space<hbm>> -> memref<32x1024xf32, #tpu.memory_space<hbm>>
      %dma_wait3A_676 = arith.constant 0 : i32
      %dma_wait3A_677 = tpu.memref_slice %arg5[%add3A_4, %dma_wait3A_676] : memref<2048x1024xf32, #tpu.memory_space<hbm>> -> memref<32x1024xf32, #tpu.memory_space<hbm>>
      tpu.wait_dma2 semaphore(%run_scoped3A : memref<!tpu.dma_semaphore, #tpu.memory_space<semaphore_mem>>) src(%arg10 : memref<32x1024xf32, #tpu.memory_space<vmem>>) dst(%dma_wait3A_677 : memref<32x1024xf32, #tpu.memory_space<hbm>>)
      tpu.yield
    }) : () -> ()
    %mul3A_334 = arith.constant 64 : i32
    %mul3A_335 = arith.muli %add3A, %mul3A_334 : i32
    %add3A_336 = arith.constant 32 : i32
    %add3A_337 = arith.addi %mul3A_335, %add3A_336 : i32
    "tpu.region"() ({
      %run_scoped3A = tpu.sem_alloc : memref<!tpu.dma_semaphore, #tpu.memory_space<semaphore_mem>>
      %dma_start3A_670 = tpu.memref_slice %arg3[%add3A_337] : memref<2048xi32, #tpu.memory_space<hbm>> -> memref<32xi32, #tpu.memory_space<hbm>>
      %dma_start3A_671 = tpu.memref_slice %arg3[%add3A_337] : memref<2048xi32, #tpu.memory_space<hbm>> -> memref<32xi32, #tpu.memory_space<hbm>>
      tpu.enqueue_dma source(%dma_start3A_671 : memref<32xi32, #tpu.memory_space<hbm>>) target(%arg6 : memref<32xi32, #tpu.memory_space<vmem>>) target_semaphore(%run_scoped3A : memref<!tpu.dma_semaphore, #tpu.memory_space<semaphore_mem>>)
      %dma_wait3A_672 = tpu.memref_slice %arg3[%add3A_337] : memref<2048xi32, #tpu.memory_space<hbm>> -> memref<32xi32, #tpu.memory_space<hbm>>
      %dma_wait3A_673 = tpu.memref_slice %arg3[%add3A_337] : memref<2048xi32, #tpu.memory_space<hbm>> -> memref<32xi32, #tpu.memory_space<hbm>>
      tpu.wait_dma2 semaphore(%run_scoped3A : memref<!tpu.dma_semaphore, #tpu.memory_space<semaphore_mem>>) src(%dma_wait3A_673 : memref<32xi32, #tpu.memory_space<hbm>>) dst(%arg6 : memref<32xi32, #tpu.memory_space<vmem>>)
      tpu.yield
    }) : () -> ()
    "tpu.region"() ({
      %run_scoped3A = tpu.sem_alloc : memref<!tpu.dma_semaphore, #tpu.memory_space<semaphore_mem>>
      %dma_start3A_670 = tpu.memref_slice %arg4[%add3A_337] : memref<2048xi32, #tpu.memory_space<hbm>> -> memref<32xi32, #tpu.memory_space<hbm>>
      %dma_start3A_671 = tpu.memref_slice %arg4[%add3A_337] : memref<2048xi32, #tpu.memory_space<hbm>> -> memref<32xi32, #tpu.memory_space<hbm>>
      tpu.enqueue_dma source(%dma_start3A_671 : memref<32xi32, #tpu.memory_space<hbm>>) target(%arg7 : memref<32xi32, #tpu.memory_space<vmem>>) target_semaphore(%run_scoped3A : memref<!tpu.dma_semaphore, #tpu.memory_space<semaphore_mem>>)
      %dma_wait3A_672 = tpu.memref_slice %arg4[%add3A_337] : memref<2048xi32, #tpu.memory_space<hbm>> -> memref<32xi32, #tpu.memory_space<hbm>>
      %dma_wait3A_673 = tpu.memref_slice %arg4[%add3A_337] : memref<2048xi32, #tpu.memory_space<hbm>> -> memref<32xi32, #tpu.memory_space<hbm>>
      tpu.wait_dma2 semaphore(%run_scoped3A : memref<!tpu.dma_semaphore, #tpu.memory_space<semaphore_mem>>) src(%dma_wait3A_673 : memref<32xi32, #tpu.memory_space<hbm>>) dst(%arg7 : memref<32xi32, #tpu.memory_space<vmem>>)
      tpu.yield
    }) : () -> ()
    %dma_start3A_338 = arith.constant 0 : i32
    %dma_start3A_339 = arith.constant 0 : i32
    %dma_start3A_340 = tpu.memref_slice %arg2[%dma_start3A_338, %dma_start3A_339] : memref<5120x1024xf32, #tpu.memory_space<hbm>> -> memref<5120x1024xf32, #tpu.memory_space<hbm>>
    tpu.enqueue_indirect_dma source(%dma_start3A_340 : memref<5120x1024xf32, #tpu.memory_space<hbm>>) target(%arg8 : memref<32x1024xf32, #tpu.memory_space<vmem>>) offsets(%arg6 : memref<32xi32, #tpu.memory_space<vmem>>) semaphore(%arg11 : memref<!tpu.dma_semaphore, #tpu.memory_space<semaphore_mem>>)
    %dma_start3A_341 = arith.constant 0 : i32
    %dma_start3A_342 = arith.constant 0 : i32
    %dma_start3A_343 = tpu.memref_slice %arg2[%dma_start3A_341, %dma_start3A_342] : memref<5120x1024xf32, #tpu.memory_space<hbm>> -> memref<5120x1024xf32, #tpu.memory_space<hbm>>
    tpu.enqueue_indirect_dma source(%dma_start3A_343 : memref<5120x1024xf32, #tpu.memory_space<hbm>>) target(%arg9 : memref<32x1024xf32, #tpu.memory_space<vmem>>) offsets(%arg7 : memref<32xi32, #tpu.memory_space<vmem>>) semaphore(%arg12 : memref<!tpu.dma_semaphore, #tpu.memory_space<semaphore_mem>>)
    %dma_wait3A_344 = arith.constant 0 : i32
    %dma_wait3A_345 = arith.constant 0 : i32
    %dma_wait3A_346 = tpu.memref_slice %arg2[%dma_wait3A_344, %dma_wait3A_345] : memref<5120x1024xf32, #tpu.memory_space<hbm>> -> memref<5120x1024xf32, #tpu.memory_space<hbm>>
    tpu.wait_indirect_dma semaphore(%arg11 : memref<!tpu.dma_semaphore, #tpu.memory_space<semaphore_mem>>) src(%dma_wait3A_346 : memref<5120x1024xf32, #tpu.memory_space<hbm>>) dst(%arg8 : memref<32x1024xf32, #tpu.memory_space<vmem>>)
    %dma_wait3A_347 = arith.constant 0 : i32
    %dma_wait3A_348 = arith.constant 0 : i32
    %dma_wait3A_349 = tpu.memref_slice %arg2[%dma_wait3A_347, %dma_wait3A_348] : memref<5120x1024xf32, #tpu.memory_space<hbm>> -> memref<5120x1024xf32, #tpu.memory_space<hbm>>
    tpu.wait_indirect_dma semaphore(%arg12 : memref<!tpu.dma_semaphore, #tpu.memory_space<semaphore_mem>>) src(%dma_wait3A_349 : memref<5120x1024xf32, #tpu.memory_space<hbm>>) dst(%arg9 : memref<32x1024xf32, #tpu.memory_space<vmem>>)
    %scan3A_350 = arith.constant 0 : i32
    %scan3A_351 = arith.constant 0 : i32
    %scan3A_352 = arith.constant 0 : i32
    %scan3A_353 = arith.constant 0 : i32
    %scan3A_354 = arith.constant 0 : i32
    %scan3A_355 = arith.constant 64 : i32
    %scan3A_356 = arith.addi %scan3A_354, %scan3A_355 : i32
    %scan3A_357 = arith.constant 1 : i32
    %scan3A_358 = scf.for %scan3A_670 = %scan3A_354 to %scan3A_356 step %scan3A_357 iter_args(%scan3A_671 = %scan3A_353) -> (i32)  : i32 {
      %mul3A_672 = arith.constant 16 : i32
      %mul3A_673 = arith.muli %scan3A_670, %mul3A_672 : i32
      %get3A = arith.constant 0 : i32
      %get3A_674 = tpu.memref_slice %arg8[%scan3A_350, %get3A] : memref<32x1024xf32, #tpu.memory_space<vmem>> -> memref<1x1024xf32, #tpu.memory_space<vmem>>
      %get3A_675 = tpu.memref_squeeze %get3A_674 : memref<1x1024xf32, #tpu.memory_space<vmem>> -> memref<1024xf32, #tpu.memory_space<vmem>>
      %get3A_676 = arith.index_cast %mul3A_673 : i32 to index
      %get3A_677 = tpu.vector_load %get3A_675[%get3A_676] {strides = array<i32>} : memref<1024xf32, #tpu.memory_space<vmem>>, vector<16xf32>,
      %get3A_678 = vector.shape_cast %get3A_677 : vector<16xf32> to vector<16xf32>
      %get3A_679 = arith.constant 0 : i32
      %get3A_680 = tpu.memref_slice %arg9[%scan3A_351, %get3A_679] : memref<32x1024xf32, #tpu.memory_space<vmem>> -> memref<1x1024xf32, #tpu.memory_space<vmem>>
      %get3A_681 = tpu.memref_squeeze %get3A_680 : memref<1x1024xf32, #tpu.memory_space<vmem>> -> memref<1024xf32, #tpu.memory_space<vmem>>
      %get3A_682 = arith.index_cast %mul3A_673 : i32 to index
      %get3A_683 = tpu.vector_load %get3A_681[%get3A_682] {strides = array<i32>} : memref<1024xf32, #tpu.memory_space<vmem>>, vector<16xf32>,
      %get3A_684 = vector.shape_cast %get3A_683 : vector<16xf32> to vector<16xf32>
      %add3A_685 = arith.addf %get3A_678, %get3A_684 : vector<16xf32>
      %swap3A = arith.constant 0 : i32
      %swap3A_686 = tpu.memref_slice %arg10[%scan3A_352, %swap3A] : memref<32x1024xf32, #tpu.memory_space<vmem>> -> memref<1x1024xf32, #tpu.memory_space<vmem>>
      %swap3A_687 = tpu.memref_squeeze %swap3A_686 : memref<1x1024xf32, #tpu.memory_space<vmem>> -> memref<1024xf32, #tpu.memory_space<vmem>>
      %swap3A_688 = arith.index_cast %mul3A_673 : i32 to index
      %swap3A_689 = tpu.vector_load %swap3A_687[%swap3A_688] {strides = array<i32>} : memref<1024xf32, #tpu.memory_space<vmem>>, vector<16xf32>,
      %swap3A_690 = vector.shape_cast %swap3A_689 : vector<16xf32> to vector<16xf32>
      %swap3A_691 = vector.shape_cast %add3A_685 : vector<16xf32> to vector<16xf32>
      tpu.vector_store %swap3A_687[%swap3A_688], %swap3A_691 {strides = array<i32>} : memref<1024xf32, #tpu.memory_space<vmem>>, vector<16xf32>,
      %scan3A_692 = arith.constant 0 : i32
      scf.yield %scan3A_692 : i32
    }
    %scan3A_359 = arith.constant 64 : i32
    %scan3A_360 = arith.constant 1 : i32
    %scan3A_361 = arith.constant 1 : i32
    %scan3A_362 = arith.constant 1 : i32
    %scan3A_363 = arith.constant 0 : i32
    %scan3A_364 = arith.constant 0 : i32
    %scan3A_365 = arith.constant 64 : i32
    %scan3A_366 = arith.addi %scan3A_364, %scan3A_365 : i32
    %scan3A_367 = arith.constant 1 : i32
    %scan3A_368 = scf.for %scan3A_670 = %scan3A_364 to %scan3A_366 step %scan3A_367 iter_args(%scan3A_671 = %scan3A_363) -> (i32)  : i32 {
      %mul3A_672 = arith.constant 16 : i32
      %mul3A_673 = arith.muli %scan3A_670, %mul3A_672 : i32
      %get3A = arith.constant 0 : i32
      %get3A_674 = tpu.memref_slice %arg8[%scan3A_360, %get3A] : memref<32x1024xf32, #tpu.memory_space<vmem>> -> memref<1x1024xf32, #tpu.memory_space<vmem>>
      %get3A_675 = tpu.memref_squeeze %get3A_674 : memref<1x1024xf32, #tpu.memory_space<vmem>> -> memref<1024xf32, #tpu.memory_space<vmem>>
      %get3A_676 = arith.index_cast %mul3A_673 : i32 to index
      %get3A_677 = tpu.vector_load %get3A_675[%get3A_676] {strides = array<i32>} : memref<1024xf32, #tpu.memory_space<vmem>>, vector<16xf32>,
      %get3A_678 = vector.shape_cast %get3A_677 : vector<16xf32> to vector<16xf32>
      %get3A_679 = arith.constant 0 : i32
      %get3A_680 = tpu.memref_slice %arg9[%scan3A_361, %get3A_679] : memref<32x1024xf32, #tpu.memory_space<vmem>> -> memref<1x1024xf32, #tpu.memory_space<vmem>>
      %get3A_681 = tpu.memref_squeeze %get3A_680 : memref<1x1024xf32, #tpu.memory_space<vmem>> -> memref<1024xf32, #tpu.memory_space<vmem>>
      %get3A_682 = arith.index_cast %mul3A_673 : i32 to index
      %get3A_683 = tpu.vector_load %get3A_681[%get3A_682] {strides = array<i32>} : memref<1024xf32, #tpu.memory_space<vmem>>, vector<16xf32>,
      %get3A_684 = vector.shape_cast %get3A_683 : vector<16xf32> to vector<16xf32>
      %add3A_685 = arith.addf %get3A_678, %get3A_684 : vector<16xf32>
      %swap3A = arith.constant 0 : i32
      %swap3A_686 = tpu.memref_slice %arg10[%scan3A_362, %swap3A] : memref<32x1024xf32, #tpu.memory_space<vmem>> -> memref<1x1024xf32, #tpu.memory_space<vmem>>
      %swap3A_687 = tpu.memref_squeeze %swap3A_686 : memref<1x1024xf32, #tpu.memory_space<vmem>> -> memref<1024xf32, #tpu.memory_space<vmem>>
      %swap3A_688 = arith.index_cast %mul3A_673 : i32 to index
      %swap3A_689 = tpu.vector_load %swap3A_687[%swap3A_688] {strides = array<i32>} : memref<1024xf32, #tpu.memory_space<vmem>>, vector<16xf32>,
      %swap3A_690 = vector.shape_cast %swap3A_689 : vector<16xf32> to vector<16xf32>
      %swap3A_691 = vector.shape_cast %add3A_685 : vector<16xf32> to vector<16xf32>
      tpu.vector_store %swap3A_687[%swap3A_688], %swap3A_691 {strides = array<i32>} : memref<1024xf32, #tpu.memory_space<vmem>>, vector<16xf32>,
      %scan3A_692 = arith.constant 0 : i32
      scf.yield %scan3A_692 : i32
    }
    %scan3A_369 = arith.constant 64 : i32
    %scan3A_370 = arith.constant 2 : i32
    %scan3A_371 = arith.constant 2 : i32
    %scan3A_372 = arith.constant 2 : i32
    %scan3A_373 = arith.constant 0 : i32
    %scan3A_374 = arith.constant 0 : i32
    %scan3A_375 = arith.constant 64 : i32
    %scan3A_376 = arith.addi %scan3A_374, %scan3A_375 : i32
    %scan3A_377 = arith.constant 1 : i32
    %scan3A_378 = scf.for %scan3A_670 = %scan3A_374 to %scan3A_376 step %scan3A_377 iter_args(%scan3A_671 = %scan3A_373) -> (i32)  : i32 {
      %mul3A_672 = arith.constant 16 : i32
      %mul3A_673 = arith.muli %scan3A_670, %mul3A_672 : i32
      %get3A = arith.constant 0 : i32
      %get3A_674 = tpu.memref_slice %arg8[%scan3A_370, %get3A] : memref<32x1024xf32, #tpu.memory_space<vmem>> -> memref<1x1024xf32, #tpu.memory_space<vmem>>
      %get3A_675 = tpu.memref_squeeze %get3A_674 : memref<1x1024xf32, #tpu.memory_space<vmem>> -> memref<1024xf32, #tpu.memory_space<vmem>>
      %get3A_676 = arith.index_cast %mul3A_673 : i32 to index
      %get3A_677 = tpu.vector_load %get3A_675[%get3A_676] {strides = array<i32>} : memref<1024xf32, #tpu.memory_space<vmem>>, vector<16xf32>,
      %get3A_678 = vector.shape_cast %get3A_677 : vector<16xf32> to vector<16xf32>
      %get3A_679 = arith.constant 0 : i32
      %get3A_680 = tpu.memref_slice %arg9[%scan3A_371, %get3A_679] : memref<32x1024xf32, #tpu.memory_space<vmem>> -> memref<1x1024xf32, #tpu.memory_space<vmem>>
      %get3A_681 = tpu.memref_squeeze %get3A_680 : memref<1x1024xf32, #tpu.memory_space<vmem>> -> memref<1024xf32, #tpu.memory_space<vmem>>
      %get3A_682 = arith.index_cast %mul3A_673 : i32 to index
      %get3A_683 = tpu.vector_load %get3A_681[%get3A_682] {strides = array<i32>} : memref<1024xf32, #tpu.memory_space<vmem>>, vector<16xf32>,
      %get3A_684 = vector.shape_cast %get3A_683 : vector<16xf32> to vector<16xf32>
      %add3A_685 = arith.addf %get3A_678, %get3A_684 : vector<16xf32>
      %swap3A = arith.constant 0 : i32
      %swap3A_686 = tpu.memref_slice %arg10[%scan3A_372, %swap3A] : memref<32x1024xf32, #tpu.memory_space<vmem>> -> memref<1x1024xf32, #tpu.memory_space<vmem>>
      %swap3A_687 = tpu.memref_squeeze %swap3A_686 : memref<1x1024xf32, #tpu.memory_space<vmem>> -> memref<1024xf32, #tpu.memory_space<vmem>>
      %swap3A_688 = arith.index_cast %mul3A_673 : i32 to index
      %swap3A_689 = tpu.vector_load %swap3A_687[%swap3A_688] {strides = array<i32>} : memref<1024xf32, #tpu.memory_space<vmem>>, vector<16xf32>,
      %swap3A_690 = vector.shape_cast %swap3A_689 : vector<16xf32> to vector<16xf32>
      %swap3A_691 = vector.shape_cast %add3A_685 : vector<16xf32> to vector<16xf32>
      tpu.vector_store %swap3A_687[%swap3A_688], %swap3A_691 {strides = array<i32>} : memref<1024xf32, #tpu.memory_space<vmem>>, vector<16xf32>,
      %scan3A_692 = arith.constant 0 : i32
      scf.yield %scan3A_692 : i32
    }
    %scan3A_379 = arith.constant 64 : i32
    %scan3A_380 = arith.constant 3 : i32
    %scan3A_381 = arith.constant 3 : i32
    %scan3A_382 = arith.constant 3 : i32
    %scan3A_383 = arith.constant 0 : i32
    %scan3A_384 = arith.constant 0 : i32
    %scan3A_385 = arith.constant 64 : i32
    %scan3A_386 = arith.addi %scan3A_384, %scan3A_385 : i32
    %scan3A_387 = arith.constant 1 : i32
    %scan3A_388 = scf.for %scan3A_670 = %scan3A_384 to %scan3A_386 step %scan3A_387 iter_args(%scan3A_671 = %scan3A_383) -> (i32)  : i32 {
      %mul3A_672 = arith.constant 16 : i32
      %mul3A_673 = arith.muli %scan3A_670, %mul3A_672 : i32
      %get3A = arith.constant 0 : i32
      %get3A_674 = tpu.memref_slice %arg8[%scan3A_380, %get3A] : memref<32x1024xf32, #tpu.memory_space<vmem>> -> memref<1x1024xf32, #tpu.memory_space<vmem>>
      %get3A_675 = tpu.memref_squeeze %get3A_674 : memref<1x1024xf32, #tpu.memory_space<vmem>> -> memref<1024xf32, #tpu.memory_space<vmem>>
      %get3A_676 = arith.index_cast %mul3A_673 : i32 to index
      %get3A_677 = tpu.vector_load %get3A_675[%get3A_676] {strides = array<i32>} : memref<1024xf32, #tpu.memory_space<vmem>>, vector<16xf32>,
      %get3A_678 = vector.shape_cast %get3A_677 : vector<16xf32> to vector<16xf32>
      %get3A_679 = arith.constant 0 : i32
      %get3A_680 = tpu.memref_slice %arg9[%scan3A_381, %get3A_679] : memref<32x1024xf32, #tpu.memory_space<vmem>> -> memref<1x1024xf32, #tpu.memory_space<vmem>>
      %get3A_681 = tpu.memref_squeeze %get3A_680 : memref<1x1024xf32, #tpu.memory_space<vmem>> -> memref<1024xf32, #tpu.memory_space<vmem>>
      %get3A_682 = arith.index_cast %mul3A_673 : i32 to index
      %get3A_683 = tpu.vector_load %get3A_681[%get3A_682] {strides = array<i32>} : memref<1024xf32, #tpu.memory_space<vmem>>, vector<16xf32>,
      %get3A_684 = vector.shape_cast %get3A_683 : vector<16xf32> to vector<16xf32>
      %add3A_685 = arith.addf %get3A_678, %get3A_684 : vector<16xf32>
      %swap3A = arith.constant 0 : i32
      %swap3A_686 = tpu.memref_slice %arg10[%scan3A_382, %swap3A] : memref<32x1024xf32, #tpu.memory_space<vmem>> -> memref<1x1024xf32, #tpu.memory_space<vmem>>
      %swap3A_687 = tpu.memref_squeeze %swap3A_686 : memref<1x1024xf32, #tpu.memory_space<vmem>> -> memref<1024xf32, #tpu.memory_space<vmem>>
      %swap3A_688 = arith.index_cast %mul3A_673 : i32 to index
      %swap3A_689 = tpu.vector_load %swap3A_687[%swap3A_688] {strides = array<i32>} : memref<1024xf32, #tpu.memory_space<vmem>>, vector<16xf32>,
      %swap3A_690 = vector.shape_cast %swap3A_689 : vector<16xf32> to vector<16xf32>
      %swap3A_691 = vector.shape_cast %add3A_685 : vector<16xf32> to vector<16xf32>
      tpu.vector_store %swap3A_687[%swap3A_688], %swap3A_691 {strides = array<i32>} : memref<1024xf32, #tpu.memory_space<vmem>>, vector<16xf32>,
      %scan3A_692 = arith.constant 0 : i32
      scf.yield %scan3A_692 : i32
    }
    %scan3A_389 = arith.constant 64 : i32
    %scan3A_390 = arith.constant 4 : i32
    %scan3A_391 = arith.constant 4 : i32
    %scan3A_392 = arith.constant 4 : i32
    %scan3A_393 = arith.constant 0 : i32
    %scan3A_394 = arith.constant 0 : i32
    %scan3A_395 = arith.constant 64 : i32
    %scan3A_396 = arith.addi %scan3A_394, %scan3A_395 : i32
    %scan3A_397 = arith.constant 1 : i32
    %scan3A_398 = scf.for %scan3A_670 = %scan3A_394 to %scan3A_396 step %scan3A_397 iter_args(%scan3A_671 = %scan3A_393) -> (i32)  : i32 {
      %mul3A_672 = arith.constant 16 : i32
      %mul3A_673 = arith.muli %scan3A_670, %mul3A_672 : i32
      %get3A = arith.constant 0 : i32
      %get3A_674 = tpu.memref_slice %arg8[%scan3A_390, %get3A] : memref<32x1024xf32, #tpu.memory_space<vmem>> -> memref<1x1024xf32, #tpu.memory_space<vmem>>
      %get3A_675 = tpu.memref_squeeze %get3A_674 : memref<1x1024xf32, #tpu.memory_space<vmem>> -> memref<1024xf32, #tpu.memory_space<vmem>>
      %get3A_676 = arith.index_cast %mul3A_673 : i32 to index
      %get3A_677 = tpu.vector_load %get3A_675[%get3A_676] {strides = array<i32>} : memref<1024xf32, #tpu.memory_space<vmem>>, vector<16xf32>,
      %get3A_678 = vector.shape_cast %get3A_677 : vector<16xf32> to vector<16xf32>
      %get3A_679 = arith.constant 0 : i32
      %get3A_680 = tpu.memref_slice %arg9[%scan3A_391, %get3A_679] : memref<32x1024xf32, #tpu.memory_space<vmem>> -> memref<1x1024xf32, #tpu.memory_space<vmem>>
      %get3A_681 = tpu.memref_squeeze %get3A_680 : memref<1x1024xf32, #tpu.memory_space<vmem>> -> memref<1024xf32, #tpu.memory_space<vmem>>
      %get3A_682 = arith.index_cast %mul3A_673 : i32 to index
      %get3A_683 = tpu.vector_load %get3A_681[%get3A_682] {strides = array<i32>} : memref<1024xf32, #tpu.memory_space<vmem>>, vector<16xf32>,
      %get3A_684 = vector.shape_cast %get3A_683 : vector<16xf32> to vector<16xf32>
      %add3A_685 = arith.addf %get3A_678, %get3A_684 : vector<16xf32>
      %swap3A = arith.constant 0 : i32
      %swap3A_686 = tpu.memref_slice %arg10[%scan3A_392, %swap3A] : memref<32x1024xf32, #tpu.memory_space<vmem>> -> memref<1x1024xf32, #tpu.memory_space<vmem>>
      %swap3A_687 = tpu.memref_squeeze %swap3A_686 : memref<1x1024xf32, #tpu.memory_space<vmem>> -> memref<1024xf32, #tpu.memory_space<vmem>>
      %swap3A_688 = arith.index_cast %mul3A_673 : i32 to index
      %swap3A_689 = tpu.vector_load %swap3A_687[%swap3A_688] {strides = array<i32>} : memref<1024xf32, #tpu.memory_space<vmem>>, vector<16xf32>,
      %swap3A_690 = vector.shape_cast %swap3A_689 : vector<16xf32> to vector<16xf32>
      %swap3A_691 = vector.shape_cast %add3A_685 : vector<16xf32> to vector<16xf32>
      tpu.vector_store %swap3A_687[%swap3A_688], %swap3A_691 {strides = array<i32>} : memref<1024xf32, #tpu.memory_space<vmem>>, vector<16xf32>,
      %scan3A_692 = arith.constant 0 : i32
      scf.yield %scan3A_692 : i32
    }
    %scan3A_399 = arith.constant 64 : i32
    %scan3A_400 = arith.constant 5 : i32
    %scan3A_401 = arith.constant 5 : i32
    %scan3A_402 = arith.constant 5 : i32
    %scan3A_403 = arith.constant 0 : i32
    %scan3A_404 = arith.constant 0 : i32
    %scan3A_405 = arith.constant 64 : i32
    %scan3A_406 = arith.addi %scan3A_404, %scan3A_405 : i32
    %scan3A_407 = arith.constant 1 : i32
    %scan3A_408 = scf.for %scan3A_670 = %scan3A_404 to %scan3A_406 step %scan3A_407 iter_args(%scan3A_671 = %scan3A_403) -> (i32)  : i32 {
      %mul3A_672 = arith.constant 16 : i32
      %mul3A_673 = arith.muli %scan3A_670, %mul3A_672 : i32
      %get3A = arith.constant 0 : i32
      %get3A_674 = tpu.memref_slice %arg8[%scan3A_400, %get3A] : memref<32x1024xf32, #tpu.memory_space<vmem>> -> memref<1x1024xf32, #tpu.memory_space<vmem>>
      %get3A_675 = tpu.memref_squeeze %get3A_674 : memref<1x1024xf32, #tpu.memory_space<vmem>> -> memref<1024xf32, #tpu.memory_space<vmem>>
      %get3A_676 = arith.index_cast %mul3A_673 : i32 to index
      %get3A_677 = tpu.vector_load %get3A_675[%get3A_676] {strides = array<i32>} : memref<1024xf32, #tpu.memory_space<vmem>>, vector<16xf32>,
      %get3A_678 = vector.shape_cast %get3A_677 : vector<16xf32> to vector<16xf32>
      %get3A_679 = arith.constant 0 : i32
      %get3A_680 = tpu.memref_slice %arg9[%scan3A_401, %get3A_679] : memref<32x1024xf32, #tpu.memory_space<vmem>> -> memref<1x1024xf32, #tpu.memory_space<vmem>>
      %get3A_681 = tpu.memref_squeeze %get3A_680 : memref<1x1024xf32, #tpu.memory_space<vmem>> -> memref<1024xf32, #tpu.memory_space<vmem>>
      %get3A_682 = arith.index_cast %mul3A_673 : i32 to index
      %get3A_683 = tpu.vector_load %get3A_681[%get3A_682] {strides = array<i32>} : memref<1024xf32, #tpu.memory_space<vmem>>, vector<16xf32>,
      %get3A_684 = vector.shape_cast %get3A_683 : vector<16xf32> to vector<16xf32>
      %add3A_685 = arith.addf %get3A_678, %get3A_684 : vector<16xf32>
      %swap3A = arith.constant 0 : i32
      %swap3A_686 = tpu.memref_slice %arg10[%scan3A_402, %swap3A] : memref<32x1024xf32, #tpu.memory_space<vmem>> -> memref<1x1024xf32, #tpu.memory_space<vmem>>
      %swap3A_687 = tpu.memref_squeeze %swap3A_686 : memref<1x1024xf32, #tpu.memory_space<vmem>> -> memref<1024xf32, #tpu.memory_space<vmem>>
      %swap3A_688 = arith.index_cast %mul3A_673 : i32 to index
      %swap3A_689 = tpu.vector_load %swap3A_687[%swap3A_688] {strides = array<i32>} : memref<1024xf32, #tpu.memory_space<vmem>>, vector<16xf32>,
      %swap3A_690 = vector.shape_cast %swap3A_689 : vector<16xf32> to vector<16xf32>
      %swap3A_691 = vector.shape_cast %add3A_685 : vector<16xf32> to vector<16xf32>
      tpu.vector_store %swap3A_687[%swap3A_688], %swap3A_691 {strides = array<i32>} : memref<1024xf32, #tpu.memory_space<vmem>>, vector<16xf32>,
      %scan3A_692 = arith.constant 0 : i32
      scf.yield %scan3A_692 : i32
    }
    %scan3A_409 = arith.constant 64 : i32
    %scan3A_410 = arith.constant 6 : i32
    %scan3A_411 = arith.constant 6 : i32
    %scan3A_412 = arith.constant 6 : i32
    %scan3A_413 = arith.constant 0 : i32
    %scan3A_414 = arith.constant 0 : i32
    %scan3A_415 = arith.constant 64 : i32
    %scan3A_416 = arith.addi %scan3A_414, %scan3A_415 : i32
    %scan3A_417 = arith.constant 1 : i32
    %scan3A_418 = scf.for %scan3A_670 = %scan3A_414 to %scan3A_416 step %scan3A_417 iter_args(%scan3A_671 = %scan3A_413) -> (i32)  : i32 {
      %mul3A_672 = arith.constant 16 : i32
      %mul3A_673 = arith.muli %scan3A_670, %mul3A_672 : i32
      %get3A = arith.constant 0 : i32
      %get3A_674 = tpu.memref_slice %arg8[%scan3A_410, %get3A] : memref<32x1024xf32, #tpu.memory_space<vmem>> -> memref<1x1024xf32, #tpu.memory_space<vmem>>
      %get3A_675 = tpu.memref_squeeze %get3A_674 : memref<1x1024xf32, #tpu.memory_space<vmem>> -> memref<1024xf32, #tpu.memory_space<vmem>>
      %get3A_676 = arith.index_cast %mul3A_673 : i32 to index
      %get3A_677 = tpu.vector_load %get3A_675[%get3A_676] {strides = array<i32>} : memref<1024xf32, #tpu.memory_space<vmem>>, vector<16xf32>,
      %get3A_678 = vector.shape_cast %get3A_677 : vector<16xf32> to vector<16xf32>
      %get3A_679 = arith.constant 0 : i32
      %get3A_680 = tpu.memref_slice %arg9[%scan3A_411, %get3A_679] : memref<32x1024xf32, #tpu.memory_space<vmem>> -> memref<1x1024xf32, #tpu.memory_space<vmem>>
      %get3A_681 = tpu.memref_squeeze %get3A_680 : memref<1x1024xf32, #tpu.memory_space<vmem>> -> memref<1024xf32, #tpu.memory_space<vmem>>
      %get3A_682 = arith.index_cast %mul3A_673 : i32 to index
      %get3A_683 = tpu.vector_load %get3A_681[%get3A_682] {strides = array<i32>} : memref<1024xf32, #tpu.memory_space<vmem>>, vector<16xf32>,
      %get3A_684 = vector.shape_cast %get3A_683 : vector<16xf32> to vector<16xf32>
      %add3A_685 = arith.addf %get3A_678, %get3A_684 : vector<16xf32>
      %swap3A = arith.constant 0 : i32
      %swap3A_686 = tpu.memref_slice %arg10[%scan3A_412, %swap3A] : memref<32x1024xf32, #tpu.memory_space<vmem>> -> memref<1x1024xf32, #tpu.memory_space<vmem>>
      %swap3A_687 = tpu.memref_squeeze %swap3A_686 : memref<1x1024xf32, #tpu.memory_space<vmem>> -> memref<1024xf32, #tpu.memory_space<vmem>>
      %swap3A_688 = arith.index_cast %mul3A_673 : i32 to index
      %swap3A_689 = tpu.vector_load %swap3A_687[%swap3A_688] {strides = array<i32>} : memref<1024xf32, #tpu.memory_space<vmem>>, vector<16xf32>,
      %swap3A_690 = vector.shape_cast %swap3A_689 : vector<16xf32> to vector<16xf32>
      %swap3A_691 = vector.shape_cast %add3A_685 : vector<16xf32> to vector<16xf32>
      tpu.vector_store %swap3A_687[%swap3A_688], %swap3A_691 {strides = array<i32>} : memref<1024xf32, #tpu.memory_space<vmem>>, vector<16xf32>,
      %scan3A_692 = arith.constant 0 : i32
      scf.yield %scan3A_692 : i32
    }
    %scan3A_419 = arith.constant 64 : i32
    %scan3A_420 = arith.constant 7 : i32
    %scan3A_421 = arith.constant 7 : i32
    %scan3A_422 = arith.constant 7 : i32
    %scan3A_423 = arith.constant 0 : i32
    %scan3A_424 = arith.constant 0 : i32
    %scan3A_425 = arith.constant 64 : i32
    %scan3A_426 = arith.addi %scan3A_424, %scan3A_425 : i32
    %scan3A_427 = arith.constant 1 : i32
    %scan3A_428 = scf.for %scan3A_670 = %scan3A_424 to %scan3A_426 step %scan3A_427 iter_args(%scan3A_671 = %scan3A_423) -> (i32)  : i32 {
      %mul3A_672 = arith.constant 16 : i32
      %mul3A_673 = arith.muli %scan3A_670, %mul3A_672 : i32
      %get3A = arith.constant 0 : i32
      %get3A_674 = tpu.memref_slice %arg8[%scan3A_420, %get3A] : memref<32x1024xf32, #tpu.memory_space<vmem>> -> memref<1x1024xf32, #tpu.memory_space<vmem>>
      %get3A_675 = tpu.memref_squeeze %get3A_674 : memref<1x1024xf32, #tpu.memory_space<vmem>> -> memref<1024xf32, #tpu.memory_space<vmem>>
      %get3A_676 = arith.index_cast %mul3A_673 : i32 to index
      %get3A_677 = tpu.vector_load %get3A_675[%get3A_676] {strides = array<i32>} : memref<1024xf32, #tpu.memory_space<vmem>>, vector<16xf32>,
      %get3A_678 = vector.shape_cast %get3A_677 : vector<16xf32> to vector<16xf32>
      %get3A_679 = arith.constant 0 : i32
      %get3A_680 = tpu.memref_slice %arg9[%scan3A_421, %get3A_679] : memref<32x1024xf32, #tpu.memory_space<vmem>> -> memref<1x1024xf32, #tpu.memory_space<vmem>>
      %get3A_681 = tpu.memref_squeeze %get3A_680 : memref<1x1024xf32, #tpu.memory_space<vmem>> -> memref<1024xf32, #tpu.memory_space<vmem>>
      %get3A_682 = arith.index_cast %mul3A_673 : i32 to index
      %get3A_683 = tpu.vector_load %get3A_681[%get3A_682] {strides = array<i32>} : memref<1024xf32, #tpu.memory_space<vmem>>, vector<16xf32>,
      %get3A_684 = vector.shape_cast %get3A_683 : vector<16xf32> to vector<16xf32>
      %add3A_685 = arith.addf %get3A_678, %get3A_684 : vector<16xf32>
      %swap3A = arith.constant 0 : i32
      %swap3A_686 = tpu.memref_slice %arg10[%scan3A_422, %swap3A] : memref<32x1024xf32, #tpu.memory_space<vmem>> -> memref<1x1024xf32, #tpu.memory_space<vmem>>
      %swap3A_687 = tpu.memref_squeeze %swap3A_686 : memref<1x1024xf32, #tpu.memory_space<vmem>> -> memref<1024xf32, #tpu.memory_space<vmem>>
      %swap3A_688 = arith.index_cast %mul3A_673 : i32 to index
      %swap3A_689 = tpu.vector_load %swap3A_687[%swap3A_688] {strides = array<i32>} : memref<1024xf32, #tpu.memory_space<vmem>>, vector<16xf32>,
      %swap3A_690 = vector.shape_cast %swap3A_689 : vector<16xf32> to vector<16xf32>
      %swap3A_691 = vector.shape_cast %add3A_685 : vector<16xf32> to vector<16xf32>
      tpu.vector_store %swap3A_687[%swap3A_688], %swap3A_691 {strides = array<i32>} : memref<1024xf32, #tpu.memory_space<vmem>>, vector<16xf32>,
      %scan3A_692 = arith.constant 0 : i32
      scf.yield %scan3A_692 : i32
    }
    %scan3A_429 = arith.constant 64 : i32
    %scan3A_430 = arith.constant 8 : i32
    %scan3A_431 = arith.constant 8 : i32
    %scan3A_432 = arith.constant 8 : i32
    %scan3A_433 = arith.constant 0 : i32
    %scan3A_434 = arith.constant 0 : i32
    %scan3A_435 = arith.constant 64 : i32
    %scan3A_436 = arith.addi %scan3A_434, %scan3A_435 : i32
    %scan3A_437 = arith.constant 1 : i32
    %scan3A_438 = scf.for %scan3A_670 = %scan3A_434 to %scan3A_436 step %scan3A_437 iter_args(%scan3A_671 = %scan3A_433) -> (i32)  : i32 {
      %mul3A_672 = arith.constant 16 : i32
      %mul3A_673 = arith.muli %scan3A_670, %mul3A_672 : i32
      %get3A = arith.constant 0 : i32
      %get3A_674 = tpu.memref_slice %arg8[%scan3A_430, %get3A] : memref<32x1024xf32, #tpu.memory_space<vmem>> -> memref<1x1024xf32, #tpu.memory_space<vmem>>
      %get3A_675 = tpu.memref_squeeze %get3A_674 : memref<1x1024xf32, #tpu.memory_space<vmem>> -> memref<1024xf32, #tpu.memory_space<vmem>>
      %get3A_676 = arith.index_cast %mul3A_673 : i32 to index
      %get3A_677 = tpu.vector_load %get3A_675[%get3A_676] {strides = array<i32>} : memref<1024xf32, #tpu.memory_space<vmem>>, vector<16xf32>,
      %get3A_678 = vector.shape_cast %get3A_677 : vector<16xf32> to vector<16xf32>
      %get3A_679 = arith.constant 0 : i32
      %get3A_680 = tpu.memref_slice %arg9[%scan3A_431, %get3A_679] : memref<32x1024xf32, #tpu.memory_space<vmem>> -> memref<1x1024xf32, #tpu.memory_space<vmem>>
      %get3A_681 = tpu.memref_squeeze %get3A_680 : memref<1x1024xf32, #tpu.memory_space<vmem>> -> memref<1024xf32, #tpu.memory_space<vmem>>
      %get3A_682 = arith.index_cast %mul3A_673 : i32 to index
      %get3A_683 = tpu.vector_load %get3A_681[%get3A_682] {strides = array<i32>} : memref<1024xf32, #tpu.memory_space<vmem>>, vector<16xf32>,
      %get3A_684 = vector.shape_cast %get3A_683 : vector<16xf32> to vector<16xf32>
      %add3A_685 = arith.addf %get3A_678, %get3A_684 : vector<16xf32>
      %swap3A = arith.constant 0 : i32
      %swap3A_686 = tpu.memref_slice %arg10[%scan3A_432, %swap3A] : memref<32x1024xf32, #tpu.memory_space<vmem>> -> memref<1x1024xf32, #tpu.memory_space<vmem>>
      %swap3A_687 = tpu.memref_squeeze %swap3A_686 : memref<1x1024xf32, #tpu.memory_space<vmem>> -> memref<1024xf32, #tpu.memory_space<vmem>>
      %swap3A_688 = arith.index_cast %mul3A_673 : i32 to index
      %swap3A_689 = tpu.vector_load %swap3A_687[%swap3A_688] {strides = array<i32>} : memref<1024xf32, #tpu.memory_space<vmem>>, vector<16xf32>,
      %swap3A_690 = vector.shape_cast %swap3A_689 : vector<16xf32> to vector<16xf32>
      %swap3A_691 = vector.shape_cast %add3A_685 : vector<16xf32> to vector<16xf32>
      tpu.vector_store %swap3A_687[%swap3A_688], %swap3A_691 {strides = array<i32>} : memref<1024xf32, #tpu.memory_space<vmem>>, vector<16xf32>,
      %scan3A_692 = arith.constant 0 : i32
      scf.yield %scan3A_692 : i32
    }
    %scan3A_439 = arith.constant 64 : i32
    %scan3A_440 = arith.constant 9 : i32
    %scan3A_441 = arith.constant 9 : i32
    %scan3A_442 = arith.constant 9 : i32
    %scan3A_443 = arith.constant 0 : i32
    %scan3A_444 = arith.constant 0 : i32
    %scan3A_445 = arith.constant 64 : i32
    %scan3A_446 = arith.addi %scan3A_444, %scan3A_445 : i32
    %scan3A_447 = arith.constant 1 : i32
    %scan3A_448 = scf.for %scan3A_670 = %scan3A_444 to %scan3A_446 step %scan3A_447 iter_args(%scan3A_671 = %scan3A_443) -> (i32)  : i32 {
      %mul3A_672 = arith.constant 16 : i32
      %mul3A_673 = arith.muli %scan3A_670, %mul3A_672 : i32
      %get3A = arith.constant 0 : i32
      %get3A_674 = tpu.memref_slice %arg8[%scan3A_440, %get3A] : memref<32x1024xf32, #tpu.memory_space<vmem>> -> memref<1x1024xf32, #tpu.memory_space<vmem>>
      %get3A_675 = tpu.memref_squeeze %get3A_674 : memref<1x1024xf32, #tpu.memory_space<vmem>> -> memref<1024xf32, #tpu.memory_space<vmem>>
      %get3A_676 = arith.index_cast %mul3A_673 : i32 to index
      %get3A_677 = tpu.vector_load %get3A_675[%get3A_676] {strides = array<i32>} : memref<1024xf32, #tpu.memory_space<vmem>>, vector<16xf32>,
      %get3A_678 = vector.shape_cast %get3A_677 : vector<16xf32> to vector<16xf32>
      %get3A_679 = arith.constant 0 : i32
      %get3A_680 = tpu.memref_slice %arg9[%scan3A_441, %get3A_679] : memref<32x1024xf32, #tpu.memory_space<vmem>> -> memref<1x1024xf32, #tpu.memory_space<vmem>>
      %get3A_681 = tpu.memref_squeeze %get3A_680 : memref<1x1024xf32, #tpu.memory_space<vmem>> -> memref<1024xf32, #tpu.memory_space<vmem>>
      %get3A_682 = arith.index_cast %mul3A_673 : i32 to index
      %get3A_683 = tpu.vector_load %get3A_681[%get3A_682] {strides = array<i32>} : memref<1024xf32, #tpu.memory_space<vmem>>, vector<16xf32>,
      %get3A_684 = vector.shape_cast %get3A_683 : vector<16xf32> to vector<16xf32>
      %add3A_685 = arith.addf %get3A_678, %get3A_684 : vector<16xf32>
      %swap3A = arith.constant 0 : i32
      %swap3A_686 = tpu.memref_slice %arg10[%scan3A_442, %swap3A] : memref<32x1024xf32, #tpu.memory_space<vmem>> -> memref<1x1024xf32, #tpu.memory_space<vmem>>
      %swap3A_687 = tpu.memref_squeeze %swap3A_686 : memref<1x1024xf32, #tpu.memory_space<vmem>> -> memref<1024xf32, #tpu.memory_space<vmem>>
      %swap3A_688 = arith.index_cast %mul3A_673 : i32 to index
      %swap3A_689 = tpu.vector_load %swap3A_687[%swap3A_688] {strides = array<i32>} : memref<1024xf32, #tpu.memory_space<vmem>>, vector<16xf32>,
      %swap3A_690 = vector.shape_cast %swap3A_689 : vector<16xf32> to vector<16xf32>
      %swap3A_691 = vector.shape_cast %add3A_685 : vector<16xf32> to vector<16xf32>
      tpu.vector_store %swap3A_687[%swap3A_688], %swap3A_691 {strides = array<i32>} : memref<1024xf32, #tpu.memory_space<vmem>>, vector<16xf32>,
      %scan3A_692 = arith.constant 0 : i32
      scf.yield %scan3A_692 : i32
    }
    %scan3A_449 = arith.constant 64 : i32
    %scan3A_450 = arith.constant 10 : i32
    %scan3A_451 = arith.constant 10 : i32
    %scan3A_452 = arith.constant 10 : i32
    %scan3A_453 = arith.constant 0 : i32
    %scan3A_454 = arith.constant 0 : i32
    %scan3A_455 = arith.constant 64 : i32
    %scan3A_456 = arith.addi %scan3A_454, %scan3A_455 : i32
    %scan3A_457 = arith.constant 1 : i32
    %scan3A_458 = scf.for %scan3A_670 = %scan3A_454 to %scan3A_456 step %scan3A_457 iter_args(%scan3A_671 = %scan3A_453) -> (i32)  : i32 {
      %mul3A_672 = arith.constant 16 : i32
      %mul3A_673 = arith.muli %scan3A_670, %mul3A_672 : i32
      %get3A = arith.constant 0 : i32
      %get3A_674 = tpu.memref_slice %arg8[%scan3A_450, %get3A] : memref<32x1024xf32, #tpu.memory_space<vmem>> -> memref<1x1024xf32, #tpu.memory_space<vmem>>
      %get3A_675 = tpu.memref_squeeze %get3A_674 : memref<1x1024xf32, #tpu.memory_space<vmem>> -> memref<1024xf32, #tpu.memory_space<vmem>>
      %get3A_676 = arith.index_cast %mul3A_673 : i32 to index
      %get3A_677 = tpu.vector_load %get3A_675[%get3A_676] {strides = array<i32>} : memref<1024xf32, #tpu.memory_space<vmem>>, vector<16xf32>,
      %get3A_678 = vector.shape_cast %get3A_677 : vector<16xf32> to vector<16xf32>
      %get3A_679 = arith.constant 0 : i32
      %get3A_680 = tpu.memref_slice %arg9[%scan3A_451, %get3A_679] : memref<32x1024xf32, #tpu.memory_space<vmem>> -> memref<1x1024xf32, #tpu.memory_space<vmem>>
      %get3A_681 = tpu.memref_squeeze %get3A_680 : memref<1x1024xf32, #tpu.memory_space<vmem>> -> memref<1024xf32, #tpu.memory_space<vmem>>
      %get3A_682 = arith.index_cast %mul3A_673 : i32 to index
      %get3A_683 = tpu.vector_load %get3A_681[%get3A_682] {strides = array<i32>} : memref<1024xf32, #tpu.memory_space<vmem>>, vector<16xf32>,
      %get3A_684 = vector.shape_cast %get3A_683 : vector<16xf32> to vector<16xf32>
      %add3A_685 = arith.addf %get3A_678, %get3A_684 : vector<16xf32>
      %swap3A = arith.constant 0 : i32
      %swap3A_686 = tpu.memref_slice %arg10[%scan3A_452, %swap3A] : memref<32x1024xf32, #tpu.memory_space<vmem>> -> memref<1x1024xf32, #tpu.memory_space<vmem>>
      %swap3A_687 = tpu.memref_squeeze %swap3A_686 : memref<1x1024xf32, #tpu.memory_space<vmem>> -> memref<1024xf32, #tpu.memory_space<vmem>>
      %swap3A_688 = arith.index_cast %mul3A_673 : i32 to index
      %swap3A_689 = tpu.vector_load %swap3A_687[%swap3A_688] {strides = array<i32>} : memref<1024xf32, #tpu.memory_space<vmem>>, vector<16xf32>,
      %swap3A_690 = vector.shape_cast %swap3A_689 : vector<16xf32> to vector<16xf32>
      %swap3A_691 = vector.shape_cast %add3A_685 : vector<16xf32> to vector<16xf32>
      tpu.vector_store %swap3A_687[%swap3A_688], %swap3A_691 {strides = array<i32>} : memref<1024xf32, #tpu.memory_space<vmem>>, vector<16xf32>,
      %scan3A_692 = arith.constant 0 : i32
      scf.yield %scan3A_692 : i32
    }
    %scan3A_459 = arith.constant 64 : i32
    %scan3A_460 = arith.constant 11 : i32
    %scan3A_461 = arith.constant 11 : i32
    %scan3A_462 = arith.constant 11 : i32
    %scan3A_463 = arith.constant 0 : i32
    %scan3A_464 = arith.constant 0 : i32
    %scan3A_465 = arith.constant 64 : i32
    %scan3A_466 = arith.addi %scan3A_464, %scan3A_465 : i32
    %scan3A_467 = arith.constant 1 : i32
    %scan3A_468 = scf.for %scan3A_670 = %scan3A_464 to %scan3A_466 step %scan3A_467 iter_args(%scan3A_671 = %scan3A_463) -> (i32)  : i32 {
      %mul3A_672 = arith.constant 16 : i32
      %mul3A_673 = arith.muli %scan3A_670, %mul3A_672 : i32
      %get3A = arith.constant 0 : i32
      %get3A_674 = tpu.memref_slice %arg8[%scan3A_460, %get3A] : memref<32x1024xf32, #tpu.memory_space<vmem>> -> memref<1x1024xf32, #tpu.memory_space<vmem>>
      %get3A_675 = tpu.memref_squeeze %get3A_674 : memref<1x1024xf32, #tpu.memory_space<vmem>> -> memref<1024xf32, #tpu.memory_space<vmem>>
      %get3A_676 = arith.index_cast %mul3A_673 : i32 to index
      %get3A_677 = tpu.vector_load %get3A_675[%get3A_676] {strides = array<i32>} : memref<1024xf32, #tpu.memory_space<vmem>>, vector<16xf32>,
      %get3A_678 = vector.shape_cast %get3A_677 : vector<16xf32> to vector<16xf32>
      %get3A_679 = arith.constant 0 : i32
      %get3A_680 = tpu.memref_slice %arg9[%scan3A_461, %get3A_679] : memref<32x1024xf32, #tpu.memory_space<vmem>> -> memref<1x1024xf32, #tpu.memory_space<vmem>>
      %get3A_681 = tpu.memref_squeeze %get3A_680 : memref<1x1024xf32, #tpu.memory_space<vmem>> -> memref<1024xf32, #tpu.memory_space<vmem>>
      %get3A_682 = arith.index_cast %mul3A_673 : i32 to index
      %get3A_683 = tpu.vector_load %get3A_681[%get3A_682] {strides = array<i32>} : memref<1024xf32, #tpu.memory_space<vmem>>, vector<16xf32>,
      %get3A_684 = vector.shape_cast %get3A_683 : vector<16xf32> to vector<16xf32>
      %add3A_685 = arith.addf %get3A_678, %get3A_684 : vector<16xf32>
      %swap3A = arith.constant 0 : i32
      %swap3A_686 = tpu.memref_slice %arg10[%scan3A_462, %swap3A] : memref<32x1024xf32, #tpu.memory_space<vmem>> -> memref<1x1024xf32, #tpu.memory_space<vmem>>
      %swap3A_687 = tpu.memref_squeeze %swap3A_686 : memref<1x1024xf32, #tpu.memory_space<vmem>> -> memref<1024xf32, #tpu.memory_space<vmem>>
      %swap3A_688 = arith.index_cast %mul3A_673 : i32 to index
      %swap3A_689 = tpu.vector_load %swap3A_687[%swap3A_688] {strides = array<i32>} : memref<1024xf32, #tpu.memory_space<vmem>>, vector<16xf32>,
      %swap3A_690 = vector.shape_cast %swap3A_689 : vector<16xf32> to vector<16xf32>
      %swap3A_691 = vector.shape_cast %add3A_685 : vector<16xf32> to vector<16xf32>
      tpu.vector_store %swap3A_687[%swap3A_688], %swap3A_691 {strides = array<i32>} : memref<1024xf32, #tpu.memory_space<vmem>>, vector<16xf32>,
      %scan3A_692 = arith.constant 0 : i32
      scf.yield %scan3A_692 : i32
    }
    %scan3A_469 = arith.constant 64 : i32
    %scan3A_470 = arith.constant 12 : i32
    %scan3A_471 = arith.constant 12 : i32
    %scan3A_472 = arith.constant 12 : i32
    %scan3A_473 = arith.constant 0 : i32
    %scan3A_474 = arith.constant 0 : i32
    %scan3A_475 = arith.constant 64 : i32
    %scan3A_476 = arith.addi %scan3A_474, %scan3A_475 : i32
    %scan3A_477 = arith.constant 1 : i32
    %scan3A_478 = scf.for %scan3A_670 = %scan3A_474 to %scan3A_476 step %scan3A_477 iter_args(%scan3A_671 = %scan3A_473) -> (i32)  : i32 {
      %mul3A_672 = arith.constant 16 : i32
      %mul3A_673 = arith.muli %scan3A_670, %mul3A_672 : i32
      %get3A = arith.constant 0 : i32
      %get3A_674 = tpu.memref_slice %arg8[%scan3A_470, %get3A] : memref<32x1024xf32, #tpu.memory_space<vmem>> -> memref<1x1024xf32, #tpu.memory_space<vmem>>
      %get3A_675 = tpu.memref_squeeze %get3A_674 : memref<1x1024xf32, #tpu.memory_space<vmem>> -> memref<1024xf32, #tpu.memory_space<vmem>>
      %get3A_676 = arith.index_cast %mul3A_673 : i32 to index
      %get3A_677 = tpu.vector_load %get3A_675[%get3A_676] {strides = array<i32>} : memref<1024xf32, #tpu.memory_space<vmem>>, vector<16xf32>,
      %get3A_678 = vector.shape_cast %get3A_677 : vector<16xf32> to vector<16xf32>
      %get3A_679 = arith.constant 0 : i32
      %get3A_680 = tpu.memref_slice %arg9[%scan3A_471, %get3A_679] : memref<32x1024xf32, #tpu.memory_space<vmem>> -> memref<1x1024xf32, #tpu.memory_space<vmem>>
      %get3A_681 = tpu.memref_squeeze %get3A_680 : memref<1x1024xf32, #tpu.memory_space<vmem>> -> memref<1024xf32, #tpu.memory_space<vmem>>
      %get3A_682 = arith.index_cast %mul3A_673 : i32 to index
      %get3A_683 = tpu.vector_load %get3A_681[%get3A_682] {strides = array<i32>} : memref<1024xf32, #tpu.memory_space<vmem>>, vector<16xf32>,
      %get3A_684 = vector.shape_cast %get3A_683 : vector<16xf32> to vector<16xf32>
      %add3A_685 = arith.addf %get3A_678, %get3A_684 : vector<16xf32>
      %swap3A = arith.constant 0 : i32
      %swap3A_686 = tpu.memref_slice %arg10[%scan3A_472, %swap3A] : memref<32x1024xf32, #tpu.memory_space<vmem>> -> memref<1x1024xf32, #tpu.memory_space<vmem>>
      %swap3A_687 = tpu.memref_squeeze %swap3A_686 : memref<1x1024xf32, #tpu.memory_space<vmem>> -> memref<1024xf32, #tpu.memory_space<vmem>>
      %swap3A_688 = arith.index_cast %mul3A_673 : i32 to index
      %swap3A_689 = tpu.vector_load %swap3A_687[%swap3A_688] {strides = array<i32>} : memref<1024xf32, #tpu.memory_space<vmem>>, vector<16xf32>,
      %swap3A_690 = vector.shape_cast %swap3A_689 : vector<16xf32> to vector<16xf32>
      %swap3A_691 = vector.shape_cast %add3A_685 : vector<16xf32> to vector<16xf32>
      tpu.vector_store %swap3A_687[%swap3A_688], %swap3A_691 {strides = array<i32>} : memref<1024xf32, #tpu.memory_space<vmem>>, vector<16xf32>,
      %scan3A_692 = arith.constant 0 : i32
      scf.yield %scan3A_692 : i32
    }
    %scan3A_479 = arith.constant 64 : i32
    %scan3A_480 = arith.constant 13 : i32
    %scan3A_481 = arith.constant 13 : i32
    %scan3A_482 = arith.constant 13 : i32
    %scan3A_483 = arith.constant 0 : i32
    %scan3A_484 = arith.constant 0 : i32
    %scan3A_485 = arith.constant 64 : i32
    %scan3A_486 = arith.addi %scan3A_484, %scan3A_485 : i32
    %scan3A_487 = arith.constant 1 : i32
    %scan3A_488 = scf.for %scan3A_670 = %scan3A_484 to %scan3A_486 step %scan3A_487 iter_args(%scan3A_671 = %scan3A_483) -> (i32)  : i32 {
      %mul3A_672 = arith.constant 16 : i32
      %mul3A_673 = arith.muli %scan3A_670, %mul3A_672 : i32
      %get3A = arith.constant 0 : i32
      %get3A_674 = tpu.memref_slice %arg8[%scan3A_480, %get3A] : memref<32x1024xf32, #tpu.memory_space<vmem>> -> memref<1x1024xf32, #tpu.memory_space<vmem>>
      %get3A_675 = tpu.memref_squeeze %get3A_674 : memref<1x1024xf32, #tpu.memory_space<vmem>> -> memref<1024xf32, #tpu.memory_space<vmem>>
      %get3A_676 = arith.index_cast %mul3A_673 : i32 to index
      %get3A_677 = tpu.vector_load %get3A_675[%get3A_676] {strides = array<i32>} : memref<1024xf32, #tpu.memory_space<vmem>>, vector<16xf32>,
      %get3A_678 = vector.shape_cast %get3A_677 : vector<16xf32> to vector<16xf32>
      %get3A_679 = arith.constant 0 : i32
      %get3A_680 = tpu.memref_slice %arg9[%scan3A_481, %get3A_679] : memref<32x1024xf32, #tpu.memory_space<vmem>> -> memref<1x1024xf32, #tpu.memory_space<vmem>>
      %get3A_681 = tpu.memref_squeeze %get3A_680 : memref<1x1024xf32, #tpu.memory_space<vmem>> -> memref<1024xf32, #tpu.memory_space<vmem>>
      %get3A_682 = arith.index_cast %mul3A_673 : i32 to index
      %get3A_683 = tpu.vector_load %get3A_681[%get3A_682] {strides = array<i32>} : memref<1024xf32, #tpu.memory_space<vmem>>, vector<16xf32>,
      %get3A_684 = vector.shape_cast %get3A_683 : vector<16xf32> to vector<16xf32>
      %add3A_685 = arith.addf %get3A_678, %get3A_684 : vector<16xf32>
      %swap3A = arith.constant 0 : i32
      %swap3A_686 = tpu.memref_slice %arg10[%scan3A_482, %swap3A] : memref<32x1024xf32, #tpu.memory_space<vmem>> -> memref<1x1024xf32, #tpu.memory_space<vmem>>
      %swap3A_687 = tpu.memref_squeeze %swap3A_686 : memref<1x1024xf32, #tpu.memory_space<vmem>> -> memref<1024xf32, #tpu.memory_space<vmem>>
      %swap3A_688 = arith.index_cast %mul3A_673 : i32 to index
      %swap3A_689 = tpu.vector_load %swap3A_687[%swap3A_688] {strides = array<i32>} : memref<1024xf32, #tpu.memory_space<vmem>>, vector<16xf32>,
      %swap3A_690 = vector.shape_cast %swap3A_689 : vector<16xf32> to vector<16xf32>
      %swap3A_691 = vector.shape_cast %add3A_685 : vector<16xf32> to vector<16xf32>
      tpu.vector_store %swap3A_687[%swap3A_688], %swap3A_691 {strides = array<i32>} : memref<1024xf32, #tpu.memory_space<vmem>>, vector<16xf32>,
      %scan3A_692 = arith.constant 0 : i32
      scf.yield %scan3A_692 : i32
    }
    %scan3A_489 = arith.constant 64 : i32
    %scan3A_490 = arith.constant 14 : i32
    %scan3A_491 = arith.constant 14 : i32
    %scan3A_492 = arith.constant 14 : i32
    %scan3A_493 = arith.constant 0 : i32
    %scan3A_494 = arith.constant 0 : i32
    %scan3A_495 = arith.constant 64 : i32
    %scan3A_496 = arith.addi %scan3A_494, %scan3A_495 : i32
    %scan3A_497 = arith.constant 1 : i32
    %scan3A_498 = scf.for %scan3A_670 = %scan3A_494 to %scan3A_496 step %scan3A_497 iter_args(%scan3A_671 = %scan3A_493) -> (i32)  : i32 {
      %mul3A_672 = arith.constant 16 : i32
      %mul3A_673 = arith.muli %scan3A_670, %mul3A_672 : i32
      %get3A = arith.constant 0 : i32
      %get3A_674 = tpu.memref_slice %arg8[%scan3A_490, %get3A] : memref<32x1024xf32, #tpu.memory_space<vmem>> -> memref<1x1024xf32, #tpu.memory_space<vmem>>
      %get3A_675 = tpu.memref_squeeze %get3A_674 : memref<1x1024xf32, #tpu.memory_space<vmem>> -> memref<1024xf32, #tpu.memory_space<vmem>>
      %get3A_676 = arith.index_cast %mul3A_673 : i32 to index
      %get3A_677 = tpu.vector_load %get3A_675[%get3A_676] {strides = array<i32>} : memref<1024xf32, #tpu.memory_space<vmem>>, vector<16xf32>,
      %get3A_678 = vector.shape_cast %get3A_677 : vector<16xf32> to vector<16xf32>
      %get3A_679 = arith.constant 0 : i32
      %get3A_680 = tpu.memref_slice %arg9[%scan3A_491, %get3A_679] : memref<32x1024xf32, #tpu.memory_space<vmem>> -> memref<1x1024xf32, #tpu.memory_space<vmem>>
      %get3A_681 = tpu.memref_squeeze %get3A_680 : memref<1x1024xf32, #tpu.memory_space<vmem>> -> memref<1024xf32, #tpu.memory_space<vmem>>
      %get3A_682 = arith.index_cast %mul3A_673 : i32 to index
      %get3A_683 = tpu.vector_load %get3A_681[%get3A_682] {strides = array<i32>} : memref<1024xf32, #tpu.memory_space<vmem>>, vector<16xf32>,
      %get3A_684 = vector.shape_cast %get3A_683 : vector<16xf32> to vector<16xf32>
      %add3A_685 = arith.addf %get3A_678, %get3A_684 : vector<16xf32>
      %swap3A = arith.constant 0 : i32
      %swap3A_686 = tpu.memref_slice %arg10[%scan3A_492, %swap3A] : memref<32x1024xf32, #tpu.memory_space<vmem>> -> memref<1x1024xf32, #tpu.memory_space<vmem>>
      %swap3A_687 = tpu.memref_squeeze %swap3A_686 : memref<1x1024xf32, #tpu.memory_space<vmem>> -> memref<1024xf32, #tpu.memory_space<vmem>>
      %swap3A_688 = arith.index_cast %mul3A_673 : i32 to index
      %swap3A_689 = tpu.vector_load %swap3A_687[%swap3A_688] {strides = array<i32>} : memref<1024xf32, #tpu.memory_space<vmem>>, vector<16xf32>,
      %swap3A_690 = vector.shape_cast %swap3A_689 : vector<16xf32> to vector<16xf32>
      %swap3A_691 = vector.shape_cast %add3A_685 : vector<16xf32> to vector<16xf32>
      tpu.vector_store %swap3A_687[%swap3A_688], %swap3A_691 {strides = array<i32>} : memref<1024xf32, #tpu.memory_space<vmem>>, vector<16xf32>,
      %scan3A_692 = arith.constant 0 : i32
      scf.yield %scan3A_692 : i32
    }
    %scan3A_499 = arith.constant 64 : i32
    %scan3A_500 = arith.constant 15 : i32
    %scan3A_501 = arith.constant 15 : i32
    %scan3A_502 = arith.constant 15 : i32
    %scan3A_503 = arith.constant 0 : i32
    %scan3A_504 = arith.constant 0 : i32
    %scan3A_505 = arith.constant 64 : i32
    %scan3A_506 = arith.addi %scan3A_504, %scan3A_505 : i32
    %scan3A_507 = arith.constant 1 : i32
    %scan3A_508 = scf.for %scan3A_670 = %scan3A_504 to %scan3A_506 step %scan3A_507 iter_args(%scan3A_671 = %scan3A_503) -> (i32)  : i32 {
      %mul3A_672 = arith.constant 16 : i32
      %mul3A_673 = arith.muli %scan3A_670, %mul3A_672 : i32
      %get3A = arith.constant 0 : i32
      %get3A_674 = tpu.memref_slice %arg8[%scan3A_500, %get3A] : memref<32x1024xf32, #tpu.memory_space<vmem>> -> memref<1x1024xf32, #tpu.memory_space<vmem>>
      %get3A_675 = tpu.memref_squeeze %get3A_674 : memref<1x1024xf32, #tpu.memory_space<vmem>> -> memref<1024xf32, #tpu.memory_space<vmem>>
      %get3A_676 = arith.index_cast %mul3A_673 : i32 to index
      %get3A_677 = tpu.vector_load %get3A_675[%get3A_676] {strides = array<i32>} : memref<1024xf32, #tpu.memory_space<vmem>>, vector<16xf32>,
      %get3A_678 = vector.shape_cast %get3A_677 : vector<16xf32> to vector<16xf32>
      %get3A_679 = arith.constant 0 : i32
      %get3A_680 = tpu.memref_slice %arg9[%scan3A_501, %get3A_679] : memref<32x1024xf32, #tpu.memory_space<vmem>> -> memref<1x1024xf32, #tpu.memory_space<vmem>>
      %get3A_681 = tpu.memref_squeeze %get3A_680 : memref<1x1024xf32, #tpu.memory_space<vmem>> -> memref<1024xf32, #tpu.memory_space<vmem>>
      %get3A_682 = arith.index_cast %mul3A_673 : i32 to index
      %get3A_683 = tpu.vector_load %get3A_681[%get3A_682] {strides = array<i32>} : memref<1024xf32, #tpu.memory_space<vmem>>, vector<16xf32>,
      %get3A_684 = vector.shape_cast %get3A_683 : vector<16xf32> to vector<16xf32>
      %add3A_685 = arith.addf %get3A_678, %get3A_684 : vector<16xf32>
      %swap3A = arith.constant 0 : i32
      %swap3A_686 = tpu.memref_slice %arg10[%scan3A_502, %swap3A] : memref<32x1024xf32, #tpu.memory_space<vmem>> -> memref<1x1024xf32, #tpu.memory_space<vmem>>
      %swap3A_687 = tpu.memref_squeeze %swap3A_686 : memref<1x1024xf32, #tpu.memory_space<vmem>> -> memref<1024xf32, #tpu.memory_space<vmem>>
      %swap3A_688 = arith.index_cast %mul3A_673 : i32 to index
      %swap3A_689 = tpu.vector_load %swap3A_687[%swap3A_688] {strides = array<i32>} : memref<1024xf32, #tpu.memory_space<vmem>>, vector<16xf32>,
      %swap3A_690 = vector.shape_cast %swap3A_689 : vector<16xf32> to vector<16xf32>
      %swap3A_691 = vector.shape_cast %add3A_685 : vector<16xf32> to vector<16xf32>
      tpu.vector_store %swap3A_687[%swap3A_688], %swap3A_691 {strides = array<i32>} : memref<1024xf32, #tpu.memory_space<vmem>>, vector<16xf32>,
      %scan3A_692 = arith.constant 0 : i32
      scf.yield %scan3A_692 : i32
    }
    %scan3A_509 = arith.constant 64 : i32
    %scan3A_510 = arith.constant 16 : i32
    %scan3A_511 = arith.constant 16 : i32
    %scan3A_512 = arith.constant 16 : i32
    %scan3A_513 = arith.constant 0 : i32
    %scan3A_514 = arith.constant 0 : i32
    %scan3A_515 = arith.constant 64 : i32
    %scan3A_516 = arith.addi %scan3A_514, %scan3A_515 : i32
    %scan3A_517 = arith.constant 1 : i32
    %scan3A_518 = scf.for %scan3A_670 = %scan3A_514 to %scan3A_516 step %scan3A_517 iter_args(%scan3A_671 = %scan3A_513) -> (i32)  : i32 {
      %mul3A_672 = arith.constant 16 : i32
      %mul3A_673 = arith.muli %scan3A_670, %mul3A_672 : i32
      %get3A = arith.constant 0 : i32
      %get3A_674 = tpu.memref_slice %arg8[%scan3A_510, %get3A] : memref<32x1024xf32, #tpu.memory_space<vmem>> -> memref<1x1024xf32, #tpu.memory_space<vmem>>
      %get3A_675 = tpu.memref_squeeze %get3A_674 : memref<1x1024xf32, #tpu.memory_space<vmem>> -> memref<1024xf32, #tpu.memory_space<vmem>>
      %get3A_676 = arith.index_cast %mul3A_673 : i32 to index
      %get3A_677 = tpu.vector_load %get3A_675[%get3A_676] {strides = array<i32>} : memref<1024xf32, #tpu.memory_space<vmem>>, vector<16xf32>,
      %get3A_678 = vector.shape_cast %get3A_677 : vector<16xf32> to vector<16xf32>
      %get3A_679 = arith.constant 0 : i32
      %get3A_680 = tpu.memref_slice %arg9[%scan3A_511, %get3A_679] : memref<32x1024xf32, #tpu.memory_space<vmem>> -> memref<1x1024xf32, #tpu.memory_space<vmem>>
      %get3A_681 = tpu.memref_squeeze %get3A_680 : memref<1x1024xf32, #tpu.memory_space<vmem>> -> memref<1024xf32, #tpu.memory_space<vmem>>
      %get3A_682 = arith.index_cast %mul3A_673 : i32 to index
      %get3A_683 = tpu.vector_load %get3A_681[%get3A_682] {strides = array<i32>} : memref<1024xf32, #tpu.memory_space<vmem>>, vector<16xf32>,
      %get3A_684 = vector.shape_cast %get3A_683 : vector<16xf32> to vector<16xf32>
      %add3A_685 = arith.addf %get3A_678, %get3A_684 : vector<16xf32>
      %swap3A = arith.constant 0 : i32
      %swap3A_686 = tpu.memref_slice %arg10[%scan3A_512, %swap3A] : memref<32x1024xf32, #tpu.memory_space<vmem>> -> memref<1x1024xf32, #tpu.memory_space<vmem>>
      %swap3A_687 = tpu.memref_squeeze %swap3A_686 : memref<1x1024xf32, #tpu.memory_space<vmem>> -> memref<1024xf32, #tpu.memory_space<vmem>>
      %swap3A_688 = arith.index_cast %mul3A_673 : i32 to index
      %swap3A_689 = tpu.vector_load %swap3A_687[%swap3A_688] {strides = array<i32>} : memref<1024xf32, #tpu.memory_space<vmem>>, vector<16xf32>,
      %swap3A_690 = vector.shape_cast %swap3A_689 : vector<16xf32> to vector<16xf32>
      %swap3A_691 = vector.shape_cast %add3A_685 : vector<16xf32> to vector<16xf32>
      tpu.vector_store %swap3A_687[%swap3A_688], %swap3A_691 {strides = array<i32>} : memref<1024xf32, #tpu.memory_space<vmem>>, vector<16xf32>,
      %scan3A_692 = arith.constant 0 : i32
      scf.yield %scan3A_692 : i32
    }
    %scan3A_519 = arith.constant 64 : i32
    %scan3A_520 = arith.constant 17 : i32
    %scan3A_521 = arith.constant 17 : i32
    %scan3A_522 = arith.constant 17 : i32
    %scan3A_523 = arith.constant 0 : i32
    %scan3A_524 = arith.constant 0 : i32
    %scan3A_525 = arith.constant 64 : i32
    %scan3A_526 = arith.addi %scan3A_524, %scan3A_525 : i32
    %scan3A_527 = arith.constant 1 : i32
    %scan3A_528 = scf.for %scan3A_670 = %scan3A_524 to %scan3A_526 step %scan3A_527 iter_args(%scan3A_671 = %scan3A_523) -> (i32)  : i32 {
      %mul3A_672 = arith.constant 16 : i32
      %mul3A_673 = arith.muli %scan3A_670, %mul3A_672 : i32
      %get3A = arith.constant 0 : i32
      %get3A_674 = tpu.memref_slice %arg8[%scan3A_520, %get3A] : memref<32x1024xf32, #tpu.memory_space<vmem>> -> memref<1x1024xf32, #tpu.memory_space<vmem>>
      %get3A_675 = tpu.memref_squeeze %get3A_674 : memref<1x1024xf32, #tpu.memory_space<vmem>> -> memref<1024xf32, #tpu.memory_space<vmem>>
      %get3A_676 = arith.index_cast %mul3A_673 : i32 to index
      %get3A_677 = tpu.vector_load %get3A_675[%get3A_676] {strides = array<i32>} : memref<1024xf32, #tpu.memory_space<vmem>>, vector<16xf32>,
      %get3A_678 = vector.shape_cast %get3A_677 : vector<16xf32> to vector<16xf32>
      %get3A_679 = arith.constant 0 : i32
      %get3A_680 = tpu.memref_slice %arg9[%scan3A_521, %get3A_679] : memref<32x1024xf32, #tpu.memory_space<vmem>> -> memref<1x1024xf32, #tpu.memory_space<vmem>>
      %get3A_681 = tpu.memref_squeeze %get3A_680 : memref<1x1024xf32, #tpu.memory_space<vmem>> -> memref<1024xf32, #tpu.memory_space<vmem>>
      %get3A_682 = arith.index_cast %mul3A_673 : i32 to index
      %get3A_683 = tpu.vector_load %get3A_681[%get3A_682] {strides = array<i32>} : memref<1024xf32, #tpu.memory_space<vmem>>, vector<16xf32>,
      %get3A_684 = vector.shape_cast %get3A_683 : vector<16xf32> to vector<16xf32>
      %add3A_685 = arith.addf %get3A_678, %get3A_684 : vector<16xf32>
      %swap3A = arith.constant 0 : i32
      %swap3A_686 = tpu.memref_slice %arg10[%scan3A_522, %swap3A] : memref<32x1024xf32, #tpu.memory_space<vmem>> -> memref<1x1024xf32, #tpu.memory_space<vmem>>
      %swap3A_687 = tpu.memref_squeeze %swap3A_686 : memref<1x1024xf32, #tpu.memory_space<vmem>> -> memref<1024xf32, #tpu.memory_space<vmem>>
      %swap3A_688 = arith.index_cast %mul3A_673 : i32 to index
      %swap3A_689 = tpu.vector_load %swap3A_687[%swap3A_688] {strides = array<i32>} : memref<1024xf32, #tpu.memory_space<vmem>>, vector<16xf32>,
      %swap3A_690 = vector.shape_cast %swap3A_689 : vector<16xf32> to vector<16xf32>
      %swap3A_691 = vector.shape_cast %add3A_685 : vector<16xf32> to vector<16xf32>
      tpu.vector_store %swap3A_687[%swap3A_688], %swap3A_691 {strides = array<i32>} : memref<1024xf32, #tpu.memory_space<vmem>>, vector<16xf32>,
      %scan3A_692 = arith.constant 0 : i32
      scf.yield %scan3A_692 : i32
    }
    %scan3A_529 = arith.constant 64 : i32
    %scan3A_530 = arith.constant 18 : i32
    %scan3A_531 = arith.constant 18 : i32
    %scan3A_532 = arith.constant 18 : i32
    %scan3A_533 = arith.constant 0 : i32
    %scan3A_534 = arith.constant 0 : i32
    %scan3A_535 = arith.constant 64 : i32
    %scan3A_536 = arith.addi %scan3A_534, %scan3A_535 : i32
    %scan3A_537 = arith.constant 1 : i32
    %scan3A_538 = scf.for %scan3A_670 = %scan3A_534 to %scan3A_536 step %scan3A_537 iter_args(%scan3A_671 = %scan3A_533) -> (i32)  : i32 {
      %mul3A_672 = arith.constant 16 : i32
      %mul3A_673 = arith.muli %scan3A_670, %mul3A_672 : i32
      %get3A = arith.constant 0 : i32
      %get3A_674 = tpu.memref_slice %arg8[%scan3A_530, %get3A] : memref<32x1024xf32, #tpu.memory_space<vmem>> -> memref<1x1024xf32, #tpu.memory_space<vmem>>
      %get3A_675 = tpu.memref_squeeze %get3A_674 : memref<1x1024xf32, #tpu.memory_space<vmem>> -> memref<1024xf32, #tpu.memory_space<vmem>>
      %get3A_676 = arith.index_cast %mul3A_673 : i32 to index
      %get3A_677 = tpu.vector_load %get3A_675[%get3A_676] {strides = array<i32>} : memref<1024xf32, #tpu.memory_space<vmem>>, vector<16xf32>,
      %get3A_678 = vector.shape_cast %get3A_677 : vector<16xf32> to vector<16xf32>
      %get3A_679 = arith.constant 0 : i32
      %get3A_680 = tpu.memref_slice %arg9[%scan3A_531, %get3A_679] : memref<32x1024xf32, #tpu.memory_space<vmem>> -> memref<1x1024xf32, #tpu.memory_space<vmem>>
      %get3A_681 = tpu.memref_squeeze %get3A_680 : memref<1x1024xf32, #tpu.memory_space<vmem>> -> memref<1024xf32, #tpu.memory_space<vmem>>
      %get3A_682 = arith.index_cast %mul3A_673 : i32 to index
      %get3A_683 = tpu.vector_load %get3A_681[%get3A_682] {strides = array<i32>} : memref<1024xf32, #tpu.memory_space<vmem>>, vector<16xf32>,
      %get3A_684 = vector.shape_cast %get3A_683 : vector<16xf32> to vector<16xf32>
      %add3A_685 = arith.addf %get3A_678, %get3A_684 : vector<16xf32>
      %swap3A = arith.constant 0 : i32
      %swap3A_686 = tpu.memref_slice %arg10[%scan3A_532, %swap3A] : memref<32x1024xf32, #tpu.memory_space<vmem>> -> memref<1x1024xf32, #tpu.memory_space<vmem>>
      %swap3A_687 = tpu.memref_squeeze %swap3A_686 : memref<1x1024xf32, #tpu.memory_space<vmem>> -> memref<1024xf32, #tpu.memory_space<vmem>>
      %swap3A_688 = arith.index_cast %mul3A_673 : i32 to index
      %swap3A_689 = tpu.vector_load %swap3A_687[%swap3A_688] {strides = array<i32>} : memref<1024xf32, #tpu.memory_space<vmem>>, vector<16xf32>,
      %swap3A_690 = vector.shape_cast %swap3A_689 : vector<16xf32> to vector<16xf32>
      %swap3A_691 = vector.shape_cast %add3A_685 : vector<16xf32> to vector<16xf32>
      tpu.vector_store %swap3A_687[%swap3A_688], %swap3A_691 {strides = array<i32>} : memref<1024xf32, #tpu.memory_space<vmem>>, vector<16xf32>,
      %scan3A_692 = arith.constant 0 : i32
      scf.yield %scan3A_692 : i32
    }
    %scan3A_539 = arith.constant 64 : i32
    %scan3A_540 = arith.constant 19 : i32
    %scan3A_541 = arith.constant 19 : i32
    %scan3A_542 = arith.constant 19 : i32
    %scan3A_543 = arith.constant 0 : i32
    %scan3A_544 = arith.constant 0 : i32
    %scan3A_545 = arith.constant 64 : i32
    %scan3A_546 = arith.addi %scan3A_544, %scan3A_545 : i32
    %scan3A_547 = arith.constant 1 : i32
    %scan3A_548 = scf.for %scan3A_670 = %scan3A_544 to %scan3A_546 step %scan3A_547 iter_args(%scan3A_671 = %scan3A_543) -> (i32)  : i32 {
      %mul3A_672 = arith.constant 16 : i32
      %mul3A_673 = arith.muli %scan3A_670, %mul3A_672 : i32
      %get3A = arith.constant 0 : i32
      %get3A_674 = tpu.memref_slice %arg8[%scan3A_540, %get3A] : memref<32x1024xf32, #tpu.memory_space<vmem>> -> memref<1x1024xf32, #tpu.memory_space<vmem>>
      %get3A_675 = tpu.memref_squeeze %get3A_674 : memref<1x1024xf32, #tpu.memory_space<vmem>> -> memref<1024xf32, #tpu.memory_space<vmem>>
      %get3A_676 = arith.index_cast %mul3A_673 : i32 to index
      %get3A_677 = tpu.vector_load %get3A_675[%get3A_676] {strides = array<i32>} : memref<1024xf32, #tpu.memory_space<vmem>>, vector<16xf32>,
      %get3A_678 = vector.shape_cast %get3A_677 : vector<16xf32> to vector<16xf32>
      %get3A_679 = arith.constant 0 : i32
      %get3A_680 = tpu.memref_slice %arg9[%scan3A_541, %get3A_679] : memref<32x1024xf32, #tpu.memory_space<vmem>> -> memref<1x1024xf32, #tpu.memory_space<vmem>>
      %get3A_681 = tpu.memref_squeeze %get3A_680 : memref<1x1024xf32, #tpu.memory_space<vmem>> -> memref<1024xf32, #tpu.memory_space<vmem>>
      %get3A_682 = arith.index_cast %mul3A_673 : i32 to index
      %get3A_683 = tpu.vector_load %get3A_681[%get3A_682] {strides = array<i32>} : memref<1024xf32, #tpu.memory_space<vmem>>, vector<16xf32>,
      %get3A_684 = vector.shape_cast %get3A_683 : vector<16xf32> to vector<16xf32>
      %add3A_685 = arith.addf %get3A_678, %get3A_684 : vector<16xf32>
      %swap3A = arith.constant 0 : i32
      %swap3A_686 = tpu.memref_slice %arg10[%scan3A_542, %swap3A] : memref<32x1024xf32, #tpu.memory_space<vmem>> -> memref<1x1024xf32, #tpu.memory_space<vmem>>
      %swap3A_687 = tpu.memref_squeeze %swap3A_686 : memref<1x1024xf32, #tpu.memory_space<vmem>> -> memref<1024xf32, #tpu.memory_space<vmem>>
      %swap3A_688 = arith.index_cast %mul3A_673 : i32 to index
      %swap3A_689 = tpu.vector_load %swap3A_687[%swap3A_688] {strides = array<i32>} : memref<1024xf32, #tpu.memory_space<vmem>>, vector<16xf32>,
      %swap3A_690 = vector.shape_cast %swap3A_689 : vector<16xf32> to vector<16xf32>
      %swap3A_691 = vector.shape_cast %add3A_685 : vector<16xf32> to vector<16xf32>
      tpu.vector_store %swap3A_687[%swap3A_688], %swap3A_691 {strides = array<i32>} : memref<1024xf32, #tpu.memory_space<vmem>>, vector<16xf32>,
      %scan3A_692 = arith.constant 0 : i32
      scf.yield %scan3A_692 : i32
    }
    %scan3A_549 = arith.constant 64 : i32
    %scan3A_550 = arith.constant 20 : i32
    %scan3A_551 = arith.constant 20 : i32
    %scan3A_552 = arith.constant 20 : i32
    %scan3A_553 = arith.constant 0 : i32
    %scan3A_554 = arith.constant 0 : i32
    %scan3A_555 = arith.constant 64 : i32
    %scan3A_556 = arith.addi %scan3A_554, %scan3A_555 : i32
    %scan3A_557 = arith.constant 1 : i32
    %scan3A_558 = scf.for %scan3A_670 = %scan3A_554 to %scan3A_556 step %scan3A_557 iter_args(%scan3A_671 = %scan3A_553) -> (i32)  : i32 {
      %mul3A_672 = arith.constant 16 : i32
      %mul3A_673 = arith.muli %scan3A_670, %mul3A_672 : i32
      %get3A = arith.constant 0 : i32
      %get3A_674 = tpu.memref_slice %arg8[%scan3A_550, %get3A] : memref<32x1024xf32, #tpu.memory_space<vmem>> -> memref<1x1024xf32, #tpu.memory_space<vmem>>
      %get3A_675 = tpu.memref_squeeze %get3A_674 : memref<1x1024xf32, #tpu.memory_space<vmem>> -> memref<1024xf32, #tpu.memory_space<vmem>>
      %get3A_676 = arith.index_cast %mul3A_673 : i32 to index
      %get3A_677 = tpu.vector_load %get3A_675[%get3A_676] {strides = array<i32>} : memref<1024xf32, #tpu.memory_space<vmem>>, vector<16xf32>,
      %get3A_678 = vector.shape_cast %get3A_677 : vector<16xf32> to vector<16xf32>
      %get3A_679 = arith.constant 0 : i32
      %get3A_680 = tpu.memref_slice %arg9[%scan3A_551, %get3A_679] : memref<32x1024xf32, #tpu.memory_space<vmem>> -> memref<1x1024xf32, #tpu.memory_space<vmem>>
      %get3A_681 = tpu.memref_squeeze %get3A_680 : memref<1x1024xf32, #tpu.memory_space<vmem>> -> memref<1024xf32, #tpu.memory_space<vmem>>
      %get3A_682 = arith.index_cast %mul3A_673 : i32 to index
      %get3A_683 = tpu.vector_load %get3A_681[%get3A_682] {strides = array<i32>} : memref<1024xf32, #tpu.memory_space<vmem>>, vector<16xf32>,
      %get3A_684 = vector.shape_cast %get3A_683 : vector<16xf32> to vector<16xf32>
      %add3A_685 = arith.addf %get3A_678, %get3A_684 : vector<16xf32>
      %swap3A = arith.constant 0 : i32
      %swap3A_686 = tpu.memref_slice %arg10[%scan3A_552, %swap3A] : memref<32x1024xf32, #tpu.memory_space<vmem>> -> memref<1x1024xf32, #tpu.memory_space<vmem>>
      %swap3A_687 = tpu.memref_squeeze %swap3A_686 : memref<1x1024xf32, #tpu.memory_space<vmem>> -> memref<1024xf32, #tpu.memory_space<vmem>>
      %swap3A_688 = arith.index_cast %mul3A_673 : i32 to index
      %swap3A_689 = tpu.vector_load %swap3A_687[%swap3A_688] {strides = array<i32>} : memref<1024xf32, #tpu.memory_space<vmem>>, vector<16xf32>,
      %swap3A_690 = vector.shape_cast %swap3A_689 : vector<16xf32> to vector<16xf32>
      %swap3A_691 = vector.shape_cast %add3A_685 : vector<16xf32> to vector<16xf32>
      tpu.vector_store %swap3A_687[%swap3A_688], %swap3A_691 {strides = array<i32>} : memref<1024xf32, #tpu.memory_space<vmem>>, vector<16xf32>,
      %scan3A_692 = arith.constant 0 : i32
      scf.yield %scan3A_692 : i32
    }
    %scan3A_559 = arith.constant 64 : i32
    %scan3A_560 = arith.constant 21 : i32
    %scan3A_561 = arith.constant 21 : i32
    %scan3A_562 = arith.constant 21 : i32
    %scan3A_563 = arith.constant 0 : i32
    %scan3A_564 = arith.constant 0 : i32
    %scan3A_565 = arith.constant 64 : i32
    %scan3A_566 = arith.addi %scan3A_564, %scan3A_565 : i32
    %scan3A_567 = arith.constant 1 : i32
    %scan3A_568 = scf.for %scan3A_670 = %scan3A_564 to %scan3A_566 step %scan3A_567 iter_args(%scan3A_671 = %scan3A_563) -> (i32)  : i32 {
      %mul3A_672 = arith.constant 16 : i32
      %mul3A_673 = arith.muli %scan3A_670, %mul3A_672 : i32
      %get3A = arith.constant 0 : i32
      %get3A_674 = tpu.memref_slice %arg8[%scan3A_560, %get3A] : memref<32x1024xf32, #tpu.memory_space<vmem>> -> memref<1x1024xf32, #tpu.memory_space<vmem>>
      %get3A_675 = tpu.memref_squeeze %get3A_674 : memref<1x1024xf32, #tpu.memory_space<vmem>> -> memref<1024xf32, #tpu.memory_space<vmem>>
      %get3A_676 = arith.index_cast %mul3A_673 : i32 to index
      %get3A_677 = tpu.vector_load %get3A_675[%get3A_676] {strides = array<i32>} : memref<1024xf32, #tpu.memory_space<vmem>>, vector<16xf32>,
      %get3A_678 = vector.shape_cast %get3A_677 : vector<16xf32> to vector<16xf32>
      %get3A_679 = arith.constant 0 : i32
      %get3A_680 = tpu.memref_slice %arg9[%scan3A_561, %get3A_679] : memref<32x1024xf32, #tpu.memory_space<vmem>> -> memref<1x1024xf32, #tpu.memory_space<vmem>>
      %get3A_681 = tpu.memref_squeeze %get3A_680 : memref<1x1024xf32, #tpu.memory_space<vmem>> -> memref<1024xf32, #tpu.memory_space<vmem>>
      %get3A_682 = arith.index_cast %mul3A_673 : i32 to index
      %get3A_683 = tpu.vector_load %get3A_681[%get3A_682] {strides = array<i32>} : memref<1024xf32, #tpu.memory_space<vmem>>, vector<16xf32>,
      %get3A_684 = vector.shape_cast %get3A_683 : vector<16xf32> to vector<16xf32>
      %add3A_685 = arith.addf %get3A_678, %get3A_684 : vector<16xf32>
      %swap3A = arith.constant 0 : i32
      %swap3A_686 = tpu.memref_slice %arg10[%scan3A_562, %swap3A] : memref<32x1024xf32, #tpu.memory_space<vmem>> -> memref<1x1024xf32, #tpu.memory_space<vmem>>
      %swap3A_687 = tpu.memref_squeeze %swap3A_686 : memref<1x1024xf32, #tpu.memory_space<vmem>> -> memref<1024xf32, #tpu.memory_space<vmem>>
      %swap3A_688 = arith.index_cast %mul3A_673 : i32 to index
      %swap3A_689 = tpu.vector_load %swap3A_687[%swap3A_688] {strides = array<i32>} : memref<1024xf32, #tpu.memory_space<vmem>>, vector<16xf32>,
      %swap3A_690 = vector.shape_cast %swap3A_689 : vector<16xf32> to vector<16xf32>
      %swap3A_691 = vector.shape_cast %add3A_685 : vector<16xf32> to vector<16xf32>
      tpu.vector_store %swap3A_687[%swap3A_688], %swap3A_691 {strides = array<i32>} : memref<1024xf32, #tpu.memory_space<vmem>>, vector<16xf32>,
      %scan3A_692 = arith.constant 0 : i32
      scf.yield %scan3A_692 : i32
    }
    %scan3A_569 = arith.constant 64 : i32
    %scan3A_570 = arith.constant 22 : i32
    %scan3A_571 = arith.constant 22 : i32
    %scan3A_572 = arith.constant 22 : i32
    %scan3A_573 = arith.constant 0 : i32
    %scan3A_574 = arith.constant 0 : i32
    %scan3A_575 = arith.constant 64 : i32
    %scan3A_576 = arith.addi %scan3A_574, %scan3A_575 : i32
    %scan3A_577 = arith.constant 1 : i32
    %scan3A_578 = scf.for %scan3A_670 = %scan3A_574 to %scan3A_576 step %scan3A_577 iter_args(%scan3A_671 = %scan3A_573) -> (i32)  : i32 {
      %mul3A_672 = arith.constant 16 : i32
      %mul3A_673 = arith.muli %scan3A_670, %mul3A_672 : i32
      %get3A = arith.constant 0 : i32
      %get3A_674 = tpu.memref_slice %arg8[%scan3A_570, %get3A] : memref<32x1024xf32, #tpu.memory_space<vmem>> -> memref<1x1024xf32, #tpu.memory_space<vmem>>
      %get3A_675 = tpu.memref_squeeze %get3A_674 : memref<1x1024xf32, #tpu.memory_space<vmem>> -> memref<1024xf32, #tpu.memory_space<vmem>>
      %get3A_676 = arith.index_cast %mul3A_673 : i32 to index
      %get3A_677 = tpu.vector_load %get3A_675[%get3A_676] {strides = array<i32>} : memref<1024xf32, #tpu.memory_space<vmem>>, vector<16xf32>,
      %get3A_678 = vector.shape_cast %get3A_677 : vector<16xf32> to vector<16xf32>
      %get3A_679 = arith.constant 0 : i32
      %get3A_680 = tpu.memref_slice %arg9[%scan3A_571, %get3A_679] : memref<32x1024xf32, #tpu.memory_space<vmem>> -> memref<1x1024xf32, #tpu.memory_space<vmem>>
      %get3A_681 = tpu.memref_squeeze %get3A_680 : memref<1x1024xf32, #tpu.memory_space<vmem>> -> memref<1024xf32, #tpu.memory_space<vmem>>
      %get3A_682 = arith.index_cast %mul3A_673 : i32 to index
      %get3A_683 = tpu.vector_load %get3A_681[%get3A_682] {strides = array<i32>} : memref<1024xf32, #tpu.memory_space<vmem>>, vector<16xf32>,
      %get3A_684 = vector.shape_cast %get3A_683 : vector<16xf32> to vector<16xf32>
      %add3A_685 = arith.addf %get3A_678, %get3A_684 : vector<16xf32>
      %swap3A = arith.constant 0 : i32
      %swap3A_686 = tpu.memref_slice %arg10[%scan3A_572, %swap3A] : memref<32x1024xf32, #tpu.memory_space<vmem>> -> memref<1x1024xf32, #tpu.memory_space<vmem>>
      %swap3A_687 = tpu.memref_squeeze %swap3A_686 : memref<1x1024xf32, #tpu.memory_space<vmem>> -> memref<1024xf32, #tpu.memory_space<vmem>>
      %swap3A_688 = arith.index_cast %mul3A_673 : i32 to index
      %swap3A_689 = tpu.vector_load %swap3A_687[%swap3A_688] {strides = array<i32>} : memref<1024xf32, #tpu.memory_space<vmem>>, vector<16xf32>,
      %swap3A_690 = vector.shape_cast %swap3A_689 : vector<16xf32> to vector<16xf32>
      %swap3A_691 = vector.shape_cast %add3A_685 : vector<16xf32> to vector<16xf32>
      tpu.vector_store %swap3A_687[%swap3A_688], %swap3A_691 {strides = array<i32>} : memref<1024xf32, #tpu.memory_space<vmem>>, vector<16xf32>,
      %scan3A_692 = arith.constant 0 : i32
      scf.yield %scan3A_692 : i32
    }
    %scan3A_579 = arith.constant 64 : i32
    %scan3A_580 = arith.constant 23 : i32
    %scan3A_581 = arith.constant 23 : i32
    %scan3A_582 = arith.constant 23 : i32
    %scan3A_583 = arith.constant 0 : i32
    %scan3A_584 = arith.constant 0 : i32
    %scan3A_585 = arith.constant 64 : i32
    %scan3A_586 = arith.addi %scan3A_584, %scan3A_585 : i32
    %scan3A_587 = arith.constant 1 : i32
    %scan3A_588 = scf.for %scan3A_670 = %scan3A_584 to %scan3A_586 step %scan3A_587 iter_args(%scan3A_671 = %scan3A_583) -> (i32)  : i32 {
      %mul3A_672 = arith.constant 16 : i32
      %mul3A_673 = arith.muli %scan3A_670, %mul3A_672 : i32
      %get3A = arith.constant 0 : i32
      %get3A_674 = tpu.memref_slice %arg8[%scan3A_580, %get3A] : memref<32x1024xf32, #tpu.memory_space<vmem>> -> memref<1x1024xf32, #tpu.memory_space<vmem>>
      %get3A_675 = tpu.memref_squeeze %get3A_674 : memref<1x1024xf32, #tpu.memory_space<vmem>> -> memref<1024xf32, #tpu.memory_space<vmem>>
      %get3A_676 = arith.index_cast %mul3A_673 : i32 to index
      %get3A_677 = tpu.vector_load %get3A_675[%get3A_676] {strides = array<i32>} : memref<1024xf32, #tpu.memory_space<vmem>>, vector<16xf32>,
      %get3A_678 = vector.shape_cast %get3A_677 : vector<16xf32> to vector<16xf32>
      %get3A_679 = arith.constant 0 : i32
      %get3A_680 = tpu.memref_slice %arg9[%scan3A_581, %get3A_679] : memref<32x1024xf32, #tpu.memory_space<vmem>> -> memref<1x1024xf32, #tpu.memory_space<vmem>>
      %get3A_681 = tpu.memref_squeeze %get3A_680 : memref<1x1024xf32, #tpu.memory_space<vmem>> -> memref<1024xf32, #tpu.memory_space<vmem>>
      %get3A_682 = arith.index_cast %mul3A_673 : i32 to index
      %get3A_683 = tpu.vector_load %get3A_681[%get3A_682] {strides = array<i32>} : memref<1024xf32, #tpu.memory_space<vmem>>, vector<16xf32>,
      %get3A_684 = vector.shape_cast %get3A_683 : vector<16xf32> to vector<16xf32>
      %add3A_685 = arith.addf %get3A_678, %get3A_684 : vector<16xf32>
      %swap3A = arith.constant 0 : i32
      %swap3A_686 = tpu.memref_slice %arg10[%scan3A_582, %swap3A] : memref<32x1024xf32, #tpu.memory_space<vmem>> -> memref<1x1024xf32, #tpu.memory_space<vmem>>
      %swap3A_687 = tpu.memref_squeeze %swap3A_686 : memref<1x1024xf32, #tpu.memory_space<vmem>> -> memref<1024xf32, #tpu.memory_space<vmem>>
      %swap3A_688 = arith.index_cast %mul3A_673 : i32 to index
      %swap3A_689 = tpu.vector_load %swap3A_687[%swap3A_688] {strides = array<i32>} : memref<1024xf32, #tpu.memory_space<vmem>>, vector<16xf32>,
      %swap3A_690 = vector.shape_cast %swap3A_689 : vector<16xf32> to vector<16xf32>
      %swap3A_691 = vector.shape_cast %add3A_685 : vector<16xf32> to vector<16xf32>
      tpu.vector_store %swap3A_687[%swap3A_688], %swap3A_691 {strides = array<i32>} : memref<1024xf32, #tpu.memory_space<vmem>>, vector<16xf32>,
      %scan3A_692 = arith.constant 0 : i32
      scf.yield %scan3A_692 : i32
    }
    %scan3A_589 = arith.constant 64 : i32
    %scan3A_590 = arith.constant 24 : i32
    %scan3A_591 = arith.constant 24 : i32
    %scan3A_592 = arith.constant 24 : i32
    %scan3A_593 = arith.constant 0 : i32
    %scan3A_594 = arith.constant 0 : i32
    %scan3A_595 = arith.constant 64 : i32
    %scan3A_596 = arith.addi %scan3A_594, %scan3A_595 : i32
    %scan3A_597 = arith.constant 1 : i32
    %scan3A_598 = scf.for %scan3A_670 = %scan3A_594 to %scan3A_596 step %scan3A_597 iter_args(%scan3A_671 = %scan3A_593) -> (i32)  : i32 {
      %mul3A_672 = arith.constant 16 : i32
      %mul3A_673 = arith.muli %scan3A_670, %mul3A_672 : i32
      %get3A = arith.constant 0 : i32
      %get3A_674 = tpu.memref_slice %arg8[%scan3A_590, %get3A] : memref<32x1024xf32, #tpu.memory_space<vmem>> -> memref<1x1024xf32, #tpu.memory_space<vmem>>
      %get3A_675 = tpu.memref_squeeze %get3A_674 : memref<1x1024xf32, #tpu.memory_space<vmem>> -> memref<1024xf32, #tpu.memory_space<vmem>>
      %get3A_676 = arith.index_cast %mul3A_673 : i32 to index
      %get3A_677 = tpu.vector_load %get3A_675[%get3A_676] {strides = array<i32>} : memref<1024xf32, #tpu.memory_space<vmem>>, vector<16xf32>,
      %get3A_678 = vector.shape_cast %get3A_677 : vector<16xf32> to vector<16xf32>
      %get3A_679 = arith.constant 0 : i32
      %get3A_680 = tpu.memref_slice %arg9[%scan3A_591, %get3A_679] : memref<32x1024xf32, #tpu.memory_space<vmem>> -> memref<1x1024xf32, #tpu.memory_space<vmem>>
      %get3A_681 = tpu.memref_squeeze %get3A_680 : memref<1x1024xf32, #tpu.memory_space<vmem>> -> memref<1024xf32, #tpu.memory_space<vmem>>
      %get3A_682 = arith.index_cast %mul3A_673 : i32 to index
      %get3A_683 = tpu.vector_load %get3A_681[%get3A_682] {strides = array<i32>} : memref<1024xf32, #tpu.memory_space<vmem>>, vector<16xf32>,
      %get3A_684 = vector.shape_cast %get3A_683 : vector<16xf32> to vector<16xf32>
      %add3A_685 = arith.addf %get3A_678, %get3A_684 : vector<16xf32>
      %swap3A = arith.constant 0 : i32
      %swap3A_686 = tpu.memref_slice %arg10[%scan3A_592, %swap3A] : memref<32x1024xf32, #tpu.memory_space<vmem>> -> memref<1x1024xf32, #tpu.memory_space<vmem>>
      %swap3A_687 = tpu.memref_squeeze %swap3A_686 : memref<1x1024xf32, #tpu.memory_space<vmem>> -> memref<1024xf32, #tpu.memory_space<vmem>>
      %swap3A_688 = arith.index_cast %mul3A_673 : i32 to index
      %swap3A_689 = tpu.vector_load %swap3A_687[%swap3A_688] {strides = array<i32>} : memref<1024xf32, #tpu.memory_space<vmem>>, vector<16xf32>,
      %swap3A_690 = vector.shape_cast %swap3A_689 : vector<16xf32> to vector<16xf32>
      %swap3A_691 = vector.shape_cast %add3A_685 : vector<16xf32> to vector<16xf32>
      tpu.vector_store %swap3A_687[%swap3A_688], %swap3A_691 {strides = array<i32>} : memref<1024xf32, #tpu.memory_space<vmem>>, vector<16xf32>,
      %scan3A_692 = arith.constant 0 : i32
      scf.yield %scan3A_692 : i32
    }
    %scan3A_599 = arith.constant 64 : i32
    %scan3A_600 = arith.constant 25 : i32
    %scan3A_601 = arith.constant 25 : i32
    %scan3A_602 = arith.constant 25 : i32
    %scan3A_603 = arith.constant 0 : i32
    %scan3A_604 = arith.constant 0 : i32
    %scan3A_605 = arith.constant 64 : i32
    %scan3A_606 = arith.addi %scan3A_604, %scan3A_605 : i32
    %scan3A_607 = arith.constant 1 : i32
    %scan3A_608 = scf.for %scan3A_670 = %scan3A_604 to %scan3A_606 step %scan3A_607 iter_args(%scan3A_671 = %scan3A_603) -> (i32)  : i32 {
      %mul3A_672 = arith.constant 16 : i32
      %mul3A_673 = arith.muli %scan3A_670, %mul3A_672 : i32
      %get3A = arith.constant 0 : i32
      %get3A_674 = tpu.memref_slice %arg8[%scan3A_600, %get3A] : memref<32x1024xf32, #tpu.memory_space<vmem>> -> memref<1x1024xf32, #tpu.memory_space<vmem>>
      %get3A_675 = tpu.memref_squeeze %get3A_674 : memref<1x1024xf32, #tpu.memory_space<vmem>> -> memref<1024xf32, #tpu.memory_space<vmem>>
      %get3A_676 = arith.index_cast %mul3A_673 : i32 to index
      %get3A_677 = tpu.vector_load %get3A_675[%get3A_676] {strides = array<i32>} : memref<1024xf32, #tpu.memory_space<vmem>>, vector<16xf32>,
      %get3A_678 = vector.shape_cast %get3A_677 : vector<16xf32> to vector<16xf32>
      %get3A_679 = arith.constant 0 : i32
      %get3A_680 = tpu.memref_slice %arg9[%scan3A_601, %get3A_679] : memref<32x1024xf32, #tpu.memory_space<vmem>> -> memref<1x1024xf32, #tpu.memory_space<vmem>>
      %get3A_681 = tpu.memref_squeeze %get3A_680 : memref<1x1024xf32, #tpu.memory_space<vmem>> -> memref<1024xf32, #tpu.memory_space<vmem>>
      %get3A_682 = arith.index_cast %mul3A_673 : i32 to index
      %get3A_683 = tpu.vector_load %get3A_681[%get3A_682] {strides = array<i32>} : memref<1024xf32, #tpu.memory_space<vmem>>, vector<16xf32>,
      %get3A_684 = vector.shape_cast %get3A_683 : vector<16xf32> to vector<16xf32>
      %add3A_685 = arith.addf %get3A_678, %get3A_684 : vector<16xf32>
      %swap3A = arith.constant 0 : i32
      %swap3A_686 = tpu.memref_slice %arg10[%scan3A_602, %swap3A] : memref<32x1024xf32, #tpu.memory_space<vmem>> -> memref<1x1024xf32, #tpu.memory_space<vmem>>
      %swap3A_687 = tpu.memref_squeeze %swap3A_686 : memref<1x1024xf32, #tpu.memory_space<vmem>> -> memref<1024xf32, #tpu.memory_space<vmem>>
      %swap3A_688 = arith.index_cast %mul3A_673 : i32 to index
      %swap3A_689 = tpu.vector_load %swap3A_687[%swap3A_688] {strides = array<i32>} : memref<1024xf32, #tpu.memory_space<vmem>>, vector<16xf32>,
      %swap3A_690 = vector.shape_cast %swap3A_689 : vector<16xf32> to vector<16xf32>
      %swap3A_691 = vector.shape_cast %add3A_685 : vector<16xf32> to vector<16xf32>
      tpu.vector_store %swap3A_687[%swap3A_688], %swap3A_691 {strides = array<i32>} : memref<1024xf32, #tpu.memory_space<vmem>>, vector<16xf32>,
      %scan3A_692 = arith.constant 0 : i32
      scf.yield %scan3A_692 : i32
    }
    %scan3A_609 = arith.constant 64 : i32
    %scan3A_610 = arith.constant 26 : i32
    %scan3A_611 = arith.constant 26 : i32
    %scan3A_612 = arith.constant 26 : i32
    %scan3A_613 = arith.constant 0 : i32
    %scan3A_614 = arith.constant 0 : i32
    %scan3A_615 = arith.constant 64 : i32
    %scan3A_616 = arith.addi %scan3A_614, %scan3A_615 : i32
    %scan3A_617 = arith.constant 1 : i32
    %scan3A_618 = scf.for %scan3A_670 = %scan3A_614 to %scan3A_616 step %scan3A_617 iter_args(%scan3A_671 = %scan3A_613) -> (i32)  : i32 {
      %mul3A_672 = arith.constant 16 : i32
      %mul3A_673 = arith.muli %scan3A_670, %mul3A_672 : i32
      %get3A = arith.constant 0 : i32
      %get3A_674 = tpu.memref_slice %arg8[%scan3A_610, %get3A] : memref<32x1024xf32, #tpu.memory_space<vmem>> -> memref<1x1024xf32, #tpu.memory_space<vmem>>
      %get3A_675 = tpu.memref_squeeze %get3A_674 : memref<1x1024xf32, #tpu.memory_space<vmem>> -> memref<1024xf32, #tpu.memory_space<vmem>>
      %get3A_676 = arith.index_cast %mul3A_673 : i32 to index
      %get3A_677 = tpu.vector_load %get3A_675[%get3A_676] {strides = array<i32>} : memref<1024xf32, #tpu.memory_space<vmem>>, vector<16xf32>,
      %get3A_678 = vector.shape_cast %get3A_677 : vector<16xf32> to vector<16xf32>
      %get3A_679 = arith.constant 0 : i32
      %get3A_680 = tpu.memref_slice %arg9[%scan3A_611, %get3A_679] : memref<32x1024xf32, #tpu.memory_space<vmem>> -> memref<1x1024xf32, #tpu.memory_space<vmem>>
      %get3A_681 = tpu.memref_squeeze %get3A_680 : memref<1x1024xf32, #tpu.memory_space<vmem>> -> memref<1024xf32, #tpu.memory_space<vmem>>
      %get3A_682 = arith.index_cast %mul3A_673 : i32 to index
      %get3A_683 = tpu.vector_load %get3A_681[%get3A_682] {strides = array<i32>} : memref<1024xf32, #tpu.memory_space<vmem>>, vector<16xf32>,
      %get3A_684 = vector.shape_cast %get3A_683 : vector<16xf32> to vector<16xf32>
      %add3A_685 = arith.addf %get3A_678, %get3A_684 : vector<16xf32>
      %swap3A = arith.constant 0 : i32
      %swap3A_686 = tpu.memref_slice %arg10[%scan3A_612, %swap3A] : memref<32x1024xf32, #tpu.memory_space<vmem>> -> memref<1x1024xf32, #tpu.memory_space<vmem>>
      %swap3A_687 = tpu.memref_squeeze %swap3A_686 : memref<1x1024xf32, #tpu.memory_space<vmem>> -> memref<1024xf32, #tpu.memory_space<vmem>>
      %swap3A_688 = arith.index_cast %mul3A_673 : i32 to index
      %swap3A_689 = tpu.vector_load %swap3A_687[%swap3A_688] {strides = array<i32>} : memref<1024xf32, #tpu.memory_space<vmem>>, vector<16xf32>,
      %swap3A_690 = vector.shape_cast %swap3A_689 : vector<16xf32> to vector<16xf32>
      %swap3A_691 = vector.shape_cast %add3A_685 : vector<16xf32> to vector<16xf32>
      tpu.vector_store %swap3A_687[%swap3A_688], %swap3A_691 {strides = array<i32>} : memref<1024xf32, #tpu.memory_space<vmem>>, vector<16xf32>,
      %scan3A_692 = arith.constant 0 : i32
      scf.yield %scan3A_692 : i32
    }
    %scan3A_619 = arith.constant 64 : i32
    %scan3A_620 = arith.constant 27 : i32
    %scan3A_621 = arith.constant 27 : i32
    %scan3A_622 = arith.constant 27 : i32
    %scan3A_623 = arith.constant 0 : i32
    %scan3A_624 = arith.constant 0 : i32
    %scan3A_625 = arith.constant 64 : i32
    %scan3A_626 = arith.addi %scan3A_624, %scan3A_625 : i32
    %scan3A_627 = arith.constant 1 : i32
    %scan3A_628 = scf.for %scan3A_670 = %scan3A_624 to %scan3A_626 step %scan3A_627 iter_args(%scan3A_671 = %scan3A_623) -> (i32)  : i32 {
      %mul3A_672 = arith.constant 16 : i32
      %mul3A_673 = arith.muli %scan3A_670, %mul3A_672 : i32
      %get3A = arith.constant 0 : i32
      %get3A_674 = tpu.memref_slice %arg8[%scan3A_620, %get3A] : memref<32x1024xf32, #tpu.memory_space<vmem>> -> memref<1x1024xf32, #tpu.memory_space<vmem>>
      %get3A_675 = tpu.memref_squeeze %get3A_674 : memref<1x1024xf32, #tpu.memory_space<vmem>> -> memref<1024xf32, #tpu.memory_space<vmem>>
      %get3A_676 = arith.index_cast %mul3A_673 : i32 to index
      %get3A_677 = tpu.vector_load %get3A_675[%get3A_676] {strides = array<i32>} : memref<1024xf32, #tpu.memory_space<vmem>>, vector<16xf32>,
      %get3A_678 = vector.shape_cast %get3A_677 : vector<16xf32> to vector<16xf32>
      %get3A_679 = arith.constant 0 : i32
      %get3A_680 = tpu.memref_slice %arg9[%scan3A_621, %get3A_679] : memref<32x1024xf32, #tpu.memory_space<vmem>> -> memref<1x1024xf32, #tpu.memory_space<vmem>>
      %get3A_681 = tpu.memref_squeeze %get3A_680 : memref<1x1024xf32, #tpu.memory_space<vmem>> -> memref<1024xf32, #tpu.memory_space<vmem>>
      %get3A_682 = arith.index_cast %mul3A_673 : i32 to index
      %get3A_683 = tpu.vector_load %get3A_681[%get3A_682] {strides = array<i32>} : memref<1024xf32, #tpu.memory_space<vmem>>, vector<16xf32>,
      %get3A_684 = vector.shape_cast %get3A_683 : vector<16xf32> to vector<16xf32>
      %add3A_685 = arith.addf %get3A_678, %get3A_684 : vector<16xf32>
      %swap3A = arith.constant 0 : i32
      %swap3A_686 = tpu.memref_slice %arg10[%scan3A_622, %swap3A] : memref<32x1024xf32, #tpu.memory_space<vmem>> -> memref<1x1024xf32, #tpu.memory_space<vmem>>
      %swap3A_687 = tpu.memref_squeeze %swap3A_686 : memref<1x1024xf32, #tpu.memory_space<vmem>> -> memref<1024xf32, #tpu.memory_space<vmem>>
      %swap3A_688 = arith.index_cast %mul3A_673 : i32 to index
      %swap3A_689 = tpu.vector_load %swap3A_687[%swap3A_688] {strides = array<i32>} : memref<1024xf32, #tpu.memory_space<vmem>>, vector<16xf32>,
      %swap3A_690 = vector.shape_cast %swap3A_689 : vector<16xf32> to vector<16xf32>
      %swap3A_691 = vector.shape_cast %add3A_685 : vector<16xf32> to vector<16xf32>
      tpu.vector_store %swap3A_687[%swap3A_688], %swap3A_691 {strides = array<i32>} : memref<1024xf32, #tpu.memory_space<vmem>>, vector<16xf32>,
      %scan3A_692 = arith.constant 0 : i32
      scf.yield %scan3A_692 : i32
    }
    %scan3A_629 = arith.constant 64 : i32
    %scan3A_630 = arith.constant 28 : i32
    %scan3A_631 = arith.constant 28 : i32
    %scan3A_632 = arith.constant 28 : i32
    %scan3A_633 = arith.constant 0 : i32
    %scan3A_634 = arith.constant 0 : i32
    %scan3A_635 = arith.constant 64 : i32
    %scan3A_636 = arith.addi %scan3A_634, %scan3A_635 : i32
    %scan3A_637 = arith.constant 1 : i32
    %scan3A_638 = scf.for %scan3A_670 = %scan3A_634 to %scan3A_636 step %scan3A_637 iter_args(%scan3A_671 = %scan3A_633) -> (i32)  : i32 {
      %mul3A_672 = arith.constant 16 : i32
      %mul3A_673 = arith.muli %scan3A_670, %mul3A_672 : i32
      %get3A = arith.constant 0 : i32
      %get3A_674 = tpu.memref_slice %arg8[%scan3A_630, %get3A] : memref<32x1024xf32, #tpu.memory_space<vmem>> -> memref<1x1024xf32, #tpu.memory_space<vmem>>
      %get3A_675 = tpu.memref_squeeze %get3A_674 : memref<1x1024xf32, #tpu.memory_space<vmem>> -> memref<1024xf32, #tpu.memory_space<vmem>>
      %get3A_676 = arith.index_cast %mul3A_673 : i32 to index
      %get3A_677 = tpu.vector_load %get3A_675[%get3A_676] {strides = array<i32>} : memref<1024xf32, #tpu.memory_space<vmem>>, vector<16xf32>,
      %get3A_678 = vector.shape_cast %get3A_677 : vector<16xf32> to vector<16xf32>
      %get3A_679 = arith.constant 0 : i32
      %get3A_680 = tpu.memref_slice %arg9[%scan3A_631, %get3A_679] : memref<32x1024xf32, #tpu.memory_space<vmem>> -> memref<1x1024xf32, #tpu.memory_space<vmem>>
      %get3A_681 = tpu.memref_squeeze %get3A_680 : memref<1x1024xf32, #tpu.memory_space<vmem>> -> memref<1024xf32, #tpu.memory_space<vmem>>
      %get3A_682 = arith.index_cast %mul3A_673 : i32 to index
      %get3A_683 = tpu.vector_load %get3A_681[%get3A_682] {strides = array<i32>} : memref<1024xf32, #tpu.memory_space<vmem>>, vector<16xf32>,
      %get3A_684 = vector.shape_cast %get3A_683 : vector<16xf32> to vector<16xf32>
      %add3A_685 = arith.addf %get3A_678, %get3A_684 : vector<16xf32>
      %swap3A = arith.constant 0 : i32
      %swap3A_686 = tpu.memref_slice %arg10[%scan3A_632, %swap3A] : memref<32x1024xf32, #tpu.memory_space<vmem>> -> memref<1x1024xf32, #tpu.memory_space<vmem>>
      %swap3A_687 = tpu.memref_squeeze %swap3A_686 : memref<1x1024xf32, #tpu.memory_space<vmem>> -> memref<1024xf32, #tpu.memory_space<vmem>>
      %swap3A_688 = arith.index_cast %mul3A_673 : i32 to index
      %swap3A_689 = tpu.vector_load %swap3A_687[%swap3A_688] {strides = array<i32>} : memref<1024xf32, #tpu.memory_space<vmem>>, vector<16xf32>,
      %swap3A_690 = vector.shape_cast %swap3A_689 : vector<16xf32> to vector<16xf32>
      %swap3A_691 = vector.shape_cast %add3A_685 : vector<16xf32> to vector<16xf32>
      tpu.vector_store %swap3A_687[%swap3A_688], %swap3A_691 {strides = array<i32>} : memref<1024xf32, #tpu.memory_space<vmem>>, vector<16xf32>,
      %scan3A_692 = arith.constant 0 : i32
      scf.yield %scan3A_692 : i32
    }
    %scan3A_639 = arith.constant 64 : i32
    %scan3A_640 = arith.constant 29 : i32
    %scan3A_641 = arith.constant 29 : i32
    %scan3A_642 = arith.constant 29 : i32
    %scan3A_643 = arith.constant 0 : i32
    %scan3A_644 = arith.constant 0 : i32
    %scan3A_645 = arith.constant 64 : i32
    %scan3A_646 = arith.addi %scan3A_644, %scan3A_645 : i32
    %scan3A_647 = arith.constant 1 : i32
    %scan3A_648 = scf.for %scan3A_670 = %scan3A_644 to %scan3A_646 step %scan3A_647 iter_args(%scan3A_671 = %scan3A_643) -> (i32)  : i32 {
      %mul3A_672 = arith.constant 16 : i32
      %mul3A_673 = arith.muli %scan3A_670, %mul3A_672 : i32
      %get3A = arith.constant 0 : i32
      %get3A_674 = tpu.memref_slice %arg8[%scan3A_640, %get3A] : memref<32x1024xf32, #tpu.memory_space<vmem>> -> memref<1x1024xf32, #tpu.memory_space<vmem>>
      %get3A_675 = tpu.memref_squeeze %get3A_674 : memref<1x1024xf32, #tpu.memory_space<vmem>> -> memref<1024xf32, #tpu.memory_space<vmem>>
      %get3A_676 = arith.index_cast %mul3A_673 : i32 to index
      %get3A_677 = tpu.vector_load %get3A_675[%get3A_676] {strides = array<i32>} : memref<1024xf32, #tpu.memory_space<vmem>>, vector<16xf32>,
      %get3A_678 = vector.shape_cast %get3A_677 : vector<16xf32> to vector<16xf32>
      %get3A_679 = arith.constant 0 : i32
      %get3A_680 = tpu.memref_slice %arg9[%scan3A_641, %get3A_679] : memref<32x1024xf32, #tpu.memory_space<vmem>> -> memref<1x1024xf32, #tpu.memory_space<vmem>>
      %get3A_681 = tpu.memref_squeeze %get3A_680 : memref<1x1024xf32, #tpu.memory_space<vmem>> -> memref<1024xf32, #tpu.memory_space<vmem>>
      %get3A_682 = arith.index_cast %mul3A_673 : i32 to index
      %get3A_683 = tpu.vector_load %get3A_681[%get3A_682] {strides = array<i32>} : memref<1024xf32, #tpu.memory_space<vmem>>, vector<16xf32>,
      %get3A_684 = vector.shape_cast %get3A_683 : vector<16xf32> to vector<16xf32>
      %add3A_685 = arith.addf %get3A_678, %get3A_684 : vector<16xf32>
      %swap3A = arith.constant 0 : i32
      %swap3A_686 = tpu.memref_slice %arg10[%scan3A_642, %swap3A] : memref<32x1024xf32, #tpu.memory_space<vmem>> -> memref<1x1024xf32, #tpu.memory_space<vmem>>
      %swap3A_687 = tpu.memref_squeeze %swap3A_686 : memref<1x1024xf32, #tpu.memory_space<vmem>> -> memref<1024xf32, #tpu.memory_space<vmem>>
      %swap3A_688 = arith.index_cast %mul3A_673 : i32 to index
      %swap3A_689 = tpu.vector_load %swap3A_687[%swap3A_688] {strides = array<i32>} : memref<1024xf32, #tpu.memory_space<vmem>>, vector<16xf32>,
      %swap3A_690 = vector.shape_cast %swap3A_689 : vector<16xf32> to vector<16xf32>
      %swap3A_691 = vector.shape_cast %add3A_685 : vector<16xf32> to vector<16xf32>
      tpu.vector_store %swap3A_687[%swap3A_688], %swap3A_691 {strides = array<i32>} : memref<1024xf32, #tpu.memory_space<vmem>>, vector<16xf32>,
      %scan3A_692 = arith.constant 0 : i32
      scf.yield %scan3A_692 : i32
    }
    %scan3A_649 = arith.constant 64 : i32
    %scan3A_650 = arith.constant 30 : i32
    %scan3A_651 = arith.constant 30 : i32
    %scan3A_652 = arith.constant 30 : i32
    %scan3A_653 = arith.constant 0 : i32
    %scan3A_654 = arith.constant 0 : i32
    %scan3A_655 = arith.constant 64 : i32
    %scan3A_656 = arith.addi %scan3A_654, %scan3A_655 : i32
    %scan3A_657 = arith.constant 1 : i32
    %scan3A_658 = scf.for %scan3A_670 = %scan3A_654 to %scan3A_656 step %scan3A_657 iter_args(%scan3A_671 = %scan3A_653) -> (i32)  : i32 {
      %mul3A_672 = arith.constant 16 : i32
      %mul3A_673 = arith.muli %scan3A_670, %mul3A_672 : i32
      %get3A = arith.constant 0 : i32
      %get3A_674 = tpu.memref_slice %arg8[%scan3A_650, %get3A] : memref<32x1024xf32, #tpu.memory_space<vmem>> -> memref<1x1024xf32, #tpu.memory_space<vmem>>
      %get3A_675 = tpu.memref_squeeze %get3A_674 : memref<1x1024xf32, #tpu.memory_space<vmem>> -> memref<1024xf32, #tpu.memory_space<vmem>>
      %get3A_676 = arith.index_cast %mul3A_673 : i32 to index
      %get3A_677 = tpu.vector_load %get3A_675[%get3A_676] {strides = array<i32>} : memref<1024xf32, #tpu.memory_space<vmem>>, vector<16xf32>,
      %get3A_678 = vector.shape_cast %get3A_677 : vector<16xf32> to vector<16xf32>
      %get3A_679 = arith.constant 0 : i32
      %get3A_680 = tpu.memref_slice %arg9[%scan3A_651, %get3A_679] : memref<32x1024xf32, #tpu.memory_space<vmem>> -> memref<1x1024xf32, #tpu.memory_space<vmem>>
      %get3A_681 = tpu.memref_squeeze %get3A_680 : memref<1x1024xf32, #tpu.memory_space<vmem>> -> memref<1024xf32, #tpu.memory_space<vmem>>
      %get3A_682 = arith.index_cast %mul3A_673 : i32 to index
      %get3A_683 = tpu.vector_load %get3A_681[%get3A_682] {strides = array<i32>} : memref<1024xf32, #tpu.memory_space<vmem>>, vector<16xf32>,
      %get3A_684 = vector.shape_cast %get3A_683 : vector<16xf32> to vector<16xf32>
      %add3A_685 = arith.addf %get3A_678, %get3A_684 : vector<16xf32>
      %swap3A = arith.constant 0 : i32
      %swap3A_686 = tpu.memref_slice %arg10[%scan3A_652, %swap3A] : memref<32x1024xf32, #tpu.memory_space<vmem>> -> memref<1x1024xf32, #tpu.memory_space<vmem>>
      %swap3A_687 = tpu.memref_squeeze %swap3A_686 : memref<1x1024xf32, #tpu.memory_space<vmem>> -> memref<1024xf32, #tpu.memory_space<vmem>>
      %swap3A_688 = arith.index_cast %mul3A_673 : i32 to index
      %swap3A_689 = tpu.vector_load %swap3A_687[%swap3A_688] {strides = array<i32>} : memref<1024xf32, #tpu.memory_space<vmem>>, vector<16xf32>,
      %swap3A_690 = vector.shape_cast %swap3A_689 : vector<16xf32> to vector<16xf32>
      %swap3A_691 = vector.shape_cast %add3A_685 : vector<16xf32> to vector<16xf32>
      tpu.vector_store %swap3A_687[%swap3A_688], %swap3A_691 {strides = array<i32>} : memref<1024xf32, #tpu.memory_space<vmem>>, vector<16xf32>,
      %scan3A_692 = arith.constant 0 : i32
      scf.yield %scan3A_692 : i32
    }
    %scan3A_659 = arith.constant 64 : i32
    %scan3A_660 = arith.constant 31 : i32
    %scan3A_661 = arith.constant 31 : i32
    %scan3A_662 = arith.constant 31 : i32
    %scan3A_663 = arith.constant 0 : i32
    %scan3A_664 = arith.constant 0 : i32
    %scan3A_665 = arith.constant 64 : i32
    %scan3A_666 = arith.addi %scan3A_664, %scan3A_665 : i32
    %scan3A_667 = arith.constant 1 : i32
    %scan3A_668 = scf.for %scan3A_670 = %scan3A_664 to %scan3A_666 step %scan3A_667 iter_args(%scan3A_671 = %scan3A_663) -> (i32)  : i32 {
      %mul3A_672 = arith.constant 16 : i32
      %mul3A_673 = arith.muli %scan3A_670, %mul3A_672 : i32
      %get3A = arith.constant 0 : i32
      %get3A_674 = tpu.memref_slice %arg8[%scan3A_660, %get3A] : memref<32x1024xf32, #tpu.memory_space<vmem>> -> memref<1x1024xf32, #tpu.memory_space<vmem>>
      %get3A_675 = tpu.memref_squeeze %get3A_674 : memref<1x1024xf32, #tpu.memory_space<vmem>> -> memref<1024xf32, #tpu.memory_space<vmem>>
      %get3A_676 = arith.index_cast %mul3A_673 : i32 to index
      %get3A_677 = tpu.vector_load %get3A_675[%get3A_676] {strides = array<i32>} : memref<1024xf32, #tpu.memory_space<vmem>>, vector<16xf32>,
      %get3A_678 = vector.shape_cast %get3A_677 : vector<16xf32> to vector<16xf32>
      %get3A_679 = arith.constant 0 : i32
      %get3A_680 = tpu.memref_slice %arg9[%scan3A_661, %get3A_679] : memref<32x1024xf32, #tpu.memory_space<vmem>> -> memref<1x1024xf32, #tpu.memory_space<vmem>>
      %get3A_681 = tpu.memref_squeeze %get3A_680 : memref<1x1024xf32, #tpu.memory_space<vmem>> -> memref<1024xf32, #tpu.memory_space<vmem>>
      %get3A_682 = arith.index_cast %mul3A_673 : i32 to index
      %get3A_683 = tpu.vector_load %get3A_681[%get3A_682] {strides = array<i32>} : memref<1024xf32, #tpu.memory_space<vmem>>, vector<16xf32>,
      %get3A_684 = vector.shape_cast %get3A_683 : vector<16xf32> to vector<16xf32>
      %add3A_685 = arith.addf %get3A_678, %get3A_684 : vector<16xf32>
      %swap3A = arith.constant 0 : i32
      %swap3A_686 = tpu.memref_slice %arg10[%scan3A_662, %swap3A] : memref<32x1024xf32, #tpu.memory_space<vmem>> -> memref<1x1024xf32, #tpu.memory_space<vmem>>
      %swap3A_687 = tpu.memref_squeeze %swap3A_686 : memref<1x1024xf32, #tpu.memory_space<vmem>> -> memref<1024xf32, #tpu.memory_space<vmem>>
      %swap3A_688 = arith.index_cast %mul3A_673 : i32 to index
      %swap3A_689 = tpu.vector_load %swap3A_687[%swap3A_688] {strides = array<i32>} : memref<1024xf32, #tpu.memory_space<vmem>>, vector<16xf32>,
      %swap3A_690 = vector.shape_cast %swap3A_689 : vector<16xf32> to vector<16xf32>
      %swap3A_691 = vector.shape_cast %add3A_685 : vector<16xf32> to vector<16xf32>
      tpu.vector_store %swap3A_687[%swap3A_688], %swap3A_691 {strides = array<i32>} : memref<1024xf32, #tpu.memory_space<vmem>>, vector<16xf32>,
      %scan3A_692 = arith.constant 0 : i32
      scf.yield %scan3A_692 : i32
    }
    %scan3A_669 = arith.constant 64 : i32
    "tpu.region"() ({
      %run_scoped3A = tpu.sem_alloc : memref<!tpu.dma_semaphore, #tpu.memory_space<semaphore_mem>>
      %dma_start3A_670 = arith.constant 0 : i32
      %dma_start3A_671 = tpu.memref_slice %arg5[%add3A_337, %dma_start3A_670] : memref<2048x1024xf32, #tpu.memory_space<hbm>> -> memref<32x1024xf32, #tpu.memory_space<hbm>>
      %dma_start3A_672 = arith.constant 0 : i32
      %dma_start3A_673 = tpu.memref_slice %arg5[%add3A_337, %dma_start3A_672] : memref<2048x1024xf32, #tpu.memory_space<hbm>> -> memref<32x1024xf32, #tpu.memory_space<hbm>>
      tpu.enqueue_dma source(%arg10 : memref<32x1024xf32, #tpu.memory_space<vmem>>) target(%dma_start3A_673 : memref<32x1024xf32, #tpu.memory_space<hbm>>) target_semaphore(%run_scoped3A : memref<!tpu.dma_semaphore, #tpu.memory_space<semaphore_mem>>)
      %dma_wait3A_674 = arith.constant 0 : i32
      %dma_wait3A_675 = tpu.memref_slice %arg5[%add3A_337, %dma_wait3A_674] : memref<2048x1024xf32, #tpu.memory_space<hbm>> -> memref<32x1024xf32, #tpu.memory_space<hbm>>
      %dma_wait3A_676 = arith.constant 0 : i32
      %dma_wait3A_677 = tpu.memref_slice %arg5[%add3A_337, %dma_wait3A_676] : memref<2048x1024xf32, #tpu.memory_space<hbm>> -> memref<32x1024xf32, #tpu.memory_space<hbm>>
      tpu.wait_dma2 semaphore(%run_scoped3A : memref<!tpu.dma_semaphore, #tpu.memory_space<semaphore_mem>>) src(%arg10 : memref<32x1024xf32, #tpu.memory_space<vmem>>) dst(%dma_wait3A_677 : memref<32x1024xf32, #tpu.memory_space<hbm>>)
      tpu.yield
    }) : () -> ()
    return
  }
}

#map = affine_map<(d0, d1) -> (0, 0)>
#map1 = affine_map<(d0, d1) -> (0)>
module attributes {stable_mosaic.version = 14 : i64} {
  func.func @_dispatch_body(%arg0: i32, %arg1: i32, %arg2: memref<2048x1024xf32, #tpu.memory_space<hbm>>, %arg3: memref<2048xi32, #tpu.memory_space<hbm>>, %arg4: memref<2048xi32, #tpu.memory_space<hbm>>, %arg5: memref<4096x256xf32, #tpu.memory_space<hbm>>, %arg6: memref<128xi32, #tpu.memory_space<hbm>>, %arg7: memref<5120x1024xf32, #tpu.memory_space<hbm>>, %arg8: memref<128x256xf32, #tpu.memory_space<hbm>>, %arg9: memref<64xi32, #tpu.memory_space<vmem>>, %arg10: memref<64xi32, #tpu.memory_space<vmem>>, %arg11: memref<64x1024xf32, #tpu.memory_space<vmem>>, %arg12: memref<8xi32, #tpu.memory_space<vmem>>, %arg13: memref<8x256xf32, #tpu.memory_space<vmem>>, %arg14: memref<!tpu.dma_semaphore, #tpu.memory_space<semaphore_mem>>, %arg15: memref<!tpu.dma_semaphore, #tpu.memory_space<semaphore_mem>>, %arg16: memref<!tpu.dma_semaphore, #tpu.memory_space<semaphore_mem>>) attributes {dimension_semantics = [#tpu.dimension_semantics<core_parallel>, #tpu.dimension_semantics<subcore_parallel>], iteration_bounds = array<i64: 2, 16>, scalar_prefetch = 0 : i64, scratch_operands = 8 : i64, tpu.core_type = #tpu.core_type<sc_vector_subcore>, window_params = [{transform_indices = #map}, {transform_indices = #map1}, {transform_indices = #map1}, {transform_indices = #map}, {transform_indices = #map1}, {transform_indices = #map}, {transform_indices = #map}]} {
    %mul3A = arith.constant 2 : i32
    %mul3A_0 = arith.muli %arg1, %mul3A : i32
    %add3A = arith.addi %mul3A_0, %arg0 : i32
    %mul3A_1 = arith.constant 64 : i32
    %mul3A_2 = arith.muli %add3A, %mul3A_1 : i32
    "tpu.region"() ({
      %run_scoped3A = tpu.sem_alloc : memref<!tpu.dma_semaphore, #tpu.memory_space<semaphore_mem>>
      %dma_start3A_15 = tpu.memref_slice %arg3[%mul3A_2] : memref<2048xi32, #tpu.memory_space<hbm>> -> memref<64xi32, #tpu.memory_space<hbm>>
      %dma_start3A_16 = tpu.memref_slice %arg3[%mul3A_2] : memref<2048xi32, #tpu.memory_space<hbm>> -> memref<64xi32, #tpu.memory_space<hbm>>
      tpu.enqueue_dma source(%dma_start3A_16 : memref<64xi32, #tpu.memory_space<hbm>>) target(%arg9 : memref<64xi32, #tpu.memory_space<vmem>>) target_semaphore(%run_scoped3A : memref<!tpu.dma_semaphore, #tpu.memory_space<semaphore_mem>>)
      %dma_wait3A_17 = tpu.memref_slice %arg3[%mul3A_2] : memref<2048xi32, #tpu.memory_space<hbm>> -> memref<64xi32, #tpu.memory_space<hbm>>
      %dma_wait3A_18 = tpu.memref_slice %arg3[%mul3A_2] : memref<2048xi32, #tpu.memory_space<hbm>> -> memref<64xi32, #tpu.memory_space<hbm>>
      tpu.wait_dma2 semaphore(%run_scoped3A : memref<!tpu.dma_semaphore, #tpu.memory_space<semaphore_mem>>) src(%dma_wait3A_18 : memref<64xi32, #tpu.memory_space<hbm>>) dst(%arg9 : memref<64xi32, #tpu.memory_space<vmem>>)
      tpu.yield
    }) : () -> ()
    "tpu.region"() ({
      %run_scoped3A = tpu.sem_alloc : memref<!tpu.dma_semaphore, #tpu.memory_space<semaphore_mem>>
      %dma_start3A_15 = tpu.memref_slice %arg4[%mul3A_2] : memref<2048xi32, #tpu.memory_space<hbm>> -> memref<64xi32, #tpu.memory_space<hbm>>
      %dma_start3A_16 = tpu.memref_slice %arg4[%mul3A_2] : memref<2048xi32, #tpu.memory_space<hbm>> -> memref<64xi32, #tpu.memory_space<hbm>>
      tpu.enqueue_dma source(%dma_start3A_16 : memref<64xi32, #tpu.memory_space<hbm>>) target(%arg10 : memref<64xi32, #tpu.memory_space<vmem>>) target_semaphore(%run_scoped3A : memref<!tpu.dma_semaphore, #tpu.memory_space<semaphore_mem>>)
      %dma_wait3A_17 = tpu.memref_slice %arg4[%mul3A_2] : memref<2048xi32, #tpu.memory_space<hbm>> -> memref<64xi32, #tpu.memory_space<hbm>>
      %dma_wait3A_18 = tpu.memref_slice %arg4[%mul3A_2] : memref<2048xi32, #tpu.memory_space<hbm>> -> memref<64xi32, #tpu.memory_space<hbm>>
      tpu.wait_dma2 semaphore(%run_scoped3A : memref<!tpu.dma_semaphore, #tpu.memory_space<semaphore_mem>>) src(%dma_wait3A_18 : memref<64xi32, #tpu.memory_space<hbm>>) dst(%arg10 : memref<64xi32, #tpu.memory_space<vmem>>)
      tpu.yield
    }) : () -> ()
    "tpu.region"() ({
      %run_scoped3A = tpu.sem_alloc : memref<!tpu.dma_semaphore, #tpu.memory_space<semaphore_mem>>
      %dma_start3A_15 = arith.constant 0 : i32
      %dma_start3A_16 = tpu.memref_slice %arg2[%mul3A_2, %dma_start3A_15] : memref<2048x1024xf32, #tpu.memory_space<hbm>> -> memref<64x1024xf32, #tpu.memory_space<hbm>>
      %dma_start3A_17 = arith.constant 0 : i32
      %dma_start3A_18 = tpu.memref_slice %arg2[%mul3A_2, %dma_start3A_17] : memref<2048x1024xf32, #tpu.memory_space<hbm>> -> memref<64x1024xf32, #tpu.memory_space<hbm>>
      tpu.enqueue_dma source(%dma_start3A_18 : memref<64x1024xf32, #tpu.memory_space<hbm>>) target(%arg11 : memref<64x1024xf32, #tpu.memory_space<vmem>>) target_semaphore(%run_scoped3A : memref<!tpu.dma_semaphore, #tpu.memory_space<semaphore_mem>>)
      %dma_wait3A_19 = arith.constant 0 : i32
      %dma_wait3A_20 = tpu.memref_slice %arg2[%mul3A_2, %dma_wait3A_19] : memref<2048x1024xf32, #tpu.memory_space<hbm>> -> memref<64x1024xf32, #tpu.memory_space<hbm>>
      %dma_wait3A_21 = arith.constant 0 : i32
      %dma_wait3A_22 = tpu.memref_slice %arg2[%mul3A_2, %dma_wait3A_21] : memref<2048x1024xf32, #tpu.memory_space<hbm>> -> memref<64x1024xf32, #tpu.memory_space<hbm>>
      tpu.wait_dma2 semaphore(%run_scoped3A : memref<!tpu.dma_semaphore, #tpu.memory_space<semaphore_mem>>) src(%dma_wait3A_22 : memref<64x1024xf32, #tpu.memory_space<hbm>>) dst(%arg11 : memref<64x1024xf32, #tpu.memory_space<vmem>>)
      tpu.yield
    }) : () -> ()
    %dma_start3A = arith.constant 0 : i32
    %dma_start3A_3 = arith.constant 0 : i32
    %dma_start3A_4 = tpu.memref_slice %arg7[%dma_start3A, %dma_start3A_3] : memref<5120x1024xf32, #tpu.memory_space<hbm>> -> memref<5120x1024xf32, #tpu.memory_space<hbm>>
    tpu.enqueue_indirect_dma source(%arg11 : memref<64x1024xf32, #tpu.memory_space<vmem>>) target(%dma_start3A_4 : memref<5120x1024xf32, #tpu.memory_space<hbm>>) offsets(%arg9 : memref<64xi32, #tpu.memory_space<vmem>>) semaphore(%arg14 : memref<!tpu.dma_semaphore, #tpu.memory_space<semaphore_mem>>)
    %dma_start3A_5 = arith.constant 0 : i32
    %dma_start3A_6 = arith.constant 0 : i32
    %dma_start3A_7 = tpu.memref_slice %arg7[%dma_start3A_5, %dma_start3A_6] : memref<5120x1024xf32, #tpu.memory_space<hbm>> -> memref<5120x1024xf32, #tpu.memory_space<hbm>>
    tpu.enqueue_indirect_dma source(%arg11 : memref<64x1024xf32, #tpu.memory_space<vmem>>) target(%dma_start3A_7 : memref<5120x1024xf32, #tpu.memory_space<hbm>>) offsets(%arg10 : memref<64xi32, #tpu.memory_space<vmem>>) semaphore(%arg15 : memref<!tpu.dma_semaphore, #tpu.memory_space<semaphore_mem>>)
    %lt3A = arith.constant 16 : i32
    %lt3A_8 = arith.cmpi slt, %add3A, %lt3A : i32
    %convert_element_type3A = arith.extui %lt3A_8 : i1 to i32
    %cond3A = arith.constant 0 : i32
    %cond3A_9 = arith.cmpi ne, %convert_element_type3A, %cond3A : i32
    scf.if %cond3A_9 {
      %mul3A_15 = arith.constant 8 : i32
      %mul3A_16 = arith.muli %add3A, %mul3A_15 : i32
      "tpu.region"() ({
        %run_scoped3A = tpu.sem_alloc : memref<!tpu.dma_semaphore, #tpu.memory_space<semaphore_mem>>
        %dma_start3A_23 = tpu.memref_slice %arg6[%mul3A_16] : memref<128xi32, #tpu.memory_space<hbm>> -> memref<8xi32, #tpu.memory_space<hbm>>
        %dma_start3A_24 = tpu.memref_slice %arg6[%mul3A_16] : memref<128xi32, #tpu.memory_space<hbm>> -> memref<8xi32, #tpu.memory_space<hbm>>
        tpu.enqueue_dma source(%dma_start3A_24 : memref<8xi32, #tpu.memory_space<hbm>>) target(%arg12 : memref<8xi32, #tpu.memory_space<vmem>>) target_semaphore(%run_scoped3A : memref<!tpu.dma_semaphore, #tpu.memory_space<semaphore_mem>>)
        %dma_wait3A_25 = tpu.memref_slice %arg6[%mul3A_16] : memref<128xi32, #tpu.memory_space<hbm>> -> memref<8xi32, #tpu.memory_space<hbm>>
        %dma_wait3A_26 = tpu.memref_slice %arg6[%mul3A_16] : memref<128xi32, #tpu.memory_space<hbm>> -> memref<8xi32, #tpu.memory_space<hbm>>
        tpu.wait_dma2 semaphore(%run_scoped3A : memref<!tpu.dma_semaphore, #tpu.memory_space<semaphore_mem>>) src(%dma_wait3A_26 : memref<8xi32, #tpu.memory_space<hbm>>) dst(%arg12 : memref<8xi32, #tpu.memory_space<vmem>>)
        tpu.yield
      }) : () -> ()
      %dma_start3A_17 = arith.constant 0 : i32
      %dma_start3A_18 = arith.constant 0 : i32
      %dma_start3A_19 = tpu.memref_slice %arg5[%dma_start3A_17, %dma_start3A_18] : memref<4096x256xf32, #tpu.memory_space<hbm>> -> memref<4096x256xf32, #tpu.memory_space<hbm>>
      tpu.enqueue_indirect_dma source(%dma_start3A_19 : memref<4096x256xf32, #tpu.memory_space<hbm>>) target(%arg13 : memref<8x256xf32, #tpu.memory_space<vmem>>) offsets(%arg12 : memref<8xi32, #tpu.memory_space<vmem>>) semaphore(%arg16 : memref<!tpu.dma_semaphore, #tpu.memory_space<semaphore_mem>>)
      %dma_wait3A_20 = arith.constant 0 : i32
      %dma_wait3A_21 = arith.constant 0 : i32
      %dma_wait3A_22 = tpu.memref_slice %arg5[%dma_wait3A_20, %dma_wait3A_21] : memref<4096x256xf32, #tpu.memory_space<hbm>> -> memref<4096x256xf32, #tpu.memory_space<hbm>>
      tpu.wait_indirect_dma semaphore(%arg16 : memref<!tpu.dma_semaphore, #tpu.memory_space<semaphore_mem>>) src(%dma_wait3A_22 : memref<4096x256xf32, #tpu.memory_space<hbm>>) dst(%arg13 : memref<8x256xf32, #tpu.memory_space<vmem>>)
      "tpu.region"() ({
        %run_scoped3A = tpu.sem_alloc : memref<!tpu.dma_semaphore, #tpu.memory_space<semaphore_mem>>
        %dma_start3A_23 = arith.constant 0 : i32
        %dma_start3A_24 = tpu.memref_slice %arg8[%mul3A_16, %dma_start3A_23] : memref<128x256xf32, #tpu.memory_space<hbm>> -> memref<8x256xf32, #tpu.memory_space<hbm>>
        %dma_start3A_25 = arith.constant 0 : i32
        %dma_start3A_26 = tpu.memref_slice %arg8[%mul3A_16, %dma_start3A_25] : memref<128x256xf32, #tpu.memory_space<hbm>> -> memref<8x256xf32, #tpu.memory_space<hbm>>
        tpu.enqueue_dma source(%arg13 : memref<8x256xf32, #tpu.memory_space<vmem>>) target(%dma_start3A_26 : memref<8x256xf32, #tpu.memory_space<hbm>>) target_semaphore(%run_scoped3A : memref<!tpu.dma_semaphore, #tpu.memory_space<semaphore_mem>>)
        %dma_wait3A_27 = arith.constant 0 : i32
        %dma_wait3A_28 = tpu.memref_slice %arg8[%mul3A_16, %dma_wait3A_27] : memref<128x256xf32, #tpu.memory_space<hbm>> -> memref<8x256xf32, #tpu.memory_space<hbm>>
        %dma_wait3A_29 = arith.constant 0 : i32
        %dma_wait3A_30 = tpu.memref_slice %arg8[%mul3A_16, %dma_wait3A_29] : memref<128x256xf32, #tpu.memory_space<hbm>> -> memref<8x256xf32, #tpu.memory_space<hbm>>
        tpu.wait_dma2 semaphore(%run_scoped3A : memref<!tpu.dma_semaphore, #tpu.memory_space<semaphore_mem>>) src(%arg13 : memref<8x256xf32, #tpu.memory_space<vmem>>) dst(%dma_wait3A_30 : memref<8x256xf32, #tpu.memory_space<hbm>>)
        tpu.yield
      }) : () -> ()
    } else {
    }
    %dma_wait3A = arith.constant 0 : i32
    %dma_wait3A_10 = arith.constant 0 : i32
    %dma_wait3A_11 = tpu.memref_slice %arg7[%dma_wait3A, %dma_wait3A_10] : memref<5120x1024xf32, #tpu.memory_space<hbm>> -> memref<5120x1024xf32, #tpu.memory_space<hbm>>
    tpu.wait_indirect_dma semaphore(%arg14 : memref<!tpu.dma_semaphore, #tpu.memory_space<semaphore_mem>>) src(%arg11 : memref<64x1024xf32, #tpu.memory_space<vmem>>) dst(%dma_wait3A_11 : memref<5120x1024xf32, #tpu.memory_space<hbm>>)
    %dma_wait3A_12 = arith.constant 0 : i32
    %dma_wait3A_13 = arith.constant 0 : i32
    %dma_wait3A_14 = tpu.memref_slice %arg7[%dma_wait3A_12, %dma_wait3A_13] : memref<5120x1024xf32, #tpu.memory_space<hbm>> -> memref<5120x1024xf32, #tpu.memory_space<hbm>>
    tpu.wait_indirect_dma semaphore(%arg15 : memref<!tpu.dma_semaphore, #tpu.memory_space<semaphore_mem>>) src(%arg11 : memref<64x1024xf32, #tpu.memory_space<vmem>>) dst(%dma_wait3A_14 : memref<5120x1024xf32, #tpu.memory_space<hbm>>)
    return
  }
}

module attributes {stable_mosaic.version = 14 : i64} {
  func.func @_smoother_body(%arg0: i32, %arg1: memref<256x1024xf32, #tpu.memory_space<vmem>>, %arg2: memref<1024x1024xbf16, #tpu.memory_space<vmem>>, %arg3: memref<1x1024xf32, #tpu.memory_space<vmem>>, %arg4: memref<1024x1024xbf16, #tpu.memory_space<vmem>>, %arg5: memref<1x1024xf32, #tpu.memory_space<vmem>>, %arg6: memref<1x1024xf32, #tpu.memory_space<vmem>>, %arg7: memref<1x1024xf32, #tpu.memory_space<vmem>>, %arg8: memref<1024x128xbf16, #tpu.memory_space<vmem>>, %arg9: memref<1024x8xbf16, #tpu.memory_space<vmem>>, %arg10: memref<128x8xbf16, #tpu.memory_space<vmem>>, %arg11: memref<2x8xf32, #tpu.memory_space<vmem>>, %arg12: memref<1x8xf32, #tpu.memory_space<vmem>>, %arg13: memref<1x1xf32, #tpu.memory_space<vmem>>, %arg14: memref<256x1024xbf16, #tpu.memory_space<vmem>>, %arg15: memref<256x128xbf16, #tpu.memory_space<vmem>>, %arg16: memref<256x8xf32, #tpu.memory_space<vmem>>, %arg17: memref<256x1xi32, #tpu.memory_space<vmem>>, %arg18: memref<256x1xi32, #tpu.memory_space<vmem>>, %arg19: memref<256x1xf32, #tpu.memory_space<vmem>>, %arg20: memref<256x1xf32, #tpu.memory_space<vmem>>, %arg21: memref<256x1xi32, #tpu.memory_space<vmem>>, %arg22: memref<256x1xi32, #tpu.memory_space<vmem>>, %arg23: memref<1x8xf32, #tpu.memory_space<vmem>>, %arg24: memref<1x8xf32, #tpu.memory_space<vmem>>, %arg25: memref<2x8xf32, #tpu.memory_space<vmem>>) attributes {dimension_semantics = [#tpu.dimension_semantics<arbitrary>], iteration_bounds = array<i64: 8>, scalar_prefetch = 0 : i64, scratch_operands = 1 : i64, tpu.core_type = #tpu.core_type<tc>, window_params = [{transform_indices = @transform_0, window_bounds = array<i64: 256, 1024>}, {pipeline_mode = #tpu.pipeline_mode<synchronous>, transform_indices = @transform_1, window_bounds = array<i64: 1024, 1024>}, {pipeline_mode = #tpu.pipeline_mode<synchronous>, transform_indices = @transform_2, window_bounds = array<i64: 1, 1024>}, {pipeline_mode = #tpu.pipeline_mode<synchronous>, transform_indices = @transform_3, window_bounds = array<i64: 1024, 1024>}, {pipeline_mode = #tpu.pipeline_mode<synchronous>, transform_indices = @transform_4, window_bounds = array<i64: 1, 1024>}, {pipeline_mode = #tpu.pipeline_mode<synchronous>, transform_indices = @transform_5, window_bounds = array<i64: 1, 1024>}, {pipeline_mode = #tpu.pipeline_mode<synchronous>, transform_indices = @transform_6, window_bounds = array<i64: 1, 1024>}, {pipeline_mode = #tpu.pipeline_mode<synchronous>, transform_indices = @transform_7, window_bounds = array<i64: 1024, 128>}, {pipeline_mode = #tpu.pipeline_mode<synchronous>, transform_indices = @transform_8, window_bounds = array<i64: 1024, 8>}, {pipeline_mode = #tpu.pipeline_mode<synchronous>, transform_indices = @transform_9, window_bounds = array<i64: 128, 8>}, {pipeline_mode = #tpu.pipeline_mode<synchronous>, transform_indices = @transform_10, window_bounds = array<i64: 2, 8>}, {pipeline_mode = #tpu.pipeline_mode<synchronous>, transform_indices = @transform_11, window_bounds = array<i64: 1, 8>}, {pipeline_mode = #tpu.pipeline_mode<synchronous>, transform_indices = @transform_12, window_bounds = array<i64: 1, 1>}, {transform_indices = @transform_13, window_bounds = array<i64: 256, 1024>}, {transform_indices = @transform_14, window_bounds = array<i64: 256, 128>}, {transform_indices = @transform_15, window_bounds = array<i64: 256, 8>}, {transform_indices = @transform_16, window_bounds = array<i64: 256, 1>}, {transform_indices = @transform_17, window_bounds = array<i64: 256, 1>}, {transform_indices = @transform_18, window_bounds = array<i64: 256, 1>}, {transform_indices = @transform_19, window_bounds = array<i64: 256, 1>}, {transform_indices = @transform_20, window_bounds = array<i64: 256, 1>}, {transform_indices = @transform_21, window_bounds = array<i64: 256, 1>}, {pipeline_mode = #tpu.pipeline_mode<synchronous>, transform_indices = @transform_22, window_bounds = array<i64: 1, 8>}, {pipeline_mode = #tpu.pipeline_mode<synchronous>, transform_indices = @transform_23, window_bounds = array<i64: 1, 8>}]} {
    %get3A = arith.constant 0 : index
    %get3A_0 = arith.constant 0 : index
    %get3A_1 = vector.load %arg1[%get3A, %get3A_0] : memref<256x1024xf32, #tpu.memory_space<vmem>>, vector<256x1024xf32>
    %convert_element_type3A = arith.truncf %get3A_1 : vector<256x1024xf32> to vector<256x1024xbf16>
    %get3A_2 = arith.constant 0 : index
    %get3A_3 = arith.constant 0 : index
    %get3A_4 = vector.load %arg2[%get3A_2, %get3A_3] : memref<1024x1024xbf16, #tpu.memory_space<vmem>>, vector<1024x1024xbf16>
    %dot_general3A = arith.constant dense<0.000000e+00> : vector<256x1024xf32>
    %dot_general3A_5 = tpu.matmul %convert_element_type3A, %get3A_4, %dot_general3A {dimension_numbers = #tpu.dot_dimension_numbers<[1], [0], [0], [1], [0, 0, 1, 1], [], []>, transpose_lhs_hint = false} : vector<256x1024xbf16>, vector<1024x1024xbf16>, vector<256x1024xf32> -> vector<256x1024xf32>
    %get3A_6 = arith.constant 0 : index
    %get3A_7 = arith.constant 0 : index
    %get3A_8 = vector.load %arg3[%get3A_6, %get3A_7] : memref<1x1024xf32, #tpu.memory_space<vmem>>, vector<1x1024xf32>
    %add3A = vector.broadcast %get3A_8 : vector<1x1024xf32> to vector<256x1024xf32>
    %add3A_9 = arith.addf %dot_general3A_5, %add3A : vector<256x1024xf32>
    %integer_pow3A = arith.mulf %add3A_9, %add3A_9 : vector<256x1024xf32>
    %integer_pow3A_10 = arith.mulf %add3A_9, %integer_pow3A : vector<256x1024xf32>
    %mul3A = arith.constant 4.471500e-02 : f32
    %mul3A_11 = vector.broadcast %mul3A : f32 to vector<256x1024xf32>
    %mul3A_12 = arith.mulf %mul3A_11, %integer_pow3A_10 : vector<256x1024xf32>
    %add3A_13 = arith.addf %add3A_9, %mul3A_12 : vector<256x1024xf32>
    %mul3A_14 = arith.constant 0.797884583 : f32
    %mul3A_15 = vector.broadcast %mul3A_14 : f32 to vector<256x1024xf32>
    %mul3A_16 = arith.mulf %mul3A_15, %add3A_13 : vector<256x1024xf32>
    %tanh3A = math.tanh %mul3A_16 : vector<256x1024xf32>
    %add3A_17 = arith.constant 1.000000e+00 : f32
    %add3A_18 = vector.broadcast %add3A_17 : f32 to vector<256x1024xf32>
    %add3A_19 = arith.addf %add3A_18, %tanh3A : vector<256x1024xf32>
    %mul3A_20 = arith.constant 5.000000e-01 : f32
    %mul3A_21 = vector.broadcast %mul3A_20 : f32 to vector<256x1024xf32>
    %mul3A_22 = arith.mulf %mul3A_21, %add3A_19 : vector<256x1024xf32>
    %mul3A_23 = arith.mulf %add3A_9, %mul3A_22 : vector<256x1024xf32>
    %convert_element_type3A_24 = arith.truncf %mul3A_23 : vector<256x1024xf32> to vector<256x1024xbf16>
    %get3A_25 = arith.constant 0 : index
    %get3A_26 = arith.constant 0 : index
    %get3A_27 = vector.load %arg4[%get3A_25, %get3A_26] : memref<1024x1024xbf16, #tpu.memory_space<vmem>>, vector<1024x1024xbf16>
    %dot_general3A_28 = arith.constant dense<0.000000e+00> : vector<256x1024xf32>
    %dot_general3A_29 = tpu.matmul %convert_element_type3A_24, %get3A_27, %dot_general3A_28 {dimension_numbers = #tpu.dot_dimension_numbers<[1], [0], [0], [1], [0, 0, 1, 1], [], []>, transpose_lhs_hint = false} : vector<256x1024xbf16>, vector<1024x1024xbf16>, vector<256x1024xf32> -> vector<256x1024xf32>
    %add3A_30 = arith.addf %get3A_1, %dot_general3A_29 : vector<256x1024xf32>
    %get3A_31 = arith.constant 0 : index
    %get3A_32 = arith.constant 0 : index
    %get3A_33 = vector.load %arg5[%get3A_31, %get3A_32] : memref<1x1024xf32, #tpu.memory_space<vmem>>, vector<1x1024xf32>
    %add3A_34 = vector.broadcast %get3A_33 : vector<1x1024xf32> to vector<256x1024xf32>
    %add3A_35 = arith.addf %add3A_30, %add3A_34 : vector<256x1024xf32>
    %reduce_sum3A = arith.constant dense<0.000000e+00> : vector<256xf32>
    %reduce_sum3A_36 = vector.multi_reduction <add>, %add3A_35, %reduce_sum3A [1] : vector<256x1024xf32> to vector<256xf32>
    %broadcast_in_dim3A = vector.shape_cast %reduce_sum3A_36 : vector<256xf32> to vector<256x1xf32>
    %div3A = arith.constant 1.024000e+03 : f32
    %div3A_37 = vector.broadcast %div3A : f32 to vector<256x1xf32>
    %div3A_38 = arith.divf %broadcast_in_dim3A, %div3A_37 : vector<256x1xf32>
    %sub3A = vector.broadcast %div3A_38 : vector<256x1xf32> to vector<256x1024xf32>
    %sub3A_39 = arith.subf %add3A_35, %sub3A : vector<256x1024xf32>
    %integer_pow3A_40 = arith.mulf %sub3A_39, %sub3A_39 : vector<256x1024xf32>
    %reduce_sum3A_41 = arith.constant dense<0.000000e+00> : vector<256xf32>
    %reduce_sum3A_42 = vector.multi_reduction <add>, %integer_pow3A_40, %reduce_sum3A_41 [1] : vector<256x1024xf32> to vector<256xf32>
    %broadcast_in_dim3A_43 = vector.shape_cast %reduce_sum3A_42 : vector<256xf32> to vector<256x1xf32>
    %div3A_44 = arith.constant 1.024000e+03 : f32
    %div3A_45 = vector.broadcast %div3A_44 : f32 to vector<256x1xf32>
    %div3A_46 = arith.divf %broadcast_in_dim3A_43, %div3A_45 : vector<256x1xf32>
    %get3A_47 = arith.constant 0 : index
    %get3A_48 = arith.constant 0 : index
    %get3A_49 = vector.load %arg6[%get3A_47, %get3A_48] : memref<1x1024xf32, #tpu.memory_space<vmem>>, vector<1x1024xf32>
    %sub3A_50 = vector.broadcast %div3A_38 : vector<256x1xf32> to vector<256x1024xf32>
    %sub3A_51 = arith.subf %add3A_35, %sub3A_50 : vector<256x1024xf32>
    %mul3A_52 = vector.broadcast %get3A_49 : vector<1x1024xf32> to vector<256x1024xf32>
    %mul3A_53 = arith.mulf %mul3A_52, %sub3A_51 : vector<256x1024xf32>
    %add3A_54 = arith.constant 9.99999974E-6 : f32
    %add3A_55 = vector.broadcast %add3A_54 : f32 to vector<256x1xf32>
    %add3A_56 = arith.addf %div3A_46, %add3A_55 : vector<256x1xf32>
    %rsqrt3A = math.rsqrt %add3A_56 : vector<256x1xf32>
    %mul3A_57 = vector.broadcast %rsqrt3A : vector<256x1xf32> to vector<256x1024xf32>
    %mul3A_58 = arith.mulf %mul3A_53, %mul3A_57 : vector<256x1024xf32>
    %get3A_59 = arith.constant 0 : index
    %get3A_60 = arith.constant 0 : index
    %get3A_61 = vector.load %arg7[%get3A_59, %get3A_60] : memref<1x1024xf32, #tpu.memory_space<vmem>>, vector<1x1024xf32>
    %add3A_62 = vector.broadcast %get3A_61 : vector<1x1024xf32> to vector<256x1024xf32>
    %add3A_63 = arith.addf %mul3A_58, %add3A_62 : vector<256x1024xf32>
    %convert_element_type3A_64 = arith.truncf %add3A_63 : vector<256x1024xf32> to vector<256x1024xbf16>
    %get3A_65 = arith.constant 0 : index
    %get3A_66 = arith.constant 0 : index
    %get3A_67 = vector.load %arg8[%get3A_65, %get3A_66] : memref<1024x128xbf16, #tpu.memory_space<vmem>>, vector<1024x128xbf16>
    %dot_general3A_68 = arith.constant dense<0.000000e+00> : vector<256x128xf32>
    %dot_general3A_69 = tpu.matmul %convert_element_type3A_64, %get3A_67, %dot_general3A_68 {dimension_numbers = #tpu.dot_dimension_numbers<[1], [0], [0], [1], [0, 0, 1, 1], [], []>, transpose_lhs_hint = false} : vector<256x1024xbf16>, vector<1024x128xbf16>, vector<256x128xf32> -> vector<256x128xf32>
    %tanh3A_70 = math.tanh %dot_general3A_69 : vector<256x128xf32>
    %convert_element_type3A_71 = arith.truncf %tanh3A_70 : vector<256x128xf32> to vector<256x128xbf16>
    %add3A_72 = arith.constant 9.99999974E-6 : f32
    %add3A_73 = vector.broadcast %add3A_72 : f32 to vector<256x1xf32>
    %add3A_74 = arith.addf %div3A_46, %add3A_73 : vector<256x1xf32>
    %sqrt3A = math.sqrt %add3A_74 : vector<256x1xf32>
    %convert_element_type3A_75 = arith.truncf %div3A_38 : vector<256x1xf32> to vector<256x1xbf16>
    %convert_element_type3A_76 = arith.extf %convert_element_type3A_75 : vector<256x1xbf16> to vector<256x1xf32>
    %convert_element_type3A_77 = arith.truncf %sqrt3A : vector<256x1xf32> to vector<256x1xbf16>
    %convert_element_type3A_78 = arith.extf %convert_element_type3A_77 : vector<256x1xbf16> to vector<256x1xf32>
    %get3A_79 = arith.constant 0 : index
    %get3A_80 = arith.constant 0 : index
    %get3A_81 = vector.load %arg11[%get3A_79, %get3A_80] : memref<2x8xf32, #tpu.memory_space<vmem>>, vector<2x8xf32>
    %convert_element_type3A_82 = arith.truncf %get3A_81 : vector<2x8xf32> to vector<2x8xbf16>
    %convert_element_type3A_83 = arith.extf %convert_element_type3A_82 : vector<2x8xbf16> to vector<2x8xf32>
    %get3A_84 = arith.constant 0 : index
    %get3A_85 = arith.constant 0 : index
    %get3A_86 = vector.load %arg9[%get3A_84, %get3A_85] : memref<1024x8xbf16, #tpu.memory_space<vmem>>, vector<1024x8xbf16>
    %dot_general3A_87 = arith.constant dense<0.000000e+00> : vector<256x8xf32>
    %dot_general3A_88 = tpu.matmul %convert_element_type3A_64, %get3A_86, %dot_general3A_87 {dimension_numbers = #tpu.dot_dimension_numbers<[1], [0], [0], [1], [0, 0, 1, 1], [], []>, transpose_lhs_hint = false} : vector<256x1024xbf16>, vector<1024x8xbf16>, vector<256x8xf32> -> vector<256x8xf32>
    %get3A_89 = arith.constant 0 : index
    %get3A_90 = arith.constant 0 : index
    %get3A_91 = vector.load %arg10[%get3A_89, %get3A_90] : memref<128x8xbf16, #tpu.memory_space<vmem>>, vector<128x8xbf16>
    %dot_general3A_92 = arith.constant dense<0.000000e+00> : vector<256x8xf32>
    %dot_general3A_93 = tpu.matmul %convert_element_type3A_71, %get3A_91, %dot_general3A_92 {dimension_numbers = #tpu.dot_dimension_numbers<[1], [0], [0], [1], [0, 0, 1, 1], [], []>, transpose_lhs_hint = false} : vector<256x128xbf16>, vector<128x8xbf16>, vector<256x8xf32> -> vector<256x8xf32>
    %add3A_94 = arith.addf %dot_general3A_88, %dot_general3A_93 : vector<256x8xf32>
    %slice3A = vector.extract_strided_slice %convert_element_type3A_83 {offsets = [0, 0], sizes = [1, 8], strides = [1, 1]} : vector<2x8xf32> to vector<1x8xf32>
    %mul3A_95 = vector.broadcast %convert_element_type3A_76 : vector<256x1xf32> to vector<256x8xf32>
    %mul3A_96 = vector.broadcast %slice3A : vector<1x8xf32> to vector<256x8xf32>
    %mul3A_97 = arith.mulf %mul3A_95, %mul3A_96 : vector<256x8xf32>
    %add3A_98 = arith.addf %add3A_94, %mul3A_97 : vector<256x8xf32>
    %slice3A_99 = vector.extract_strided_slice %convert_element_type3A_83 {offsets = [1, 0], sizes = [1, 8], strides = [1, 1]} : vector<2x8xf32> to vector<1x8xf32>
    %mul3A_100 = vector.broadcast %convert_element_type3A_78 : vector<256x1xf32> to vector<256x8xf32>
    %mul3A_101 = vector.broadcast %slice3A_99 : vector<1x8xf32> to vector<256x8xf32>
    %mul3A_102 = arith.mulf %mul3A_100, %mul3A_101 : vector<256x8xf32>
    %add3A_103 = arith.addf %add3A_98, %mul3A_102 : vector<256x8xf32>
    %get3A_104 = arith.constant 0 : index
    %get3A_105 = arith.constant 0 : index
    %get3A_106 = vector.load %arg13[%get3A_104, %get3A_105] : memref<1x1xf32, #tpu.memory_space<vmem>>, vector<1x1xf32>
    %get3A_107 = vector.extract %get3A_106[0, 0] : f32 from vector<1x1xf32>
    %get3A_108 = arith.constant 0 : index
    %get3A_109 = arith.constant 0 : index
    %get3A_110 = vector.load %arg12[%get3A_108, %get3A_109] : memref<1x8xf32, #tpu.memory_space<vmem>>, vector<1x8xf32>
    %mul3A_111 = vector.broadcast %get3A_107 : f32 to vector<1x8xf32>
    %mul3A_112 = arith.mulf %mul3A_111, %get3A_110 : vector<1x8xf32>
    %add3A_113 = vector.broadcast %mul3A_112 : vector<1x8xf32> to vector<256x8xf32>
    %add3A_114 = arith.addf %add3A_103, %add3A_113 : vector<256x8xf32>
    %iota3A = tpu.iota {dimensions = array<i32: 1>} : vector<256x8xi32>
    %reduce_max3A = arith.constant dense<0xFF800000> : vector<256xf32>
    %reduce_max3A_115 = vector.multi_reduction <maximumf>, %add3A_114, %reduce_max3A [1] : vector<256x8xf32> to vector<256xf32>
    %broadcast_in_dim3A_116 = vector.shape_cast %reduce_max3A_115 : vector<256xf32> to vector<256x1xf32>
    %eq3A = vector.broadcast %broadcast_in_dim3A_116 : vector<256x1xf32> to vector<256x8xf32>
    %eq3A_117 = arith.cmpf oeq, %add3A_114, %eq3A : vector<256x8xf32>
    %jit3A = arith.constant 8 : i32
    %broadcast_in_dim3A_118 = vector.broadcast %jit3A : i32 to vector<256x8xi32>
    %select_n3A = arith.select %eq3A_117, %iota3A, %broadcast_in_dim3A_118 : vector<256x8xi1>, vector<256x8xi32>
    %reduce_min3A = arith.constant dense<2147483647> : vector<256xi32>
    %reduce_min3A_119 = vector.multi_reduction <minsi>, %select_n3A, %reduce_min3A [1] : vector<256x8xi32> to vector<256xi32>
    %broadcast_in_dim3A_120 = vector.shape_cast %reduce_min3A_119 : vector<256xi32> to vector<256x1xi32>
    %eq3A_121 = vector.broadcast %broadcast_in_dim3A_120 : vector<256x1xi32> to vector<256x8xi32>
    %eq3A_122 = arith.cmpi eq, %iota3A, %eq3A_121 : vector<256x8xi32>
    %jit3A_123 = arith.constant 0xFF800000 : f32
    %broadcast_in_dim3A_124 = vector.broadcast %jit3A_123 : f32 to vector<256x8xf32>
    %select_n3A_125 = arith.select %eq3A_122, %broadcast_in_dim3A_124, %add3A_114 : vector<256x8xi1>, vector<256x8xf32>
    %reduce_max3A_126 = arith.constant dense<0xFF800000> : vector<256xf32>
    %reduce_max3A_127 = vector.multi_reduction <maximumf>, %select_n3A_125, %reduce_max3A_126 [1] : vector<256x8xf32> to vector<256xf32>
    %broadcast_in_dim3A_128 = vector.shape_cast %reduce_max3A_127 : vector<256xf32> to vector<256x1xf32>
    %eq3A_129 = vector.broadcast %broadcast_in_dim3A_128 : vector<256x1xf32> to vector<256x8xf32>
    %eq3A_130 = arith.cmpf oeq, %select_n3A_125, %eq3A_129 : vector<256x8xf32>
    %jit3A_131 = arith.constant 8 : i32
    %broadcast_in_dim3A_132 = vector.broadcast %jit3A_131 : i32 to vector<256x8xi32>
    %select_n3A_133 = arith.select %eq3A_130, %iota3A, %broadcast_in_dim3A_132 : vector<256x8xi1>, vector<256x8xi32>
    %reduce_min3A_134 = arith.constant dense<2147483647> : vector<256xi32>
    %reduce_min3A_135 = vector.multi_reduction <minsi>, %select_n3A_133, %reduce_min3A_134 [1] : vector<256x8xi32> to vector<256xi32>
    %broadcast_in_dim3A_136 = vector.shape_cast %reduce_min3A_135 : vector<256xi32> to vector<256x1xi32>
    %sub3A_137 = arith.subf %broadcast_in_dim3A_128, %broadcast_in_dim3A_116 : vector<256x1xf32>
    %exp3A = math.exp %sub3A_137 : vector<256x1xf32>
    %add3A_138 = arith.constant 1.000000e+00 : f32
    %add3A_139 = vector.broadcast %add3A_138 : f32 to vector<256x1xf32>
    %add3A_140 = arith.addf %add3A_139, %exp3A : vector<256x1xf32>
    %div3A_141 = arith.constant 1.000000e+00 : f32
    %div3A_142 = vector.broadcast %div3A_141 : f32 to vector<256x1xf32>
    %div3A_143 = arith.divf %div3A_142, %add3A_140 : vector<256x1xf32>
    %div3A_144 = arith.divf %exp3A, %add3A_140 : vector<256x1xf32>
    %eq3A_145 = vector.broadcast %broadcast_in_dim3A_120 : vector<256x1xi32> to vector<256x8xi32>
    %eq3A_146 = arith.cmpi eq, %iota3A, %eq3A_145 : vector<256x8xi32>
    %jit3A_147 = arith.constant 0.000000e+00 : f32
    %broadcast_in_dim3A_148 = vector.shape_cast %div3A_143 : vector<256x1xf32> to vector<256x1xf32>
    %broadcast_in_dim3A_149 = vector.broadcast %broadcast_in_dim3A_148 : vector<256x1xf32> to vector<256x8xf32>
    %broadcast_in_dim3A_150 = vector.broadcast %jit3A_147 : f32 to vector<256x8xf32>
    %select_n3A_151 = arith.select %eq3A_146, %broadcast_in_dim3A_149, %broadcast_in_dim3A_150 : vector<256x8xi1>, vector<256x8xf32>
    %eq3A_152 = vector.broadcast %broadcast_in_dim3A_136 : vector<256x1xi32> to vector<256x8xi32>
    %eq3A_153 = arith.cmpi eq, %iota3A, %eq3A_152 : vector<256x8xi32>
    %jit3A_154 = arith.constant 0.000000e+00 : f32
    %broadcast_in_dim3A_155 = vector.shape_cast %div3A_144 : vector<256x1xf32> to vector<256x1xf32>
    %broadcast_in_dim3A_156 = vector.broadcast %broadcast_in_dim3A_155 : vector<256x1xf32> to vector<256x8xf32>
    %broadcast_in_dim3A_157 = vector.broadcast %jit3A_154 : f32 to vector<256x8xf32>
    %select_n3A_158 = arith.select %eq3A_153, %broadcast_in_dim3A_156, %broadcast_in_dim3A_157 : vector<256x8xi1>, vector<256x8xf32>
    %add3A_159 = arith.addf %select_n3A_151, %select_n3A_158 : vector<256x8xf32>
    %eq3A_160 = arith.constant 0 : i32
    %eq3A_161 = arith.cmpi eq, %arg0, %eq3A_160 : i32
    %convert_element_type3A_162 = arith.extui %eq3A_161 : i1 to i32
    %cond3A = arith.constant 0 : i32
    %cond3A_163 = arith.cmpi ne, %convert_element_type3A_162, %cond3A : i32
    scf.if %cond3A_163 {
      %broadcast_in_dim3A_253 = arith.constant 0.000000e+00 : f32
      %broadcast_in_dim3A_254 = vector.broadcast %broadcast_in_dim3A_253 : f32 to vector<2x8xf32>
      %swap3A_255 = arith.constant 0 : index
      %swap3A_256 = arith.constant 0 : index
      %swap3A_257 = vector.load %arg25[%swap3A_255, %swap3A_256] : memref<2x8xf32, #tpu.memory_space<vmem>>, vector<2x8xf32>
      tpu.vector_store %arg25[%swap3A_255, %swap3A_256], %broadcast_in_dim3A_254 {strides = array<i32>} : memref<2x8xf32, #tpu.memory_space<vmem>>, vector<2x8xf32>,
    } else {
    }
    %eq3A_164 = vector.broadcast %broadcast_in_dim3A_120 : vector<256x1xi32> to vector<256x8xi32>
    %eq3A_165 = arith.cmpi eq, %iota3A, %eq3A_164 : vector<256x8xi32>
    %convert_element_type3A_166 = arith.extui %eq3A_165 : vector<256x8xi1> to vector<256x8xi32>
    %convert_element_type3A_167 = arith.sitofp %convert_element_type3A_166 : vector<256x8xi32> to vector<256x8xf32>
    %convert_element_type3A_168 = arith.truncf %convert_element_type3A_167 : vector<256x8xf32> to vector<256x8xbf16>
    %eq3A_169 = vector.broadcast %broadcast_in_dim3A_136 : vector<256x1xi32> to vector<256x8xi32>
    %eq3A_170 = arith.cmpi eq, %iota3A, %eq3A_169 : vector<256x8xi32>
    %convert_element_type3A_171 = arith.extui %eq3A_170 : vector<256x8xi1> to vector<256x8xi32>
    %convert_element_type3A_172 = arith.sitofp %convert_element_type3A_171 : vector<256x8xi32> to vector<256x8xf32>
    %convert_element_type3A_173 = arith.truncf %convert_element_type3A_172 : vector<256x8xf32> to vector<256x8xbf16>
    %iota3A_174 = tpu.iota {dimensions = array<i32: 0>} : vector<256x256xi32>
    %iota3A_175 = tpu.iota {dimensions = array<i32: 1>} : vector<256x256xi32>
    %lt3A = arith.cmpi slt, %iota3A_175, %iota3A_174 : vector<256x256xi32>
    %convert_element_type3A_176 = arith.extui %lt3A : vector<256x256xi1> to vector<256x256xi32>
    %convert_element_type3A_177 = arith.sitofp %convert_element_type3A_176 : vector<256x256xi32> to vector<256x256xf32>
    %convert_element_type3A_178 = arith.truncf %convert_element_type3A_177 : vector<256x256xf32> to vector<256x256xbf16>
    %dot_general3A_179 = arith.constant dense<0.000000e+00> : vector<256x8xf32>
    %dot_general3A_180 = tpu.matmul %convert_element_type3A_178, %convert_element_type3A_168, %dot_general3A_179 {dimension_numbers = #tpu.dot_dimension_numbers<[1], [0], [0], [1], [0, 0, 1, 1], [], []>, transpose_lhs_hint = false} : vector<256x256xbf16>, vector<256x8xbf16>, vector<256x8xf32> -> vector<256x8xf32>
    %dot_general3A_181 = arith.constant dense<0.000000e+00> : vector<256x8xf32>
    %dot_general3A_182 = tpu.matmul %convert_element_type3A_178, %convert_element_type3A_173, %dot_general3A_181 {dimension_numbers = #tpu.dot_dimension_numbers<[1], [0], [0], [1], [0, 0, 1, 1], [], []>, transpose_lhs_hint = false} : vector<256x256xbf16>, vector<256x8xbf16>, vector<256x8xf32> -> vector<256x8xf32>
    %get3A_183 = arith.constant 0 : index
    %get3A_184 = arith.constant 0 : index
    %get3A_185 = vector.load %arg25[%get3A_183, %get3A_184] : memref<2x8xf32, #tpu.memory_space<vmem>>, vector<2x8xf32>
    %convert_element_type3A_186 = arith.extf %convert_element_type3A_168 : vector<256x8xbf16> to vector<256x8xf32>
    %convert_element_type3A_187 = arith.extf %convert_element_type3A_173 : vector<256x8xbf16> to vector<256x8xf32>
    %slice3A_188 = vector.extract_strided_slice %get3A_185 {offsets = [0, 0], sizes = [1, 8], strides = [1, 1]} : vector<2x8xf32> to vector<1x8xf32>
    %add3A_189 = vector.broadcast %slice3A_188 : vector<1x8xf32> to vector<256x8xf32>
    %add3A_190 = arith.addf %dot_general3A_180, %add3A_189 : vector<256x8xf32>
    %mul3A_191 = arith.mulf %convert_element_type3A_186, %add3A_190 : vector<256x8xf32>
    %reduce_sum3A_192 = arith.constant dense<0.000000e+00> : vector<256xf32>
    %reduce_sum3A_193 = vector.multi_reduction <add>, %mul3A_191, %reduce_sum3A_192 [1] : vector<256x8xf32> to vector<256xf32>
    %broadcast_in_dim3A_194 = vector.shape_cast %reduce_sum3A_193 : vector<256xf32> to vector<256x1xf32>
    %slice3A_195 = vector.extract_strided_slice %get3A_185 {offsets = [1, 0], sizes = [1, 8], strides = [1, 1]} : vector<2x8xf32> to vector<1x8xf32>
    %add3A_196 = vector.broadcast %slice3A_195 : vector<1x8xf32> to vector<256x8xf32>
    %add3A_197 = arith.addf %dot_general3A_182, %add3A_196 : vector<256x8xf32>
    %mul3A_198 = arith.mulf %convert_element_type3A_187, %add3A_197 : vector<256x8xf32>
    %reduce_sum3A_199 = arith.constant dense<0.000000e+00> : vector<256xf32>
    %reduce_sum3A_200 = vector.multi_reduction <add>, %mul3A_198, %reduce_sum3A_199 [1] : vector<256x8xf32> to vector<256xf32>
    %broadcast_in_dim3A_201 = vector.shape_cast %reduce_sum3A_200 : vector<256xf32> to vector<256x1xf32>
    %slice3A_202 = vector.extract_strided_slice %get3A_185 {offsets = [0, 0], sizes = [1, 8], strides = [1, 1]} : vector<2x8xf32> to vector<1x8xf32>
    %reduce_sum3A_203 = arith.constant dense<0.000000e+00> : vector<8xf32>
    %reduce_sum3A_204 = vector.multi_reduction <add>, %convert_element_type3A_186, %reduce_sum3A_203 [0] : vector<256x8xf32> to vector<8xf32>
    %broadcast_in_dim3A_205 = vector.shape_cast %reduce_sum3A_204 : vector<8xf32> to vector<1x8xf32>
    %add3A_206 = arith.addf %slice3A_202, %broadcast_in_dim3A_205 : vector<1x8xf32>
    %slice3A_207 = vector.extract_strided_slice %get3A_185 {offsets = [1, 0], sizes = [1, 8], strides = [1, 1]} : vector<2x8xf32> to vector<1x8xf32>
    %reduce_sum3A_208 = arith.constant dense<0.000000e+00> : vector<8xf32>
    %reduce_sum3A_209 = vector.multi_reduction <add>, %convert_element_type3A_187, %reduce_sum3A_208 [0] : vector<256x8xf32> to vector<8xf32>
    %broadcast_in_dim3A_210 = vector.shape_cast %reduce_sum3A_209 : vector<8xf32> to vector<1x8xf32>
    %add3A_211 = arith.addf %slice3A_207, %broadcast_in_dim3A_210 : vector<1x8xf32>
    %concatenate3A = tpu.concatenate %add3A_206, %add3A_211 in 0 : vector<1x8xf32>, vector<1x8xf32> -> vector<2x8xf32>
    %swap3A = arith.constant 0 : index
    %swap3A_212 = arith.constant 0 : index
    %swap3A_213 = vector.load %arg25[%swap3A, %swap3A_212] : memref<2x8xf32, #tpu.memory_space<vmem>>, vector<2x8xf32>
    tpu.vector_store %arg25[%swap3A, %swap3A_212], %concatenate3A {strides = array<i32>} : memref<2x8xf32, #tpu.memory_space<vmem>>, vector<2x8xf32>,
    %swap3A_214 = arith.constant 0 : index
    %swap3A_215 = arith.constant 0 : index
    %swap3A_216 = vector.load %arg14[%swap3A_214, %swap3A_215] : memref<256x1024xbf16, #tpu.memory_space<vmem>>, vector<256x1024xbf16>
    tpu.vector_store %arg14[%swap3A_214, %swap3A_215], %convert_element_type3A_64 {strides = array<i32>} : memref<256x1024xbf16, #tpu.memory_space<vmem>>, vector<256x1024xbf16>,
    %swap3A_217 = arith.constant 0 : index
    %swap3A_218 = arith.constant 0 : index
    %swap3A_219 = vector.load %arg15[%swap3A_217, %swap3A_218] : memref<256x128xbf16, #tpu.memory_space<vmem>>, vector<256x128xbf16>
    tpu.vector_store %arg15[%swap3A_217, %swap3A_218], %convert_element_type3A_71 {strides = array<i32>} : memref<256x128xbf16, #tpu.memory_space<vmem>>, vector<256x128xbf16>,
    %swap3A_220 = arith.constant 0 : index
    %swap3A_221 = arith.constant 0 : index
    %swap3A_222 = vector.load %arg16[%swap3A_220, %swap3A_221] : memref<256x8xf32, #tpu.memory_space<vmem>>, vector<256x8xf32>
    tpu.vector_store %arg16[%swap3A_220, %swap3A_221], %add3A_159 {strides = array<i32>} : memref<256x8xf32, #tpu.memory_space<vmem>>, vector<256x8xf32>,
    %swap3A_223 = arith.constant 0 : index
    %swap3A_224 = arith.constant 0 : index
    %swap3A_225 = vector.load %arg17[%swap3A_223, %swap3A_224] : memref<256x1xi32, #tpu.memory_space<vmem>>, vector<256x1xi32>
    tpu.vector_store %arg17[%swap3A_223, %swap3A_224], %broadcast_in_dim3A_120 {strides = array<i32>} : memref<256x1xi32, #tpu.memory_space<vmem>>, vector<256x1xi32>,
    %swap3A_226 = arith.constant 0 : index
    %swap3A_227 = arith.constant 0 : index
    %swap3A_228 = vector.load %arg18[%swap3A_226, %swap3A_227] : memref<256x1xi32, #tpu.memory_space<vmem>>, vector<256x1xi32>
    tpu.vector_store %arg18[%swap3A_226, %swap3A_227], %broadcast_in_dim3A_136 {strides = array<i32>} : memref<256x1xi32, #tpu.memory_space<vmem>>, vector<256x1xi32>,
    %convert_element_type3A_229 = arith.truncf %div3A_143 : vector<256x1xf32> to vector<256x1xbf16>
    %convert_element_type3A_230 = arith.extf %convert_element_type3A_229 : vector<256x1xbf16> to vector<256x1xf32>
    %swap3A_231 = arith.constant 0 : index
    %swap3A_232 = arith.constant 0 : index
    %swap3A_233 = vector.load %arg19[%swap3A_231, %swap3A_232] : memref<256x1xf32, #tpu.memory_space<vmem>>, vector<256x1xf32>
    tpu.vector_store %arg19[%swap3A_231, %swap3A_232], %convert_element_type3A_230 {strides = array<i32>} : memref<256x1xf32, #tpu.memory_space<vmem>>, vector<256x1xf32>,
    %convert_element_type3A_234 = arith.truncf %div3A_144 : vector<256x1xf32> to vector<256x1xbf16>
    %convert_element_type3A_235 = arith.extf %convert_element_type3A_234 : vector<256x1xbf16> to vector<256x1xf32>
    %swap3A_236 = arith.constant 0 : index
    %swap3A_237 = arith.constant 0 : index
    %swap3A_238 = vector.load %arg20[%swap3A_236, %swap3A_237] : memref<256x1xf32, #tpu.memory_space<vmem>>, vector<256x1xf32>
    tpu.vector_store %arg20[%swap3A_236, %swap3A_237], %convert_element_type3A_235 {strides = array<i32>} : memref<256x1xf32, #tpu.memory_space<vmem>>, vector<256x1xf32>,
    %convert_element_type3A_239 = arith.fptosi %broadcast_in_dim3A_194 : vector<256x1xf32> to vector<256x1xi32>
    %swap3A_240 = arith.constant 0 : index
    %swap3A_241 = arith.constant 0 : index
    %swap3A_242 = vector.load %arg21[%swap3A_240, %swap3A_241] : memref<256x1xi32, #tpu.memory_space<vmem>>, vector<256x1xi32>
    tpu.vector_store %arg21[%swap3A_240, %swap3A_241], %convert_element_type3A_239 {strides = array<i32>} : memref<256x1xi32, #tpu.memory_space<vmem>>, vector<256x1xi32>,
    %convert_element_type3A_243 = arith.fptosi %broadcast_in_dim3A_201 : vector<256x1xf32> to vector<256x1xi32>
    %swap3A_244 = arith.constant 0 : index
    %swap3A_245 = arith.constant 0 : index
    %swap3A_246 = vector.load %arg22[%swap3A_244, %swap3A_245] : memref<256x1xi32, #tpu.memory_space<vmem>>, vector<256x1xi32>
    tpu.vector_store %arg22[%swap3A_244, %swap3A_245], %convert_element_type3A_243 {strides = array<i32>} : memref<256x1xi32, #tpu.memory_space<vmem>>, vector<256x1xi32>,
    %swap3A_247 = arith.constant 0 : index
    %swap3A_248 = arith.constant 0 : index
    %swap3A_249 = vector.load %arg23[%swap3A_247, %swap3A_248] : memref<1x8xf32, #tpu.memory_space<vmem>>, vector<1x8xf32>
    tpu.vector_store %arg23[%swap3A_247, %swap3A_248], %add3A_206 {strides = array<i32>} : memref<1x8xf32, #tpu.memory_space<vmem>>, vector<1x8xf32>,
    %swap3A_250 = arith.constant 0 : index
    %swap3A_251 = arith.constant 0 : index
    %swap3A_252 = vector.load %arg24[%swap3A_250, %swap3A_251] : memref<1x8xf32, #tpu.memory_space<vmem>>, vector<1x8xf32>
    tpu.vector_store %arg24[%swap3A_250, %swap3A_251], %add3A_211 {strides = array<i32>} : memref<1x8xf32, #tpu.memory_space<vmem>>, vector<1x8xf32>,
    return
  }
  func.func @transform_0(%arg0: i32) -> (i32, i32) {
    %c0_i32 = arith.constant 0 : i32
    %c0_i32_0 = arith.constant 0 : i32
    return %arg0, %c0_i32 : i32, i32
  }
  func.func @transform_1(%arg0: i32) -> (i32, i32) {
    %c0_i32 = arith.constant 0 : i32
    %c0_i32_0 = arith.constant 0 : i32
    %c0_i32_1 = arith.constant 0 : i32
    return %c0_i32, %c0_i32_0 : i32, i32
  }
  func.func @transform_2(%arg0: i32) -> (i32, i32) {
    %c0_i32 = arith.constant 0 : i32
    %c0_i32_0 = arith.constant 0 : i32
    %c0_i32_1 = arith.constant 0 : i32
    return %c0_i32, %c0_i32_0 : i32, i32
  }
  func.func @transform_3(%arg0: i32) -> (i32, i32) {
    %c0_i32 = arith.constant 0 : i32
    %c0_i32_0 = arith.constant 0 : i32
    %c0_i32_1 = arith.constant 0 : i32
    return %c0_i32, %c0_i32_0 : i32, i32
  }
  func.func @transform_4(%arg0: i32) -> (i32, i32) {
    %c0_i32 = arith.constant 0 : i32
    %c0_i32_0 = arith.constant 0 : i32
    %c0_i32_1 = arith.constant 0 : i32
    return %c0_i32, %c0_i32_0 : i32, i32
  }
  func.func @transform_5(%arg0: i32) -> (i32, i32) {
    %c0_i32 = arith.constant 0 : i32
    %c0_i32_0 = arith.constant 0 : i32
    %c0_i32_1 = arith.constant 0 : i32
    return %c0_i32, %c0_i32_0 : i32, i32
  }
  func.func @transform_6(%arg0: i32) -> (i32, i32) {
    %c0_i32 = arith.constant 0 : i32
    %c0_i32_0 = arith.constant 0 : i32
    %c0_i32_1 = arith.constant 0 : i32
    return %c0_i32, %c0_i32_0 : i32, i32
  }
  func.func @transform_7(%arg0: i32) -> (i32, i32) {
    %c0_i32 = arith.constant 0 : i32
    %c0_i32_0 = arith.constant 0 : i32
    %c0_i32_1 = arith.constant 0 : i32
    return %c0_i32, %c0_i32_0 : i32, i32
  }
  func.func @transform_8(%arg0: i32) -> (i32, i32) {
    %c0_i32 = arith.constant 0 : i32
    %c0_i32_0 = arith.constant 0 : i32
    %c0_i32_1 = arith.constant 0 : i32
    return %c0_i32, %c0_i32_0 : i32, i32
  }
  func.func @transform_9(%arg0: i32) -> (i32, i32) {
    %c0_i32 = arith.constant 0 : i32
    %c0_i32_0 = arith.constant 0 : i32
    %c0_i32_1 = arith.constant 0 : i32
    return %c0_i32, %c0_i32_0 : i32, i32
  }
  func.func @transform_10(%arg0: i32) -> (i32, i32) {
    %c0_i32 = arith.constant 0 : i32
    %c0_i32_0 = arith.constant 0 : i32
    %c0_i32_1 = arith.constant 0 : i32
    return %c0_i32, %c0_i32_0 : i32, i32
  }
  func.func @transform_11(%arg0: i32) -> (i32, i32) {
    %c0_i32 = arith.constant 0 : i32
    %c0_i32_0 = arith.constant 0 : i32
    %c0_i32_1 = arith.constant 0 : i32
    return %c0_i32, %c0_i32_0 : i32, i32
  }
  func.func @transform_12(%arg0: i32) -> (i32, i32) {
    %c0_i32 = arith.constant 0 : i32
    %c0_i32_0 = arith.constant 0 : i32
    %c0_i32_1 = arith.constant 0 : i32
    return %c0_i32, %c0_i32_0 : i32, i32
  }
  func.func @transform_13(%arg0: i32) -> (i32, i32) {
    %c0_i32 = arith.constant 0 : i32
    %c0_i32_0 = arith.constant 0 : i32
    return %arg0, %c0_i32 : i32, i32
  }
  func.func @transform_14(%arg0: i32) -> (i32, i32) {
    %c0_i32 = arith.constant 0 : i32
    %c0_i32_0 = arith.constant 0 : i32
    return %arg0, %c0_i32 : i32, i32
  }
  func.func @transform_15(%arg0: i32) -> (i32, i32) {
    %c0_i32 = arith.constant 0 : i32
    %c0_i32_0 = arith.constant 0 : i32
    return %arg0, %c0_i32 : i32, i32
  }
  func.func @transform_16(%arg0: i32) -> (i32, i32) {
    %c0_i32 = arith.constant 0 : i32
    %c0_i32_0 = arith.constant 0 : i32
    return %arg0, %c0_i32 : i32, i32
  }
  func.func @transform_17(%arg0: i32) -> (i32, i32) {
    %c0_i32 = arith.constant 0 : i32
    %c0_i32_0 = arith.constant 0 : i32
    return %arg0, %c0_i32 : i32, i32
  }
  func.func @transform_18(%arg0: i32) -> (i32, i32) {
    %c0_i32 = arith.constant 0 : i32
    %c0_i32_0 = arith.constant 0 : i32
    return %arg0, %c0_i32 : i32, i32
  }
  func.func @transform_19(%arg0: i32) -> (i32, i32) {
    %c0_i32 = arith.constant 0 : i32
    %c0_i32_0 = arith.constant 0 : i32
    return %arg0, %c0_i32 : i32, i32
  }
  func.func @transform_20(%arg0: i32) -> (i32, i32) {
    %c0_i32 = arith.constant 0 : i32
    %c0_i32_0 = arith.constant 0 : i32
    return %arg0, %c0_i32 : i32, i32
  }
  func.func @transform_21(%arg0: i32) -> (i32, i32) {
    %c0_i32 = arith.constant 0 : i32
    %c0_i32_0 = arith.constant 0 : i32
    return %arg0, %c0_i32 : i32, i32
  }
  func.func @transform_22(%arg0: i32) -> (i32, i32) {
    %c0_i32 = arith.constant 0 : i32
    %c0_i32_0 = arith.constant 0 : i32
    %c0_i32_1 = arith.constant 0 : i32
    return %c0_i32, %c0_i32_0 : i32, i32
  }
  func.func @transform_23(%arg0: i32) -> (i32, i32) {
    %c0_i32 = arith.constant 0 : i32
    %c0_i32_0 = arith.constant 0 : i32
    %c0_i32_1 = arith.constant 0 : i32
    return %c0_i32, %c0_i32_0 : i32, i32
  }
}

module attributes {stable_mosaic.version = 14 : i64} {
  func.func @_route_body(%arg0: i32, %arg1: memref<2048x1xi32, #tpu.memory_space<vmem>>, %arg2: memref<2048x1xi32, #tpu.memory_space<vmem>>, %arg3: memref<2048x1xi32, #tpu.memory_space<vmem>>, %arg4: memref<2048x1xi32, #tpu.memory_space<vmem>>, %arg5: memref<1x8xf32, #tpu.memory_space<vmem>>, %arg6: memref<1x8xf32, #tpu.memory_space<vmem>>, %arg7: memref<2048x1xi32, #tpu.memory_space<vmem>>, %arg8: memref<2048x1xi32, #tpu.memory_space<vmem>>, %arg9: memref<1x40xi32, #tpu.memory_space<vmem>>) attributes {dimension_semantics = [#tpu.dimension_semantics<arbitrary>], iteration_bounds = array<i64: 1>, scalar_prefetch = 0 : i64, scratch_operands = 0 : i64, tpu.core_type = #tpu.core_type<tc>, window_params = [{pipeline_mode = #tpu.pipeline_mode<synchronous>, transform_indices = @transform_0, window_bounds = array<i64: 2048, 1>}, {pipeline_mode = #tpu.pipeline_mode<synchronous>, transform_indices = @transform_1, window_bounds = array<i64: 2048, 1>}, {pipeline_mode = #tpu.pipeline_mode<synchronous>, transform_indices = @transform_2, window_bounds = array<i64: 2048, 1>}, {pipeline_mode = #tpu.pipeline_mode<synchronous>, transform_indices = @transform_3, window_bounds = array<i64: 2048, 1>}, {pipeline_mode = #tpu.pipeline_mode<synchronous>, transform_indices = @transform_4, window_bounds = array<i64: 1, 8>}, {pipeline_mode = #tpu.pipeline_mode<synchronous>, transform_indices = @transform_5, window_bounds = array<i64: 1, 8>}, {pipeline_mode = #tpu.pipeline_mode<synchronous>, transform_indices = @transform_6, window_bounds = array<i64: 2048, 1>}, {pipeline_mode = #tpu.pipeline_mode<synchronous>, transform_indices = @transform_7, window_bounds = array<i64: 2048, 1>}, {pipeline_mode = #tpu.pipeline_mode<synchronous>, transform_indices = @transform_8, window_bounds = array<i64: 1, 40>}]} {
    %get3A = arith.constant 0 : index
    %get3A_0 = arith.constant 0 : index
    %get3A_1 = vector.load %arg5[%get3A, %get3A_0] : memref<1x8xf32, #tpu.memory_space<vmem>>, vector<1x8xf32>
    %get3A_2 = arith.constant 0 : index
    %get3A_3 = arith.constant 0 : index
    %get3A_4 = vector.load %arg6[%get3A_2, %get3A_3] : memref<1x8xf32, #tpu.memory_space<vmem>>, vector<1x8xf32>
    %add3A = arith.addf %get3A_1, %get3A_4 : vector<1x8xf32>
    %div3A = arith.constant 1.280000e+02 : f32
    %div3A_5 = vector.broadcast %div3A : f32 to vector<1x8xf32>
    %div3A_6 = arith.divf %add3A, %div3A_5 : vector<1x8xf32>
    %ceil3A = math.ceil %div3A_6 : vector<1x8xf32>
    %mul3A = arith.constant 1.280000e+02 : f32
    %mul3A_7 = vector.broadcast %mul3A : f32 to vector<1x8xf32>
    %mul3A_8 = arith.mulf %ceil3A, %mul3A_7 : vector<1x8xf32>
    %broadcast_in_dim3A = arith.constant 0.000000e+00 : f32
    %broadcast_in_dim3A_9 = vector.broadcast %broadcast_in_dim3A : f32 to vector<1x1xf32>
    %slice3A = vector.extract_strided_slice %mul3A_8 {offsets = [0, 0], sizes = [1, 1], strides = [1, 1]} : vector<1x8xf32> to vector<1x1xf32>
    %add3A_10 = arith.addf %broadcast_in_dim3A_9, %slice3A : vector<1x1xf32>
    %slice3A_11 = vector.extract_strided_slice %mul3A_8 {offsets = [0, 1], sizes = [1, 1], strides = [1, 1]} : vector<1x8xf32> to vector<1x1xf32>
    %add3A_12 = arith.addf %add3A_10, %slice3A_11 : vector<1x1xf32>
    %slice3A_13 = vector.extract_strided_slice %mul3A_8 {offsets = [0, 2], sizes = [1, 1], strides = [1, 1]} : vector<1x8xf32> to vector<1x1xf32>
    %add3A_14 = arith.addf %add3A_12, %slice3A_13 : vector<1x1xf32>
    %slice3A_15 = vector.extract_strided_slice %mul3A_8 {offsets = [0, 3], sizes = [1, 1], strides = [1, 1]} : vector<1x8xf32> to vector<1x1xf32>
    %add3A_16 = arith.addf %add3A_14, %slice3A_15 : vector<1x1xf32>
    %slice3A_17 = vector.extract_strided_slice %mul3A_8 {offsets = [0, 4], sizes = [1, 1], strides = [1, 1]} : vector<1x8xf32> to vector<1x1xf32>
    %add3A_18 = arith.addf %add3A_16, %slice3A_17 : vector<1x1xf32>
    %slice3A_19 = vector.extract_strided_slice %mul3A_8 {offsets = [0, 5], sizes = [1, 1], strides = [1, 1]} : vector<1x8xf32> to vector<1x1xf32>
    %add3A_20 = arith.addf %add3A_18, %slice3A_19 : vector<1x1xf32>
    %slice3A_21 = vector.extract_strided_slice %mul3A_8 {offsets = [0, 6], sizes = [1, 1], strides = [1, 1]} : vector<1x8xf32> to vector<1x1xf32>
    %add3A_22 = arith.addf %add3A_20, %slice3A_21 : vector<1x1xf32>
    %concatenate3A = tpu.concatenate %broadcast_in_dim3A_9, %add3A_10, %add3A_12, %add3A_14, %add3A_16, %add3A_18, %add3A_20, %add3A_22 in 1 : vector<1x1xf32>, vector<1x1xf32>, vector<1x1xf32>, vector<1x1xf32>, vector<1x1xf32>, vector<1x1xf32>, vector<1x1xf32>, vector<1x1xf32> -> vector<1x8xf32>
    %iota3A = tpu.iota {dimensions = array<i32: 1>} : vector<2048x8xi32>
    %get3A_23 = arith.constant 0 : index
    %get3A_24 = arith.constant 0 : index
    %get3A_25 = vector.load %arg1[%get3A_23, %get3A_24] : memref<2048x1xi32, #tpu.memory_space<vmem>>, vector<2048x1xi32>
    %get3A_26 = arith.constant 0 : index
    %get3A_27 = arith.constant 0 : index
    %get3A_28 = vector.load %arg2[%get3A_26, %get3A_27] : memref<2048x1xi32, #tpu.memory_space<vmem>>, vector<2048x1xi32>
    %eq3A = vector.broadcast %get3A_25 : vector<2048x1xi32> to vector<2048x8xi32>
    %eq3A_29 = arith.cmpi eq, %iota3A, %eq3A : vector<2048x8xi32>
    %jit3A = arith.constant 0.000000e+00 : f32
    %broadcast_in_dim3A_30 = vector.shape_cast %concatenate3A : vector<1x8xf32> to vector<1x8xf32>
    %broadcast_in_dim3A_31 = vector.broadcast %broadcast_in_dim3A_30 : vector<1x8xf32> to vector<2048x8xf32>
    %broadcast_in_dim3A_32 = vector.broadcast %jit3A : f32 to vector<2048x8xf32>
    %select_n3A = arith.select %eq3A_29, %broadcast_in_dim3A_31, %broadcast_in_dim3A_32 : vector<2048x8xi1>, vector<2048x8xf32>
    %reduce_sum3A = arith.constant dense<0.000000e+00> : vector<2048xf32>
    %reduce_sum3A_33 = vector.multi_reduction <add>, %select_n3A, %reduce_sum3A [1] : vector<2048x8xf32> to vector<2048xf32>
    %broadcast_in_dim3A_34 = vector.shape_cast %reduce_sum3A_33 : vector<2048xf32> to vector<2048x1xf32>
    %eq3A_35 = vector.broadcast %get3A_28 : vector<2048x1xi32> to vector<2048x8xi32>
    %eq3A_36 = arith.cmpi eq, %iota3A, %eq3A_35 : vector<2048x8xi32>
    %add3A_37 = arith.addf %concatenate3A, %get3A_1 : vector<1x8xf32>
    %jit3A_38 = arith.constant 0.000000e+00 : f32
    %broadcast_in_dim3A_39 = vector.shape_cast %add3A_37 : vector<1x8xf32> to vector<1x8xf32>
    %broadcast_in_dim3A_40 = vector.broadcast %broadcast_in_dim3A_39 : vector<1x8xf32> to vector<2048x8xf32>
    %broadcast_in_dim3A_41 = vector.broadcast %jit3A_38 : f32 to vector<2048x8xf32>
    %select_n3A_42 = arith.select %eq3A_36, %broadcast_in_dim3A_40, %broadcast_in_dim3A_41 : vector<2048x8xi1>, vector<2048x8xf32>
    %reduce_sum3A_43 = arith.constant dense<0.000000e+00> : vector<2048xf32>
    %reduce_sum3A_44 = vector.multi_reduction <add>, %select_n3A_42, %reduce_sum3A_43 [1] : vector<2048x8xf32> to vector<2048xf32>
    %broadcast_in_dim3A_45 = vector.shape_cast %reduce_sum3A_44 : vector<2048xf32> to vector<2048x1xf32>
    %get3A_46 = arith.constant 0 : index
    %get3A_47 = arith.constant 0 : index
    %get3A_48 = vector.load %arg3[%get3A_46, %get3A_47] : memref<2048x1xi32, #tpu.memory_space<vmem>>, vector<2048x1xi32>
    %convert_element_type3A = arith.sitofp %get3A_48 : vector<2048x1xi32> to vector<2048x1xf32>
    %add3A_49 = arith.addf %broadcast_in_dim3A_34, %convert_element_type3A : vector<2048x1xf32>
    %convert_element_type3A_50 = arith.fptosi %add3A_49 : vector<2048x1xf32> to vector<2048x1xi32>
    %swap3A = arith.constant 0 : index
    %swap3A_51 = arith.constant 0 : index
    %swap3A_52 = vector.load %arg7[%swap3A, %swap3A_51] : memref<2048x1xi32, #tpu.memory_space<vmem>>, vector<2048x1xi32>
    tpu.vector_store %arg7[%swap3A, %swap3A_51], %convert_element_type3A_50 {strides = array<i32>} : memref<2048x1xi32, #tpu.memory_space<vmem>>, vector<2048x1xi32>,
    %get3A_53 = arith.constant 0 : index
    %get3A_54 = arith.constant 0 : index
    %get3A_55 = vector.load %arg4[%get3A_53, %get3A_54] : memref<2048x1xi32, #tpu.memory_space<vmem>>, vector<2048x1xi32>
    %convert_element_type3A_56 = arith.sitofp %get3A_55 : vector<2048x1xi32> to vector<2048x1xf32>
    %add3A_57 = arith.addf %broadcast_in_dim3A_45, %convert_element_type3A_56 : vector<2048x1xf32>
    %convert_element_type3A_58 = arith.fptosi %add3A_57 : vector<2048x1xf32> to vector<2048x1xi32>
    %swap3A_59 = arith.constant 0 : index
    %swap3A_60 = arith.constant 0 : index
    %swap3A_61 = vector.load %arg8[%swap3A_59, %swap3A_60] : memref<2048x1xi32, #tpu.memory_space<vmem>>, vector<2048x1xi32>
    tpu.vector_store %arg8[%swap3A_59, %swap3A_60], %convert_element_type3A_58 {strides = array<i32>} : memref<2048x1xi32, #tpu.memory_space<vmem>>, vector<2048x1xi32>,
    %iota3A_62 = tpu.iota {dimensions = array<i32: 1>} : vector<1x40xi32>
    %convert_element_type3A_63 = arith.sitofp %iota3A_62 : vector<1x40xi32> to vector<1x40xf32>
    %mul3A_64 = arith.constant 1.280000e+02 : f32
    %mul3A_65 = vector.broadcast %mul3A_64 : f32 to vector<1x40xf32>
    %mul3A_66 = arith.mulf %convert_element_type3A_63, %mul3A_65 : vector<1x40xf32>
    %broadcast_in_dim3A_67 = arith.constant 0.000000e+00 : f32
    %broadcast_in_dim3A_68 = vector.broadcast %broadcast_in_dim3A_67 : f32 to vector<1x40xf32>
    %slice3A_69 = vector.extract_strided_slice %concatenate3A {offsets = [0, 0], sizes = [1, 1], strides = [1, 1]} : vector<1x8xf32> to vector<1x1xf32>
    %le3A = vector.broadcast %slice3A_69 : vector<1x1xf32> to vector<1x40xf32>
    %le3A_70 = arith.cmpf ole, %le3A, %mul3A_66 : vector<1x40xf32>
    %jit3A_71 = arith.constant 1.000000e+00 : f32
    %jit3A_72 = arith.constant 0.000000e+00 : f32
    %broadcast_in_dim3A_73 = vector.broadcast %jit3A_71 : f32 to vector<1x40xf32>
    %broadcast_in_dim3A_74 = vector.broadcast %jit3A_72 : f32 to vector<1x40xf32>
    %select_n3A_75 = arith.select %le3A_70, %broadcast_in_dim3A_73, %broadcast_in_dim3A_74 : vector<1x40xi1>, vector<1x40xf32>
    %add3A_76 = arith.addf %broadcast_in_dim3A_68, %select_n3A_75 : vector<1x40xf32>
    %slice3A_77 = vector.extract_strided_slice %concatenate3A {offsets = [0, 1], sizes = [1, 1], strides = [1, 1]} : vector<1x8xf32> to vector<1x1xf32>
    %le3A_78 = vector.broadcast %slice3A_77 : vector<1x1xf32> to vector<1x40xf32>
    %le3A_79 = arith.cmpf ole, %le3A_78, %mul3A_66 : vector<1x40xf32>
    %jit3A_80 = arith.constant 1.000000e+00 : f32
    %jit3A_81 = arith.constant 0.000000e+00 : f32
    %broadcast_in_dim3A_82 = vector.broadcast %jit3A_80 : f32 to vector<1x40xf32>
    %broadcast_in_dim3A_83 = vector.broadcast %jit3A_81 : f32 to vector<1x40xf32>
    %select_n3A_84 = arith.select %le3A_79, %broadcast_in_dim3A_82, %broadcast_in_dim3A_83 : vector<1x40xi1>, vector<1x40xf32>
    %add3A_85 = arith.addf %add3A_76, %select_n3A_84 : vector<1x40xf32>
    %slice3A_86 = vector.extract_strided_slice %concatenate3A {offsets = [0, 2], sizes = [1, 1], strides = [1, 1]} : vector<1x8xf32> to vector<1x1xf32>
    %le3A_87 = vector.broadcast %slice3A_86 : vector<1x1xf32> to vector<1x40xf32>
    %le3A_88 = arith.cmpf ole, %le3A_87, %mul3A_66 : vector<1x40xf32>
    %jit3A_89 = arith.constant 1.000000e+00 : f32
    %jit3A_90 = arith.constant 0.000000e+00 : f32
    %broadcast_in_dim3A_91 = vector.broadcast %jit3A_89 : f32 to vector<1x40xf32>
    %broadcast_in_dim3A_92 = vector.broadcast %jit3A_90 : f32 to vector<1x40xf32>
    %select_n3A_93 = arith.select %le3A_88, %broadcast_in_dim3A_91, %broadcast_in_dim3A_92 : vector<1x40xi1>, vector<1x40xf32>
    %add3A_94 = arith.addf %add3A_85, %select_n3A_93 : vector<1x40xf32>
    %slice3A_95 = vector.extract_strided_slice %concatenate3A {offsets = [0, 3], sizes = [1, 1], strides = [1, 1]} : vector<1x8xf32> to vector<1x1xf32>
    %le3A_96 = vector.broadcast %slice3A_95 : vector<1x1xf32> to vector<1x40xf32>
    %le3A_97 = arith.cmpf ole, %le3A_96, %mul3A_66 : vector<1x40xf32>
    %jit3A_98 = arith.constant 1.000000e+00 : f32
    %jit3A_99 = arith.constant 0.000000e+00 : f32
    %broadcast_in_dim3A_100 = vector.broadcast %jit3A_98 : f32 to vector<1x40xf32>
    %broadcast_in_dim3A_101 = vector.broadcast %jit3A_99 : f32 to vector<1x40xf32>
    %select_n3A_102 = arith.select %le3A_97, %broadcast_in_dim3A_100, %broadcast_in_dim3A_101 : vector<1x40xi1>, vector<1x40xf32>
    %add3A_103 = arith.addf %add3A_94, %select_n3A_102 : vector<1x40xf32>
    %slice3A_104 = vector.extract_strided_slice %concatenate3A {offsets = [0, 4], sizes = [1, 1], strides = [1, 1]} : vector<1x8xf32> to vector<1x1xf32>
    %le3A_105 = vector.broadcast %slice3A_104 : vector<1x1xf32> to vector<1x40xf32>
    %le3A_106 = arith.cmpf ole, %le3A_105, %mul3A_66 : vector<1x40xf32>
    %jit3A_107 = arith.constant 1.000000e+00 : f32
    %jit3A_108 = arith.constant 0.000000e+00 : f32
    %broadcast_in_dim3A_109 = vector.broadcast %jit3A_107 : f32 to vector<1x40xf32>
    %broadcast_in_dim3A_110 = vector.broadcast %jit3A_108 : f32 to vector<1x40xf32>
    %select_n3A_111 = arith.select %le3A_106, %broadcast_in_dim3A_109, %broadcast_in_dim3A_110 : vector<1x40xi1>, vector<1x40xf32>
    %add3A_112 = arith.addf %add3A_103, %select_n3A_111 : vector<1x40xf32>
    %slice3A_113 = vector.extract_strided_slice %concatenate3A {offsets = [0, 5], sizes = [1, 1], strides = [1, 1]} : vector<1x8xf32> to vector<1x1xf32>
    %le3A_114 = vector.broadcast %slice3A_113 : vector<1x1xf32> to vector<1x40xf32>
    %le3A_115 = arith.cmpf ole, %le3A_114, %mul3A_66 : vector<1x40xf32>
    %jit3A_116 = arith.constant 1.000000e+00 : f32
    %jit3A_117 = arith.constant 0.000000e+00 : f32
    %broadcast_in_dim3A_118 = vector.broadcast %jit3A_116 : f32 to vector<1x40xf32>
    %broadcast_in_dim3A_119 = vector.broadcast %jit3A_117 : f32 to vector<1x40xf32>
    %select_n3A_120 = arith.select %le3A_115, %broadcast_in_dim3A_118, %broadcast_in_dim3A_119 : vector<1x40xi1>, vector<1x40xf32>
    %add3A_121 = arith.addf %add3A_112, %select_n3A_120 : vector<1x40xf32>
    %slice3A_122 = vector.extract_strided_slice %concatenate3A {offsets = [0, 6], sizes = [1, 1], strides = [1, 1]} : vector<1x8xf32> to vector<1x1xf32>
    %le3A_123 = vector.broadcast %slice3A_122 : vector<1x1xf32> to vector<1x40xf32>
    %le3A_124 = arith.cmpf ole, %le3A_123, %mul3A_66 : vector<1x40xf32>
    %jit3A_125 = arith.constant 1.000000e+00 : f32
    %jit3A_126 = arith.constant 0.000000e+00 : f32
    %broadcast_in_dim3A_127 = vector.broadcast %jit3A_125 : f32 to vector<1x40xf32>
    %broadcast_in_dim3A_128 = vector.broadcast %jit3A_126 : f32 to vector<1x40xf32>
    %select_n3A_129 = arith.select %le3A_124, %broadcast_in_dim3A_127, %broadcast_in_dim3A_128 : vector<1x40xi1>, vector<1x40xf32>
    %add3A_130 = arith.addf %add3A_121, %select_n3A_129 : vector<1x40xf32>
    %slice3A_131 = vector.extract_strided_slice %concatenate3A {offsets = [0, 7], sizes = [1, 1], strides = [1, 1]} : vector<1x8xf32> to vector<1x1xf32>
    %le3A_132 = vector.broadcast %slice3A_131 : vector<1x1xf32> to vector<1x40xf32>
    %le3A_133 = arith.cmpf ole, %le3A_132, %mul3A_66 : vector<1x40xf32>
    %jit3A_134 = arith.constant 1.000000e+00 : f32
    %jit3A_135 = arith.constant 0.000000e+00 : f32
    %broadcast_in_dim3A_136 = vector.broadcast %jit3A_134 : f32 to vector<1x40xf32>
    %broadcast_in_dim3A_137 = vector.broadcast %jit3A_135 : f32 to vector<1x40xf32>
    %select_n3A_138 = arith.select %le3A_133, %broadcast_in_dim3A_136, %broadcast_in_dim3A_137 : vector<1x40xi1>, vector<1x40xf32>
    %add3A_139 = arith.addf %add3A_130, %select_n3A_138 : vector<1x40xf32>
    %sub3A = arith.constant 1.000000e+00 : f32
    %sub3A_140 = vector.broadcast %sub3A : f32 to vector<1x40xf32>
    %sub3A_141 = arith.subf %add3A_139, %sub3A_140 : vector<1x40xf32>
    %jit3A_142 = arith.constant 0 : i32
    %jit3A_143 = arith.constant 7 : i32
    %convert_element_type3A_144 = arith.sitofp %jit3A_142 : i32 to f32
    %max3A = vector.broadcast %convert_element_type3A_144 : f32 to vector<1x40xf32>
    %max3A_145 = arith.maximumf %max3A, %sub3A_141 : vector<1x40xf32>
    %convert_element_type3A_146 = arith.sitofp %jit3A_143 : i32 to f32
    %min3A = vector.broadcast %convert_element_type3A_146 : f32 to vector<1x40xf32>
    %min3A_147 = arith.minimumf %min3A, %max3A_145 : vector<1x40xf32>
    %convert_element_type3A_148 = arith.fptosi %min3A_147 : vector<1x40xf32> to vector<1x40xi32>
    %swap3A_149 = arith.constant 0 : index
    %swap3A_150 = arith.constant 0 : index
    %swap3A_151 = vector.load %arg9[%swap3A_149, %swap3A_150] : memref<1x40xi32, #tpu.memory_space<vmem>>, vector<1x40xi32>
    tpu.vector_store %arg9[%swap3A_149, %swap3A_150], %convert_element_type3A_148 {strides = array<i32>} : memref<1x40xi32, #tpu.memory_space<vmem>>, vector<1x40xi32>,
    return
  }
  func.func @transform_0(%arg0: i32) -> (i32, i32) {
    %c0_i32 = arith.constant 0 : i32
    %c0_i32_0 = arith.constant 0 : i32
    %c0_i32_1 = arith.constant 0 : i32
    return %c0_i32, %c0_i32_0 : i32, i32
  }
  func.func @transform_1(%arg0: i32) -> (i32, i32) {
    %c0_i32 = arith.constant 0 : i32
    %c0_i32_0 = arith.constant 0 : i32
    %c0_i32_1 = arith.constant 0 : i32
    return %c0_i32, %c0_i32_0 : i32, i32
  }
  func.func @transform_2(%arg0: i32) -> (i32, i32) {
    %c0_i32 = arith.constant 0 : i32
    %c0_i32_0 = arith.constant 0 : i32
    %c0_i32_1 = arith.constant 0 : i32
    return %c0_i32, %c0_i32_0 : i32, i32
  }
  func.func @transform_3(%arg0: i32) -> (i32, i32) {
    %c0_i32 = arith.constant 0 : i32
    %c0_i32_0 = arith.constant 0 : i32
    %c0_i32_1 = arith.constant 0 : i32
    return %c0_i32, %c0_i32_0 : i32, i32
  }
  func.func @transform_4(%arg0: i32) -> (i32, i32) {
    %c0_i32 = arith.constant 0 : i32
    %c0_i32_0 = arith.constant 0 : i32
    %c0_i32_1 = arith.constant 0 : i32
    return %c0_i32, %c0_i32_0 : i32, i32
  }
  func.func @transform_5(%arg0: i32) -> (i32, i32) {
    %c0_i32 = arith.constant 0 : i32
    %c0_i32_0 = arith.constant 0 : i32
    %c0_i32_1 = arith.constant 0 : i32
    return %c0_i32, %c0_i32_0 : i32, i32
  }
  func.func @transform_6(%arg0: i32) -> (i32, i32) {
    %c0_i32 = arith.constant 0 : i32
    %c0_i32_0 = arith.constant 0 : i32
    %c0_i32_1 = arith.constant 0 : i32
    return %c0_i32, %c0_i32_0 : i32, i32
  }
  func.func @transform_7(%arg0: i32) -> (i32, i32) {
    %c0_i32 = arith.constant 0 : i32
    %c0_i32_0 = arith.constant 0 : i32
    %c0_i32_1 = arith.constant 0 : i32
    return %c0_i32, %c0_i32_0 : i32, i32
  }
  func.func @transform_8(%arg0: i32) -> (i32, i32) {
    %c0_i32 = arith.constant 0 : i32
    %c0_i32_0 = arith.constant 0 : i32
    %c0_i32_1 = arith.constant 0 : i32
    return %c0_i32, %c0_i32_0 : i32, i32
  }
}

module attributes {stable_mosaic.version = 14 : i64} {
  func.func @_expert_body(%arg0: i32, %arg1: memref<40xi32, #tpu.memory_space<smem>>, %arg2: memref<128x1024xf32, #tpu.memory_space<vmem>>, %arg3: memref<1x2048xi32, #tpu.memory_space<vmem>>, %arg4: memref<1x2048xi32, #tpu.memory_space<vmem>>, %arg5: memref<2048x1xf32, #tpu.memory_space<vmem>>, %arg6: memref<2048x1xf32, #tpu.memory_space<vmem>>, %arg7: memref<1x1024x2048xbf16, #tpu.memory_space<vmem>>, %arg8: memref<1x2048x1024xbf16, #tpu.memory_space<vmem>>, %arg9: memref<128x1024xf32, #tpu.memory_space<vmem>>) attributes {dimension_semantics = [#tpu.dimension_semantics<arbitrary>], iteration_bounds = array<i64: 40>, scalar_prefetch = 1 : i64, scratch_operands = 0 : i64, tpu.core_type = #tpu.core_type<tc>, window_params = [{transform_indices = @transform_0, window_bounds = array<i64: 128, 1024>}, {pipeline_mode = #tpu.pipeline_mode<synchronous>, transform_indices = @transform_1, window_bounds = array<i64: 1, 2048>}, {pipeline_mode = #tpu.pipeline_mode<synchronous>, transform_indices = @transform_2, window_bounds = array<i64: 1, 2048>}, {pipeline_mode = #tpu.pipeline_mode<synchronous>, transform_indices = @transform_3, window_bounds = array<i64: 2048, 1>}, {pipeline_mode = #tpu.pipeline_mode<synchronous>, transform_indices = @transform_4, window_bounds = array<i64: 2048, 1>}, {transform_indices = @transform_5, window_bounds = array<i64: 1, 1024, 2048>}, {transform_indices = @transform_6, window_bounds = array<i64: 1, 2048, 1024>}, {transform_indices = @transform_7, window_bounds = array<i64: 128, 1024>}]} {
    %get3A = arith.constant 0 : index
    %get3A_0 = arith.constant 0 : index
    %get3A_1 = vector.load %arg2[%get3A, %get3A_0] : memref<128x1024xf32, #tpu.memory_space<vmem>>, vector<128x1024xf32>
    %convert_element_type3A = arith.truncf %get3A_1 : vector<128x1024xf32> to vector<128x1024xbf16>
    %get3A_2 = arith.constant 0 : index
    %get3A_3 = arith.constant 0 : index
    %get3A_4 = arith.constant 0 : index
    %get3A_5 = vector.load %arg7[%get3A_2, %get3A_3, %get3A_4] : memref<1x1024x2048xbf16, #tpu.memory_space<vmem>>, vector<1x1024x2048xbf16>
    %get3A_6 = vector.shape_cast %get3A_5 : vector<1x1024x2048xbf16> to vector<1024x2048xbf16>
    %dot_general3A = arith.constant dense<0.000000e+00> : vector<128x2048xf32>
    %dot_general3A_7 = tpu.matmul %convert_element_type3A, %get3A_6, %dot_general3A {dimension_numbers = #tpu.dot_dimension_numbers<[1], [0], [0], [1], [0, 0, 1, 1], [], []>, transpose_lhs_hint = false} : vector<128x1024xbf16>, vector<1024x2048xbf16>, vector<128x2048xf32> -> vector<128x2048xf32>
    %integer_pow3A = arith.mulf %dot_general3A_7, %dot_general3A_7 : vector<128x2048xf32>
    %integer_pow3A_8 = arith.mulf %dot_general3A_7, %integer_pow3A : vector<128x2048xf32>
    %mul3A = arith.constant 4.471500e-02 : f32
    %mul3A_9 = vector.broadcast %mul3A : f32 to vector<128x2048xf32>
    %mul3A_10 = arith.mulf %mul3A_9, %integer_pow3A_8 : vector<128x2048xf32>
    %add3A = arith.addf %dot_general3A_7, %mul3A_10 : vector<128x2048xf32>
    %mul3A_11 = arith.constant 0.797884583 : f32
    %mul3A_12 = vector.broadcast %mul3A_11 : f32 to vector<128x2048xf32>
    %mul3A_13 = arith.mulf %mul3A_12, %add3A : vector<128x2048xf32>
    %tanh3A = math.tanh %mul3A_13 : vector<128x2048xf32>
    %add3A_14 = arith.constant 1.000000e+00 : f32
    %add3A_15 = vector.broadcast %add3A_14 : f32 to vector<128x2048xf32>
    %add3A_16 = arith.addf %add3A_15, %tanh3A : vector<128x2048xf32>
    %mul3A_17 = arith.constant 5.000000e-01 : f32
    %mul3A_18 = vector.broadcast %mul3A_17 : f32 to vector<128x2048xf32>
    %mul3A_19 = arith.mulf %mul3A_18, %add3A_16 : vector<128x2048xf32>
    %mul3A_20 = arith.mulf %dot_general3A_7, %mul3A_19 : vector<128x2048xf32>
    %convert_element_type3A_21 = arith.truncf %mul3A_20 : vector<128x2048xf32> to vector<128x2048xbf16>
    %get3A_22 = arith.constant 0 : index
    %get3A_23 = arith.constant 0 : index
    %get3A_24 = arith.constant 0 : index
    %get3A_25 = vector.load %arg8[%get3A_22, %get3A_23, %get3A_24] : memref<1x2048x1024xbf16, #tpu.memory_space<vmem>>, vector<1x2048x1024xbf16>
    %get3A_26 = vector.shape_cast %get3A_25 : vector<1x2048x1024xbf16> to vector<2048x1024xbf16>
    %dot_general3A_27 = arith.constant dense<0.000000e+00> : vector<128x1024xf32>
    %dot_general3A_28 = tpu.matmul %convert_element_type3A_21, %get3A_26, %dot_general3A_27 {dimension_numbers = #tpu.dot_dimension_numbers<[1], [0], [0], [1], [0, 0, 1, 1], [], []>, transpose_lhs_hint = false} : vector<128x2048xbf16>, vector<2048x1024xbf16>, vector<128x1024xf32> -> vector<128x1024xf32>
    %iota3A = tpu.iota {dimensions = array<i32: 0>} : vector<128x2048xi32>
    %mul3A_29 = arith.constant 128 : i32
    %mul3A_30 = arith.muli %arg0, %mul3A_29 : i32
    %add3A_31 = vector.broadcast %mul3A_30 : i32 to vector<128x2048xi32>
    %add3A_32 = arith.addi %iota3A, %add3A_31 : vector<128x2048xi32>
    %get3A_33 = arith.constant 0 : index
    %get3A_34 = arith.constant 0 : index
    %get3A_35 = vector.load %arg3[%get3A_33, %get3A_34] : memref<1x2048xi32, #tpu.memory_space<vmem>>, vector<1x2048xi32>
    %eq3A = vector.broadcast %get3A_35 : vector<1x2048xi32> to vector<128x2048xi32>
    %eq3A_36 = arith.cmpi eq, %eq3A, %add3A_32 : vector<128x2048xi32>
    %convert_element_type3A_37 = arith.extui %eq3A_36 : vector<128x2048xi1> to vector<128x2048xi32>
    %convert_element_type3A_38 = arith.sitofp %convert_element_type3A_37 : vector<128x2048xi32> to vector<128x2048xf32>
    %convert_element_type3A_39 = arith.truncf %convert_element_type3A_38 : vector<128x2048xf32> to vector<128x2048xbf16>
    %get3A_40 = arith.constant 0 : index
    %get3A_41 = arith.constant 0 : index
    %get3A_42 = vector.load %arg4[%get3A_40, %get3A_41] : memref<1x2048xi32, #tpu.memory_space<vmem>>, vector<1x2048xi32>
    %eq3A_43 = vector.broadcast %get3A_42 : vector<1x2048xi32> to vector<128x2048xi32>
    %eq3A_44 = arith.cmpi eq, %eq3A_43, %add3A_32 : vector<128x2048xi32>
    %convert_element_type3A_45 = arith.extui %eq3A_44 : vector<128x2048xi1> to vector<128x2048xi32>
    %convert_element_type3A_46 = arith.sitofp %convert_element_type3A_45 : vector<128x2048xi32> to vector<128x2048xf32>
    %convert_element_type3A_47 = arith.truncf %convert_element_type3A_46 : vector<128x2048xf32> to vector<128x2048xbf16>
    %get3A_48 = arith.constant 0 : index
    %get3A_49 = arith.constant 0 : index
    %get3A_50 = vector.load %arg5[%get3A_48, %get3A_49] : memref<2048x1xf32, #tpu.memory_space<vmem>>, vector<2048x1xf32>
    %convert_element_type3A_51 = arith.truncf %get3A_50 : vector<2048x1xf32> to vector<2048x1xbf16>
    %dot_general3A_52 = arith.constant dense<0.000000e+00> : vector<128x1xf32>
    %dot_general3A_53 = tpu.matmul %convert_element_type3A_39, %convert_element_type3A_51, %dot_general3A_52 {dimension_numbers = #tpu.dot_dimension_numbers<[1], [0], [0], [1], [0, 0, 1, 1], [], []>, transpose_lhs_hint = false} : vector<128x2048xbf16>, vector<2048x1xbf16>, vector<128x1xf32> -> vector<128x1xf32>
    %get3A_54 = arith.constant 0 : index
    %get3A_55 = arith.constant 0 : index
    %get3A_56 = vector.load %arg6[%get3A_54, %get3A_55] : memref<2048x1xf32, #tpu.memory_space<vmem>>, vector<2048x1xf32>
    %convert_element_type3A_57 = arith.truncf %get3A_56 : vector<2048x1xf32> to vector<2048x1xbf16>
    %dot_general3A_58 = arith.constant dense<0.000000e+00> : vector<128x1xf32>
    %dot_general3A_59 = tpu.matmul %convert_element_type3A_47, %convert_element_type3A_57, %dot_general3A_58 {dimension_numbers = #tpu.dot_dimension_numbers<[1], [0], [0], [1], [0, 0, 1, 1], [], []>, transpose_lhs_hint = false} : vector<128x2048xbf16>, vector<2048x1xbf16>, vector<128x1xf32> -> vector<128x1xf32>
    %add3A_60 = arith.addf %dot_general3A_53, %dot_general3A_59 : vector<128x1xf32>
    %convert_element_type3A_61 = arith.truncf %dot_general3A_28 : vector<128x1024xf32> to vector<128x1024xbf16>
    %convert_element_type3A_62 = arith.extf %convert_element_type3A_61 : vector<128x1024xbf16> to vector<128x1024xf32>
    %mul3A_63 = vector.broadcast %add3A_60 : vector<128x1xf32> to vector<128x1024xf32>
    %mul3A_64 = arith.mulf %mul3A_63, %convert_element_type3A_62 : vector<128x1024xf32>
    %swap3A = arith.constant 0 : index
    %swap3A_65 = arith.constant 0 : index
    %swap3A_66 = vector.load %arg9[%swap3A, %swap3A_65] : memref<128x1024xf32, #tpu.memory_space<vmem>>, vector<128x1024xf32>
    tpu.vector_store %arg9[%swap3A, %swap3A_65], %mul3A_64 {strides = array<i32>} : memref<128x1024xf32, #tpu.memory_space<vmem>>, vector<128x1024xf32>,
    return
  }
  func.func @transform_0(%arg0: i32, %arg1: memref<40xi32, #tpu.memory_space<smem>>) -> (i32, i32) {
    %c0_i32 = arith.constant 0 : i32
    %c0_i32_0 = arith.constant 0 : i32
    return %arg0, %c0_i32 : i32, i32
  }
  func.func @transform_1(%arg0: i32, %arg1: memref<40xi32, #tpu.memory_space<smem>>) -> (i32, i32) {
    %c0_i32 = arith.constant 0 : i32
    %c0_i32_0 = arith.constant 0 : i32
    %c0_i32_1 = arith.constant 0 : i32
    return %c0_i32, %c0_i32_0 : i32, i32
  }
  func.func @transform_2(%arg0: i32, %arg1: memref<40xi32, #tpu.memory_space<smem>>) -> (i32, i32) {
    %c0_i32 = arith.constant 0 : i32
    %c0_i32_0 = arith.constant 0 : i32
    %c0_i32_1 = arith.constant 0 : i32
    return %c0_i32, %c0_i32_0 : i32, i32
  }
  func.func @transform_3(%arg0: i32, %arg1: memref<40xi32, #tpu.memory_space<smem>>) -> (i32, i32) {
    %c0_i32 = arith.constant 0 : i32
    %c0_i32_0 = arith.constant 0 : i32
    %c0_i32_1 = arith.constant 0 : i32
    return %c0_i32, %c0_i32_0 : i32, i32
  }
  func.func @transform_4(%arg0: i32, %arg1: memref<40xi32, #tpu.memory_space<smem>>) -> (i32, i32) {
    %c0_i32 = arith.constant 0 : i32
    %c0_i32_0 = arith.constant 0 : i32
    %c0_i32_1 = arith.constant 0 : i32
    return %c0_i32, %c0_i32_0 : i32, i32
  }
  func.func @transform_5(%arg0: i32, %arg1: memref<40xi32, #tpu.memory_space<smem>>) -> (i32, i32, i32) {
    %get3A = arith.index_cast %arg0 : i32 to index
    %get3A_0 = memref.load %arg1[%get3A] : memref<40xi32, #tpu.memory_space<smem>>
    %c0_i32 = arith.constant 0 : i32
    %c0_i32_1 = arith.constant 0 : i32
    %c0_i32_2 = arith.constant 0 : i32
    return %get3A_0, %c0_i32, %c0_i32_1 : i32, i32, i32
  }
  func.func @transform_6(%arg0: i32, %arg1: memref<40xi32, #tpu.memory_space<smem>>) -> (i32, i32, i32) {
    %get3A = arith.index_cast %arg0 : i32 to index
    %get3A_0 = memref.load %arg1[%get3A] : memref<40xi32, #tpu.memory_space<smem>>
    %c0_i32 = arith.constant 0 : i32
    %c0_i32_1 = arith.constant 0 : i32
    %c0_i32_2 = arith.constant 0 : i32
    return %get3A_0, %c0_i32, %c0_i32_1 : i32, i32, i32
  }
  func.func @transform_7(%arg0: i32, %arg1: memref<40xi32, #tpu.memory_space<smem>>) -> (i32, i32) {
    %c0_i32 = arith.constant 0 : i32
    %c0_i32_0 = arith.constant 0 : i32
    return %arg0, %c0_i32 : i32, i32
  }
}

module attributes {stable_mosaic.version = 14 : i64} {
  func.func @_scores_body(%arg0: i32, %arg1: memref<128x256xf32, #tpu.memory_space<vmem>>, %arg2: memref<256x1024xbf16, #tpu.memory_space<vmem>>, %arg3: memref<256x128xbf16, #tpu.memory_space<vmem>>, %arg4: memref<256x1024xf32, #tpu.memory_space<vmem>>, %arg5: memref<256x128xbf16, #tpu.memory_space<vmem>>, %arg6: memref<256x128xf32, #tpu.memory_space<vmem>>) attributes {dimension_semantics = [#tpu.dimension_semantics<arbitrary>], iteration_bounds = array<i64: 8>, scalar_prefetch = 0 : i64, scratch_operands = 0 : i64, tpu.core_type = #tpu.core_type<tc>, window_params = [{pipeline_mode = #tpu.pipeline_mode<synchronous>, transform_indices = @transform_0, window_bounds = array<i64: 128, 256>}, {pipeline_mode = #tpu.pipeline_mode<synchronous>, transform_indices = @transform_1, window_bounds = array<i64: 256, 1024>}, {pipeline_mode = #tpu.pipeline_mode<synchronous>, transform_indices = @transform_2, window_bounds = array<i64: 256, 128>}, {transform_indices = @transform_3, window_bounds = array<i64: 256, 1024>}, {transform_indices = @transform_4, window_bounds = array<i64: 256, 128>}, {transform_indices = @transform_5, window_bounds = array<i64: 256, 128>}]} {
    %get3A = arith.constant 0 : index
    %get3A_0 = arith.constant 0 : index
    %get3A_1 = vector.load %arg1[%get3A, %get3A_0] : memref<128x256xf32, #tpu.memory_space<vmem>>, vector<128x256xf32>
    %convert_element_type3A = arith.truncf %get3A_1 : vector<128x256xf32> to vector<128x256xbf16>
    %get3A_2 = arith.constant 0 : index
    %get3A_3 = arith.constant 0 : index
    %get3A_4 = vector.load %arg2[%get3A_2, %get3A_3] : memref<256x1024xbf16, #tpu.memory_space<vmem>>, vector<256x1024xbf16>
    %dot_general3A = arith.constant dense<0.000000e+00> : vector<128x1024xf32>
    %dot_general3A_5 = tpu.matmul %convert_element_type3A, %get3A_4, %dot_general3A {dimension_numbers = #tpu.dot_dimension_numbers<[1], [0], [0], [1], [0, 0, 1, 1], [], []>, transpose_lhs_hint = false} : vector<128x256xbf16>, vector<256x1024xbf16>, vector<128x1024xf32> -> vector<128x1024xf32>
    %convert_element_type3A_6 = arith.truncf %dot_general3A_5 : vector<128x1024xf32> to vector<128x1024xbf16>
    %get3A_7 = arith.constant 0 : index
    %get3A_8 = arith.constant 0 : index
    %get3A_9 = vector.load %arg3[%get3A_7, %get3A_8] : memref<256x128xbf16, #tpu.memory_space<vmem>>, vector<256x128xbf16>
    %dot_general3A_10 = arith.constant dense<0.000000e+00> : vector<128x128xf32>
    %dot_general3A_11 = tpu.matmul %convert_element_type3A, %get3A_9, %dot_general3A_10 {dimension_numbers = #tpu.dot_dimension_numbers<[1], [0], [0], [1], [0, 0, 1, 1], [], []>, transpose_lhs_hint = false} : vector<128x256xbf16>, vector<256x128xbf16>, vector<128x128xf32> -> vector<128x128xf32>
    %tanh3A = math.tanh %dot_general3A_11 : vector<128x128xf32>
    %convert_element_type3A_12 = arith.truncf %tanh3A : vector<128x128xf32> to vector<128x128xbf16>
    %get3A_13 = arith.constant 0 : index
    %get3A_14 = arith.constant 0 : index
    %get3A_15 = vector.load %arg4[%get3A_13, %get3A_14] : memref<256x1024xf32, #tpu.memory_space<vmem>>, vector<256x1024xf32>
    %convert_element_type3A_16 = arith.truncf %get3A_15 : vector<256x1024xf32> to vector<256x1024xbf16>
    %dot_general3A_17 = arith.constant dense<0.000000e+00> : vector<256x128xf32>
    %dot_general3A_18 = tpu.matmul %convert_element_type3A_16, %convert_element_type3A_6, %dot_general3A_17 {dimension_numbers = #tpu.dot_dimension_numbers<[1], [1], [0], [0], [0, 0, 1, 0], [], []>, transpose_lhs_hint = false} : vector<256x1024xbf16>, vector<128x1024xbf16>, vector<256x128xf32> -> vector<256x128xf32>
    %get3A_19 = arith.constant 0 : index
    %get3A_20 = arith.constant 0 : index
    %get3A_21 = vector.load %arg5[%get3A_19, %get3A_20] : memref<256x128xbf16, #tpu.memory_space<vmem>>, vector<256x128xbf16>
    %dot_general3A_22 = arith.constant dense<0.000000e+00> : vector<256x128xf32>
    %dot_general3A_23 = tpu.matmul %get3A_21, %convert_element_type3A_12, %dot_general3A_22 {dimension_numbers = #tpu.dot_dimension_numbers<[1], [1], [0], [0], [0, 0, 1, 0], [], []>, transpose_lhs_hint = false} : vector<256x128xbf16>, vector<128x128xbf16>, vector<256x128xf32> -> vector<256x128xf32>
    %add3A = arith.addf %dot_general3A_18, %dot_general3A_23 : vector<256x128xf32>
    %swap3A = arith.constant 0 : index
    %swap3A_24 = arith.constant 0 : index
    %swap3A_25 = vector.load %arg6[%swap3A, %swap3A_24] : memref<256x128xf32, #tpu.memory_space<vmem>>, vector<256x128xf32>
    tpu.vector_store %arg6[%swap3A, %swap3A_24], %add3A {strides = array<i32>} : memref<256x128xf32, #tpu.memory_space<vmem>>, vector<256x128xf32>,
    return
  }
  func.func @transform_0(%arg0: i32) -> (i32, i32) {
    %c0_i32 = arith.constant 0 : i32
    %c0_i32_0 = arith.constant 0 : i32
    %c0_i32_1 = arith.constant 0 : i32
    return %c0_i32, %c0_i32_0 : i32, i32
  }
  func.func @transform_1(%arg0: i32) -> (i32, i32) {
    %c0_i32 = arith.constant 0 : i32
    %c0_i32_0 = arith.constant 0 : i32
    %c0_i32_1 = arith.constant 0 : i32
    return %c0_i32, %c0_i32_0 : i32, i32
  }
  func.func @transform_2(%arg0: i32) -> (i32, i32) {
    %c0_i32 = arith.constant 0 : i32
    %c0_i32_0 = arith.constant 0 : i32
    %c0_i32_1 = arith.constant 0 : i32
    return %c0_i32, %c0_i32_0 : i32, i32
  }
  func.func @transform_3(%arg0: i32) -> (i32, i32) {
    %c0_i32 = arith.constant 0 : i32
    %c0_i32_0 = arith.constant 0 : i32
    return %arg0, %c0_i32 : i32, i32
  }
  func.func @transform_4(%arg0: i32) -> (i32, i32) {
    %c0_i32 = arith.constant 0 : i32
    %c0_i32_0 = arith.constant 0 : i32
    return %arg0, %c0_i32 : i32, i32
  }
  func.func @transform_5(%arg0: i32) -> (i32, i32) {
    %c0_i32 = arith.constant 0 : i32
    %c0_i32_0 = arith.constant 0 : i32
    return %arg0, %c0_i32 : i32, i32
  }
}

</mosaic_0001>

<sc_bundles>
// kernel: kernel.11.cloned.1.call-start
scs
__scs_entry_jumppad:
0x0: {  	(pc) =	sbr.rel $0x88, $3  }
0x1: {  	(tag) =	ssettag $0x0;
	lr =	simm.s32 $0x1  }
0x2: {  	[smem:$0x3F8E] =	sst lr;
	_ =	strace $0xD0000000  }
0x3: {  	_ = 	snop  }
0x4: {  	_ = 	snop  }
0x5: {  	_ = 	snop  }
0x6: {  	_ = 	snop  }
0x7: {  	_ = 	snop  }
__scs_overlays_trampoline_lowered:
0x8: {  	[smem:$0x3F9D] =	sst s0  }
0x9: {  	[smem:$0x3F9E] =	sst s1  }
0xa: {  	[smem:$0x3F9F] =	sst s2  }
0xb: {  	[smem:$0x3FA0] =	sst s3  }
0xc: {  	[smem:$0x3FA1] =	sst s4  }
0xd: {  	[smem:$0x3FA2] =	sst s5  }
0xe: {  	[smem:$0x3FA3] =	sst s6  }
0xf: {  	[smem:$0x3FA4] =	sst s7  }
0x10: {  	[smem:$0x3FA5] =	sst s8  }
0x11: {  	[smem:$0x3FA6] =	sst s9;
	s0 =	simm.s32 @!p0 $0x0  }
0x12: {  	s1 =	sld [smem:$0x3F8C];
	s0 =	simm.s32 @p0 $0x1  }
0x13: {  	[smem:$0x3FA7] =	sst s0;
	s0 =	simm.s32 @!p1 $0x0  }
0x14: {  	s2 =	sld [smem:$0x3F8B];
	s0 =	simm.s32 @p1 $0x1  }
0x15: {  	[smem:$0x3FA8] =	sst s0;
	s0 =	simm.s32 @!p2 $0x0  }
0x16: {  	s3 =	sld [smem:$0x3FDB];
	s0 =	simm.s32 @p2 $0x1  }
0x17: {  	s4 =	simm.s32 $0x1BF5;
	[smem:$0x3FAA] =	sst s0  }
0x18: {  	s0 =	sld [smem:$0x3F8D];
	_ =	swait.ge [sflag:s4], $0x0  }
0x19: {  	s7 =	sld [smem:$0x3F8E]  }
0x1a: {  	s8 =	sadd.s32 $0xFFFFE003, lr  }
0x1b: {  	s9 =	sadd.s32 $0xFFFFFEF7, lr;
	s5 =	simm.s32 $0xFFFFFFFF;
	p2 =	slt.u32 s8, $0xFFFFF086  }
0x1c: {  	p1 =	slt.u32 s9, $0xF7A;
	s5 =	simm.s32 @!p2 $0x0  }
0x1d: {  	s5 =	simm.s32 @p1 $0x1;
	p0 =	seq.s32 s7, s2  }
0x1e: {  	s7 =	smul.u32 @!p0 $0xF7A, s2;
	p2 =	seq.s32 @!p0 s5, $0x0  }
0x1f: {  	s9 =	smul.u32 $0xF7A, s1;
	s8 =	simm.s32 @!p0 $0x1BF5;
	p2 =	por !p2, p0  }
0x20: {  	[sflag:s8] =	ssyncset.s32 @!p0 $0xFFFFF086;
	s6 =	sadd.s32 @!p0 s3, s7;
	s7 =	simm.s32 @!p0 $0x108  }
0x21: {  	s3 =	sadd.s32 s3, s9;
	s6 =	sadd.s32 @!p0 $0x88, s6;
	s7 =	simm.s32 @p2 $0x1082  }
0x22: {  	[simem:s7], [sflag:s8] =	dma.local @!p0 [hbm:s6], $0xF7A  }
0x23: {  	s9 =	sor.u32 $0xD0000000, s2;
	s6 =	simm.s32 $0x108;
	_ =	swait.ge @!p0 [sflag:s8], $0x0  }
0x24: {  	s3 =	sadd.s32 $0x88, s3;
	s6 =	simm.s32 @!p1 $0x1082;
	[sflag:s4] =	ssyncset.s32 $0xFFFFF086  }
0x25: {  	[simem:s6], [sflag:s4] =	dma.local [hbm:s3], $0xF7A  }
0x26: {  	[smem:$0x3F8E] =	sst s1;
	(tag) =	ssettag s2;
	_ =	strace s9  }
0x27: {  	s1 =	sld [smem:$0x3F9E]  }
0x28: {  	s2 =	sld [smem:$0x3F9F]  }
0x29: {  	s4 =	sld [smem:$0x3FA1]  }
0x2a: {  	p0 =	seq.s32 s5, $0x0;
	s5 =	sld [smem:$0x3FA2]  }
0x2b: {  	s6 =	sld [smem:$0x3FA3]  }
0x2c: {  	s7 =	sld [smem:$0x3FA4]  }
0x2d: {  	s3 =	simm.s32 $0x108;
	s8 =	sld [smem:$0x3FA5]  }
0x2e: {  	s3 =	simm.s32 @!p0 $0x1082;
	s9 =	sld [smem:$0x3FA6]  }
0x2f: {  	lr =	sadd.s32 s0, s3;
	s0 =	sld [smem:$0x3F9D]  }
0x30: {  	s3 =	sld [smem:$0x3FA0]  }
0x31: {  	[smem:$0x3FA9] =	sst s10  }
0x32: {  	s10 =	sld [smem:$0x3FA7];
	_ =	sdelay $0x3  }
0x33: {  	p0 =	seq.s32 s10, $0x1;
	s10 =	sld [smem:$0x3FA9];
	_ =	sdelay $0x3  }
0x34: {  	[smem:$0x3FA9] =	sst s10  }
0x35: {  	s10 =	sld [smem:$0x3FA8];
	_ =	sdelay $0x3  }
0x36: {  	p1 =	seq.s32 s10, $0x1;
	s10 =	sld [smem:$0x3FA9];
	_ =	sdelay $0x3  }
0x37: {  	[smem:$0x3FA9] =	sst s10  }
0x38: {  	s10 =	sld [smem:$0x3FAA]  }
0x39: {  	_ = 	snop;
	(pc) =	sbr.ind lr, $3  }
0x3a: {  	_ = 	snop  }
0x3b: {  	_ = 	snop  }
0x3c: {  	p2 =	seq.s32 s10, $0x1;
	s10 =	sld [smem:$0x3FA9]  }
0x3d: {  	_ =	shalt  }
0x3e: {  	_ =	shalt  }
0x3f: {  	_ =	shalt  }
0x40: {  	_ =	shalt  }
0x41: {  	_ =	shalt  }
0x42: {  	_ =	shalt  }
0x43: {  	_ =	shalt  }
0x44: {  	_ =	shalt  }
0x45: {  	_ =	shalt  }
0x46: {  	_ =	shalt  }
0x47: {  	_ =	shalt  }
0x48: {  	_ =	shalt  }
0x49: {  	_ =	shalt  }
0x4a: {  	_ =	shalt  }
0x4b: {  	_ =	shalt  }
0x4c: {  	_ =	shalt  }
0x4d: {  	_ =	shalt  }
0x4e: {  	_ =	shalt  }
0x4f: {  	_ =	shalt  }
0x50: {  	_ =	shalt  }
0x51: {  	_ =	shalt  }
0x52: {  	_ =	shalt  }
0x53: {  	_ =	shalt  }
0x54: {  	_ =	shalt  }
0x55: {  	_ =	shalt  }
0x56: {  	_ =	shalt  }
0x57: {  	_ =	shalt  }
0x58: {  	_ =	shalt  }
0x59: {  	_ =	shalt  }
0x5a: {  	_ =	shalt  }
0x5b: {  	_ =	shalt  }
0x5c: {  	_ =	shalt  }
0x5d: {  	_ =	shalt  }
0x5e: {  	_ =	shalt  }
0x5f: {  	_ =	shalt  }
0x60: {  	_ =	shalt  }
0x61: {  	_ =	shalt  }
0x62: {  	_ =	shalt  }
0x63: {  	_ =	shalt  }
0x64: {  	_ =	shalt  }
0x65: {  	_ =	shalt  }
0x66: {  	_ =	shalt  }
0x67: {  	_ =	shalt  }
0x68: {  	_ =	shalt  }
0x69: {  	_ =	shalt  }
0x6a: {  	_ =	shalt  }
0x6b: {  	_ =	shalt  }
0x6c: {  	_ =	shalt  }
0x6d: {  	_ =	shalt  }
0x6e: {  	_ =	shalt  }
0x6f: {  	_ =	shalt  }
0x70: {  	_ =	shalt  }
0x71: {  	_ =	shalt  }
0x72: {  	_ =	shalt  }
0x73: {  	_ =	shalt  }
0x74: {  	_ =	shalt  }
0x75: {  	_ =	shalt  }
0x76: {  	_ =	shalt  }
0x77: {  	_ =	shalt  }
0x78: {  	_ =	shalt  }
0x79: {  	_ =	shalt  }
0x7a: {  	_ =	shalt  }
0x7b: {  	_ =	shalt  }
0x7c: {  	_ =	shalt  }
0x7d: {  	_ =	shalt  }
0x7e: {  	_ =	shalt  }
0x7f: {  	_ =	shalt  }
0x80: {  	_ =	shalt  }
0x81: {  	_ =	shalt  }
0x82: {  	_ =	shalt  }
0x83: {  	_ =	shalt  }
0x84: {  	_ =	shalt  }
0x85: {  	_ =	shalt  }
0x86: {  	_ =	shalt  }
0x87: {  	_ =	shalt  }
.Lfunc_end0:
.L_simem_size_0:
called_computation.1_lowered:
.L_overlay_start_0:
0x88: {  	s2 =	sld [smem:$0x3FD9]  }
0x89: {  	s3 =	sld [smem:$0x3FFE];
	_ =	sdelay $0x1  }
0x8a: {  	s1 =	srdreg.scid  }
0x8b: {  	s0 =	sand.u32 $0x1, s1  }
0x8c: {  	s14 =	sshll.u32 s0, $0xA;
	s2 =	sadd.s32 s3, s2  }
0x8d: {  	s2 =	sadd.s32 s2, s14  }
0x8e: {  	[smem:$0x3FB5] =	sst s2  }
0x8f: {  	_ = 	snop  }
0x90: {  	s2 =	sld [smem:$0x3FD0];
	_ =	sdelay $0x2  }
0x91: {  	s15 =	simm.s32 $0xA;
	s4 =	simm.s32 $0x10  }
0x92: {  	[smem:s4], [sflag:s15] =	dma.local [hbm:s2], $0x1  }
0x93: {  	_ =	swait.eq [sflag:s15], $0x1  }
0x94: {  	[sflag:s15] =	ssyncset.done $0x0  }
0x95: {  	[sflag:s15] =	ssyncadd.s32 $0xFFFFFFFF  }
0x96: {  	s16 =	sld [smem:$0x12];
	(tm) =	ssettm $0x1  }
0x97: {  	s17 =	sld [smem:$0x3FFB];
	_ =	sdelay $0x3  }
0x98: {  	_ =	strace s17  }
0x99: {  	s3 =	sld [smem:$0x3FFC];
	_ =	sdelay $0x3  }
0x9a: {  	_ =	strace s3  }
0x9b: {  	s3 =	sld [smem:$0x3FFD];
	_ =	sdelay $0x3  }
0x9c: {  	_ =	strace s3  }
0x9d: {  	_ =	strace $0x8FFFFFFF  }
0x9e: {  	s18 =	sld [smem:$0x3FDB];
	_ =	sdelay $0x1  }
0x9f: {  	s19 =	simm.s32 $_scs_section_size  }
0xa0: {  	s5 =	simm.s32 $_size__tile_overlayer_lowered;
	s6 =	simm.s32 $_tile_overlayer_lowered  }
0xa1: {  	s22 =	simm.s32 $0x1BFF;
	s21 =	sshll.u32 s6, $0x1;
	s3 =	sadd.s32 s19, s18  }
0xa2: {  	s7 =	simm.s32 $0x0;
	s20 =	sshll.u32 s5, $0x1;
	s5 =	sadd.s32 s21, s3  }
0xa3: {  	[timem:s7], [sflag:s22] =	dma.local [hbm:s5], s20  }
0xa4: {  	_ =	swait.ge [sflag:s22], s20  }
0xa5: {  	s4 =	ssub.s32 $0x0, s20;
	[sflag:s22] =	ssyncset.done $0x0  }
0xa6: {  	[sflag:s22] =	ssyncadd.s32 s4;
	_ =	sdelay $0x1  }
0xa7: {  	s23 =	simm.s32 $0x1B8B  }
0xa8: {  	_ =	swait.ge [sflag:s23], $0x1  }
0xa9: {  	[sflag:s23] =	ssyncset.done $0x0  }
0xaa: {  	s25 =	simm.s32 $0x1B8E;
	s24 =	sld [smem:$0x3FFE];
	[sflag:s23] =	ssyncadd.s32 $0xFFFFFFFF  }
0xab: {  	s26 =	simm.s32 $execute0_lowered;
	[smem:$0x3FD2] =	sst s25  }
0xac: {  	s5 =	sshll.u32 s26, $0x1;
	_ =	strace $0x80000049;
	[dreg:$0x1] =	wrdreg $0xFFFFFFFF  }
0xad: {  	s28 =	simm.s32 $_size_execute0_lowered;
	s3 =	sadd.s32 s3, s5;
	[dreg:$0x0] =	wrdreg $0x0  }
0xae: {  	s5 =	sshll.u32 s28, $0x1;
	[dreg:$0x2] =	wrdreg s3  }
0xaf: {  	[dreg:$0x3] =	wrdreg s5  }
0xb0: {  	[dreg:$0x4] =	wrdreg $0xC0  }
0xb1: {  	_ =	task [dreg:s7], $0x5FFFF  }
0xb2: {  	[dreg:$0x1] =	wrdreg $0xFFFFFFFF  }
0xb3: {  	[dreg:$0x0] =	wrdreg $0x60  }
0xb4: {  	[dreg:$0x2] =	wrdreg s24  }
0xb5: {  	[dreg:$0x3] =	wrdreg s16  }
0xb6: {  	[dreg:$0x4] =	wrdreg $0x9  }
0xb7: {  	_ =	task.clear_ibuf [dreg:s7], $0x5FFFF;
	_ =	strace $0x90000049  }
0xb8: {  	s29 =	simm.s32 $0x9;
	_ =	strace $0x8000004B  }
0xb9: {  	_ =	swait.ge [sflag:s29], $0x1  }
0xba: {  	[sflag:s29] =	ssyncadd.s32 $0xFFFFFFFF  }
0xbb: {  	_ =	strace $0x9000004B  }
0xbc: {  	_ =	sfence  }
0xbd: {  	s30 =	sld [smem:$0x0];
	_ =	sdelay $0x2  }
0xbe: {  	s31 =	sshll.u32 s1, $0xD;
	s1 =	sshrl.u32 s1, $0x2  }
0xbf: {  	s3 =	sand.u32 $0x4000, s31;
	s1 =	sadd.s32 s1, s30  }
0xc0: {  	s0 =	sor.u32 s3, s0;
	s1 =	sshll.u32 s1, $0x11  }
0xc1: {  	s0 =	sor.u32 s1, s0  }
0xc2: {  	s0 =	sadd.s32 $0x8F2B, s0  }
0xc3: {  	[sflag:s0] =	ssyncadd.remote.s32 $0x1  }
0xc4: {  	_ =	sfence.sel $0xFFFF  }
0xc5: {  	[dreg:$0x0] =	wrdreg $0xFFFFFFFF;
	(pc) =	sbr.abs _section_cstart, $3  }
0xc6: {  	[dreg:$0x1] =	wrdreg $0xFFFFFFFF  }
0xc7: {  	_ =	task.clear_ibuf [dreg:s7], $0x2FFFF;
	_ =	strace $0x9FFFFFFF  }
0xc8: {  	(tm) =	ssettm $0x7FFFFFFF  }
0xc9: {  	_ =	shalt  }
tec
execute0_lowered:
.L_overlay_start_1:
0x0: {  	(tag) =	ssettag $0x1  }
0x1: {  	s0 =	rddreg [dreg:$0x0]  }
0x2: {  	s1 =	rddreg [dreg:$0x1];
	s2 =	simm.s32 $0x0;
	s3 =	srdreg.scid  }
0x3: {  	s5 =	stileid.u32;
	s14 =	simm.s32 $0x3;
	s20 =	simm.s32 $0xB100  }
0x4: {  	s21 =	simm.s32 $0xB900;
	s28 =	simm.s32 $0xE900;
	s29 =	simm.s32 $0xF100  }
0x5: {  	s30 =	simm.s32 $0xF900;
	s31 =	simm.s32 $0x1;
	[smem:$0x7FF] =	sst s2  }
0x6: {  	s4 =	sand.u32 $0x1, s3;
	s5 =	sshll.u32 s5, $0x7;
	s3 =	sadd.s32 $0x2C2600, s0  }
0x7: {  	s10 =	sadd.s32 $0x22200, s0;
	s11 =	sadd.s32 $0x22400, s0;
	s8 =	sadd.s32 $0x2C2900, s0  }
0x8: {  	_ =	strace $0x8000004A;
	s6 =	sshll.u32 s4, $0x6;
	s4 =	ssub.s32 $0x2, s4  }
0x9: {  	s5 =	sor.u32 s6, s5;
	s22 =	sshrl.u32 s4, $0x1;
	s6 =	sadd.s32 $0x2C2700, s0  }
0xa: {  	s7 =	sshrl.u32 s5, $0x3;
	s4 =	ssub.s32 s4, s22;
	s25 =	sshll.u32 s5, $0x7  }
0xb: {  	s5 =	sor.u32 $0x20, s5;
	s22 =	simm.s32 $0xC100;
	s23 =	sadd.s32 s10, s7  }
0xc: {  	s24 =	sadd.s32 s11, s7;
	s7 =	sadd.s32 $0x2C2800, s0;
	s9 =	sadd.s32 s1, s25  }
0xd: {  	s26 =	sshrl.u32 s5, $0x3;
	s5 =	sshll.u32 s5, $0x7;
	s13 =	smax.u32 s4, $0x1  }
0xe: {  	s25 =	simm.s32 $0xD900;
	s0 =	simm.s32 $0x2;
	[dreg:$0x3] =	wrdreg s23  }
0xf: {  	v2 =	vlaneseq.u32;
	s4 =	simm.s32 $0x0;
	[dreg:$0x4] =	wrdreg s24;
	s10 =	sadd.s32 s10, s26  }
0x10: {  	vm0 =	vmmov $0xffff;
	v1 =	vshrl.u32 v2, $0x3;
	s11 =	sadd.s32 s11, s26;
	s12 =	sadd.s32 s1, s5;
	s23 =	simm.s32 $0xC900  }
0x11: {  	v0 =	vand.u32 $0x7, v2;
	v2 =	vor.u32 $0x8, v2;
	v1 =	vmul.u32 $0x8, v1;
	s24 =	simm.s32 $0xD100;
	s26 =	simm.s32 $0xE100;
	s1 =	simm.s32 $0x10100  }
.LBB2_1:
0x12: {  	s5 =	rddreg [dreg:$0x3]  }
0x13: {  	[tilespmem:s2], [sflag:$0x3] =	stream.linear.gather [hbm4b:s5+s2], $0x20, $0x38;
	[tilespmem:$0x18100] =	vst v63  }
0x14: {  	_ =	swait.ge [sflag:s14], $0x20  }
0x15: {  	[sflag:s14] =	ssyncset.done $0x0  }
0x16: {  	s15 =	simm.s32 $0x80;
	s19 =	rddreg [dreg:$0x4];
	[sflag:s14] =	ssyncadd.s32 $0xFFFFFFE0  }
0x17: {  	[tilespmem:s15], [sflag:$0x3] =	stream.linear.gather [hbm4b:s19+s2], $0x20, $0x38;
	[tilespmem:$0x18100] =	vst v63  }
0x18: {  	_ =	swait.ge [sflag:s14], $0x20  }
0x19: {  	[sflag:s14] =	ssyncset.done $0x0  }
0x1a: {  	[sflag:s14] =	ssyncadd.s32 $0xFFFFFFE0  }
0x1b: {  	v3 =	vld [tilespmem:$0x0];
	_ =	sdelay $0x4  }
0x1c: {  	v4 =	vshll.u32 v3, $0x3  }
0x1d: {  	v3 =	vand.u32 $0x7, v3;
	v4 =	vand.u32 $0xFFFFFFC0, v4  }
0x1e: {  	v3 =	vor.u32 v3, v4  }
0x1f: {  	v4 =	vperm.xlane v3, v0;
	_ =	sdelay $0x1  }
0x20: {  	v4 =	vadd.s32 v1, v4;
	_ =	sdelay $0x3  }
0x21: {  	s16 =	simm.s32 $0x100  }
0x22: {  	[tilespmem:s16], [sflag:$0x1] =	stream.indirect_vreg.gather [hbm4b:s3+s2], $0x80, v4, vm0, $0xb8;
	[tilespmem:$0x18100] =	vst v63  }
0x23: {  	s17 =	simm.s32 $0x900;
	v3 =	vperm.xlane v3, v2  }
0x24: {  	[tilespmem:s17], [sflag:$0x1] =	stream.indirect_vreg.gather [hbm4b:s6+s2], $0x80, v4, vm0, $0xb8;
	[tilespmem:$0x18100] =	vst v63  }
0x25: {  	s18 =	simm.s32 $0x1100;
	v3 =	vadd.s32 v1, v3  }
0x26: {  	[tilespmem:s18], [sflag:$0x1] =	stream.indirect_vreg.gather [hbm4b:s7+s2], $0x80, v4, vm0, $0xb8;
	[tilespmem:$0x18100] =	vst v63  }
0x27: {  	s19 =	simm.s32 $0x1900  }
0x28: {  	[tilespmem:s19], [sflag:$0x1] =	stream.indirect_vreg.gather [hbm4b:s8+s2], $0x80, v4, vm0, $0xb8;
	[tilespmem:$0x18100] =	vst v63  }
0x29: {  	s15 =	simm.s32 $0x2100  }
0x2a: {  	[tilespmem:s15], [sflag:$0x1] =	stream.indirect_vreg.gather [hbm4b:s3+s2], $0x80, v3, vm0, $0xb8;
	[tilespmem:$0x18100] =	vst v63  }
0x2b: {  	s16 =	simm.s32 $0x2900  }
0x2c: {  	[tilespmem:s16], [sflag:$0x1] =	stream.indirect_vreg.gather [hbm4b:s6+s2], $0x80, v3, vm0, $0xb8;
	[tilespmem:$0x18100] =	vst v63  }
0x2d: {  	s17 =	simm.s32 $0x3100  }
0x2e: {  	[tilespmem:s17], [sflag:$0x1] =	stream.indirect_vreg.gather [hbm4b:s7+s2], $0x80, v3, vm0, $0xb8;
	[tilespmem:$0x18100] =	vst v63  }
0x2f: {  	s18 =	simm.s32 $0x3900  }
0x30: {  	[tilespmem:s18], [sflag:$0x1] =	stream.indirect_vreg.gather [hbm4b:s8+s2], $0x80, v3, vm0, $0xb8;
	[tilespmem:$0x18100] =	vst v63  }
0x31: {  	v3 =	vld [tilespmem:$0x10];
	_ =	sdelay $0x4  }
0x32: {  	v4 =	vshll.u32 v3, $0x3  }
0x33: {  	v3 =	vand.u32 $0x7, v3;
	v4 =	vand.u32 $0xFFFFFFC0, v4  }
0x34: {  	v3 =	vor.u32 v3, v4  }
0x35: {  	v4 =	vperm.xlane v3, v0;
	_ =	sdelay $0x1  }
0x36: {  	v4 =	vadd.s32 v1, v4;
	_ =	sdelay $0x3  }
0x37: {  	s19 =	simm.s32 $0x4100  }
0x38: {  	[tilespmem:s19], [sflag:$0x1] =	stream.indirect_vreg.gather [hbm4b:s3+s2], $0x80, v4, vm0, $0xb8;
	[tilespmem:$0x18100] =	vst v63  }
0x39: {  	s15 =	simm.s32 $0x4900;
	v3 =	vperm.xlane v3, v2  }
0x3a: {  	[tilespmem:s15], [sflag:$0x1] =	stream.indirect_vreg.gather [hbm4b:s6+s2], $0x80, v4, vm0, $0xb8;
	[tilespmem:$0x18100] =	vst v63  }
0x3b: {  	s16 =	simm.s32 $0x5100;
	v3 =	vadd.s32 v1, v3  }
0x3c: {  	[tilespmem:s16], [sflag:$0x1] =	stream.indirect_vreg.gather [hbm4b:s7+s2], $0x80, v4, vm0, $0xb8;
	[tilespmem:$0x18100] =	vst v63  }
0x3d: {  	s17 =	simm.s32 $0x5900  }
0x3e: {  	[tilespmem:s17], [sflag:$0x1] =	stream.indirect_vreg.gather [hbm4b:s8+s2], $0x80, v4, vm0, $0xb8;
	[tilespmem:$0x18100] =	vst v63  }
0x3f: {  	s18 =	simm.s32 $0x6100  }
0x40: {  	[tilespmem:s18], [sflag:$0x1] =	stream.indirect_vreg.gather [hbm4b:s3+s2], $0x80, v3, vm0, $0xb8;
	[tilespmem:$0x18100] =	vst v63  }
0x41: {  	s19 =	simm.s32 $0x6900  }
0x42: {  	[tilespmem:s19], [sflag:$0x1] =	stream.indirect_vreg.gather [hbm4b:s6+s2], $0x80, v3, vm0, $0xb8;
	[tilespmem:$0x18100] =	vst v63  }
0x43: {  	s15 =	simm.s32 $0x7100  }
0x44: {  	[tilespmem:s15], [sflag:$0x1] =	stream.indirect_vreg.gather [hbm4b:s7+s2], $0x80, v3, vm0, $0xb8;
	[tilespmem:$0x18100] =	vst v63  }
0x45: {  	s16 =	simm.s32 $0x7900  }
0x46: {  	[tilespmem:s16], [sflag:$0x1] =	stream.indirect_vreg.gather [hbm4b:s8+s2], $0x80, v3, vm0, $0xb8;
	[tilespmem:$0x18100] =	vst v63  }
0x47: {  	v3 =	vld [tilespmem:$0x80];
	_ =	sdelay $0x4  }
0x48: {  	v4 =	vshll.u32 v3, $0x3  }
0x49: {  	v3 =	vand.u32 $0x7, v3;
	v4 =	vand.u32 $0xFFFFFFC0, v4  }
0x4a: {  	v3 =	vor.u32 v3, v4  }
0x4b: {  	v4 =	vperm.xlane v3, v0;
	_ =	sdelay $0x1  }
0x4c: {  	v4 =	vadd.s32 v1, v4;
	_ =	sdelay $0x3  }
0x4d: {  	s17 =	simm.s32 $0x8100  }
0x4e: {  	[tilespmem:s17], [sflag:$0x2] =	stream.indirect_vreg.gather [hbm4b:s3+s2], $0x80, v4, vm0, $0xb8;
	[tilespmem:$0x18100] =	vst v63  }
0x4f: {  	s18 =	simm.s32 $0x8900;
	v3 =	vperm.xlane v3, v2  }
0x50: {  	[tilespmem:s18], [sflag:$0x2] =	stream.indirect_vreg.gather [hbm4b:s6+s2], $0x80, v4, vm0, $0xb8;
	[tilespmem:$0x18100] =	vst v63  }
0x51: {  	s19 =	simm.s32 $0x9100;
	v3 =	vadd.s32 v1, v3  }
0x52: {  	[tilespmem:s19], [sflag:$0x2] =	stream.indirect_vreg.gather [hbm4b:s7+s2], $0x80, v4, vm0, $0xb8;
	[tilespmem:$0x18100] =	vst v63  }
0x53: {  	s15 =	simm.s32 $0x9900  }
0x54: {  	[tilespmem:s15], [sflag:$0x2] =	stream.indirect_vreg.gather [hbm4b:s8+s2], $0x80, v4, vm0, $0xb8;
	[tilespmem:$0x18100] =	vst v63  }
0x55: {  	s16 =	simm.s32 $0xA100  }
0x56: {  	[tilespmem:s16], [sflag:$0x2] =	stream.indirect_vreg.gather [hbm4b:s3+s2], $0x80, v3, vm0, $0xb8;
	[tilespmem:$0x18100] =	vst v63  }
0x57: {  	s17 =	simm.s32 $0xA900  }
0x58: {  	[tilespmem:s17], [sflag:$0x2] =	stream.indirect_vreg.gather [hbm4b:s6+s2], $0x80, v3, vm0, $0xb8;
	[tilespmem:$0x18100] =	vst v63  }
0x59: {  	_ = 	snop  }
0x5a: {  	[tilespmem:s20], [sflag:$0x2] =	stream.indirect_vreg.gather [hbm4b:s7+s2], $0x80, v3, vm0, $0xb8;
	[tilespmem:$0x18100] =	vst v63  }
0x5b: {  	_ = 	snop  }
0x5c: {  	[tilespmem:s21], [sflag:$0x2] =	stream.indirect_vreg.gather [hbm4b:s8+s2], $0x80, v3, vm0, $0xb8;
	[tilespmem:$0x18100] =	vst v63  }
0x5d: {  	v3 =	vld [tilespmem:$0x90];
	_ =	sdelay $0x4  }
0x5e: {  	v4 =	vshll.u32 v3, $0x3  }
0x5f: {  	v3 =	vand.u32 $0x7, v3;
	v4 =	vand.u32 $0xFFFFFFC0, v4  }
0x60: {  	v3 =	vor.u32 v3, v4  }
0x61: {  	v4 =	vperm.xlane v3, v0;
	_ =	sdelay $0x1  }
0x62: {  	v4 =	vadd.s32 v1, v4;
	_ =	sdelay $0x4  }
0x63: {  	[tilespmem:s22], [sflag:$0x2] =	stream.indirect_vreg.gather [hbm4b:s3+s2], $0x80, v4, vm0, $0xb8;
	[tilespmem:$0x18100] =	vst v63  }
0x64: {  	v3 =	vperm.xlane v3, v2  }
0x65: {  	[tilespmem:s23], [sflag:$0x2] =	stream.indirect_vreg.gather [hbm4b:s6+s2], $0x80, v4, vm0, $0xb8;
	[tilespmem:$0x18100] =	vst v63  }
0x66: {  	v3 =	vadd.s32 v1, v3  }
0x67: {  	[tilespmem:s24], [sflag:$0x2] =	stream.indirect_vreg.gather [hbm4b:s7+s2], $0x80, v4, vm0, $0xb8;
	[tilespmem:$0x18100] =	vst v63  }
0x68: {  	_ = 	snop  }
0x69: {  	[tilespmem:s25], [sflag:$0x2] =	stream.indirect_vreg.gather [hbm4b:s8+s2], $0x80, v4, vm0, $0xb8;
	[tilespmem:$0x18100] =	vst v63  }
0x6a: {  	_ = 	snop  }
0x6b: {  	[tilespmem:s26], [sflag:$0x2] =	stream.indirect_vreg.gather [hbm4b:s3+s2], $0x80, v3, vm0, $0xb8;
	[tilespmem:$0x18100] =	vst v63  }
0x6c: {  	_ = 	snop  }
0x6d: {  	[tilespmem:s28], [sflag:$0x2] =	stream.indirect_vreg.gather [hbm4b:s6+s2], $0x80, v3, vm0, $0xb8;
	[tilespmem:$0x18100] =	vst v63  }
0x6e: {  	_ = 	snop  }
0x6f: {  	[tilespmem:s29], [sflag:$0x2] =	stream.indirect_vreg.gather [hbm4b:s7+s2], $0x80, v3, vm0, $0xb8;
	[tilespmem:$0x18100] =	vst v63  }
0x70: {  	_ = 	snop  }
0x71: {  	[tilespmem:s30], [sflag:$0x2] =	stream.indirect_vreg.gather [hbm4b:s8+s2], $0x80, v3, vm0, $0xb8;
	[tilespmem:$0x18100] =	vst v63  }
0x72: {  	_ =	swait.ge [sflag:s31], $0x8000  }
0x73: {  	[sflag:s31] =	ssyncset.done $0x0  }
0x74: {  	[sflag:s31] =	ssyncadd.s32 $0xFFFF8000  }
0x75: {  	_ =	swait.ge [sflag:s0], $0x8000  }
0x76: {  	s18 =	sand.u32 $0x70, s2;
	s19 =	sand.u32 $0x1C00, s2;
	[sflag:s0] =	ssyncset.done $0x0  }
0x77: {  	s15 =	sor.u32 s18, s19;
	[sflag:s0] =	ssyncadd.s32 $0xFFFF8000  }
0x78: {  	v3 =	vld [tilespmem:s15+$0x100]  }
0x79: {  	v4 =	vld [tilespmem:s15+$0x8100];
	_ =	sdelay $0x1  }
0x7a: {  	s5 =	simm.s32 $0x10;
	s16 =	simm.s32 $0x80  }
.LBB2_2:
0x7b: {  	s17 =	sand.u32 $0x70, s5;
	s18 =	sand.u32 $0x1C00, s16;
	p0 =	sne.s32 s5, $0x3F0  }
.Ltmp0:
0x7c: {  	s5 =	sadd.s32 $0x10, s5;
	s17 =	sor.u32 s17, s18;
	(pc) =	sbr.rel @p0 .LBB2_2-.Ltmp0, $4  }
0x7d: {  	v5 =	vadd.f32 v4, v3;
	v3 =	vld [tilespmem:s17+$0x100]  }
0x7e: {  	v4 =	vld [tilespmem:s17+$0x8100]  }
0x7f: {  	[tilespmem:s15+$0x10100] =	vst v5;
	s15 =	smov.u32 s17  }
0x80: {  	s16 =	sadd.s32 $0x80, s16  }
0x81: {  	_ =	sdelay $0x1  }
0x82: {  	s5 =	simm.s32 $0x0;
	v3 =	vadd.f32 v4, v3  }
0x83: {  	s16 =	sand.u32 $0x70, s5;
	s5 =	sand.u32 $0x1C00, s5  }
0x84: {  	s16 =	sor.u32 s16, s5;
	[tilespmem:s15+$0x10100] =	vst v3  }
0x85: {  	v3 =	vld [tilespmem:s16+$0x180]  }
0x86: {  	v4 =	vld [tilespmem:s16+$0x8180];
	_ =	sdelay $0x1  }
0x87: {  	s17 =	simm.s32 $0x80;
	s5 =	simm.s32 $0x10;
	s15 =	smov.u32 s16  }
.LBB2_4:
0x88: {  	s18 =	sand.u32 $0x70, s5;
	s19 =	sand.u32 $0x1C00, s17;
	p0 =	sne.s32 s5, $0x3F0  }
.Ltmp1:
0x89: {  	s5 =	sadd.s32 $0x10, s5;
	s18 =	sor.u32 s18, s19;
	(pc) =	sbr.rel @p0 .LBB2_4-.Ltmp1, $4  }
0x8a: {  	v5 =	vadd.f32 v4, v3;
	v3 =	vld [tilespmem:s18+$0x180]  }
0x8b: {  	v4 =	vld [tilespmem:s18+$0x8180]  }
0x8c: {  	[tilespmem:s15+$0x10180] =	vst v5;
	s15 =	smov.u32 s18  }
0x8d: {  	s17 =	sadd.s32 $0x80, s17  }
0x8e: {  	_ =	sdelay $0x1  }
0x8f: {  	v3 =	vadd.f32 v4, v3;
	_ =	sdelay $0x1  }
0x90: {  	[tilespmem:s15+$0x10180] =	vst v3  }
0x91: {  	v3 =	vld [tilespmem:s16+$0x200]  }
0x92: {  	v4 =	vld [tilespmem:s16+$0x8200];
	_ =	sdelay $0x1  }
0x93: {  	s5 =	simm.s32 $0x10;
	s15 =	simm.s32 $0x80  }
.LBB2_6:
0x94: {  	s17 =	sand.u32 $0x70, s5;
	s18 =	sand.u32 $0x1C00, s15;
	p0 =	sne.s32 s5, $0x3F0  }
.Ltmp2:
0x95: {  	s5 =	sadd.s32 $0x10, s5;
	s17 =	sor.u32 s17, s18;
	(pc) =	sbr.rel @p0 .LBB2_6-.Ltmp2, $4  }
0x96: {  	v5 =	vadd.f32 v4, v3;
	v3 =	vld [tilespmem:s17+$0x200]  }
0x97: {  	v4 =	vld [tilespmem:s17+$0x8200]  }
0x98: {  	[tilespmem:s16+$0x10200] =	vst v5;
	s16 =	smov.u32 s17  }
0x99: {  	s15 =	sadd.s32 $0x80, s15  }
0x9a: {  	_ =	sdelay $0x1  }
0x9b: {  	s5 =	simm.s32 $0x0;
	v3 =	vadd.f32 v4, v3  }
0x9c: {  	s15 =	sand.u32 $0x70, s5;
	s5 =	sand.u32 $0x1C00, s5  }
0x9d: {  	s15 =	sor.u32 s15, s5;
	[tilespmem:s16+$0x10200] =	vst v3  }
0x9e: {  	v3 =	vld [tilespmem:s15+$0x280]  }
0x9f: {  	v4 =	vld [tilespmem:s15+$0x8280];
	_ =	sdelay $0x1  }
0xa0: {  	s17 =	simm.s32 $0x80;
	s5 =	simm.s32 $0x10;
	s16 =	smov.u32 s15  }
.LBB2_8:
0xa1: {  	s18 =	sand.u32 $0x70, s5;
	s19 =	sand.u32 $0x1C00, s17;
	p0 =	sne.s32 s5, $0x3F0  }
.Ltmp3:
0xa2: {  	s5 =	sadd.s32 $0x10, s5;
	s18 =	sor.u32 s18, s19;
	(pc) =	sbr.rel @p0 .LBB2_8-.Ltmp3, $4  }
0xa3: {  	v5 =	vadd.f32 v4, v3;
	v3 =	vld [tilespmem:s18+$0x280]  }
0xa4: {  	v4 =	vld [tilespmem:s18+$0x8280]  }
0xa5: {  	[tilespmem:s16+$0x10280] =	vst v5;
	s16 =	smov.u32 s18  }
0xa6: {  	s17 =	sadd.s32 $0x80, s17  }
0xa7: {  	_ =	sdelay $0x1  }
0xa8: {  	v3 =	vadd.f32 v4, v3;
	_ =	sdelay $0x1  }
0xa9: {  	[tilespmem:s16+$0x10280] =	vst v3  }
0xaa: {  	v3 =	vld [tilespmem:s15+$0x300]  }
0xab: {  	v4 =	vld [tilespmem:s15+$0x8300];
	_ =	sdelay $0x1  }
0xac: {  	s5 =	simm.s32 $0x10;
	s16 =	simm.s32 $0x80  }
.LBB2_10:
0xad: {  	s17 =	sand.u32 $0x70, s5;
	s18 =	sand.u32 $0x1C00, s16;
	p0 =	sne.s32 s5, $0x3F0  }
.Ltmp4:
0xae: {  	s5 =	sadd.s32 $0x10, s5;
	s17 =	sor.u32 s17, s18;
	(pc) =	sbr.rel @p0 .LBB2_10-.Ltmp4, $4  }
0xaf: {  	v5 =	vadd.f32 v4, v3;
	v3 =	vld [tilespmem:s17+$0x300]  }
0xb0: {  	v4 =	vld [tilespmem:s17+$0x8300]  }
0xb1: {  	[tilespmem:s15+$0x10300] =	vst v5;
	s15 =	smov.u32 s17  }
0xb2: {  	s16 =	sadd.s32 $0x80, s16  }
0xb3: {  	_ =	sdelay $0x1  }
0xb4: {  	s5 =	simm.s32 $0x0;
	v3 =	vadd.f32 v4, v3  }
0xb5: {  	s16 =	sand.u32 $0x70, s5;
	s5 =	sand.u32 $0x1C00, s5  }
0xb6: {  	[tilespmem:s15+$0x10300] =	vst v3;
	s15 =	sor.u32 s16, s5  }
0xb7: {  	v3 =	vld [tilespmem:s15+$0x380]  }
0xb8: {  	v4 =	vld [tilespmem:s15+$0x8380];
	_ =	sdelay $0x1  }
0xb9: {  	s17 =	simm.s32 $0x80;
	s5 =	simm.s32 $0x10;
	s16 =	smov.u32 s15  }
.LBB2_12:
0xba: {  	s18 =	sand.u32 $0x70, s5;
	s19 =	sand.u32 $0x1C00, s17;
	p0 =	sne.s32 s5, $0x3F0  }
.Ltmp5:
0xbb: {  	s5 =	sadd.s32 $0x10, s5;
	s18 =	sor.u32 s18, s19;
	(pc) =	sbr.rel @p0 .LBB2_12-.Ltmp5, $4  }
0xbc: {  	v5 =	vadd.f32 v4, v3;
	v3 =	vld [tilespmem:s18+$0x380]  }
0xbd: {  	v4 =	vld [tilespmem:s18+$0x8380]  }
0xbe: {  	[tilespmem:s16+$0x10380] =	vst v5;
	s16 =	smov.u32 s18  }
0xbf: {  	s17 =	sadd.s32 $0x80, s17  }
0xc0: {  	_ =	sdelay $0x1  }
0xc1: {  	v3 =	vadd.f32 v4, v3;
	_ =	sdelay $0x1  }
0xc2: {  	[tilespmem:s16+$0x10380] =	vst v3  }
0xc3: {  	v3 =	vld [tilespmem:s15+$0x400]  }
0xc4: {  	v4 =	vld [tilespmem:s15+$0x8400];
	_ =	sdelay $0x1  }
0xc5: {  	s5 =	simm.s32 $0x10;
	s16 =	simm.s32 $0x80  }
.LBB2_14:
0xc6: {  	s17 =	sand.u32 $0x70, s5;
	s18 =	sand.u32 $0x1C00, s16;
	p0 =	sne.s32 s5, $0x3F0  }
.Ltmp6:
0xc7: {  	s5 =	sadd.s32 $0x10, s5;
	s17 =	sor.u32 s17, s18;
	(pc) =	sbr.rel @p0 .LBB2_14-.Ltmp6, $4  }
0xc8: {  	v5 =	vadd.f32 v4, v3;
	v3 =	vld [tilespmem:s17+$0x400]  }
0xc9: {  	v4 =	vld [tilespmem:s17+$0x8400]  }
0xca: {  	[tilespmem:s15+$0x10400] =	vst v5;
	s15 =	smov.u32 s17  }
0xcb: {  	s16 =	sadd.s32 $0x80, s16  }
0xcc: {  	_ =	sdelay $0x1  }
0xcd: {  	s5 =	simm.s32 $0x0;
	v3 =	vadd.f32 v4, v3  }
0xce: {  	s16 =	sand.u32 $0x70, s5;
	s5 =	sand.u32 $0x1C00, s5  }
0xcf: {  	[tilespmem:s15+$0x10400] =	vst v3;
	s15 =	sor.u32 s16, s5  }
0xd0: {  	v3 =	vld [tilespmem:s15+$0x480]  }
0xd1: {  	v4 =	vld [tilespmem:s15+$0x8480];
	_ =	sdelay $0x1  }
0xd2: {  	s17 =	simm.s32 $0x80;
	s5 =	simm.s32 $0x10;
	s16 =	smov.u32 s15  }
.LBB2_16:
0xd3: {  	s18 =	sand.u32 $0x70, s5;
	s19 =	sand.u32 $0x1C00, s17;
	p0 =	sne.s32 s5, $0x3F0  }
.Ltmp7:
0xd4: {  	s5 =	sadd.s32 $0x10, s5;
	s18 =	sor.u32 s18, s19;
	(pc) =	sbr.rel @p0 .LBB2_16-.Ltmp7, $4  }
0xd5: {  	v5 =	vadd.f32 v4, v3;
	v3 =	vld [tilespmem:s18+$0x480]  }
0xd6: {  	v4 =	vld [tilespmem:s18+$0x8480]  }
0xd7: {  	[tilespmem:s16+$0x10480] =	vst v5;
	s16 =	smov.u32 s18  }
0xd8: {  	s17 =	sadd.s32 $0x80, s17  }
0xd9: {  	_ =	sdelay $0x1  }
0xda: {  	v3 =	vadd.f32 v4, v3;
	_ =	sdelay $0x1  }
0xdb: {  	[tilespmem:s16+$0x10480] =	vst v3  }
0xdc: {  	v3 =	vld [tilespmem:s15+$0x2100]  }
0xdd: {  	v4 =	vld [tilespmem:s15+$0xA100];
	_ =	sdelay $0x1  }
0xde: {  	s5 =	simm.s32 $0x10;
	s16 =	simm.s32 $0x80  }
.LBB2_18:
0xdf: {  	s17 =	sand.u32 $0x70, s5;
	s18 =	sand.u32 $0x1C00, s16;
	p0 =	sne.s32 s5, $0x3F0  }
.Ltmp8:
0xe0: {  	s5 =	sadd.s32 $0x10, s5;
	s17 =	sor.u32 s17, s18;
	(pc) =	sbr.rel @p0 .LBB2_18-.Ltmp8, $4  }
0xe1: {  	v5 =	vadd.f32 v4, v3;
	v3 =	vld [tilespmem:s17+$0x2100]  }
0xe2: {  	v4 =	vld [tilespmem:s17+$0xA100]  }
0xe3: {  	[tilespmem:s15+$0x12100] =	vst v5;
	s15 =	smov.u32 s17  }
0xe4: {  	s16 =	sadd.s32 $0x80, s16  }
0xe5: {  	_ =	sdelay $0x1  }
0xe6: {  	s5 =	simm.s32 $0x0;
	v3 =	vadd.f32 v4, v3  }
0xe7: {  	s16 =	sand.u32 $0x70, s5;
	s5 =	sand.u32 $0x1C00, s5  }
0xe8: {  	[tilespmem:s15+$0x12100] =	vst v3;
	s15 =	sor.u32 s16, s5  }
0xe9: {  	v3 =	vld [tilespmem:s15+$0x2180]  }
0xea: {  	v4 =	vld [tilespmem:s15+$0xA180];
	_ =	sdelay $0x1  }
0xeb: {  	s17 =	simm.s32 $0x80;
	s5 =	simm.s32 $0x10;
	s16 =	smov.u32 s15  }
.LBB2_20:
0xec: {  	s18 =	sand.u32 $0x70, s5;
	s19 =	sand.u32 $0x1C00, s17;
	p0 =	sne.s32 s5, $0x3F0  }
.Ltmp9:
0xed: {  	s5 =	sadd.s32 $0x10, s5;
	s18 =	sor.u32 s18, s19;
	(pc) =	sbr.rel @p0 .LBB2_20-.Ltmp9, $4  }
0xee: {  	v5 =	vadd.f32 v4, v3;
	v3 =	vld [tilespmem:s18+$0x2180]  }
0xef: {  	v4 =	vld [tilespmem:s18+$0xA180]  }
0xf0: {  	[tilespmem:s16+$0x12180] =	vst v5;
	s16 =	smov.u32 s18  }
0xf1: {  	s17 =	sadd.s32 $0x80, s17  }
0xf2: {  	_ =	sdelay $0x1  }
0xf3: {  	v3 =	vadd.f32 v4, v3;
	_ =	sdelay $0x1  }
0xf4: {  	[tilespmem:s16+$0x12180] =	vst v3  }
0xf5: {  	v3 =	vld [tilespmem:s15+$0x2200]  }
0xf6: {  	v4 =	vld [tilespmem:s15+$0xA200];
	_ =	sdelay $0x1  }
0xf7: {  	s5 =	simm.s32 $0x10;
	s16 =	simm.s32 $0x80  }
.LBB2_22:
0xf8: {  	s17 =	sand.u32 $0x70, s5;
	s18 =	sand.u32 $0x1C00, s16;
	p0 =	sne.s32 s5, $0x3F0  }
.Ltmp10:
0xf9: {  	s5 =	sadd.s32 $0x10, s5;
	s17 =	sor.u32 s17, s18;
	(pc) =	sbr.rel @p0 .LBB2_22-.Ltmp10, $4  }
0xfa: {  	v5 =	vadd.f32 v4, v3;
	v3 =	vld [tilespmem:s17+$0x2200]  }
0xfb: {  	v4 =	vld [tilespmem:s17+$0xA200]  }
0xfc: {  	[tilespmem:s15+$0x12200] =	vst v5;
	s15 =	smov.u32 s17  }
0xfd: {  	s16 =	sadd.s32 $0x80, s16  }
0xfe: {  	_ =	sdelay $0x1  }
0xff: {  	s5 =	simm.s32 $0x0;
	v3 =	vadd.f32 v4, v3  }
0x100: {  	s16 =	sand.u32 $0x70, s5;
	s5 =	sand.u32 $0x1C00, s5  }
0x101: {  	[tilespmem:s15+$0x12200] =	vst v3;
	s15 =	sor.u32 s16, s5  }
0x102: {  	v3 =	vld [tilespmem:s15+$0x2280]  }
0x103: {  	v4 =	vld [tilespmem:s15+$0xA280];
	_ =	sdelay $0x1  }
0x104: {  	s17 =	simm.s32 $0x80;
	s5 =	simm.s32 $0x10;
	s16 =	smov.u32 s15  }
.LBB2_24:
0x105: {  	s18 =	sand.u32 $0x70, s5;
	s19 =	sand.u32 $0x1C00, s17;
	p0 =	sne.s32 s5, $0x3F0  }
.Ltmp11:
0x106: {  	s5 =	sadd.s32 $0x10, s5;
	s18 =	sor.u32 s18, s19;
	(pc) =	sbr.rel @p0 .LBB2_24-.Ltmp11, $4  }
0x107: {  	v5 =	vadd.f32 v4, v3;
	v3 =	vld [tilespmem:s18+$0x2280]  }
0x108: {  	v4 =	vld [tilespmem:s18+$0xA280]  }
0x109: {  	[tilespmem:s16+$0x12280] =	vst v5;
	s16 =	smov.u32 s18  }
0x10a: {  	s17 =	sadd.s32 $0x80, s17  }
0x10b: {  	_ =	sdelay $0x1  }
0x10c: {  	v3 =	vadd.f32 v4, v3;
	_ =	sdelay $0x1  }
0x10d: {  	[tilespmem:s16+$0x12280] =	vst v3  }
0x10e: {  	v3 =	vld [tilespmem:s15+$0x2300]  }
0x10f: {  	v4 =	vld [tilespmem:s15+$0xA300];
	_ =	sdelay $0x1  }
0x110: {  	s5 =	simm.s32 $0x10;
	s16 =	simm.s32 $0x80  }
.LBB2_26:
0x111: {  	s17 =	sand.u32 $0x70, s5;
	s18 =	sand.u32 $0x1C00, s16;
	p0 =	sne.s32 s5, $0x3F0  }
.Ltmp12:
0x112: {  	s5 =	sadd.s32 $0x10, s5;
	s17 =	sor.u32 s17, s18;
	(pc) =	sbr.rel @p0 .LBB2_26-.Ltmp12, $4  }
0x113: {  	v5 =	vadd.f32 v4, v3;
	v3 =	vld [tilespmem:s17+$0x2300]  }
0x114: {  	v4 =	vld [tilespmem:s17+$0xA300]  }
0x115: {  	[tilespmem:s15+$0x12300] =	vst v5;
	s15 =	smov.u32 s17  }
0x116: {  	s16 =	sadd.s32 $0x80, s16  }
0x117: {  	_ =	sdelay $0x1  }
0x118: {  	s5 =	simm.s32 $0x0;
	v3 =	vadd.f32 v4, v3  }
0x119: {  	s16 =	sand.u32 $0x70, s5;
	s5 =	sand.u32 $0x1C00, s5  }
0x11a: {  	[tilespmem:s15+$0x12300] =	vst v3;
	s15 =	sor.u32 s16, s5  }
0x11b: {  	v3 =	vld [tilespmem:s15+$0x2380]  }
0x11c: {  	v4 =	vld [tilespmem:s15+$0xA380];
	_ =	sdelay $0x1  }
0x11d: {  	s17 =	simm.s32 $0x80;
	s5 =	simm.s32 $0x10;
	s16 =	smov.u32 s15  }
.LBB2_28:
0x11e: {  	s18 =	sand.u32 $0x70, s5;
	s19 =	sand.u32 $0x1C00, s17;
	p0 =	sne.s32 s5, $0x3F0  }
.Ltmp13:
0x11f: {  	s5 =	sadd.s32 $0x10, s5;
	s18 =	sor.u32 s18, s19;
	(pc) =	sbr.rel @p0 .LBB2_28-.Ltmp13, $4  }
0x120: {  	v5 =	vadd.f32 v4, v3;
	v3 =	vld [tilespmem:s18+$0x2380]  }
0x121: {  	v4 =	vld [tilespmem:s18+$0xA380]  }
0x122: {  	[tilespmem:s16+$0x12380] =	vst v5;
	s16 =	smov.u32 s18  }
0x123: {  	s17 =	sadd.s32 $0x80, s17  }
0x124: {  	_ =	sdelay $0x1  }
0x125: {  	v3 =	vadd.f32 v4, v3;
	_ =	sdelay $0x1  }
0x126: {  	[tilespmem:s16+$0x12380] =	vst v3  }
0x127: {  	v3 =	vld [tilespmem:s15+$0x2400]  }
0x128: {  	v4 =	vld [tilespmem:s15+$0xA400];
	_ =	sdelay $0x1  }
0x129: {  	s5 =	simm.s32 $0x10;
	s16 =	simm.s32 $0x80  }
.LBB2_30:
0x12a: {  	s17 =	sand.u32 $0x70, s5;
	s18 =	sand.u32 $0x1C00, s16;
	p0 =	sne.s32 s5, $0x3F0  }
.Ltmp14:
0x12b: {  	s5 =	sadd.s32 $0x10, s5;
	s17 =	sor.u32 s17, s18;
	(pc) =	sbr.rel @p0 .LBB2_30-.Ltmp14, $4  }
0x12c: {  	v5 =	vadd.f32 v4, v3;
	v3 =	vld [tilespmem:s17+$0x2400]  }
0x12d: {  	v4 =	vld [tilespmem:s17+$0xA400]  }
0x12e: {  	[tilespmem:s15+$0x12400] =	vst v5;
	s15 =	smov.u32 s17  }
0x12f: {  	s16 =	sadd.s32 $0x80, s16  }
0x130: {  	_ =	sdelay $0x1  }
0x131: {  	s5 =	simm.s32 $0x0;
	v3 =	vadd.f32 v4, v3  }
0x132: {  	s16 =	sand.u32 $0x70, s5;
	s5 =	sand.u32 $0x1C00, s5  }
0x133: {  	[tilespmem:s15+$0x12400] =	vst v3;
	s15 =	sor.u32 s16, s5  }
0x134: {  	v3 =	vld [tilespmem:s15+$0x2480]  }
0x135: {  	v4 =	vld [tilespmem:s15+$0xA480];
	_ =	sdelay $0x1  }
0x136: {  	s17 =	simm.s32 $0x80;
	s5 =	simm.s32 $0x10;
	s16 =	smov.u32 s15  }
.LBB2_32:
0x137: {  	s18 =	sand.u32 $0x70, s5;
	s19 =	sand.u32 $0x1C00, s17;
	p0 =	sne.s32 s5, $0x3F0  }
.Ltmp15:
0x138: {  	s5 =	sadd.s32 $0x10, s5;
	s18 =	sor.u32 s18, s19;
	(pc) =	sbr.rel @p0 .LBB2_32-.Ltmp15, $4  }
0x139: {  	v5 =	vadd.f32 v4, v3;
	v3 =	vld [tilespmem:s18+$0x2480]  }
0x13a: {  	v4 =	vld [tilespmem:s18+$0xA480]  }
0x13b: {  	[tilespmem:s16+$0x12480] =	vst v5;
	s16 =	smov.u32 s18  }
0x13c: {  	s17 =	sadd.s32 $0x80, s17  }
0x13d: {  	_ =	sdelay $0x1  }
0x13e: {  	v3 =	vadd.f32 v4, v3;
	_ =	sdelay $0x1  }
0x13f: {  	[tilespmem:s16+$0x12480] =	vst v3  }
0x140: {  	v3 =	vld [tilespmem:s15+$0x4100]  }
0x141: {  	v4 =	vld [tilespmem:s15+$0xC100];
	_ =	sdelay $0x1  }
0x142: {  	s5 =	simm.s32 $0x10;
	s16 =	simm.s32 $0x80  }
.LBB2_34:
0x143: {  	s17 =	sand.u32 $0x70, s5;
	s18 =	sand.u32 $0x1C00, s16;
	p0 =	sne.s32 s5, $0x3F0  }
.Ltmp16:
0x144: {  	s5 =	sadd.s32 $0x10, s5;
	s17 =	sor.u32 s17, s18;
	(pc) =	sbr.rel @p0 .LBB2_34-.Ltmp16, $4  }
0x145: {  	v5 =	vadd.f32 v4, v3;
	v3 =	vld [tilespmem:s17+$0x4100]  }
0x146: {  	v4 =	vld [tilespmem:s17+$0xC100]  }
0x147: {  	[tilespmem:s15+$0x14100] =	vst v5;
	s15 =	smov.u32 s17  }
0x148: {  	s16 =	sadd.s32 $0x80, s16  }
0x149: {  	_ =	sdelay $0x1  }
0x14a: {  	s5 =	simm.s32 $0x0;
	v3 =	vadd.f32 v4, v3  }
0x14b: {  	s16 =	sand.u32 $0x70, s5;
	s5 =	sand.u32 $0x1C00, s5  }
0x14c: {  	[tilespmem:s15+$0x14100] =	vst v3;
	s15 =	sor.u32 s16, s5  }
0x14d: {  	v3 =	vld [tilespmem:s15+$0x4180]  }
0x14e: {  	v4 =	vld [tilespmem:s15+$0xC180];
	_ =	sdelay $0x1  }
0x14f: {  	s17 =	simm.s32 $0x80;
	s5 =	simm.s32 $0x10;
	s16 =	smov.u32 s15  }
.LBB2_36:
0x150: {  	s18 =	sand.u32 $0x70, s5;
	s19 =	sand.u32 $0x1C00, s17;
	p0 =	sne.s32 s5, $0x3F0  }
.Ltmp17:
0x151: {  	s5 =	sadd.s32 $0x10, s5;
	s18 =	sor.u32 s18, s19;
	(pc) =	sbr.rel @p0 .LBB2_36-.Ltmp17, $4  }
0x152: {  	v5 =	vadd.f32 v4, v3;
	v3 =	vld [tilespmem:s18+$0x4180]  }
0x153: {  	v4 =	vld [tilespmem:s18+$0xC180]  }
0x154: {  	[tilespmem:s16+$0x14180] =	vst v5;
	s16 =	smov.u32 s18  }
0x155: {  	s17 =	sadd.s32 $0x80, s17  }
0x156: {  	_ =	sdelay $0x1  }
0x157: {  	v3 =	vadd.f32 v4, v3;
	_ =	sdelay $0x1  }
0x158: {  	[tilespmem:s16+$0x14180] =	vst v3  }
0x159: {  	v3 =	vld [tilespmem:s15+$0x4200]  }
0x15a: {  	v4 =	vld [tilespmem:s15+$0xC200];
	_ =	sdelay $0x1  }
0x15b: {  	s5 =	simm.s32 $0x10;
	s16 =	simm.s32 $0x80  }
.LBB2_38:
0x15c: {  	s17 =	sand.u32 $0x70, s5;
	s18 =	sand.u32 $0x1C00, s16;
	p0 =	sne.s32 s5, $0x3F0  }
.Ltmp18:
0x15d: {  	s5 =	sadd.s32 $0x10, s5;
	s17 =	sor.u32 s17, s18;
	(pc) =	sbr.rel @p0 .LBB2_38-.Ltmp18, $4  }
0x15e: {  	v5 =	vadd.f32 v4, v3;
	v3 =	vld [tilespmem:s17+$0x4200]  }
0x15f: {  	v4 =	vld [tilespmem:s17+$0xC200]  }
0x160: {  	[tilespmem:s15+$0x14200] =	vst v5;
	s15 =	smov.u32 s17  }
0x161: {  	s16 =	sadd.s32 $0x80, s16  }
0x162: {  	_ =	sdelay $0x1  }
0x163: {  	s5 =	simm.s32 $0x0;
	v3 =	vadd.f32 v4, v3  }
0x164: {  	s16 =	sand.u32 $0x70, s5;
	s5 =	sand.u32 $0x1C00, s5  }
0x165: {  	[tilespmem:s15+$0x14200] =	vst v3;
	s15 =	sor.u32 s16, s5  }
0x166: {  	v3 =	vld [tilespmem:s15+$0x4280]  }
0x167: {  	v4 =	vld [tilespmem:s15+$0xC280];
	_ =	sdelay $0x1  }
0x168: {  	s17 =	simm.s32 $0x80;
	s5 =	simm.s32 $0x10;
	s16 =	smov.u32 s15  }
.LBB2_40:
0x169: {  	s18 =	sand.u32 $0x70, s5;
	s19 =	sand.u32 $0x1C00, s17;
	p0 =	sne.s32 s5, $0x3F0  }
.Ltmp19:
0x16a: {  	s5 =	sadd.s32 $0x10, s5;
	s18 =	sor.u32 s18, s19;
	(pc) =	sbr.rel @p0 .LBB2_40-.Ltmp19, $4  }
0x16b: {  	v5 =	vadd.f32 v4, v3;
	v3 =	vld [tilespmem:s18+$0x4280]  }
0x16c: {  	v4 =	vld [tilespmem:s18+$0xC280]  }
0x16d: {  	[tilespmem:s16+$0x14280] =	vst v5;
	s16 =	smov.u32 s18  }
0x16e: {  	s17 =	sadd.s32 $0x80, s17  }
0x16f: {  	_ =	sdelay $0x1  }
0x170: {  	v3 =	vadd.f32 v4, v3;
	_ =	sdelay $0x1  }
0x171: {  	[tilespmem:s16+$0x14280] =	vst v3  }
0x172: {  	v3 =	vld [tilespmem:s15+$0x4300]  }
0x173: {  	v4 =	vld [tilespmem:s15+$0xC300];
	_ =	sdelay $0x1  }
0x174: {  	s5 =	simm.s32 $0x10;
	s16 =	simm.s32 $0x80  }
.LBB2_42:
0x175: {  	s17 =	sand.u32 $0x70, s5;
	s18 =	sand.u32 $0x1C00, s16;
	p0 =	sne.s32 s5, $0x3F0  }
.Ltmp20:
0x176: {  	s5 =	sadd.s32 $0x10, s5;
	s17 =	sor.u32 s17, s18;
	(pc) =	sbr.rel @p0 .LBB2_42-.Ltmp20, $4  }
0x177: {  	v5 =	vadd.f32 v4, v3;
	v3 =	vld [tilespmem:s17+$0x4300]  }
0x178: {  	v4 =	vld [tilespmem:s17+$0xC300]  }
0x179: {  	[tilespmem:s15+$0x14300] =	vst v5;
	s15 =	smov.u32 s17  }
0x17a: {  	s16 =	sadd.s32 $0x80, s16  }
0x17b: {  	_ =	sdelay $0x1  }
0x17c: {  	s5 =	simm.s32 $0x0;
	v3 =	vadd.f32 v4, v3  }
0x17d: {  	s16 =	sand.u32 $0x70, s5;
	s5 =	sand.u32 $0x1C00, s5  }
0x17e: {  	[tilespmem:s15+$0x14300] =	vst v3;
	s15 =	sor.u32 s16, s5  }
0x17f: {  	v3 =	vld [tilespmem:s15+$0x4380]  }
0x180: {  	v4 =	vld [tilespmem:s15+$0xC380];
	_ =	sdelay $0x1  }
0x181: {  	s17 =	simm.s32 $0x80;
	s5 =	simm.s32 $0x10;
	s16 =	smov.u32 s15  }
.LBB2_44:
0x182: {  	s18 =	sand.u32 $0x70, s5;
	s19 =	sand.u32 $0x1C00, s17;
	p0 =	sne.s32 s5, $0x3F0  }
.Ltmp21:
0x183: {  	s5 =	sadd.s32 $0x10, s5;
	s18 =	sor.u32 s18, s19;
	(pc) =	sbr.rel @p0 .LBB2_44-.Ltmp21, $4  }
0x184: {  	v5 =	vadd.f32 v4, v3;
	v3 =	vld [tilespmem:s18+$0x4380]  }
0x185: {  	v4 =	vld [tilespmem:s18+$0xC380]  }
0x186: {  	[tilespmem:s16+$0x14380] =	vst v5;
	s16 =	smov.u32 s18  }
0x187: {  	s17 =	sadd.s32 $0x80, s17  }
0x188: {  	_ =	sdelay $0x1  }
0x189: {  	v3 =	vadd.f32 v4, v3;
	_ =	sdelay $0x1  }
0x18a: {  	[tilespmem:s16+$0x14380] =	vst v3  }
0x18b: {  	v3 =	vld [tilespmem:s15+$0x4400]  }
0x18c: {  	v4 =	vld [tilespmem:s15+$0xC400];
	_ =	sdelay $0x1  }
0x18d: {  	s5 =	simm.s32 $0x10;
	s16 =	simm.s32 $0x80  }
.LBB2_46:
0x18e: {  	s17 =	sand.u32 $0x70, s5;
	s18 =	sand.u32 $0x1C00, s16;
	p0 =	sne.s32 s5, $0x3F0  }
.Ltmp22:
0x18f: {  	s5 =	sadd.s32 $0x10, s5;
	s17 =	sor.u32 s17, s18;
	(pc) =	sbr.rel @p0 .LBB2_46-.Ltmp22, $4  }
0x190: {  	v5 =	vadd.f32 v4, v3;
	v3 =	vld [tilespmem:s17+$0x4400]  }
0x191: {  	v4 =	vld [tilespmem:s17+$0xC400]  }
0x192: {  	[tilespmem:s15+$0x14400] =	vst v5;
	s15 =	smov.u32 s17  }
0x193: {  	s16 =	sadd.s32 $0x80, s16  }
0x194: {  	_ =	sdelay $0x1  }
0x195: {  	s5 =	simm.s32 $0x0;
	v3 =	vadd.f32 v4, v3  }
0x196: {  	s16 =	sand.u32 $0x70, s5;
	s5 =	sand.u32 $0x1C00, s5  }
0x197: {  	[tilespmem:s15+$0x14400] =	vst v3;
	s15 =	sor.u32 s16, s5  }
0x198: {  	v3 =	vld [tilespmem:s15+$0x4480]  }
0x199: {  	v4 =	vld [tilespmem:s15+$0xC480];
	_ =	sdelay $0x1  }
0x19a: {  	s17 =	simm.s32 $0x80;
	s5 =	simm.s32 $0x10;
	s16 =	smov.u32 s15  }
.LBB2_48:
0x19b: {  	s18 =	sand.u32 $0x70, s5;
	s19 =	sand.u32 $0x1C00, s17;
	p0 =	sne.s32 s5, $0x3F0  }
.Ltmp23:
0x19c: {  	s5 =	sadd.s32 $0x10, s5;
	s18 =	sor.u32 s18, s19;
	(pc) =	sbr.rel @p0 .LBB2_48-.Ltmp23, $4  }
0x19d: {  	v5 =	vadd.f32 v4, v3;
	v3 =	vld [tilespmem:s18+$0x4480]  }
0x19e: {  	v4 =	vld [tilespmem:s18+$0xC480]  }
0x19f: {  	[tilespmem:s16+$0x14480] =	vst v5;
	s16 =	smov.u32 s18  }
0x1a0: {  	s17 =	sadd.s32 $0x80, s17  }
0x1a1: {  	_ =	sdelay $0x1  }
0x1a2: {  	v3 =	vadd.f32 v4, v3;
	_ =	sdelay $0x1  }
0x1a3: {  	[tilespmem:s16+$0x14480] =	vst v3  }
0x1a4: {  	v3 =	vld [tilespmem:s15+$0x6100]  }
0x1a5: {  	v4 =	vld [tilespmem:s15+$0xE100];
	_ =	sdelay $0x1  }
0x1a6: {  	s5 =	simm.s32 $0x10;
	s16 =	simm.s32 $0x80  }
.LBB2_50:
0x1a7: {  	s17 =	sand.u32 $0x70, s5;
	s18 =	sand.u32 $0x1C00, s16;
	p0 =	sne.s32 s5, $0x3F0  }
.Ltmp24:
0x1a8: {  	s5 =	sadd.s32 $0x10, s5;
	s17 =	sor.u32 s17, s18;
	(pc) =	sbr.rel @p0 .LBB2_50-.Ltmp24, $4  }
0x1a9: {  	v5 =	vadd.f32 v4, v3;
	v3 =	vld [tilespmem:s17+$0x6100]  }
0x1aa: {  	v4 =	vld [tilespmem:s17+$0xE100]  }
0x1ab: {  	[tilespmem:s15+$0x16100] =	vst v5;
	s15 =	smov.u32 s17  }
0x1ac: {  	s16 =	sadd.s32 $0x80, s16  }
0x1ad: {  	_ =	sdelay $0x1  }
0x1ae: {  	s5 =	simm.s32 $0x0;
	v3 =	vadd.f32 v4, v3  }
0x1af: {  	s16 =	sand.u32 $0x70, s5;
	s5 =	sand.u32 $0x1C00, s5  }
0x1b0: {  	[tilespmem:s15+$0x16100] =	vst v3;
	s15 =	sor.u32 s16, s5  }
0x1b1: {  	v3 =	vld [tilespmem:s15+$0x6180]  }
0x1b2: {  	v4 =	vld [tilespmem:s15+$0xE180];
	_ =	sdelay $0x1  }
0x1b3: {  	s17 =	simm.s32 $0x80;
	s5 =	simm.s32 $0x10;
	s16 =	smov.u32 s15  }
.LBB2_52:
0x1b4: {  	s18 =	sand.u32 $0x70, s5;
	s19 =	sand.u32 $0x1C00, s17;
	p0 =	sne.s32 s5, $0x3F0  }
.Ltmp25:
0x1b5: {  	s5 =	sadd.s32 $0x10, s5;
	s18 =	sor.u32 s18, s19;
	(pc) =	sbr.rel @p0 .LBB2_52-.Ltmp25, $4  }
0x1b6: {  	v5 =	vadd.f32 v4, v3;
	v3 =	vld [tilespmem:s18+$0x6180]  }
0x1b7: {  	v4 =	vld [tilespmem:s18+$0xE180]  }
0x1b8: {  	[tilespmem:s16+$0x16180] =	vst v5;
	s16 =	smov.u32 s18  }
0x1b9: {  	s17 =	sadd.s32 $0x80, s17  }
0x1ba: {  	_ =	sdelay $0x1  }
0x1bb: {  	v3 =	vadd.f32 v4, v3;
	_ =	sdelay $0x1  }
0x1bc: {  	[tilespmem:s16+$0x16180] =	vst v3  }
0x1bd: {  	v3 =	vld [tilespmem:s15+$0x6200]  }
0x1be: {  	v4 =	vld [tilespmem:s15+$0xE200];
	_ =	sdelay $0x1  }
0x1bf: {  	s5 =	simm.s32 $0x10;
	s16 =	simm.s32 $0x80  }
.LBB2_54:
0x1c0: {  	s17 =	sand.u32 $0x70, s5;
	s18 =	sand.u32 $0x1C00, s16;
	p0 =	sne.s32 s5, $0x3F0  }
.Ltmp26:
0x1c1: {  	s5 =	sadd.s32 $0x10, s5;
	s17 =	sor.u32 s17, s18;
	(pc) =	sbr.rel @p0 .LBB2_54-.Ltmp26, $4  }
0x1c2: {  	v5 =	vadd.f32 v4, v3;
	v3 =	vld [tilespmem:s17+$0x6200]  }
0x1c3: {  	v4 =	vld [tilespmem:s17+$0xE200]  }
0x1c4: {  	[tilespmem:s15+$0x16200] =	vst v5;
	s15 =	smov.u32 s17  }
0x1c5: {  	s16 =	sadd.s32 $0x80, s16  }
0x1c6: {  	_ =	sdelay $0x1  }
0x1c7: {  	s5 =	simm.s32 $0x0;
	v3 =	vadd.f32 v4, v3  }
0x1c8: {  	s16 =	sand.u32 $0x70, s5;
	s5 =	sand.u32 $0x1C00, s5  }
0x1c9: {  	[tilespmem:s15+$0x16200] =	vst v3;
	s15 =	sor.u32 s16, s5  }
0x1ca: {  	v3 =	vld [tilespmem:s15+$0x6280]  }
0x1cb: {  	v4 =	vld [tilespmem:s15+$0xE280];
	_ =	sdelay $0x1  }
0x1cc: {  	s17 =	simm.s32 $0x80;
	s5 =	simm.s32 $0x10;
	s16 =	smov.u32 s15  }
.LBB2_56:
0x1cd: {  	s18 =	sand.u32 $0x70, s5;
	s19 =	sand.u32 $0x1C00, s17;
	p0 =	sne.s32 s5, $0x3F0  }
.Ltmp27:
0x1ce: {  	s5 =	sadd.s32 $0x10, s5;
	s18 =	sor.u32 s18, s19;
	(pc) =	sbr.rel @p0 .LBB2_56-.Ltmp27, $4  }
0x1cf: {  	v5 =	vadd.f32 v4, v3;
	v3 =	vld [tilespmem:s18+$0x6280]  }
0x1d0: {  	v4 =	vld [tilespmem:s18+$0xE280]  }
0x1d1: {  	[tilespmem:s16+$0x16280] =	vst v5;
	s16 =	smov.u32 s18  }
0x1d2: {  	s17 =	sadd.s32 $0x80, s17  }
0x1d3: {  	_ =	sdelay $0x1  }
0x1d4: {  	v3 =	vadd.f32 v4, v3;
	_ =	sdelay $0x1  }
0x1d5: {  	[tilespmem:s16+$0x16280] =	vst v3  }
0x1d6: {  	v3 =	vld [tilespmem:s15+$0x6300]  }
0x1d7: {  	v4 =	vld [tilespmem:s15+$0xE300];
	_ =	sdelay $0x1  }
0x1d8: {  	s5 =	simm.s32 $0x10;
	s16 =	simm.s32 $0x80  }
.LBB2_58:
0x1d9: {  	s17 =	sand.u32 $0x70, s5;
	s18 =	sand.u32 $0x1C00, s16;
	p0 =	sne.s32 s5, $0x3F0  }
.Ltmp28:
0x1da: {  	s5 =	sadd.s32 $0x10, s5;
	s17 =	sor.u32 s17, s18;
	(pc) =	sbr.rel @p0 .LBB2_58-.Ltmp28, $4  }
0x1db: {  	v5 =	vadd.f32 v4, v3;
	v3 =	vld [tilespmem:s17+$0x6300]  }
0x1dc: {  	v4 =	vld [tilespmem:s17+$0xE300]  }
0x1dd: {  	[tilespmem:s15+$0x16300] =	vst v5;
	s15 =	smov.u32 s17  }
0x1de: {  	s16 =	sadd.s32 $0x80, s16  }
0x1df: {  	_ =	sdelay $0x1  }
0x1e0: {  	s5 =	simm.s32 $0x0;
	v3 =	vadd.f32 v4, v3  }
0x1e1: {  	s16 =	sand.u32 $0x70, s5;
	s5 =	sand.u32 $0x1C00, s5  }
0x1e2: {  	[tilespmem:s15+$0x16300] =	vst v3;
	s15 =	sor.u32 s16, s5  }
0x1e3: {  	v3 =	vld [tilespmem:s15+$0x6380]  }
0x1e4: {  	v4 =	vld [tilespmem:s15+$0xE380];
	_ =	sdelay $0x1  }
0x1e5: {  	s17 =	simm.s32 $0x80;
	s5 =	simm.s32 $0x10;
	s16 =	smov.u32 s15  }
.LBB2_60:
0x1e6: {  	s18 =	sand.u32 $0x70, s5;
	s19 =	sand.u32 $0x1C00, s17;
	p0 =	sne.s32 s5, $0x3F0  }
.Ltmp29:
0x1e7: {  	s5 =	sadd.s32 $0x10, s5;
	s18 =	sor.u32 s18, s19;
	(pc) =	sbr.rel @p0 .LBB2_60-.Ltmp29, $4  }
0x1e8: {  	v5 =	vadd.f32 v4, v3;
	v3 =	vld [tilespmem:s18+$0x6380]  }
0x1e9: {  	v4 =	vld [tilespmem:s18+$0xE380]  }
0x1ea: {  	[tilespmem:s16+$0x16380] =	vst v5;
	s16 =	smov.u32 s18  }
0x1eb: {  	s17 =	sadd.s32 $0x80, s17  }
0x1ec: {  	_ =	sdelay $0x1  }
0x1ed: {  	v3 =	vadd.f32 v4, v3;
	_ =	sdelay $0x1  }
0x1ee: {  	[tilespmem:s16+$0x16380] =	vst v3  }
0x1ef: {  	v3 =	vld [tilespmem:s15+$0x6400]  }
0x1f0: {  	v4 =	vld [tilespmem:s15+$0xE400];
	_ =	sdelay $0x1  }
0x1f1: {  	s5 =	simm.s32 $0x10;
	s16 =	simm.s32 $0x80  }
.LBB2_62:
0x1f2: {  	s17 =	sand.u32 $0x70, s5;
	s18 =	sand.u32 $0x1C00, s16;
	p0 =	sne.s32 s5, $0x3F0  }
.Ltmp30:
0x1f3: {  	s5 =	sadd.s32 $0x10, s5;
	s17 =	sor.u32 s17, s18;
	(pc) =	sbr.rel @p0 .LBB2_62-.Ltmp30, $4  }
0x1f4: {  	v5 =	vadd.f32 v4, v3;
	v3 =	vld [tilespmem:s17+$0x6400]  }
0x1f5: {  	v4 =	vld [tilespmem:s17+$0xE400]  }
0x1f6: {  	[tilespmem:s15+$0x16400] =	vst v5;
	s15 =	smov.u32 s17  }
0x1f7: {  	s16 =	sadd.s32 $0x80, s16  }
0x1f8: {  	_ =	sdelay $0x1  }
0x1f9: {  	s5 =	simm.s32 $0x0;
	v3 =	vadd.f32 v4, v3  }
0x1fa: {  	s16 =	sand.u32 $0x70, s5;
	s5 =	sand.u32 $0x1C00, s5  }
0x1fb: {  	[tilespmem:s15+$0x16400] =	vst v3;
	s15 =	sor.u32 s16, s5  }
0x1fc: {  	v3 =	vld [tilespmem:s15+$0x6480]  }
0x1fd: {  	v4 =	vld [tilespmem:s15+$0xE480];
	_ =	sdelay $0x1  }
0x1fe: {  	s5 =	simm.s32 $0x10;
	s16 =	simm.s32 $0x80  }
.LBB2_64:
0x1ff: {  	s17 =	sand.u32 $0x70, s5;
	s18 =	sand.u32 $0x1C00, s16;
	p0 =	sne.s32 s5, $0x3F0  }
.Ltmp31:
0x200: {  	s5 =	sadd.s32 $0x10, s5;
	s17 =	sor.u32 s17, s18;
	(pc) =	sbr.rel @p0 .LBB2_64-.Ltmp31, $4  }
0x201: {  	v5 =	vadd.f32 v4, v3;
	v3 =	vld [tilespmem:s17+$0x6480]  }
0x202: {  	v4 =	vld [tilespmem:s17+$0xE480]  }
0x203: {  	[tilespmem:s15+$0x16480] =	vst v5;
	s15 =	smov.u32 s17  }
0x204: {  	s16 =	sadd.s32 $0x80, s16  }
0x205: {  	_ =	sdelay $0x1  }
0x206: {  	v3 =	vadd.f32 v4, v3;
	_ =	sdelay $0x1  }
0x207: {  	[tilespmem:s15+$0x16480] =	vst v3;
	s15 =	simm.s32 $0x0  }
0x208: {  	[hbm4b:s9+s15] =	stream.linear.scatter [tilespmem:s1], [sflag:$0x3], $0x8000, $0x38;
	[tilespmem:$0x18100] =	vst v63  }
0x209: {  	_ =	swait.ge [sflag:s14], $0x8000  }
0x20a: {  	[sflag:s14] =	ssyncset.done $0x0  }
0x20b: {  	[sflag:s14] =	ssyncadd.s32 $0xFFFF8000  }
0x20c: {  	[tilespmem:s15], [sflag:$0x3] =	stream.linear.gather [hbm4b:s10+s15], $0x20, $0x38;
	[tilespmem:$0x18100] =	vst v63  }
0x20d: {  	_ =	swait.ge [sflag:s14], $0x20  }
0x20e: {  	[sflag:s14] =	ssyncset.done $0x0  }
0x20f: {  	s5 =	simm.s32 $0x80;
	[sflag:s14] =	ssyncadd.s32 $0xFFFFFFE0  }
0x210: {  	[tilespmem:s5], [sflag:$0x3] =	stream.linear.gather [hbm4b:s11+s15], $0x20, $0x38;
	[tilespmem:$0x18100] =	vst v63  }
0x211: {  	_ =	swait.ge [sflag:s14], $0x20  }
0x212: {  	[sflag:s14] =	ssyncset.done $0x0  }
0x213: {  	[sflag:s14] =	ssyncadd.s32 $0xFFFFFFE0  }
0x214: {  	v3 =	vld [tilespmem:$0x0];
	_ =	sdelay $0x4  }
0x215: {  	v4 =	vshll.u32 v3, $0x3  }
0x216: {  	v3 =	vand.u32 $0x7, v3;
	v4 =	vand.u32 $0xFFFFFFC0, v4  }
0x217: {  	v3 =	vor.u32 v3, v4  }
0x218: {  	v4 =	vperm.xlane v3, v0;
	_ =	sdelay $0x1  }
0x219: {  	v4 =	vadd.s32 v1, v4;
	_ =	sdelay $0x3  }
0x21a: {  	s17 =	simm.s32 $0x100  }
0x21b: {  	[tilespmem:s17], [sflag:$0x1] =	stream.indirect_vreg.gather [hbm4b:s3+s15], $0x80, v4, vm0, $0xb8;
	[tilespmem:$0x18100] =	vst v63  }
0x21c: {  	s18 =	simm.s32 $0x900;
	v3 =	vperm.xlane v3, v2  }
0x21d: {  	[tilespmem:s18], [sflag:$0x1] =	stream.indirect_vreg.gather [hbm4b:s6+s15], $0x80, v4, vm0, $0xb8;
	[tilespmem:$0x18100] =	vst v63  }
0x21e: {  	s19 =	simm.s32 $0x1100;
	v3 =	vadd.s32 v1, v3  }
0x21f: {  	[tilespmem:s19], [sflag:$0x1] =	stream.indirect_vreg.gather [hbm4b:s7+s15], $0x80, v4, vm0, $0xb8;
	[tilespmem:$0x18100] =	vst v63  }
0x220: {  	s16 =	simm.s32 $0x1900  }
0x221: {  	[tilespmem:s16], [sflag:$0x1] =	stream.indirect_vreg.gather [hbm4b:s8+s15], $0x80, v4, vm0, $0xb8;
	[tilespmem:$0x18100] =	vst v63  }
0x222: {  	s17 =	simm.s32 $0x2100  }
0x223: {  	[tilespmem:s17], [sflag:$0x1] =	stream.indirect_vreg.gather [hbm4b:s3+s15], $0x80, v3, vm0, $0xb8;
	[tilespmem:$0x18100] =	vst v63  }
0x224: {  	s18 =	simm.s32 $0x2900  }
0x225: {  	[tilespmem:s18], [sflag:$0x1] =	stream.indirect_vreg.gather [hbm4b:s6+s15], $0x80, v3, vm0, $0xb8;
	[tilespmem:$0x18100] =	vst v63  }
0x226: {  	s19 =	simm.s32 $0x3100  }
0x227: {  	[tilespmem:s19], [sflag:$0x1] =	stream.indirect_vreg.gather [hbm4b:s7+s15], $0x80, v3, vm0, $0xb8;
	[tilespmem:$0x18100] =	vst v63  }
0x228: {  	s16 =	simm.s32 $0x3900  }
0x229: {  	[tilespmem:s16], [sflag:$0x1] =	stream.indirect_vreg.gather [hbm4b:s8+s15], $0x80, v3, vm0, $0xb8;
	[tilespmem:$0x18100] =	vst v63  }
0x22a: {  	v3 =	vld [tilespmem:$0x10];
	_ =	sdelay $0x4  }
0x22b: {  	v4 =	vshll.u32 v3, $0x3  }
0x22c: {  	v3 =	vand.u32 $0x7, v3;
	v4 =	vand.u32 $0xFFFFFFC0, v4  }
0x22d: {  	v3 =	vor.u32 v3, v4  }
0x22e: {  	v4 =	vperm.xlane v3, v0;
	_ =	sdelay $0x1  }
0x22f: {  	v4 =	vadd.s32 v1, v4;
	_ =	sdelay $0x3  }
0x230: {  	s17 =	simm.s32 $0x4100  }
0x231: {  	[tilespmem:s17], [sflag:$0x1] =	stream.indirect_vreg.gather [hbm4b:s3+s15], $0x80, v4, vm0, $0xb8;
	[tilespmem:$0x18100] =	vst v63  }
0x232: {  	s18 =	simm.s32 $0x4900;
	v3 =	vperm.xlane v3, v2  }
0x233: {  	[tilespmem:s18], [sflag:$0x1] =	stream.indirect_vreg.gather [hbm4b:s6+s15], $0x80, v4, vm0, $0xb8;
	[tilespmem:$0x18100] =	vst v63  }
0x234: {  	s19 =	simm.s32 $0x5100;
	v3 =	vadd.s32 v1, v3  }
0x235: {  	[tilespmem:s19], [sflag:$0x1] =	stream.indirect_vreg.gather [hbm4b:s7+s15], $0x80, v4, vm0, $0xb8;
	[tilespmem:$0x18100] =	vst v63  }
0x236: {  	s16 =	simm.s32 $0x5900  }
0x237: {  	[tilespmem:s16], [sflag:$0x1] =	stream.indirect_vreg.gather [hbm4b:s8+s15], $0x80, v4, vm0, $0xb8;
	[tilespmem:$0x18100] =	vst v63  }
0x238: {  	s17 =	simm.s32 $0x6100  }
0x239: {  	[tilespmem:s17], [sflag:$0x1] =	stream.indirect_vreg.gather [hbm4b:s3+s15], $0x80, v3, vm0, $0xb8;
	[tilespmem:$0x18100] =	vst v63  }
0x23a: {  	s18 =	simm.s32 $0x6900  }
0x23b: {  	[tilespmem:s18], [sflag:$0x1] =	stream.indirect_vreg.gather [hbm4b:s6+s15], $0x80, v3, vm0, $0xb8;
	[tilespmem:$0x18100] =	vst v63  }
0x23c: {  	s19 =	simm.s32 $0x7100  }
0x23d: {  	[tilespmem:s19], [sflag:$0x1] =	stream.indirect_vreg.gather [hbm4b:s7+s15], $0x80, v3, vm0, $0xb8;
	[tilespmem:$0x18100] =	vst v63  }
0x23e: {  	s16 =	simm.s32 $0x7900  }
0x23f: {  	[tilespmem:s16], [sflag:$0x1] =	stream.indirect_vreg.gather [hbm4b:s8+s15], $0x80, v3, vm0, $0xb8;
	[tilespmem:$0x18100] =	vst v63  }
0x240: {  	v3 =	vld [tilespmem:$0x80];
	_ =	sdelay $0x4  }
0x241: {  	v4 =	vshll.u32 v3, $0x3  }
0x242: {  	v3 =	vand.u32 $0x7, v3;
	v4 =	vand.u32 $0xFFFFFFC0, v4  }
0x243: {  	v3 =	vor.u32 v3, v4  }
0x244: {  	v4 =	vperm.xlane v3, v0;
	_ =	sdelay $0x1  }
0x245: {  	v4 =	vadd.s32 v1, v4;
	_ =	sdelay $0x3  }
0x246: {  	s17 =	simm.s32 $0x8100  }
0x247: {  	[tilespmem:s17], [sflag:$0x2] =	stream.indirect_vreg.gather [hbm4b:s3+s15], $0x80, v4, vm0, $0xb8;
	[tilespmem:$0x18100] =	vst v63  }
0x248: {  	s18 =	simm.s32 $0x8900;
	v3 =	vperm.xlane v3, v2  }
0x249: {  	[tilespmem:s18], [sflag:$0x2] =	stream.indirect_vreg.gather [hbm4b:s6+s15], $0x80, v4, vm0, $0xb8;
	[tilespmem:$0x18100] =	vst v63  }
0x24a: {  	s19 =	simm.s32 $0x9100;
	v3 =	vadd.s32 v1, v3  }
0x24b: {  	[tilespmem:s19], [sflag:$0x2] =	stream.indirect_vreg.gather [hbm4b:s7+s15], $0x80, v4, vm0, $0xb8;
	[tilespmem:$0x18100] =	vst v63  }
0x24c: {  	s16 =	simm.s32 $0x9900  }
0x24d: {  	[tilespmem:s16], [sflag:$0x2] =	stream.indirect_vreg.gather [hbm4b:s8+s15], $0x80, v4, vm0, $0xb8;
	[tilespmem:$0x18100] =	vst v63  }
0x24e: {  	s17 =	simm.s32 $0xA100  }
0x24f: {  	[tilespmem:s17], [sflag:$0x2] =	stream.indirect_vreg.gather [hbm4b:s3+s15], $0x80, v3, vm0, $0xb8;
	[tilespmem:$0x18100] =	vst v63  }
0x250: {  	s18 =	simm.s32 $0xA900  }
0x251: {  	[tilespmem:s18], [sflag:$0x2] =	stream.indirect_vreg.gather [hbm4b:s6+s15], $0x80, v3, vm0, $0xb8;
	[tilespmem:$0x18100] =	vst v63  }
0x252: {  	_ = 	snop  }
0x253: {  	[tilespmem:s20], [sflag:$0x2] =	stream.indirect_vreg.gather [hbm4b:s7+s15], $0x80, v3, vm0, $0xb8;
	[tilespmem:$0x18100] =	vst v63  }
0x254: {  	_ = 	snop  }
0x255: {  	[tilespmem:s21], [sflag:$0x2] =	stream.indirect_vreg.gather [hbm4b:s8+s15], $0x80, v3, vm0, $0xb8;
	[tilespmem:$0x18100] =	vst v63  }
0x256: {  	v3 =	vld [tilespmem:$0x90];
	_ =	sdelay $0x4  }
0x257: {  	v4 =	vshll.u32 v3, $0x3  }
0x258: {  	v3 =	vand.u32 $0x7, v3;
	v4 =	vand.u32 $0xFFFFFFC0, v4  }
0x259: {  	v3 =	vor.u32 v3, v4  }
0x25a: {  	v4 =	vperm.xlane v3, v0;
	_ =	sdelay $0x1  }
0x25b: {  	v4 =	vadd.s32 v1, v4;
	_ =	sdelay $0x4  }
0x25c: {  	[tilespmem:s22], [sflag:$0x2] =	stream.indirect_vreg.gather [hbm4b:s3+s15], $0x80, v4, vm0, $0xb8;
	[tilespmem:$0x18100] =	vst v63  }
0x25d: {  	v3 =	vperm.xlane v3, v2  }
0x25e: {  	[tilespmem:s23], [sflag:$0x2] =	stream.indirect_vreg.gather [hbm4b:s6+s15], $0x80, v4, vm0, $0xb8;
	[tilespmem:$0x18100] =	vst v63  }
0x25f: {  	v3 =	vadd.s32 v1, v3  }
0x260: {  	[tilespmem:s24], [sflag:$0x2] =	stream.indirect_vreg.gather [hbm4b:s7+s15], $0x80, v4, vm0, $0xb8;
	[tilespmem:$0x18100] =	vst v63  }
0x261: {  	_ = 	snop  }
0x262: {  	[tilespmem:s25], [sflag:$0x2] =	stream.indirect_vreg.gather [hbm4b:s8+s15], $0x80, v4, vm0, $0xb8;
	[tilespmem:$0x18100] =	vst v63  }
0x263: {  	_ = 	snop  }
0x264: {  	[tilespmem:s26], [sflag:$0x2] =	stream.indirect_vreg.gather [hbm4b:s3+s15], $0x80, v3, vm0, $0xb8;
	[tilespmem:$0x18100] =	vst v63  }
0x265: {  	_ = 	snop  }
0x266: {  	[tilespmem:s28], [sflag:$0x2] =	stream.indirect_vreg.gather [hbm4b:s6+s15], $0x80, v3, vm0, $0xb8;
	[tilespmem:$0x18100] =	vst v63  }
0x267: {  	_ = 	snop  }
0x268: {  	[tilespmem:s29], [sflag:$0x2] =	stream.indirect_vreg.gather [hbm4b:s7+s15], $0x80, v3, vm0, $0xb8;
	[tilespmem:$0x18100] =	vst v63  }
0x269: {  	_ = 	snop  }
0x26a: {  	[tilespmem:s30], [sflag:$0x2] =	stream.indirect_vreg.gather [hbm4b:s8+s15], $0x80, v3, vm0, $0xb8;
	[tilespmem:$0x18100] =	vst v63  }
0x26b: {  	_ =	swait.ge [sflag:s31], $0x8000  }
0x26c: {  	[sflag:s31] =	ssyncset.done $0x0  }
0x26d: {  	[sflag:s31] =	ssyncadd.s32 $0xFFFF8000  }
0x26e: {  	_ =	swait.ge [sflag:s0], $0x8000  }
0x26f: {  	s19 =	sand.u32 $0x70, s15;
	s15 =	sand.u32 $0x1C00, s15;
	[sflag:s0] =	ssyncset.done $0x0  }
0x270: {  	s15 =	sor.u32 s19, s15;
	[sflag:s0] =	ssyncadd.s32 $0xFFFF8000  }
0x271: {  	v3 =	vld [tilespmem:s15+$0x100]  }
0x272: {  	v4 =	vld [tilespmem:s15+$0x8100];
	_ =	sdelay $0x1  }
0x273: {  	s5 =	simm.s32 $0x10;
	s17 =	simm.s32 $0x80;
	s16 =	smov.u32 s15  }
.LBB2_66:
0x274: {  	s18 =	sand.u32 $0x70, s5;
	s19 =	sand.u32 $0x1C00, s17;
	p0 =	sne.s32 s5, $0x3F0  }
.Ltmp32:
0x275: {  	s5 =	sadd.s32 $0x10, s5;
	s18 =	sor.u32 s18, s19;
	(pc) =	sbr.rel @p0 .LBB2_66-.Ltmp32, $4  }
0x276: {  	v5 =	vadd.f32 v4, v3;
	v3 =	vld [tilespmem:s18+$0x100]  }
0x277: {  	v4 =	vld [tilespmem:s18+$0x8100]  }
0x278: {  	[tilespmem:s16+$0x10100] =	vst v5;
	s16 =	smov.u32 s18  }
0x279: {  	s17 =	sadd.s32 $0x80, s17  }
0x27a: {  	_ =	sdelay $0x1  }
0x27b: {  	v3 =	vadd.f32 v4, v3;
	_ =	sdelay $0x1  }
0x27c: {  	[tilespmem:s16+$0x10100] =	vst v3  }
0x27d: {  	v3 =	vld [tilespmem:s15+$0x180]  }
0x27e: {  	v4 =	vld [tilespmem:s15+$0x8180];
	_ =	sdelay $0x1  }
0x27f: {  	s5 =	simm.s32 $0x10;
	s16 =	simm.s32 $0x80  }
.LBB2_68:
0x280: {  	s17 =	sand.u32 $0x70, s5;
	s18 =	sand.u32 $0x1C00, s16;
	p0 =	sne.s32 s5, $0x3F0  }
.Ltmp33:
0x281: {  	s5 =	sadd.s32 $0x10, s5;
	s17 =	sor.u32 s17, s18;
	(pc) =	sbr.rel @p0 .LBB2_68-.Ltmp33, $4  }
0x282: {  	v5 =	vadd.f32 v4, v3;
	v3 =	vld [tilespmem:s17+$0x180]  }
0x283: {  	v4 =	vld [tilespmem:s17+$0x8180]  }
0x284: {  	[tilespmem:s15+$0x10180] =	vst v5;
	s15 =	smov.u32 s17  }
0x285: {  	s16 =	sadd.s32 $0x80, s16  }
0x286: {  	_ =	sdelay $0x1  }
0x287: {  	s5 =	simm.s32 $0x0;
	v3 =	vadd.f32 v4, v3  }
0x288: {  	s16 =	sand.u32 $0x70, s5;
	s5 =	sand.u32 $0x1C00, s5  }
0x289: {  	[tilespmem:s15+$0x10180] =	vst v3;
	s15 =	sor.u32 s16, s5  }
0x28a: {  	v3 =	vld [tilespmem:s15+$0x200]  }
0x28b: {  	v4 =	vld [tilespmem:s15+$0x8200];
	_ =	sdelay $0x1  }
0x28c: {  	s17 =	simm.s32 $0x80;
	s5 =	simm.s32 $0x10;
	s16 =	smov.u32 s15  }
.LBB2_70:
0x28d: {  	s18 =	sand.u32 $0x70, s5;
	s19 =	sand.u32 $0x1C00, s17;
	p0 =	sne.s32 s5, $0x3F0  }
.Ltmp34:
0x28e: {  	s5 =	sadd.s32 $0x10, s5;
	s18 =	sor.u32 s18, s19;
	(pc) =	sbr.rel @p0 .LBB2_70-.Ltmp34, $4  }
0x28f: {  	v5 =	vadd.f32 v4, v3;
	v3 =	vld [tilespmem:s18+$0x200]  }
0x290: {  	v4 =	vld [tilespmem:s18+$0x8200]  }
0x291: {  	[tilespmem:s16+$0x10200] =	vst v5;
	s16 =	smov.u32 s18  }
0x292: {  	s17 =	sadd.s32 $0x80, s17  }
0x293: {  	_ =	sdelay $0x1  }
0x294: {  	v3 =	vadd.f32 v4, v3;
	_ =	sdelay $0x1  }
0x295: {  	[tilespmem:s16+$0x10200] =	vst v3  }
0x296: {  	v3 =	vld [tilespmem:s15+$0x280]  }
0x297: {  	v4 =	vld [tilespmem:s15+$0x8280];
	_ =	sdelay $0x1  }
0x298: {  	s5 =	simm.s32 $0x10;
	s16 =	simm.s32 $0x80  }
.LBB2_72:
0x299: {  	s17 =	sand.u32 $0x70, s5;
	s18 =	sand.u32 $0x1C00, s16;
	p0 =	sne.s32 s5, $0x3F0  }
.Ltmp35:
0x29a: {  	s5 =	sadd.s32 $0x10, s5;
	s17 =	sor.u32 s17, s18;
	(pc) =	sbr.rel @p0 .LBB2_72-.Ltmp35, $4  }
0x29b: {  	v5 =	vadd.f32 v4, v3;
	v3 =	vld [tilespmem:s17+$0x280]  }
0x29c: {  	v4 =	vld [tilespmem:s17+$0x8280]  }
0x29d: {  	[tilespmem:s15+$0x10280] =	vst v5;
	s15 =	smov.u32 s17  }
0x29e: {  	s16 =	sadd.s32 $0x80, s16  }
0x29f: {  	_ =	sdelay $0x1  }
0x2a0: {  	s5 =	simm.s32 $0x0;
	v3 =	vadd.f32 v4, v3  }
0x2a1: {  	s16 =	sand.u32 $0x70, s5;
	s5 =	sand.u32 $0x1C00, s5  }
0x2a2: {  	[tilespmem:s15+$0x10280] =	vst v3;
	s15 =	sor.u32 s16, s5  }
0x2a3: {  	v3 =	vld [tilespmem:s15+$0x300]  }
0x2a4: {  	v4 =	vld [tilespmem:s15+$0x8300];
	_ =	sdelay $0x1  }
0x2a5: {  	s17 =	simm.s32 $0x80;
	s5 =	simm.s32 $0x10;
	s16 =	smov.u32 s15  }
.LBB2_74:
0x2a6: {  	s18 =	sand.u32 $0x70, s5;
	s19 =	sand.u32 $0x1C00, s17;
	p0 =	sne.s32 s5, $0x3F0  }
.Ltmp36:
0x2a7: {  	s5 =	sadd.s32 $0x10, s5;
	s18 =	sor.u32 s18, s19;
	(pc) =	sbr.rel @p0 .LBB2_74-.Ltmp36, $4  }
0x2a8: {  	v5 =	vadd.f32 v4, v3;
	v3 =	vld [tilespmem:s18+$0x300]  }
0x2a9: {  	v4 =	vld [tilespmem:s18+$0x8300]  }
0x2aa: {  	[tilespmem:s16+$0x10300] =	vst v5;
	s16 =	smov.u32 s18  }
0x2ab: {  	s17 =	sadd.s32 $0x80, s17  }
0x2ac: {  	_ =	sdelay $0x1  }
0x2ad: {  	v3 =	vadd.f32 v4, v3;
	_ =	sdelay $0x1  }
0x2ae: {  	[tilespmem:s16+$0x10300] =	vst v3  }
0x2af: {  	v3 =	vld [tilespmem:s15+$0x380]  }
0x2b0: {  	v4 =	vld [tilespmem:s15+$0x8380];
	_ =	sdelay $0x1  }
0x2b1: {  	s5 =	simm.s32 $0x10;
	s16 =	simm.s32 $0x80  }
.LBB2_76:
0x2b2: {  	s17 =	sand.u32 $0x70, s5;
	s18 =	sand.u32 $0x1C00, s16;
	p0 =	sne.s32 s5, $0x3F0  }
.Ltmp37:
0x2b3: {  	s5 =	sadd.s32 $0x10, s5;
	s17 =	sor.u32 s17, s18;
	(pc) =	sbr.rel @p0 .LBB2_76-.Ltmp37, $4  }
0x2b4: {  	v5 =	vadd.f32 v4, v3;
	v3 =	vld [tilespmem:s17+$0x380]  }
0x2b5: {  	v4 =	vld [tilespmem:s17+$0x8380]  }
0x2b6: {  	[tilespmem:s15+$0x10380] =	vst v5;
	s15 =	smov.u32 s17  }
0x2b7: {  	s16 =	sadd.s32 $0x80, s16  }
0x2b8: {  	_ =	sdelay $0x1  }
0x2b9: {  	s5 =	simm.s32 $0x0;
	v3 =	vadd.f32 v4, v3  }
0x2ba: {  	s16 =	sand.u32 $0x70, s5;
	s5 =	sand.u32 $0x1C00, s5  }
0x2bb: {  	[tilespmem:s15+$0x10380] =	vst v3;
	s15 =	sor.u32 s16, s5  }
0x2bc: {  	v3 =	vld [tilespmem:s15+$0x400]  }
0x2bd: {  	v4 =	vld [tilespmem:s15+$0x8400];
	_ =	sdelay $0x1  }
0x2be: {  	s17 =	simm.s32 $0x80;
	s5 =	simm.s32 $0x10;
	s16 =	smov.u32 s15  }
.LBB2_78:
0x2bf: {  	s18 =	sand.u32 $0x70, s5;
	s19 =	sand.u32 $0x1C00, s17;
	p0 =	sne.s32 s5, $0x3F0  }
.Ltmp38:
0x2c0: {  	s5 =	sadd.s32 $0x10, s5;
	s18 =	sor.u32 s18, s19;
	(pc) =	sbr.rel @p0 .LBB2_78-.Ltmp38, $4  }
0x2c1: {  	v5 =	vadd.f32 v4, v3;
	v3 =	vld [tilespmem:s18+$0x400]  }
0x2c2: {  	v4 =	vld [tilespmem:s18+$0x8400]  }
0x2c3: {  	[tilespmem:s16+$0x10400] =	vst v5;
	s16 =	smov.u32 s18  }
0x2c4: {  	s17 =	sadd.s32 $0x80, s17  }
0x2c5: {  	_ =	sdelay $0x1  }
0x2c6: {  	v3 =	vadd.f32 v4, v3;
	_ =	sdelay $0x1  }
0x2c7: {  	[tilespmem:s16+$0x10400] =	vst v3  }
0x2c8: {  	v3 =	vld [tilespmem:s15+$0x480]  }
0x2c9: {  	v4 =	vld [tilespmem:s15+$0x8480];
	_ =	sdelay $0x1  }
0x2ca: {  	s5 =	simm.s32 $0x10;
	s16 =	simm.s32 $0x80  }
.LBB2_80:
0x2cb: {  	s17 =	sand.u32 $0x70, s5;
	s18 =	sand.u32 $0x1C00, s16;
	p0 =	sne.s32 s5, $0x3F0  }
.Ltmp39:
0x2cc: {  	s5 =	sadd.s32 $0x10, s5;
	s17 =	sor.u32 s17, s18;
	(pc) =	sbr.rel @p0 .LBB2_80-.Ltmp39, $4  }
0x2cd: {  	v5 =	vadd.f32 v4, v3;
	v3 =	vld [tilespmem:s17+$0x480]  }
0x2ce: {  	v4 =	vld [tilespmem:s17+$0x8480]  }
0x2cf: {  	[tilespmem:s15+$0x10480] =	vst v5;
	s15 =	smov.u32 s17  }
0x2d0: {  	s16 =	sadd.s32 $0x80, s16  }
0x2d1: {  	_ =	sdelay $0x1  }
0x2d2: {  	s5 =	simm.s32 $0x0;
	v3 =	vadd.f32 v4, v3  }
0x2d3: {  	s16 =	sand.u32 $0x70, s5;
	s5 =	sand.u32 $0x1C00, s5  }
0x2d4: {  	[tilespmem:s15+$0x10480] =	vst v3;
	s15 =	sor.u32 s16, s5  }
0x2d5: {  	v3 =	vld [tilespmem:s15+$0x2100]  }
0x2d6: {  	v4 =	vld [tilespmem:s15+$0xA100];
	_ =	sdelay $0x1  }
0x2d7: {  	s17 =	simm.s32 $0x80;
	s5 =	simm.s32 $0x10;
	s16 =	smov.u32 s15  }
.LBB2_82:
0x2d8: {  	s18 =	sand.u32 $0x70, s5;
	s19 =	sand.u32 $0x1C00, s17;
	p0 =	sne.s32 s5, $0x3F0  }
.Ltmp40:
0x2d9: {  	s5 =	sadd.s32 $0x10, s5;
	s18 =	sor.u32 s18, s19;
	(pc) =	sbr.rel @p0 .LBB2_82-.Ltmp40, $4  }
0x2da: {  	v5 =	vadd.f32 v4, v3;
	v3 =	vld [tilespmem:s18+$0x2100]  }
0x2db: {  	v4 =	vld [tilespmem:s18+$0xA100]  }
0x2dc: {  	[tilespmem:s16+$0x12100] =	vst v5;
	s16 =	smov.u32 s18  }
0x2dd: {  	s17 =	sadd.s32 $0x80, s17  }
0x2de: {  	_ =	sdelay $0x1  }
0x2df: {  	v3 =	vadd.f32 v4, v3;
	_ =	sdelay $0x1  }
0x2e0: {  	[tilespmem:s16+$0x12100] =	vst v3  }
0x2e1: {  	v3 =	vld [tilespmem:s15+$0x2180]  }
0x2e2: {  	v4 =	vld [tilespmem:s15+$0xA180];
	_ =	sdelay $0x1  }
0x2e3: {  	s5 =	simm.s32 $0x10;
	s16 =	simm.s32 $0x80  }
.LBB2_84:
0x2e4: {  	s17 =	sand.u32 $0x70, s5;
	s18 =	sand.u32 $0x1C00, s16;
	p0 =	sne.s32 s5, $0x3F0  }
.Ltmp41:
0x2e5: {  	s5 =	sadd.s32 $0x10, s5;
	s17 =	sor.u32 s17, s18;
	(pc) =	sbr.rel @p0 .LBB2_84-.Ltmp41, $4  }
0x2e6: {  	v5 =	vadd.f32 v4, v3;
	v3 =	vld [tilespmem:s17+$0x2180]  }
0x2e7: {  	v4 =	vld [tilespmem:s17+$0xA180]  }
0x2e8: {  	[tilespmem:s15+$0x12180] =	vst v5;
	s15 =	smov.u32 s17  }
0x2e9: {  	s16 =	sadd.s32 $0x80, s16  }
0x2ea: {  	_ =	sdelay $0x1  }
0x2eb: {  	s5 =	simm.s32 $0x0;
	v3 =	vadd.f32 v4, v3  }
0x2ec: {  	s16 =	sand.u32 $0x70, s5;
	s5 =	sand.u32 $0x1C00, s5  }
0x2ed: {  	[tilespmem:s15+$0x12180] =	vst v3;
	s15 =	sor.u32 s16, s5  }
0x2ee: {  	v3 =	vld [tilespmem:s15+$0x2200]  }
0x2ef: {  	v4 =	vld [tilespmem:s15+$0xA200];
	_ =	sdelay $0x1  }
0x2f0: {  	s17 =	simm.s32 $0x80;
	s5 =	simm.s32 $0x10;
	s16 =	smov.u32 s15  }
.LBB2_86:
0x2f1: {  	s18 =	sand.u32 $0x70, s5;
	s19 =	sand.u32 $0x1C00, s17;
	p0 =	sne.s32 s5, $0x3F0  }
.Ltmp42:
0x2f2: {  	s5 =	sadd.s32 $0x10, s5;
	s18 =	sor.u32 s18, s19;
	(pc) =	sbr.rel @p0 .LBB2_86-.Ltmp42, $4  }
0x2f3: {  	v5 =	vadd.f32 v4, v3;
	v3 =	vld [tilespmem:s18+$0x2200]  }
0x2f4: {  	v4 =	vld [tilespmem:s18+$0xA200]  }
0x2f5: {  	[tilespmem:s16+$0x12200] =	vst v5;
	s16 =	smov.u32 s18  }
0x2f6: {  	s17 =	sadd.s32 $0x80, s17  }
0x2f7: {  	_ =	sdelay $0x1  }
0x2f8: {  	v3 =	vadd.f32 v4, v3;
	_ =	sdelay $0x1  }
0x2f9: {  	[tilespmem:s16+$0x12200] =	vst v3  }
0x2fa: {  	v3 =	vld [tilespmem:s15+$0x2280]  }
0x2fb: {  	v4 =	vld [tilespmem:s15+$0xA280];
	_ =	sdelay $0x1  }
0x2fc: {  	s5 =	simm.s32 $0x10;
	s16 =	simm.s32 $0x80  }
.LBB2_88:
0x2fd: {  	s17 =	sand.u32 $0x70, s5;
	s18 =	sand.u32 $0x1C00, s16;
	p0 =	sne.s32 s5, $0x3F0  }
.Ltmp43:
0x2fe: {  	s5 =	sadd.s32 $0x10, s5;
	s17 =	sor.u32 s17, s18;
	(pc) =	sbr.rel @p0 .LBB2_88-.Ltmp43, $4  }
0x2ff: {  	v5 =	vadd.f32 v4, v3;
	v3 =	vld [tilespmem:s17+$0x2280]  }
0x300: {  	v4 =	vld [tilespmem:s17+$0xA280]  }
0x301: {  	[tilespmem:s15+$0x12280] =	vst v5;
	s15 =	smov.u32 s17  }
0x302: {  	s16 =	sadd.s32 $0x80, s16  }
0x303: {  	_ =	sdelay $0x1  }
0x304: {  	s5 =	simm.s32 $0x0;
	v3 =	vadd.f32 v4, v3  }
0x305: {  	s16 =	sand.u32 $0x70, s5;
	s5 =	sand.u32 $0x1C00, s5  }
0x306: {  	[tilespmem:s15+$0x12280] =	vst v3;
	s15 =	sor.u32 s16, s5  }
0x307: {  	v3 =	vld [tilespmem:s15+$0x2300]  }
0x308: {  	v4 =	vld [tilespmem:s15+$0xA300];
	_ =	sdelay $0x1  }
0x309: {  	s17 =	simm.s32 $0x80;
	s5 =	simm.s32 $0x10;
	s16 =	smov.u32 s15  }
.LBB2_90:
0x30a: {  	s18 =	sand.u32 $0x70, s5;
	s19 =	sand.u32 $0x1C00, s17;
	p0 =	sne.s32 s5, $0x3F0  }
.Ltmp44:
0x30b: {  	s5 =	sadd.s32 $0x10, s5;
	s18 =	sor.u32 s18, s19;
	(pc) =	sbr.rel @p0 .LBB2_90-.Ltmp44, $4  }
0x30c: {  	v5 =	vadd.f32 v4, v3;
	v3 =	vld [tilespmem:s18+$0x2300]  }
0x30d: {  	v4 =	vld [tilespmem:s18+$0xA300]  }
0x30e: {  	[tilespmem:s16+$0x12300] =	vst v5;
	s16 =	smov.u32 s18  }
0x30f: {  	s17 =	sadd.s32 $0x80, s17  }
0x310: {  	_ =	sdelay $0x1  }
0x311: {  	v3 =	vadd.f32 v4, v3;
	_ =	sdelay $0x1  }
0x312: {  	[tilespmem:s16+$0x12300] =	vst v3  }
0x313: {  	v3 =	vld [tilespmem:s15+$0x2380]  }
0x314: {  	v4 =	vld [tilespmem:s15+$0xA380];
	_ =	sdelay $0x1  }
0x315: {  	s5 =	simm.s32 $0x10;
	s16 =	simm.s32 $0x80  }
.LBB2_92:
0x316: {  	s17 =	sand.u32 $0x70, s5;
	s18 =	sand.u32 $0x1C00, s16;
	p0 =	sne.s32 s5, $0x3F0  }
.Ltmp45:
0x317: {  	s5 =	sadd.s32 $0x10, s5;
	s17 =	sor.u32 s17, s18;
	(pc) =	sbr.rel @p0 .LBB2_92-.Ltmp45, $4  }
0x318: {  	v5 =	vadd.f32 v4, v3;
	v3 =	vld [tilespmem:s17+$0x2380]  }
0x319: {  	v4 =	vld [tilespmem:s17+$0xA380]  }
0x31a: {  	[tilespmem:s15+$0x12380] =	vst v5;
	s15 =	smov.u32 s17  }
0x31b: {  	s16 =	sadd.s32 $0x80, s16  }
0x31c: {  	_ =	sdelay $0x1  }
0x31d: {  	s5 =	simm.s32 $0x0;
	v3 =	vadd.f32 v4, v3  }
0x31e: {  	s16 =	sand.u32 $0x70, s5;
	s5 =	sand.u32 $0x1C00, s5  }
0x31f: {  	[tilespmem:s15+$0x12380] =	vst v3;
	s15 =	sor.u32 s16, s5  }
0x320: {  	v3 =	vld [tilespmem:s15+$0x2400]  }
0x321: {  	v4 =	vld [tilespmem:s15+$0xA400];
	_ =	sdelay $0x1  }
0x322: {  	s17 =	simm.s32 $0x80;
	s5 =	simm.s32 $0x10;
	s16 =	smov.u32 s15  }
.LBB2_94:
0x323: {  	s18 =	sand.u32 $0x70, s5;
	s19 =	sand.u32 $0x1C00, s17;
	p0 =	sne.s32 s5, $0x3F0  }
.Ltmp46:
0x324: {  	s5 =	sadd.s32 $0x10, s5;
	s18 =	sor.u32 s18, s19;
	(pc) =	sbr.rel @p0 .LBB2_94-.Ltmp46, $4  }
0x325: {  	v5 =	vadd.f32 v4, v3;
	v3 =	vld [tilespmem:s18+$0x2400]  }
0x326: {  	v4 =	vld [tilespmem:s18+$0xA400]  }
0x327: {  	[tilespmem:s16+$0x12400] =	vst v5;
	s16 =	smov.u32 s18  }
0x328: {  	s17 =	sadd.s32 $0x80, s17  }
0x329: {  	_ =	sdelay $0x1  }
0x32a: {  	v3 =	vadd.f32 v4, v3;
	_ =	sdelay $0x1  }
0x32b: {  	[tilespmem:s16+$0x12400] =	vst v3  }
0x32c: {  	v3 =	vld [tilespmem:s15+$0x2480]  }
0x32d: {  	v4 =	vld [tilespmem:s15+$0xA480];
	_ =	sdelay $0x1  }
0x32e: {  	s5 =	simm.s32 $0x10;
	s16 =	simm.s32 $0x80  }
.LBB2_96:
0x32f: {  	s17 =	sand.u32 $0x70, s5;
	s18 =	sand.u32 $0x1C00, s16;
	p0 =	sne.s32 s5, $0x3F0  }
.Ltmp47:
0x330: {  	s5 =	sadd.s32 $0x10, s5;
	s17 =	sor.u32 s17, s18;
	(pc) =	sbr.rel @p0 .LBB2_96-.Ltmp47, $4  }
0x331: {  	v5 =	vadd.f32 v4, v3;
	v3 =	vld [tilespmem:s17+$0x2480]  }
0x332: {  	v4 =	vld [tilespmem:s17+$0xA480]  }
0x333: {  	[tilespmem:s15+$0x12480] =	vst v5;
	s15 =	smov.u32 s17  }
0x334: {  	s16 =	sadd.s32 $0x80, s16  }
0x335: {  	_ =	sdelay $0x1  }
0x336: {  	s5 =	simm.s32 $0x0;
	v3 =	vadd.f32 v4, v3  }
0x337: {  	s16 =	sand.u32 $0x70, s5;
	s5 =	sand.u32 $0x1C00, s5  }
0x338: {  	[tilespmem:s15+$0x12480] =	vst v3;
	s15 =	sor.u32 s16, s5  }
0x339: {  	v3 =	vld [tilespmem:s15+$0x4100]  }
0x33a: {  	v4 =	vld [tilespmem:s15+$0xC100];
	_ =	sdelay $0x1  }
0x33b: {  	s17 =	simm.s32 $0x80;
	s5 =	simm.s32 $0x10;
	s16 =	smov.u32 s15  }
.LBB2_98:
0x33c: {  	s18 =	sand.u32 $0x70, s5;
	s19 =	sand.u32 $0x1C00, s17;
	p0 =	sne.s32 s5, $0x3F0  }
.Ltmp48:
0x33d: {  	s5 =	sadd.s32 $0x10, s5;
	s18 =	sor.u32 s18, s19;
	(pc) =	sbr.rel @p0 .LBB2_98-.Ltmp48, $4  }
0x33e: {  	v5 =	vadd.f32 v4, v3;
	v3 =	vld [tilespmem:s18+$0x4100]  }
0x33f: {  	v4 =	vld [tilespmem:s18+$0xC100]  }
0x340: {  	[tilespmem:s16+$0x14100] =	vst v5;
	s16 =	smov.u32 s18  }
0x341: {  	s17 =	sadd.s32 $0x80, s17  }
0x342: {  	_ =	sdelay $0x1  }
0x343: {  	v3 =	vadd.f32 v4, v3;
	_ =	sdelay $0x1  }
0x344: {  	[tilespmem:s16+$0x14100] =	vst v3  }
0x345: {  	v3 =	vld [tilespmem:s15+$0x4180]  }
0x346: {  	v4 =	vld [tilespmem:s15+$0xC180];
	_ =	sdelay $0x1  }
0x347: {  	s5 =	simm.s32 $0x10;
	s16 =	simm.s32 $0x80  }
.LBB2_100:
0x348: {  	s17 =	sand.u32 $0x70, s5;
	s18 =	sand.u32 $0x1C00, s16;
	p0 =	sne.s32 s5, $0x3F0  }
.Ltmp49:
0x349: {  	s5 =	sadd.s32 $0x10, s5;
	s17 =	sor.u32 s17, s18;
	(pc) =	sbr.rel @p0 .LBB2_100-.Ltmp49, $4  }
0x34a: {  	v5 =	vadd.f32 v4, v3;
	v3 =	vld [tilespmem:s17+$0x4180]  }
0x34b: {  	v4 =	vld [tilespmem:s17+$0xC180]  }
0x34c: {  	[tilespmem:s15+$0x14180] =	vst v5;
	s15 =	smov.u32 s17  }
0x34d: {  	s16 =	sadd.s32 $0x80, s16  }
0x34e: {  	_ =	sdelay $0x1  }
0x34f: {  	s5 =	simm.s32 $0x0;
	v3 =	vadd.f32 v4, v3  }
0x350: {  	s16 =	sand.u32 $0x70, s5;
	s5 =	sand.u32 $0x1C00, s5  }
0x351: {  	[tilespmem:s15+$0x14180] =	vst v3;
	s15 =	sor.u32 s16, s5  }
0x352: {  	v3 =	vld [tilespmem:s15+$0x4200]  }
0x353: {  	v4 =	vld [tilespmem:s15+$0xC200];
	_ =	sdelay $0x1  }
0x354: {  	s17 =	simm.s32 $0x80;
	s5 =	simm.s32 $0x10;
	s16 =	smov.u32 s15  }
.LBB2_102:
0x355: {  	s18 =	sand.u32 $0x70, s5;
	s19 =	sand.u32 $0x1C00, s17;
	p0 =	sne.s32 s5, $0x3F0  }
.Ltmp50:
0x356: {  	s5 =	sadd.s32 $0x10, s5;
	s18 =	sor.u32 s18, s19;
	(pc) =	sbr.rel @p0 .LBB2_102-.Ltmp50, $4  }
0x357: {  	v5 =	vadd.f32 v4, v3;
	v3 =	vld [tilespmem:s18+$0x4200]  }
0x358: {  	v4 =	vld [tilespmem:s18+$0xC200]  }
0x359: {  	[tilespmem:s16+$0x14200] =	vst v5;
	s16 =	smov.u32 s18  }
0x35a: {  	s17 =	sadd.s32 $0x80, s17  }
0x35b: {  	_ =	sdelay $0x1  }
0x35c: {  	v3 =	vadd.f32 v4, v3;
	_ =	sdelay $0x1  }
0x35d: {  	[tilespmem:s16+$0x14200] =	vst v3  }
0x35e: {  	v3 =	vld [tilespmem:s15+$0x4280]  }
0x35f: {  	v4 =	vld [tilespmem:s15+$0xC280];
	_ =	sdelay $0x1  }
0x360: {  	s5 =	simm.s32 $0x10;
	s16 =	simm.s32 $0x80  }
.LBB2_104:
0x361: {  	s17 =	sand.u32 $0x70, s5;
	s18 =	sand.u32 $0x1C00, s16;
	p0 =	sne.s32 s5, $0x3F0  }
.Ltmp51:
0x362: {  	s5 =	sadd.s32 $0x10, s5;
	s17 =	sor.u32 s17, s18;
	(pc) =	sbr.rel @p0 .LBB2_104-.Ltmp51, $4  }
0x363: {  	v5 =	vadd.f32 v4, v3;
	v3 =	vld [tilespmem:s17+$0x4280]  }
0x364: {  	v4 =	vld [tilespmem:s17+$0xC280]  }
0x365: {  	[tilespmem:s15+$0x14280] =	vst v5;
	s15 =	smov.u32 s17  }
0x366: {  	s16 =	sadd.s32 $0x80, s16  }
0x367: {  	_ =	sdelay $0x1  }
0x368: {  	s5 =	simm.s32 $0x0;
	v3 =	vadd.f32 v4, v3  }
0x369: {  	s16 =	sand.u32 $0x70, s5;
	s5 =	sand.u32 $0x1C00, s5  }
0x36a: {  	[tilespmem:s15+$0x14280] =	vst v3;
	s15 =	sor.u32 s16, s5  }
0x36b: {  	v3 =	vld [tilespmem:s15+$0x4300]  }
0x36c: {  	v4 =	vld [tilespmem:s15+$0xC300];
	_ =	sdelay $0x1  }
0x36d: {  	s17 =	simm.s32 $0x80;
	s5 =	simm.s32 $0x10;
	s16 =	smov.u32 s15  }
.LBB2_106:
0x36e: {  	s18 =	sand.u32 $0x70, s5;
	s19 =	sand.u32 $0x1C00, s17;
	p0 =	sne.s32 s5, $0x3F0  }
.Ltmp52:
0x36f: {  	s5 =	sadd.s32 $0x10, s5;
	s18 =	sor.u32 s18, s19;
	(pc) =	sbr.rel @p0 .LBB2_106-.Ltmp52, $4  }
0x370: {  	v5 =	vadd.f32 v4, v3;
	v3 =	vld [tilespmem:s18+$0x4300]  }
0x371: {  	v4 =	vld [tilespmem:s18+$0xC300]  }
0x372: {  	[tilespmem:s16+$0x14300] =	vst v5;
	s16 =	smov.u32 s18  }
0x373: {  	s17 =	sadd.s32 $0x80, s17  }
0x374: {  	_ =	sdelay $0x1  }
0x375: {  	v3 =	vadd.f32 v4, v3;
	_ =	sdelay $0x1  }
0x376: {  	[tilespmem:s16+$0x14300] =	vst v3  }
0x377: {  	v3 =	vld [tilespmem:s15+$0x4380]  }
0x378: {  	v4 =	vld [tilespmem:s15+$0xC380];
	_ =	sdelay $0x1  }
0x379: {  	s5 =	simm.s32 $0x10;
	s16 =	simm.s32 $0x80  }
.LBB2_108:
0x37a: {  	s17 =	sand.u32 $0x70, s5;
	s18 =	sand.u32 $0x1C00, s16;
	p0 =	sne.s32 s5, $0x3F0  }
.Ltmp53:
0x37b: {  	s5 =	sadd.s32 $0x10, s5;
	s17 =	sor.u32 s17, s18;
	(pc) =	sbr.rel @p0 .LBB2_108-.Ltmp53, $4  }
0x37c: {  	v5 =	vadd.f32 v4, v3;
	v3 =	vld [tilespmem:s17+$0x4380]  }
0x37d: {  	v4 =	vld [tilespmem:s17+$0xC380]  }
0x37e: {  	[tilespmem:s15+$0x14380] =	vst v5;
	s15 =	smov.u32 s17  }
0x37f: {  	s16 =	sadd.s32 $0x80, s16  }
0x380: {  	_ =	sdelay $0x1  }
0x381: {  	s5 =	simm.s32 $0x0;
	v3 =	vadd.f32 v4, v3  }
0x382: {  	s16 =	sand.u32 $0x70, s5;
	s5 =	sand.u32 $0x1C00, s5  }
0x383: {  	[tilespmem:s15+$0x14380] =	vst v3;
	s15 =	sor.u32 s16, s5  }
0x384: {  	v3 =	vld [tilespmem:s15+$0x4400]  }
0x385: {  	v4 =	vld [tilespmem:s15+$0xC400];
	_ =	sdelay $0x1  }
0x386: {  	s17 =	simm.s32 $0x80;
	s5 =	simm.s32 $0x10;
	s16 =	smov.u32 s15  }
.LBB2_110:
0x387: {  	s18 =	sand.u32 $0x70, s5;
	s19 =	sand.u32 $0x1C00, s17;
	p0 =	sne.s32 s5, $0x3F0  }
.Ltmp54:
0x388: {  	s5 =	sadd.s32 $0x10, s5;
	s18 =	sor.u32 s18, s19;
	(pc) =	sbr.rel @p0 .LBB2_110-.Ltmp54, $4  }
0x389: {  	v5 =	vadd.f32 v4, v3;
	v3 =	vld [tilespmem:s18+$0x4400]  }
0x38a: {  	v4 =	vld [tilespmem:s18+$0xC400]  }
0x38b: {  	[tilespmem:s16+$0x14400] =	vst v5;
	s16 =	smov.u32 s18  }
0x38c: {  	s17 =	sadd.s32 $0x80, s17  }
0x38d: {  	_ =	sdelay $0x1  }
0x38e: {  	v3 =	vadd.f32 v4, v3;
	_ =	sdelay $0x1  }
0x38f: {  	[tilespmem:s16+$0x14400] =	vst v3  }
0x390: {  	v3 =	vld [tilespmem:s15+$0x4480]  }
0x391: {  	v4 =	vld [tilespmem:s15+$0xC480];
	_ =	sdelay $0x1  }
0x392: {  	s5 =	simm.s32 $0x10;
	s16 =	simm.s32 $0x80  }
.LBB2_112:
0x393: {  	s17 =	sand.u32 $0x70, s5;
	s18 =	sand.u32 $0x1C00, s16;
	p0 =	sne.s32 s5, $0x3F0  }
.Ltmp55:
0x394: {  	s5 =	sadd.s32 $0x10, s5;
	s17 =	sor.u32 s17, s18;
	(pc) =	sbr.rel @p0 .LBB2_112-.Ltmp55, $4  }
0x395: {  	v5 =	vadd.f32 v4, v3;
	v3 =	vld [tilespmem:s17+$0x4480]  }
0x396: {  	v4 =	vld [tilespmem:s17+$0xC480]  }
0x397: {  	[tilespmem:s15+$0x14480] =	vst v5;
	s15 =	smov.u32 s17  }
0x398: {  	s16 =	sadd.s32 $0x80, s16  }
0x399: {  	_ =	sdelay $0x1  }
0x39a: {  	s5 =	simm.s32 $0x0;
	v3 =	vadd.f32 v4, v3  }
0x39b: {  	s16 =	sand.u32 $0x70, s5;
	s5 =	sand.u32 $0x1C00, s5  }
0x39c: {  	[tilespmem:s15+$0x14480] =	vst v3;
	s15 =	sor.u32 s16, s5  }
0x39d: {  	v3 =	vld [tilespmem:s15+$0x6100]  }
0x39e: {  	v4 =	vld [tilespmem:s15+$0xE100];
	_ =	sdelay $0x1  }
0x39f: {  	s17 =	simm.s32 $0x80;
	s5 =	simm.s32 $0x10;
	s16 =	smov.u32 s15  }
.LBB2_114:
0x3a0: {  	s18 =	sand.u32 $0x70, s5;
	s19 =	sand.u32 $0x1C00, s17;
	p0 =	sne.s32 s5, $0x3F0  }
.Ltmp56:
0x3a1: {  	s5 =	sadd.s32 $0x10, s5;
	s18 =	sor.u32 s18, s19;
	(pc) =	sbr.rel @p0 .LBB2_114-.Ltmp56, $4  }
0x3a2: {  	v5 =	vadd.f32 v4, v3;
	v3 =	vld [tilespmem:s18+$0x6100]  }
0x3a3: {  	v4 =	vld [tilespmem:s18+$0xE100]  }
0x3a4: {  	[tilespmem:s16+$0x16100] =	vst v5;
	s16 =	smov.u32 s18  }
0x3a5: {  	s17 =	sadd.s32 $0x80, s17  }
0x3a6: {  	_ =	sdelay $0x1  }
0x3a7: {  	v3 =	vadd.f32 v4, v3;
	_ =	sdelay $0x1  }
0x3a8: {  	[tilespmem:s16+$0x16100] =	vst v3  }
0x3a9: {  	v3 =	vld [tilespmem:s15+$0x6180]  }
0x3aa: {  	v4 =	vld [tilespmem:s15+$0xE180];
	_ =	sdelay $0x1  }
0x3ab: {  	s5 =	simm.s32 $0x10;
	s16 =	simm.s32 $0x80  }
.LBB2_116:
0x3ac: {  	s17 =	sand.u32 $0x70, s5;
	s18 =	sand.u32 $0x1C00, s16;
	p0 =	sne.s32 s5, $0x3F0  }
.Ltmp57:
0x3ad: {  	s5 =	sadd.s32 $0x10, s5;
	s17 =	sor.u32 s17, s18;
	(pc) =	sbr.rel @p0 .LBB2_116-.Ltmp57, $4  }
0x3ae: {  	v5 =	vadd.f32 v4, v3;
	v3 =	vld [tilespmem:s17+$0x6180]  }
0x3af: {  	v4 =	vld [tilespmem:s17+$0xE180]  }
0x3b0: {  	[tilespmem:s15+$0x16180] =	vst v5;
	s15 =	smov.u32 s17  }
0x3b1: {  	s16 =	sadd.s32 $0x80, s16  }
0x3b2: {  	_ =	sdelay $0x1  }
0x3b3: {  	s5 =	simm.s32 $0x0;
	v3 =	vadd.f32 v4, v3  }
0x3b4: {  	s16 =	sand.u32 $0x70, s5;
	s5 =	sand.u32 $0x1C00, s5  }
0x3b5: {  	[tilespmem:s15+$0x16180] =	vst v3;
	s15 =	sor.u32 s16, s5  }
0x3b6: {  	v3 =	vld [tilespmem:s15+$0x6200]  }
0x3b7: {  	v4 =	vld [tilespmem:s15+$0xE200];
	_ =	sdelay $0x1  }
0x3b8: {  	s17 =	simm.s32 $0x80;
	s5 =	simm.s32 $0x10;
	s16 =	smov.u32 s15  }
.LBB2_118:
0x3b9: {  	s18 =	sand.u32 $0x70, s5;
	s19 =	sand.u32 $0x1C00, s17;
	p0 =	sne.s32 s5, $0x3F0  }
.Ltmp58:
0x3ba: {  	s5 =	sadd.s32 $0x10, s5;
	s18 =	sor.u32 s18, s19;
	(pc) =	sbr.rel @p0 .LBB2_118-.Ltmp58, $4  }
0x3bb: {  	v5 =	vadd.f32 v4, v3;
	v3 =	vld [tilespmem:s18+$0x6200]  }
0x3bc: {  	v4 =	vld [tilespmem:s18+$0xE200]  }
0x3bd: {  	[tilespmem:s16+$0x16200] =	vst v5;
	s16 =	smov.u32 s18  }
0x3be: {  	s17 =	sadd.s32 $0x80, s17  }
0x3bf: {  	_ =	sdelay $0x1  }
0x3c0: {  	v3 =	vadd.f32 v4, v3;
	_ =	sdelay $0x1  }
0x3c1: {  	[tilespmem:s16+$0x16200] =	vst v3  }
0x3c2: {  	v3 =	vld [tilespmem:s15+$0x6280]  }
0x3c3: {  	v4 =	vld [tilespmem:s15+$0xE280];
	_ =	sdelay $0x1  }
0x3c4: {  	s5 =	simm.s32 $0x10;
	s16 =	simm.s32 $0x80  }
.LBB2_120:
0x3c5: {  	s17 =	sand.u32 $0x70, s5;
	s18 =	sand.u32 $0x1C00, s16;
	p0 =	sne.s32 s5, $0x3F0  }
.Ltmp59:
0x3c6: {  	s5 =	sadd.s32 $0x10, s5;
	s17 =	sor.u32 s17, s18;
	(pc) =	sbr.rel @p0 .LBB2_120-.Ltmp59, $4  }
0x3c7: {  	v5 =	vadd.f32 v4, v3;
	v3 =	vld [tilespmem:s17+$0x6280]  }
0x3c8: {  	v4 =	vld [tilespmem:s17+$0xE280]  }
0x3c9: {  	[tilespmem:s15+$0x16280] =	vst v5;
	s15 =	smov.u32 s17  }
0x3ca: {  	s16 =	sadd.s32 $0x80, s16  }
0x3cb: {  	_ =	sdelay $0x1  }
0x3cc: {  	s5 =	simm.s32 $0x0;
	v3 =	vadd.f32 v4, v3  }
0x3cd: {  	s16 =	sand.u32 $0x70, s5;
	s5 =	sand.u32 $0x1C00, s5  }
0x3ce: {  	[tilespmem:s15+$0x16280] =	vst v3;
	s15 =	sor.u32 s16, s5  }
0x3cf: {  	v3 =	vld [tilespmem:s15+$0x6300]  }
0x3d0: {  	v4 =	vld [tilespmem:s15+$0xE300];
	_ =	sdelay $0x1  }
0x3d1: {  	s17 =	simm.s32 $0x80;
	s5 =	simm.s32 $0x10;
	s16 =	smov.u32 s15  }
.LBB2_122:
0x3d2: {  	s18 =	sand.u32 $0x70, s5;
	s19 =	sand.u32 $0x1C00, s17;
	p0 =	sne.s32 s5, $0x3F0  }
.Ltmp60:
0x3d3: {  	s5 =	sadd.s32 $0x10, s5;
	s18 =	sor.u32 s18, s19;
	(pc) =	sbr.rel @p0 .LBB2_122-.Ltmp60, $4  }
0x3d4: {  	v5 =	vadd.f32 v4, v3;
	v3 =	vld [tilespmem:s18+$0x6300]  }
0x3d5: {  	v4 =	vld [tilespmem:s18+$0xE300]  }
0x3d6: {  	[tilespmem:s16+$0x16300] =	vst v5;
	s16 =	smov.u32 s18  }
0x3d7: {  	s17 =	sadd.s32 $0x80, s17  }
0x3d8: {  	_ =	sdelay $0x1  }
0x3d9: {  	v3 =	vadd.f32 v4, v3;
	_ =	sdelay $0x1  }
0x3da: {  	[tilespmem:s16+$0x16300] =	vst v3  }
0x3db: {  	v3 =	vld [tilespmem:s15+$0x6380]  }
0x3dc: {  	v4 =	vld [tilespmem:s15+$0xE380];
	_ =	sdelay $0x1  }
0x3dd: {  	s5 =	simm.s32 $0x10;
	s16 =	simm.s32 $0x80  }
.LBB2_124:
0x3de: {  	s17 =	sand.u32 $0x70, s5;
	s18 =	sand.u32 $0x1C00, s16;
	p0 =	sne.s32 s5, $0x3F0  }
.Ltmp61:
0x3df: {  	s5 =	sadd.s32 $0x10, s5;
	s17 =	sor.u32 s17, s18;
	(pc) =	sbr.rel @p0 .LBB2_124-.Ltmp61, $4  }
0x3e0: {  	v5 =	vadd.f32 v4, v3;
	v3 =	vld [tilespmem:s17+$0x6380]  }
0x3e1: {  	v4 =	vld [tilespmem:s17+$0xE380]  }
0x3e2: {  	[tilespmem:s15+$0x16380] =	vst v5;
	s15 =	smov.u32 s17  }
0x3e3: {  	s16 =	sadd.s32 $0x80, s16  }
0x3e4: {  	_ =	sdelay $0x1  }
0x3e5: {  	s5 =	simm.s32 $0x0;
	v3 =	vadd.f32 v4, v3  }
0x3e6: {  	s16 =	sand.u32 $0x70, s5;
	s5 =	sand.u32 $0x1C00, s5  }
0x3e7: {  	[tilespmem:s15+$0x16380] =	vst v3;
	s15 =	sor.u32 s16, s5  }
0x3e8: {  	v3 =	vld [tilespmem:s15+$0x6400]  }
0x3e9: {  	v4 =	vld [tilespmem:s15+$0xE400];
	_ =	sdelay $0x1  }
0x3ea: {  	s17 =	simm.s32 $0x80;
	s5 =	simm.s32 $0x10;
	s16 =	smov.u32 s15  }
.LBB2_126:
0x3eb: {  	s18 =	sand.u32 $0x70, s5;
	s19 =	sand.u32 $0x1C00, s17;
	p0 =	sne.s32 s5, $0x3F0  }
.Ltmp62:
0x3ec: {  	s5 =	sadd.s32 $0x10, s5;
	s18 =	sor.u32 s18, s19;
	(pc) =	sbr.rel @p0 .LBB2_126-.Ltmp62, $4  }
0x3ed: {  	v5 =	vadd.f32 v4, v3;
	v3 =	vld [tilespmem:s18+$0x6400]  }
0x3ee: {  	v4 =	vld [tilespmem:s18+$0xE400]  }
0x3ef: {  	[tilespmem:s16+$0x16400] =	vst v5;
	s16 =	smov.u32 s18  }
0x3f0: {  	s17 =	sadd.s32 $0x80, s17  }
0x3f1: {  	_ =	sdelay $0x1  }
0x3f2: {  	v3 =	vadd.f32 v4, v3;
	_ =	sdelay $0x1  }
0x3f3: {  	[tilespmem:s16+$0x16400] =	vst v3  }
0x3f4: {  	v3 =	vld [tilespmem:s15+$0x6480]  }
0x3f5: {  	v4 =	vld [tilespmem:s15+$0xE480];
	_ =	sdelay $0x1  }
0x3f6: {  	s5 =	simm.s32 $0x10;
	s16 =	simm.s32 $0x80  }
.LBB2_128:
0x3f7: {  	s17 =	sand.u32 $0x70, s5;
	s18 =	sand.u32 $0x1C00, s16;
	p0 =	sne.s32 s5, $0x3F0  }
.Ltmp63:
0x3f8: {  	s5 =	sadd.s32 $0x10, s5;
	s17 =	sor.u32 s17, s18;
	(pc) =	sbr.rel @p0 .LBB2_128-.Ltmp63, $4  }
0x3f9: {  	v5 =	vadd.f32 v4, v3;
	v3 =	vld [tilespmem:s17+$0x6480]  }
0x3fa: {  	v4 =	vld [tilespmem:s17+$0xE480]  }
0x3fb: {  	[tilespmem:s15+$0x16480] =	vst v5;
	s15 =	smov.u32 s17  }
0x3fc: {  	s16 =	sadd.s32 $0x80, s16  }
0x3fd: {  	_ =	sdelay $0x1  }
0x3fe: {  	s4 =	sadd.s32 $0x1, s4;
	v3 =	vadd.f32 v4, v3  }
0x3ff: {  	p0 =	sne.s32 s4, s13  }
.Ltmp64:
0x400: {  	[tilespmem:s15+$0x16480] =	vst v3;
	(pc) =	sbr.rel @p0 .LBB2_1-.Ltmp64, $4  }
0x401: {  	[hbm4b:s12+s2] =	stream.linear.scatter [tilespmem:s1], [sflag:$0x3], $0x8000, $0x38;
	[tilespmem:$0x18100] =	vst v63  }
0x402: {  	_ =	swait.ge [sflag:s14], $0x8000  }
0x403: {  	[sflag:s14] =	ssyncset.done $0x0  }
0x404: {  	[sflag:s14] =	ssyncadd.s32 $0xFFFF8000  }
0x405: {  	_ =	sfence.sel $0x180000  }
0x406: {  	[bflag:$0x0] =	sbarrier.arrive $0xFFFF  }
0x407: {  	_ =	strace $0x9000004A  }
0x408: {  	s0 =	stileid.u32;
	[bflag:$0x2] =	sbarrier.arrive $0xFFFF  }
0x409: {  	p0 =	sne.s32 s0, $0x0;
	s0 =	rddreg [dreg:$0x2]  }
0x40a: {  	s0 =	sadd.s32 @!p0 $0x100000, s0  }
0x40b: {  	[sflag:s0] =	ssyncadd.tile.s32 @!p0 $0x1;
	_ =	shalt  }
.Lfunc_end2:
_tile_overlayer_lowered:
.L_overlay_start_2:
0x40c: {  	(tag) =	ssettag $0x2  }
0x40d: {  	s0 =	rddreg [dreg:$0x0];
	s2 =	stileid.u32  }
0x40e: {  	s1 =	rddreg [dreg:$0x1];
	p0 =	sne.s32 s2, $0x0  }
0x40f: {  	s3 =	rddreg [dreg:$0x2];
	[bflag:$0x3] =	sbarrier.arrive $0xFFFF;
	s2 =	simm.s32 @!p0 $0x1C03  }
0x410: {  	[timem:s3], [sflag:s2] =	dma.local @!p0 [hbm:s0], s1  }
0x411: {  	s0 =	simm.s32 @!p0 $0x3  }
0x412: {  	_ =	swait.ge @!p0 [sflag:s0], s1  }
0x413: {  	s1 =	ssub.s32 @!p0 $0x0, s1;
	[sflag:s0] =	ssyncset.done @!p0 $0x0  }
0x414: {  	[sflag:s0] =	ssyncadd.s32 @!p0 s1  }
0x415: {  	[bflag:$0x3] =	sbarrier.arrive $0xFFFF  }
0x416: {  	_ =	shalt  }

// kernel: kernel.8.cloned.1.call-start
scs
__scs_entry_jumppad:
0x0: {  	(pc) =	sbr.rel $0x88, $3  }
0x1: {  	(tag) =	ssettag $0x0;
	lr =	simm.s32 $0x1  }
0x2: {  	[smem:$0x3F8E] =	sst lr;
	_ =	strace $0xD0000000  }
0x3: {  	_ = 	snop  }
0x4: {  	_ = 	snop  }
0x5: {  	_ = 	snop  }
0x6: {  	_ = 	snop  }
0x7: {  	_ = 	snop  }
__scs_overlays_trampoline_lowered:
0x8: {  	[smem:$0x3F9D] =	sst s0  }
0x9: {  	[smem:$0x3F9E] =	sst s1  }
0xa: {  	[smem:$0x3F9F] =	sst s2  }
0xb: {  	[smem:$0x3FA0] =	sst s3  }
0xc: {  	[smem:$0x3FA1] =	sst s4  }
0xd: {  	[smem:$0x3FA2] =	sst s5  }
0xe: {  	[smem:$0x3FA3] =	sst s6  }
0xf: {  	[smem:$0x3FA4] =	sst s7  }
0x10: {  	[smem:$0x3FA5] =	sst s8  }
0x11: {  	[smem:$0x3FA6] =	sst s9;
	s0 =	simm.s32 @!p0 $0x0  }
0x12: {  	s1 =	sld [smem:$0x3F8C];
	s0 =	simm.s32 @p0 $0x1  }
0x13: {  	[smem:$0x3FA7] =	sst s0;
	s0 =	simm.s32 @!p1 $0x0  }
0x14: {  	s2 =	sld [smem:$0x3F8B];
	s0 =	simm.s32 @p1 $0x1  }
0x15: {  	[smem:$0x3FA8] =	sst s0;
	s0 =	simm.s32 @!p2 $0x0  }
0x16: {  	s3 =	sld [smem:$0x3FDB];
	s0 =	simm.s32 @p2 $0x1  }
0x17: {  	s4 =	simm.s32 $0x1BF5;
	[smem:$0x3FAA] =	sst s0  }
0x18: {  	s0 =	sld [smem:$0x3F8D];
	_ =	swait.ge [sflag:s4], $0x0  }
0x19: {  	s7 =	sld [smem:$0x3F8E]  }
0x1a: {  	s8 =	sadd.s32 $0xFFFFE003, lr  }
0x1b: {  	s9 =	sadd.s32 $0xFFFFFEF7, lr;
	s5 =	simm.s32 $0xFFFFFFFF;
	p2 =	slt.u32 s8, $0xFFFFF086  }
0x1c: {  	p1 =	slt.u32 s9, $0xF7A;
	s5 =	simm.s32 @!p2 $0x0  }
0x1d: {  	s5 =	simm.s32 @p1 $0x1;
	p0 =	seq.s32 s7, s2  }
0x1e: {  	s7 =	smul.u32 @!p0 $0xF7A, s2;
	p2 =	seq.s32 @!p0 s5, $0x0  }
0x1f: {  	s9 =	smul.u32 $0xF7A, s1;
	s8 =	simm.s32 @!p0 $0x1BF5;
	p2 =	por !p2, p0  }
0x20: {  	[sflag:s8] =	ssyncset.s32 @!p0 $0xFFFFF086;
	s6 =	sadd.s32 @!p0 s3, s7;
	s7 =	simm.s32 @!p0 $0x108  }
0x21: {  	s3 =	sadd.s32 s3, s9;
	s6 =	sadd.s32 @!p0 $0x88, s6;
	s7 =	simm.s32 @p2 $0x1082  }
0x22: {  	[simem:s7], [sflag:s8] =	dma.local @!p0 [hbm:s6], $0xF7A  }
0x23: {  	s9 =	sor.u32 $0xD0000000, s2;
	s6 =	simm.s32 $0x108;
	_ =	swait.ge @!p0 [sflag:s8], $0x0  }
0x24: {  	s3 =	sadd.s32 $0x88, s3;
	s6 =	simm.s32 @!p1 $0x1082;
	[sflag:s4] =	ssyncset.s32 $0xFFFFF086  }
0x25: {  	[simem:s6], [sflag:s4] =	dma.local [hbm:s3], $0xF7A  }
0x26: {  	[smem:$0x3F8E] =	sst s1;
	(tag) =	ssettag s2;
	_ =	strace s9  }
0x27: {  	s1 =	sld [smem:$0x3F9E]  }
0x28: {  	s2 =	sld [smem:$0x3F9F]  }
0x29: {  	s4 =	sld [smem:$0x3FA1]  }
0x2a: {  	p0 =	seq.s32 s5, $0x0;
	s5 =	sld [smem:$0x3FA2]  }
0x2b: {  	s6 =	sld [smem:$0x3FA3]  }
0x2c: {  	s7 =	sld [smem:$0x3FA4]  }
0x2d: {  	s3 =	simm.s32 $0x108;
	s8 =	sld [smem:$0x3FA5]  }
0x2e: {  	s3 =	simm.s32 @!p0 $0x1082;
	s9 =	sld [smem:$0x3FA6]  }
0x2f: {  	lr =	sadd.s32 s0, s3;
	s0 =	sld [smem:$0x3F9D]  }
0x30: {  	s3 =	sld [smem:$0x3FA0]  }
0x31: {  	[smem:$0x3FA9] =	sst s10  }
0x32: {  	s10 =	sld [smem:$0x3FA7];
	_ =	sdelay $0x3  }
0x33: {  	p0 =	seq.s32 s10, $0x1;
	s10 =	sld [smem:$0x3FA9];
	_ =	sdelay $0x3  }
0x34: {  	[smem:$0x3FA9] =	sst s10  }
0x35: {  	s10 =	sld [smem:$0x3FA8];
	_ =	sdelay $0x3  }
0x36: {  	p1 =	seq.s32 s10, $0x1;
	s10 =	sld [smem:$0x3FA9];
	_ =	sdelay $0x3  }
0x37: {  	[smem:$0x3FA9] =	sst s10  }
0x38: {  	s10 =	sld [smem:$0x3FAA]  }
0x39: {  	_ = 	snop;
	(pc) =	sbr.ind lr, $3  }
0x3a: {  	_ = 	snop  }
0x3b: {  	_ = 	snop  }
0x3c: {  	p2 =	seq.s32 s10, $0x1;
	s10 =	sld [smem:$0x3FA9]  }
0x3d: {  	_ =	shalt  }
0x3e: {  	_ =	shalt  }
0x3f: {  	_ =	shalt  }
0x40: {  	_ =	shalt  }
0x41: {  	_ =	shalt  }
0x42: {  	_ =	shalt  }
0x43: {  	_ =	shalt  }
0x44: {  	_ =	shalt  }
0x45: {  	_ =	shalt  }
0x46: {  	_ =	shalt  }
0x47: {  	_ =	shalt  }
0x48: {  	_ =	shalt  }
0x49: {  	_ =	shalt  }
0x4a: {  	_ =	shalt  }
0x4b: {  	_ =	shalt  }
0x4c: {  	_ =	shalt  }
0x4d: {  	_ =	shalt  }
0x4e: {  	_ =	shalt  }
0x4f: {  	_ =	shalt  }
0x50: {  	_ =	shalt  }
0x51: {  	_ =	shalt  }
0x52: {  	_ =	shalt  }
0x53: {  	_ =	shalt  }
0x54: {  	_ =	shalt  }
0x55: {  	_ =	shalt  }
0x56: {  	_ =	shalt  }
0x57: {  	_ =	shalt  }
0x58: {  	_ =	shalt  }
0x59: {  	_ =	shalt  }
0x5a: {  	_ =	shalt  }
0x5b: {  	_ =	shalt  }
0x5c: {  	_ =	shalt  }
0x5d: {  	_ =	shalt  }
0x5e: {  	_ =	shalt  }
0x5f: {  	_ =	shalt  }
0x60: {  	_ =	shalt  }
0x61: {  	_ =	shalt  }
0x62: {  	_ =	shalt  }
0x63: {  	_ =	shalt  }
0x64: {  	_ =	shalt  }
0x65: {  	_ =	shalt  }
0x66: {  	_ =	shalt  }
0x67: {  	_ =	shalt  }
0x68: {  	_ =	shalt  }
0x69: {  	_ =	shalt  }
0x6a: {  	_ =	shalt  }
0x6b: {  	_ =	shalt  }
0x6c: {  	_ =	shalt  }
0x6d: {  	_ =	shalt  }
0x6e: {  	_ =	shalt  }
0x6f: {  	_ =	shalt  }
0x70: {  	_ =	shalt  }
0x71: {  	_ =	shalt  }
0x72: {  	_ =	shalt  }
0x73: {  	_ =	shalt  }
0x74: {  	_ =	shalt  }
0x75: {  	_ =	shalt  }
0x76: {  	_ =	shalt  }
0x77: {  	_ =	shalt  }
0x78: {  	_ =	shalt  }
0x79: {  	_ =	shalt  }
0x7a: {  	_ =	shalt  }
0x7b: {  	_ =	shalt  }
0x7c: {  	_ =	shalt  }
0x7d: {  	_ =	shalt  }
0x7e: {  	_ =	shalt  }
0x7f: {  	_ =	shalt  }
0x80: {  	_ =	shalt  }
0x81: {  	_ =	shalt  }
0x82: {  	_ =	shalt  }
0x83: {  	_ =	shalt  }
0x84: {  	_ =	shalt  }
0x85: {  	_ =	shalt  }
0x86: {  	_ =	shalt  }
0x87: {  	_ =	shalt  }
.Lfunc_end0:
.L_simem_size_0:
called_computation_lowered:
.L_overlay_start_0:
0x88: {  	s2 =	sld [smem:$0x3FD9]  }
0x89: {  	s3 =	sld [smem:$0x3FFE];
	_ =	sdelay $0x1  }
0x8a: {  	s1 =	srdreg.scid  }
0x8b: {  	s0 =	sand.u32 $0x1, s1  }
0x8c: {  	s14 =	sshll.u32 s0, $0xA;
	s2 =	sadd.s32 s3, s2  }
0x8d: {  	s2 =	sadd.s32 s2, s14  }
0x8e: {  	[smem:$0x3FB5] =	sst s2  }
0x8f: {  	_ = 	snop  }
0x90: {  	s2 =	sld [smem:$0x3FD0];
	_ =	sdelay $0x2  }
0x91: {  	s4 =	simm.s32 $0xA;
	s5 =	simm.s32 $0x10;
	s15 =	sld [smem:$0x3FC6]  }
0x92: {  	[smem:s5], [sflag:s4] =	dma.local [hbm:s2], $0x1  }
0x93: {  	_ =	swait.eq [sflag:s4], $0x1  }
0x94: {  	[sflag:s4] =	ssyncset.done $0x0  }
0x95: {  	s16 =	sld [smem:$0x10];
	[sflag:s4] =	ssyncadd.s32 $0xFFFFFFFF  }
0x96: {  	s17 =	sld [smem:$0x12];
	(tm) =	ssettm $0x1  }
0x97: {  	s18 =	sld [smem:$0x3FFB];
	_ =	sdelay $0x3  }
0x98: {  	_ =	strace s18  }
0x99: {  	s5 =	sld [smem:$0x3FFC];
	_ =	sdelay $0x3  }
0x9a: {  	_ =	strace s5  }
0x9b: {  	s5 =	sld [smem:$0x3FFD];
	_ =	sdelay $0x3  }
0x9c: {  	_ =	strace s5  }
0x9d: {  	_ =	strace $0x8FFFFFFF  }
0x9e: {  	s19 =	sld [smem:$0x3FDB];
	_ =	sdelay $0x1  }
0x9f: {  	s6 =	simm.s32 $_scs_section_size  }
0xa0: {  	s7 =	simm.s32 $_size__tile_overlayer_lowered;
	s8 =	simm.s32 $_tile_overlayer_lowered  }
0xa1: {  	s22 =	simm.s32 $0x1BFF;
	s21 =	sshll.u32 s8, $0x1;
	s5 =	sadd.s32 s6, s19  }
0xa2: {  	s9 =	simm.s32 $0x0;
	s20 =	sshll.u32 s7, $0x1;
	s7 =	sadd.s32 s21, s5  }
0xa3: {  	[timem:s9], [sflag:s22] =	dma.local [hbm:s7], s20  }
0xa4: {  	_ =	swait.ge [sflag:s22], s20  }
0xa5: {  	s6 =	ssub.s32 $0x0, s20;
	[sflag:s22] =	ssyncset.done $0x0  }
0xa6: {  	[sflag:s22] =	ssyncadd.s32 s6;
	_ =	sdelay $0x1  }
0xa7: {  	s23 =	simm.s32 $0x1B8B  }
0xa8: {  	_ =	swait.ge [sflag:s23], $0x1  }
0xa9: {  	[sflag:s23] =	ssyncset.done $0x0  }
0xaa: {  	s25 =	simm.s32 $0x1B8E;
	s24 =	sld [smem:$0x3FFE];
	[sflag:s23] =	ssyncadd.s32 $0xFFFFFFFF  }
0xab: {  	s26 =	simm.s32 $execute0_lowered;
	[smem:$0x3FD2] =	sst s25  }
0xac: {  	s7 =	sshll.u32 s26, $0x1;
	_ =	strace $0x80000046;
	[dreg:$0x1] =	wrdreg $0xFFFFFFFF  }
0xad: {  	s28 =	simm.s32 $_size_execute0_lowered;
	s5 =	sadd.s32 s5, s7;
	[dreg:$0x0] =	wrdreg $0x0  }
0xae: {  	s7 =	sshll.u32 s28, $0x1;
	[dreg:$0x2] =	wrdreg s5  }
0xaf: {  	[dreg:$0x3] =	wrdreg s7  }
0xb0: {  	[dreg:$0x4] =	wrdreg $0xC0  }
0xb1: {  	_ =	task [dreg:s9], $0x5FFFF  }
0xb2: {  	[dreg:$0x1] =	wrdreg $0xFFFFFFFF  }
0xb3: {  	[dreg:$0x0] =	wrdreg $0x60  }
0xb4: {  	[dreg:$0x2] =	wrdreg s17  }
0xb5: {  	[dreg:$0x3] =	wrdreg s24  }
0xb6: {  	[dreg:$0x4] =	wrdreg s15  }
0xb7: {  	[dreg:$0x5] =	wrdreg s16  }
0xb8: {  	[dreg:$0x6] =	wrdreg $0x9  }
0xb9: {  	_ =	task.clear_ibuf [dreg:s9], $0x7FFFF;
	_ =	strace $0x90000046  }
0xba: {  	s29 =	simm.s32 $0x9;
	_ =	strace $0x80000048  }
0xbb: {  	_ =	swait.ge [sflag:s29], $0x1  }
0xbc: {  	[sflag:s29] =	ssyncadd.s32 $0xFFFFFFFF  }
0xbd: {  	_ =	strace $0x90000048  }
0xbe: {  	_ =	sfence  }
0xbf: {  	s30 =	sld [smem:$0x0];
	_ =	sdelay $0x2  }
0xc0: {  	s31 =	sshll.u32 s1, $0xD;
	s1 =	sshrl.u32 s1, $0x2  }
0xc1: {  	s3 =	sand.u32 $0x4000, s31;
	s1 =	sadd.s32 s1, s30  }
0xc2: {  	s0 =	sor.u32 s3, s0;
	s1 =	sshll.u32 s1, $0x11  }
0xc3: {  	s0 =	sor.u32 s1, s0  }
0xc4: {  	s0 =	sadd.s32 $0x8F2B, s0  }
0xc5: {  	[sflag:s0] =	ssyncadd.remote.s32 $0x1  }
0xc6: {  	_ =	sfence.sel $0xFFFF  }
0xc7: {  	[dreg:$0x0] =	wrdreg $0xFFFFFFFF;
	(pc) =	sbr.abs _section_cstart, $3  }
0xc8: {  	[dreg:$0x1] =	wrdreg $0xFFFFFFFF  }
0xc9: {  	_ =	task.clear_ibuf [dreg:s9], $0x2FFFF;
	_ =	strace $0x9FFFFFFF  }
0xca: {  	(tm) =	ssettm $0x7FFFFFFF  }
0xcb: {  	_ =	shalt  }
tec
execute0_lowered:
.L_overlay_start_1:
0x0: {  	(tag) =	ssettag $0x1  }
0x1: {  	s0 =	rddreg [dreg:$0x0]  }
0x2: {  	s1 =	rddreg [dreg:$0x1]  }
0x3: {  	s4 =	rddreg [dreg:$0x2]  }
0x4: {  	s5 =	rddreg [dreg:$0x3];
	s3 =	srdreg.scid  }
0x5: {  	s11 =	stileid.u32;
	s2 =	simm.s32 $0x0;
	s26 =	simm.s32 $0x80  }
0x6: {  	s28 =	simm.s32 $0x4100;
	s29 =	simm.s32 $0x4900;
	s30 =	simm.s32 $0x5100  }
0x7: {  	s31 =	simm.s32 $0x5900;
	s12 =	simm.s32 $0x8100;
	s13 =	simm.s32 $0x8900  }
0x8: {  	s14 =	simm.s32 $0x9100;
	s15 =	simm.s32 $0x9900;
	s16 =	simm.s32 $0xA100  }
0x9: {  	s17 =	simm.s32 $0xA900;
	s19 =	simm.s32 $0xB900;
	s3 =	sand.u32 $0x1, s3  }
0xa: {  	s6 =	sshll.u32 s11, $0x1;
	[smem:$0x7FF] =	sst s2;
	s8 =	sadd.s32 $0x2200, s1  }
0xb: {  	p0 =	sgt.u32 s11, $0x7;
	s11 =	simm.s32 $0x7900;
	s6 =	sor.u32 s3, s6  }
0xc: {  	_ =	strace $0x80000047;
	[dreg:$0x5] =	wrdreg s8;
	s22 =	ssub.s32 $0x2, s3  }
0xd: {  	s3 =	sadd.s32 $0x22600, s1;
	[dreg:$0xb] =	wrdreg s26;
	s26 =	simm.s32 $0x3900  }
0xe: {  	s7 =	sshll.u32 s6, $0x3;
	s9 =	sshrl.u32 s22, $0x1;
	s23 =	sshll.u32 s6, $0xD  }
0xf: {  	s24 =	sadd.s32 s4, s6;
	s6 =	sshll.u32 s6, $0x8;
	s4 =	sadd.s32 $0x22700, s1  }
0x10: {  	s7 =	sadd.s32 s7, s1;
	s0 =	sadd.s32 s0, s23;
	[dreg:$0x9] =	wrdreg s24  }
0x11: {  	s8 =	ssub.s32 s22, s9;
	s25 =	sadd.s32 s5, s6;
	[dreg:$0x8] =	wrdreg s0  }
0x12: {  	s5 =	sadd.s32 $0x22800, s1;
	s10 =	sadd.s32 $0x22200, s7;
	[dreg:$0xa] =	wrdreg s25  }
0x13: {  	v2 =	vlaneseq.u32;
	s6 =	sadd.s32 $0x22900, s1;
	s7 =	sadd.s32 $0x22400, s7;
	[dreg:$0x6] =	wrdreg s10  }
0x14: {  	vm0 =	vmmov $0xffff;
	v1 =	vshrl.u32 v2, $0x3;
	v0 =	vand.u32 $0x7, v2;
	s9 =	simm.s32 $0xB100;
	s25 =	simm.s32 $0x3100;
	[dreg:$0x7] =	wrdreg s7  }
0x15: {  	v2 =	vor.u32 $0x8, v2;
	v1 =	vmul.u32 $0x8, v1;
	vm1 =	vmmov @!p0 $0xffff;
	s7 =	smax.u32 s8, $0x1;
	s8 =	simm.s32 $0x4;
	s10 =	simm.s32 $0x7100  }
.LBB2_1:
0x16: {  	s20 =	rddreg [dreg:$0x6]  }
0x17: {  	[tilespmem:s2], [sflag:$0x4] =	stream.linear.gather [hbm4b:s20+s2], $0x40, $0x38;
	[tilespmem:$0x10980] =	vst v63  }
0x18: {  	_ =	swait.ge [sflag:s8], $0x40  }
0x19: {  	s0 =	rddreg [dreg:$0x7];
	[sflag:s8] =	ssyncset.done $0x0  }
0x1a: {  	s21 =	rddreg [dreg:$0xb];
	[sflag:s8] =	ssyncadd.s32 $0xFFFFFFC0  }
0x1b: {  	[tilespmem:s21], [sflag:$0x4] =	stream.linear.gather [hbm4b:s0+s2], $0x40, $0x38;
	[tilespmem:$0x10980] =	vst v63  }
0x1c: {  	_ =	swait.ge [sflag:s8], $0x40  }
0x1d: {  	[sflag:s8] =	ssyncset.done $0x0  }
0x1e: {  	s18 =	simm.s32 $0x100;
	s1 =	rddreg [dreg:$0x8];
	[sflag:s8] =	ssyncadd.s32 $0xFFFFFFC0  }
0x1f: {  	[tilespmem:s18], [sflag:$0x4] =	stream.linear.gather [hbm4b:s1+s2], $0x10000, $0x38;
	[tilespmem:$0x10980] =	vst v63  }
0x20: {  	_ =	swait.ge [sflag:s8], $0x10000  }
0x21: {  	[sflag:s8] =	ssyncset.done $0x0  }
0x22: {  	[sflag:s8] =	ssyncadd.s32 $0xFFFF0000  }
0x23: {  	v3 =	vld [tilespmem:$0x0];
	_ =	sdelay $0x4  }
0x24: {  	v4 =	vshll.u32 v3, $0x3  }
0x25: {  	v3 =	vand.u32 $0x7, v3;
	v4 =	vand.u32 $0xFFFFFFC0, v4  }
0x26: {  	v3 =	vor.u32 v3, v4  }
0x27: {  	v4 =	vperm.xlane v3, v0;
	_ =	sdelay $0x1  }
0x28: {  	v4 =	vadd.s32 v1, v4;
	_ =	sdelay $0x4  }
0x29: {  	[hbm4b:s3+s2] =	stream.indirect_vreg.scatter [tilespmem:s18], [sflag:$0x1], $0x80, v4, vm0, $0xb8;
	[tilespmem:$0x10980] =	vst v63  }
0x2a: {  	s20 =	simm.s32 $0x900;
	v3 =	vperm.xlane v3, v2  }
0x2b: {  	[hbm4b:s4+s2] =	stream.indirect_vreg.scatter [tilespmem:s20], [sflag:$0x1], $0x80, v4, vm0, $0xb8;
	[tilespmem:$0x10980] =	vst v63  }
0x2c: {  	s21 =	simm.s32 $0x1100;
	v3 =	vadd.s32 v1, v3  }
0x2d: {  	[hbm4b:s5+s2] =	stream.indirect_vreg.scatter [tilespmem:s21], [sflag:$0x1], $0x80, v4, vm0, $0xb8;
	[tilespmem:$0x10980] =	vst v63  }
0x2e: {  	s22 =	simm.s32 $0x1900  }
0x2f: {  	[hbm4b:s6+s2] =	stream.indirect_vreg.scatter [tilespmem:s22], [sflag:$0x1], $0x80, v4, vm0, $0xb8;
	[tilespmem:$0x10980] =	vst v63  }
0x30: {  	s23 =	simm.s32 $0x2100  }
0x31: {  	[hbm4b:s3+s2] =	stream.indirect_vreg.scatter [tilespmem:s23], [sflag:$0x1], $0x80, v3, vm0, $0xb8;
	[tilespmem:$0x10980] =	vst v63  }
0x32: {  	s24 =	simm.s32 $0x2900  }
0x33: {  	[hbm4b:s4+s2] =	stream.indirect_vreg.scatter [tilespmem:s24], [sflag:$0x1], $0x80, v3, vm0, $0xb8;
	[tilespmem:$0x10980] =	vst v63  }
0x34: {  	_ = 	snop  }
0x35: {  	[hbm4b:s5+s2] =	stream.indirect_vreg.scatter [tilespmem:s25], [sflag:$0x1], $0x80, v3, vm0, $0xb8;
	[tilespmem:$0x10980] =	vst v63  }
0x36: {  	_ = 	snop  }
0x37: {  	[hbm4b:s6+s2] =	stream.indirect_vreg.scatter [tilespmem:s26], [sflag:$0x1], $0x80, v3, vm0, $0xb8;
	[tilespmem:$0x10980] =	vst v63  }
0x38: {  	v3 =	vld [tilespmem:$0x10];
	_ =	sdelay $0x4  }
0x39: {  	v57 =	vshll.u32 v3, $0x3  }
0x3a: {  	v3 =	vand.u32 $0x7, v3;
	v4 =	vand.u32 $0xFFFFFFC0, v57  }
0x3b: {  	v3 =	vor.u32 v3, v4  }
0x3c: {  	v4 =	vperm.xlane v3, v0;
	_ =	sdelay $0x1  }
0x3d: {  	v4 =	vadd.s32 v1, v4;
	_ =	sdelay $0x4  }
0x3e: {  	[hbm4b:s3+s2] =	stream.indirect_vreg.scatter [tilespmem:s28], [sflag:$0x1], $0x80, v4, vm0, $0xb8;
	[tilespmem:$0x10980] =	vst v63  }
0x3f: {  	v3 =	vperm.xlane v3, v2  }
0x40: {  	[hbm4b:s4+s2] =	stream.indirect_vreg.scatter [tilespmem:s29], [sflag:$0x1], $0x80, v4, vm0, $0xb8;
	[tilespmem:$0x10980] =	vst v63  }
0x41: {  	v3 =	vadd.s32 v1, v3  }
0x42: {  	[hbm4b:s5+s2] =	stream.indirect_vreg.scatter [tilespmem:s30], [sflag:$0x1], $0x80, v4, vm0, $0xb8;
	[tilespmem:$0x10980] =	vst v63  }
0x43: {  	_ = 	snop  }
0x44: {  	[hbm4b:s6+s2] =	stream.indirect_vreg.scatter [tilespmem:s31], [sflag:$0x1], $0x80, v4, vm0, $0xb8;
	[tilespmem:$0x10980] =	vst v63  }
0x45: {  	s0 =	simm.s32 $0x6100  }
0x46: {  	[hbm4b:s3+s2] =	stream.indirect_vreg.scatter [tilespmem:s0], [sflag:$0x1], $0x80, v3, vm0, $0xb8;
	[tilespmem:$0x10980] =	vst v63  }
0x47: {  	s1 =	simm.s32 $0x6900  }
0x48: {  	[hbm4b:s4+s2] =	stream.indirect_vreg.scatter [tilespmem:s1], [sflag:$0x1], $0x80, v3, vm0, $0xb8;
	[tilespmem:$0x10980] =	vst v63  }
0x49: {  	_ = 	snop  }
0x4a: {  	[hbm4b:s5+s2] =	stream.indirect_vreg.scatter [tilespmem:s10], [sflag:$0x1], $0x80, v3, vm0, $0xb8;
	[tilespmem:$0x10980] =	vst v63  }
0x4b: {  	_ = 	snop  }
0x4c: {  	[hbm4b:s6+s2] =	stream.indirect_vreg.scatter [tilespmem:s11], [sflag:$0x1], $0x80, v3, vm0, $0xb8;
	[tilespmem:$0x10980] =	vst v63  }
0x4d: {  	v3 =	vld [tilespmem:$0x20];
	_ =	sdelay $0x4  }
0x4e: {  	v58 =	vshll.u32 v3, $0x3  }
0x4f: {  	v3 =	vand.u32 $0x7, v3;
	v4 =	vand.u32 $0xFFFFFFC0, v58  }
0x50: {  	v3 =	vor.u32 v3, v4  }
0x51: {  	v4 =	vperm.xlane v3, v0;
	_ =	sdelay $0x1  }
0x52: {  	v4 =	vadd.s32 v1, v4;
	_ =	sdelay $0x4  }
0x53: {  	[hbm4b:s3+s2] =	stream.indirect_vreg.scatter [tilespmem:s12], [sflag:$0x1], $0x80, v4, vm0, $0xb8;
	[tilespmem:$0x10980] =	vst v63  }
0x54: {  	v3 =	vperm.xlane v3, v2  }
0x55: {  	[hbm4b:s4+s2] =	stream.indirect_vreg.scatter [tilespmem:s13], [sflag:$0x1], $0x80, v4, vm0, $0xb8;
	[tilespmem:$0x10980] =	vst v63  }
0x56: {  	v3 =	vadd.s32 v1, v3  }
0x57: {  	[hbm4b:s5+s2] =	stream.indirect_vreg.scatter [tilespmem:s14], [sflag:$0x1], $0x80, v4, vm0, $0xb8;
	[tilespmem:$0x10980] =	vst v63  }
0x58: {  	_ = 	snop  }
0x59: {  	[hbm4b:s6+s2] =	stream.indirect_vreg.scatter [tilespmem:s15], [sflag:$0x1], $0x80, v4, vm0, $0xb8;
	[tilespmem:$0x10980] =	vst v63  }
0x5a: {  	_ = 	snop  }
0x5b: {  	[hbm4b:s3+s2] =	stream.indirect_vreg.scatter [tilespmem:s16], [sflag:$0x1], $0x80, v3, vm0, $0xb8;
	[tilespmem:$0x10980] =	vst v63  }
0x5c: {  	_ = 	snop  }
0x5d: {  	[hbm4b:s4+s2] =	stream.indirect_vreg.scatter [tilespmem:s17], [sflag:$0x1], $0x80, v3, vm0, $0xb8;
	[tilespmem:$0x10980] =	vst v63  }
0x5e: {  	_ = 	snop  }
0x5f: {  	[hbm4b:s5+s2] =	stream.indirect_vreg.scatter [tilespmem:s9], [sflag:$0x1], $0x80, v3, vm0, $0xb8;
	[tilespmem:$0x10980] =	vst v63  }
0x60: {  	_ = 	snop  }
0x61: {  	[hbm4b:s6+s2] =	stream.indirect_vreg.scatter [tilespmem:s19], [sflag:$0x1], $0x80, v3, vm0, $0xb8;
	[tilespmem:$0x10980] =	vst v63  }
0x62: {  	v3 =	vld [tilespmem:$0x30];
	_ =	sdelay $0x4  }
0x63: {  	v59 =	vshll.u32 v3, $0x3  }
0x64: {  	v3 =	vand.u32 $0x7, v3;
	v4 =	vand.u32 $0xFFFFFFC0, v59  }
0x65: {  	v3 =	vor.u32 v3, v4  }
0x66: {  	v4 =	vperm.xlane v3, v0;
	_ =	sdelay $0x1  }
0x67: {  	v4 =	vadd.s32 v1, v4;
	_ =	sdelay $0x3  }
0x68: {  	s0 =	simm.s32 $0xC100  }
0x69: {  	[hbm4b:s3+s2] =	stream.indirect_vreg.scatter [tilespmem:s0], [sflag:$0x1], $0x80, v4, vm0, $0xb8;
	[tilespmem:$0x10980] =	vst v63  }
0x6a: {  	v3 =	vperm.xlane v3, v2;
	s0 =	simm.s32 $0xC900  }
0x6b: {  	[hbm4b:s4+s2] =	stream.indirect_vreg.scatter [tilespmem:s0], [sflag:$0x1], $0x80, v4, vm0, $0xb8;
	[tilespmem:$0x10980] =	vst v63  }
0x6c: {  	v3 =	vadd.s32 v1, v3;
	s0 =	simm.s32 $0xD100  }
0x6d: {  	[hbm4b:s5+s2] =	stream.indirect_vreg.scatter [tilespmem:s0], [sflag:$0x1], $0x80, v4, vm0, $0xb8;
	[tilespmem:$0x10980] =	vst v63  }
0x6e: {  	s0 =	simm.s32 $0xD900  }
0x6f: {  	[hbm4b:s6+s2] =	stream.indirect_vreg.scatter [tilespmem:s0], [sflag:$0x1], $0x80, v4, vm0, $0xb8;
	[tilespmem:$0x10980] =	vst v63  }
0x70: {  	s0 =	simm.s32 $0xE100  }
0x71: {  	[hbm4b:s3+s2] =	stream.indirect_vreg.scatter [tilespmem:s0], [sflag:$0x1], $0x80, v3, vm0, $0xb8;
	[tilespmem:$0x10980] =	vst v63  }
0x72: {  	s0 =	simm.s32 $0xE900  }
0x73: {  	[hbm4b:s4+s2] =	stream.indirect_vreg.scatter [tilespmem:s0], [sflag:$0x1], $0x80, v3, vm0, $0xb8;
	[tilespmem:$0x10980] =	vst v63  }
0x74: {  	s0 =	simm.s32 $0xF100  }
0x75: {  	[hbm4b:s5+s2] =	stream.indirect_vreg.scatter [tilespmem:s0], [sflag:$0x1], $0x80, v3, vm0, $0xb8;
	[tilespmem:$0x10980] =	vst v63  }
0x76: {  	s0 =	simm.s32 $0xF900  }
0x77: {  	[hbm4b:s6+s2] =	stream.indirect_vreg.scatter [tilespmem:s0], [sflag:$0x1], $0x80, v3, vm0, $0xb8;
	[tilespmem:$0x10980] =	vst v63  }
0x78: {  	v3 =	vld [tilespmem:$0x80];
	_ =	sdelay $0x4  }
0x79: {  	v60 =	vshll.u32 v3, $0x3  }
0x7a: {  	v3 =	vand.u32 $0x7, v3;
	v4 =	vand.u32 $0xFFFFFFC0, v60  }
0x7b: {  	v3 =	vor.u32 v3, v4  }
0x7c: {  	v4 =	vperm.xlane v3, v0;
	_ =	sdelay $0x1  }
0x7d: {  	v4 =	vadd.s32 v1, v4;
	_ =	sdelay $0x4  }
0x7e: {  	[hbm4b:s3+s2] =	stream.indirect_vreg.scatter [tilespmem:s18], [sflag:$0x2], $0x80, v4, vm0, $0xb8;
	[tilespmem:$0x10980] =	vst v63  }
0x7f: {  	v3 =	vperm.xlane v3, v2  }
0x80: {  	[hbm4b:s4+s2] =	stream.indirect_vreg.scatter [tilespmem:s20], [sflag:$0x2], $0x80, v4, vm0, $0xb8;
	[tilespmem:$0x10980] =	vst v63  }
0x81: {  	v3 =	vadd.s32 v1, v3  }
0x82: {  	[hbm4b:s5+s2] =	stream.indirect_vreg.scatter [tilespmem:s21], [sflag:$0x2], $0x80, v4, vm0, $0xb8;
	[tilespmem:$0x10980] =	vst v63  }
0x83: {  	_ = 	snop  }
0x84: {  	[hbm4b:s6+s2] =	stream.indirect_vreg.scatter [tilespmem:s22], [sflag:$0x2], $0x80, v4, vm0, $0xb8;
	[tilespmem:$0x10980] =	vst v63  }
0x85: {  	_ = 	snop  }
0x86: {  	[hbm4b:s3+s2] =	stream.indirect_vreg.scatter [tilespmem:s23], [sflag:$0x2], $0x80, v3, vm0, $0xb8;
	[tilespmem:$0x10980] =	vst v63  }
0x87: {  	_ = 	snop  }
0x88: {  	[hbm4b:s4+s2] =	stream.indirect_vreg.scatter [tilespmem:s24], [sflag:$0x2], $0x80, v3, vm0, $0xb8;
	[tilespmem:$0x10980] =	vst v63  }
0x89: {  	_ = 	snop  }
0x8a: {  	[hbm4b:s5+s2] =	stream.indirect_vreg.scatter [tilespmem:s25], [sflag:$0x2], $0x80, v3, vm0, $0xb8;
	[tilespmem:$0x10980] =	vst v63  }
0x8b: {  	_ = 	snop  }
0x8c: {  	[hbm4b:s6+s2] =	stream.indirect_vreg.scatter [tilespmem:s26], [sflag:$0x2], $0x80, v3, vm0, $0xb8;
	[tilespmem:$0x10980] =	vst v63  }
0x8d: {  	v3 =	vld [tilespmem:$0x90];
	_ =	sdelay $0x4  }
0x8e: {  	v61 =	vshll.u32 v3, $0x3  }
0x8f: {  	v3 =	vand.u32 $0x7, v3;
	v4 =	vand.u32 $0xFFFFFFC0, v61  }
0x90: {  	v3 =	vor.u32 v3, v4  }
0x91: {  	v4 =	vperm.xlane v3, v0;
	_ =	sdelay $0x1  }
0x92: {  	v4 =	vadd.s32 v1, v4;
	_ =	sdelay $0x4  }
0x93: {  	[hbm4b:s3+s2] =	stream.indirect_vreg.scatter [tilespmem:s28], [sflag:$0x2], $0x80, v4, vm0, $0xb8;
	[tilespmem:$0x10980] =	vst v63  }
0x94: {  	v3 =	vperm.xlane v3, v2  }
0x95: {  	[hbm4b:s4+s2] =	stream.indirect_vreg.scatter [tilespmem:s29], [sflag:$0x2], $0x80, v4, vm0, $0xb8;
	[tilespmem:$0x10980] =	vst v63  }
0x96: {  	v3 =	vadd.s32 v1, v3  }
0x97: {  	[hbm4b:s5+s2] =	stream.indirect_vreg.scatter [tilespmem:s30], [sflag:$0x2], $0x80, v4, vm0, $0xb8;
	[tilespmem:$0x10980] =	vst v63  }
0x98: {  	_ = 	snop  }
0x99: {  	[hbm4b:s6+s2] =	stream.indirect_vreg.scatter [tilespmem:s31], [sflag:$0x2], $0x80, v4, vm0, $0xb8;
	[tilespmem:$0x10980] =	vst v63  }
0x9a: {  	s21 =	simm.s32 $0x6100  }
0x9b: {  	[hbm4b:s3+s2] =	stream.indirect_vreg.scatter [tilespmem:s21], [sflag:$0x2], $0x80, v3, vm0, $0xb8;
	[tilespmem:$0x10980] =	vst v63  }
0x9c: {  	_ = 	snop  }
0x9d: {  	[hbm4b:s4+s2] =	stream.indirect_vreg.scatter [tilespmem:s1], [sflag:$0x2], $0x80, v3, vm0, $0xb8;
	[tilespmem:$0x10980] =	vst v63  }
0x9e: {  	_ = 	snop  }
0x9f: {  	[hbm4b:s5+s2] =	stream.indirect_vreg.scatter [tilespmem:s10], [sflag:$0x2], $0x80, v3, vm0, $0xb8;
	[tilespmem:$0x10980] =	vst v63  }
0xa0: {  	_ = 	snop  }
0xa1: {  	[hbm4b:s6+s2] =	stream.indirect_vreg.scatter [tilespmem:s11], [sflag:$0x2], $0x80, v3, vm0, $0xb8;
	[tilespmem:$0x10980] =	vst v63  }
0xa2: {  	v3 =	vld [tilespmem:$0xA0];
	_ =	sdelay $0x4  }
0xa3: {  	v62 =	vshll.u32 v3, $0x3  }
0xa4: {  	v3 =	vand.u32 $0x7, v3;
	v4 =	vand.u32 $0xFFFFFFC0, v62  }
0xa5: {  	v3 =	vor.u32 v3, v4  }
0xa6: {  	v4 =	vperm.xlane v3, v0;
	_ =	sdelay $0x1  }
0xa7: {  	v4 =	vadd.s32 v1, v4;
	_ =	sdelay $0x4  }
0xa8: {  	[hbm4b:s3+s2] =	stream.indirect_vreg.scatter [tilespmem:s12], [sflag:$0x2], $0x80, v4, vm0, $0xb8;
	[tilespmem:$0x10980] =	vst v63  }
0xa9: {  	v3 =	vperm.xlane v3, v2  }
0xaa: {  	[hbm4b:s4+s2] =	stream.indirect_vreg.scatter [tilespmem:s13], [sflag:$0x2], $0x80, v4, vm0, $0xb8;
	[tilespmem:$0x10980] =	vst v63  }
0xab: {  	v3 =	vadd.s32 v1, v3  }
0xac: {  	[hbm4b:s5+s2] =	stream.indirect_vreg.scatter [tilespmem:s14], [sflag:$0x2], $0x80, v4, vm0, $0xb8;
	[tilespmem:$0x10980] =	vst v63  }
0xad: {  	_ = 	snop  }
0xae: {  	[hbm4b:s6+s2] =	stream.indirect_vreg.scatter [tilespmem:s15], [sflag:$0x2], $0x80, v4, vm0, $0xb8;
	[tilespmem:$0x10980] =	vst v63  }
0xaf: {  	_ = 	snop  }
0xb0: {  	[hbm4b:s3+s2] =	stream.indirect_vreg.scatter [tilespmem:s16], [sflag:$0x2], $0x80, v3, vm0, $0xb8;
	[tilespmem:$0x10980] =	vst v63  }
0xb1: {  	_ = 	snop  }
0xb2: {  	[hbm4b:s4+s2] =	stream.indirect_vreg.scatter [tilespmem:s17], [sflag:$0x2], $0x80, v3, vm0, $0xb8;
	[tilespmem:$0x10980] =	vst v63  }
0xb3: {  	_ = 	snop  }
0xb4: {  	[hbm4b:s5+s2] =	stream.indirect_vreg.scatter [tilespmem:s9], [sflag:$0x2], $0x80, v3, vm0, $0xb8;
	[tilespmem:$0x10980] =	vst v63  }
0xb5: {  	_ = 	snop  }
0xb6: {  	[hbm4b:s6+s2] =	stream.indirect_vreg.scatter [tilespmem:s19], [sflag:$0x2], $0x80, v3, vm0, $0xb8;
	[tilespmem:$0x10980] =	vst v63  }
0xb7: {  	v3 =	vld [tilespmem:$0xB0];
	_ =	sdelay $0x4  }
0xb8: {  	v63 =	vshll.u32 v3, $0x3  }
0xb9: {  	v3 =	vand.u32 $0x7, v3;
	v4 =	vand.u32 $0xFFFFFFC0, v63  }
0xba: {  	v3 =	vor.u32 v3, v4  }
0xbb: {  	v4 =	vperm.xlane v3, v0;
	_ =	sdelay $0x1  }
0xbc: {  	v4 =	vadd.s32 v1, v4;
	_ =	sdelay $0x3  }
0xbd: {  	s22 =	simm.s32 $0xC100  }
0xbe: {  	[hbm4b:s3+s2] =	stream.indirect_vreg.scatter [tilespmem:s22], [sflag:$0x2], $0x80, v4, vm0, $0xb8;
	[tilespmem:$0x10980] =	vst v63  }
0xbf: {  	s23 =	simm.s32 $0xC900;
	v3 =	vperm.xlane v3, v2  }
0xc0: {  	[hbm4b:s4+s2] =	stream.indirect_vreg.scatter [tilespmem:s23], [sflag:$0x2], $0x80, v4, vm0, $0xb8;
	[tilespmem:$0x10980] =	vst v63  }
0xc1: {  	s24 =	simm.s32 $0xD100;
	v3 =	vadd.s32 v1, v3  }
0xc2: {  	[hbm4b:s5+s2] =	stream.indirect_vreg.scatter [tilespmem:s24], [sflag:$0x2], $0x80, v4, vm0, $0xb8;
	[tilespmem:$0x10980] =	vst v63  }
0xc3: {  	s18 =	simm.s32 $0xD900  }
0xc4: {  	[hbm4b:s6+s2] =	stream.indirect_vreg.scatter [tilespmem:s18], [sflag:$0x2], $0x80, v4, vm0, $0xb8;
	[tilespmem:$0x10980] =	vst v63  }
0xc5: {  	s20 =	simm.s32 $0xE100  }
0xc6: {  	[hbm4b:s3+s2] =	stream.indirect_vreg.scatter [tilespmem:s20], [sflag:$0x2], $0x80, v3, vm0, $0xb8;
	[tilespmem:$0x10980] =	vst v63  }
0xc7: {  	s21 =	simm.s32 $0xE900  }
0xc8: {  	[hbm4b:s4+s2] =	stream.indirect_vreg.scatter [tilespmem:s21], [sflag:$0x2], $0x80, v3, vm0, $0xb8;
	[tilespmem:$0x10980] =	vst v63  }
0xc9: {  	s22 =	simm.s32 $0xF100  }
0xca: {  	[hbm4b:s5+s2] =	stream.indirect_vreg.scatter [tilespmem:s22], [sflag:$0x2], $0x80, v3, vm0, $0xb8;
	[tilespmem:$0x10980] =	vst v63  }
0xcb: {  	s0 =	simm.s32 $0xF900  }
0xcc: {  	[hbm4b:s6+s2] =	stream.indirect_vreg.scatter [tilespmem:s0], [sflag:$0x2], $0x80, v3, vm0, $0xb8;
	[tilespmem:$0x10980] =	vst v63  }
0xcd: {  	s20 =	rddreg [dreg:$0x9];
	s21 =	simm.s32 @!p0 $0x0;
	s22 =	simm.s32 @!p0 $0x10100  }
0xce: {  	[tilespmem:s22], [sflag:$0x4] =	stream.linear.gather @!p0 [hbm4b:s20+s21], $0x8, $0x38;
	[tilespmem:$0x10980] =	vst v63  }
0xcf: {  	s20 =	simm.s32 @!p0 $0x4  }
0xd0: {  	_ =	swait.ge @!p0 [sflag:s20], $0x8  }
0xd1: {  	[sflag:s20] =	ssyncset.done @!p0 $0x0  }
0xd2: {  	[sflag:s20] =	ssyncadd.s32 @!p0 $0xFFFFFFF8  }
0xd3: {  	v3 =	vld.msk @!p0 [tilespmem:$0x10100], $0xff;
	_ =	sdelay $0x4  }
0xd4: {  	v4 =	vshll.u32 @!p0 v3, $0x1  }
0xd5: {  	v5 =	vlaneseq.u32 @!p0;
	v3 =	vand.u32 @!p0 $0x7, v3;
	v4 =	vand.u32 @!p0 $0xFFFFFFF0, v4  }
0xd6: {  	v3 =	vor.u32 @!p0 v3, v4;
	v4 =	vand.u32 @!p0 $0x7, v5;
	v5 =	vshrl.u32 @!p0 v5, $0x3  }
0xd7: {  	v3 =	vperm.xlane @!p0 v3, v4;
	v4 =	vmul.u32 @!p0 $0x8, v5;
	_ =	sdelay $0x1  }
0xd8: {  	v3 =	vadd.s32 @!p0 v4, v3;
	_ =	sdelay $0x3  }
0xd9: {  	s23 =	simm.s32 @!p0 $0x10180;
	s22 =	rddreg [dreg:$0x5]  }
0xda: {  	[tilespmem:s23], [sflag:$0x3] =	stream.indirect_vreg.gather @!p0 [hbm4b:s22+s21], $0x80, v3, vm1, $0xb8;
	[tilespmem:$0x10980] =	vst v63  }
0xdb: {  	s22 =	simm.s32 @!p0 $0x3  }
0xdc: {  	_ =	swait.ge @!p0 [sflag:s22], $0x800  }
0xdd: {  	[sflag:s22] =	ssyncset.done @!p0 $0x0  }
0xde: {  	s24 =	rddreg [dreg:$0xa];
	[sflag:s22] =	ssyncadd.s32 @!p0 $0xFFFFF800  }
0xdf: {  	[hbm4b:s24+s21] =	stream.linear.scatter @!p0 [tilespmem:s23], [sflag:$0x4], $0x800, $0x38;
	[tilespmem:$0x10980] =	vst v63  }
0xe0: {  	_ =	swait.ge @!p0 [sflag:s20], $0x800  }
0xe1: {  	[sflag:s20] =	ssyncset.done @!p0 $0x0  }
0xe2: {  	s7 =	sadd.s32 $0xFFFFFFFF, s7;
	s23 =	simm.s32 $0x1;
	[sflag:s20] =	ssyncadd.s32 @!p0 $0xFFFFF800  }
0xe3: {  	p1 =	sne.s32 s7, $0x0;
	_ =	swait.ge [sflag:s23], $0x10000  }
.Ltmp0:
0xe4: {  	[sflag:s23] =	ssyncset.done $0x0;
	(pc) =	sbr.rel @p1 .LBB2_1-.Ltmp0, $4  }
0xe5: {  	s24 =	simm.s32 $0x2;
	[sflag:s23] =	ssyncadd.s32 $0xFFFF0000  }
0xe6: {  	_ =	swait.ge [sflag:s24], $0x10000  }
0xe7: {  	[sflag:s24] =	ssyncset.done $0x0  }
0xe8: {  	[sflag:s24] =	ssyncadd.s32 $0xFFFF0000  }
0xe9: {  	_ =	sfence.sel $0x180000  }
0xea: {  	[bflag:$0x0] =	sbarrier.arrive $0xFFFF  }
0xeb: {  	_ =	strace $0x90000047  }
0xec: {  	s0 =	stileid.u32;
	[bflag:$0x2] =	sbarrier.arrive $0xFFFF  }
0xed: {  	p0 =	sne.s32 s0, $0x0;
	s0 =	rddreg [dreg:$0x4]  }
0xee: {  	s0 =	sadd.s32 @!p0 $0x100000, s0  }
0xef: {  	[sflag:s0] =	ssyncadd.tile.s32 @!p0 $0x1;
	_ =	shalt  }
.Lfunc_end2:
_tile_overlayer_lowered:
.L_overlay_start_2:
0xf0: {  	(tag) =	ssettag $0x2  }
0xf1: {  	s0 =	rddreg [dreg:$0x0];
	s2 =	stileid.u32  }
0xf2: {  	s1 =	rddreg [dreg:$0x1];
	p0 =	sne.s32 s2, $0x0  }
0xf3: {  	s3 =	rddreg [dreg:$0x2];
	[bflag:$0x3] =	sbarrier.arrive $0xFFFF;
	s2 =	simm.s32 @!p0 $0x1C04  }
0xf4: {  	[timem:s3], [sflag:s2] =	dma.local @!p0 [hbm:s0], s1  }
0xf5: {  	s0 =	simm.s32 @!p0 $0x4  }
0xf6: {  	_ =	swait.ge @!p0 [sflag:s0], s1  }
0xf7: {  	s1 =	ssub.s32 @!p0 $0x0, s1;
	[sflag:s0] =	ssyncset.done @!p0 $0x0  }
0xf8: {  	[sflag:s0] =	ssyncadd.s32 @!p0 s1  }
0xf9: {  	[bflag:$0x3] =	sbarrier.arrive $0xFFFF  }
0xfa: {  	_ =	shalt  }

</sc_bundles>
